<compile_context>
chip_gen: v7x
topology: tpu7x:2x2x1
jax: 0.10.2.dev20260603
libtpu: 0.0.44.dev20260713+nightly
codegen_flags: <defaults>
</compile_context>

<pallas_src>
import functools

import jax
import jax.numpy as jnp
from jax import lax
from jax.experimental import pallas as pl
from jax.experimental.pallas import tpu as pltpu
from jax.experimental.pallas import tpu_sc as plsc

N_NODES = 10000
N_EDGES = 320000
F_IN = 128
F_HID = 128
F_HALF = 64
F_OUT = 40
F_NAR = 48

NC = 2
NS = 16
NW = NC * NS
CHUNK = 128
TPC = 80
NTPC = 160
E_PAD = NW * TPC * CHUNK
NCHUNK = 128
NODE_SLOTS = 5
N_PAD = NODE_SLOTS * NS * NCHUNK
NB = 5

ROW_BLK = 1024


def _sc_mesh():
    return plsc.VectorSubcoreMesh(
        core_axis_name="c", subcore_axis_name="s", num_cores=NC, num_subcores=NS
    )


def _fill_zero_2d(buf, rows, d):
    z = jnp.zeros((16,), jnp.float32)

    def row(i, carry):
        for j in range(d // 16):
            buf[i, pl.ds(j * 16, 16)] = z
        return carry

    lax.fori_loop(0, rows, row, 0)


@functools.partial(
    pl.kernel,
    out_type=jax.ShapeDtypeStruct((NC, N_PAD, F_HALF), jnp.float32),
    mesh=_sc_mesh(),
    compiler_params=pltpu.CompilerParams(use_tc_tiling_on_sc=False),
    scratch_types=(
        [pltpu.VMEM((NTPC, CHUNK), jnp.int32)] * 2
        + [pltpu.VMEM((CHUNK, F_HALF), jnp.float32)] * NB
        + [pltpu.SemaphoreType.DMA] * (2 * NB)
        + [pltpu.VMEM_SHARED((N_PAD, F_HALF), jnp.float32)]
    ),
)
def _agg_split(table, src_off, dst_e, out, sidx, didx,
               g0, g1, g2, g3, g4,
               gs0, gs1, gs2, gs3, gs4,
               ss0, ss1, ss2, ss3, ss4, acc):
    gbufs = (g0, g1, g2, g3, g4)
    gsems = (gs0, gs1, gs2, gs3, gs4)
    ssems = (ss0, ss1, ss2, ss3, ss4)
    c = lax.axis_index("c")
    s = lax.axis_index("s")

    pltpu.sync_copy(src_off.at[c, pl.ds(s * NTPC, NTPC)], sidx)
    pltpu.sync_copy(dst_e.at[pl.ds(s * NTPC, NTPC)], didx)

    _fill_zero_2d(gbufs[0], NCHUNK, F_HALF)

    def zero_chunk(k, carry):
        t = s + NS * k
        pltpu.sync_copy(gbufs[0], acc.at[pl.ds(t * NCHUNK, NCHUNK)])
        return carry

    lax.fori_loop(0, NODE_SLOTS, zero_chunk, 0)
    plsc.subcore_barrier()

    def gat(k, b):
        return pltpu.make_async_copy(table.at[sidx.at[k]], gbufs[b], gsems[b])

    def sca(k, b):
        return pltpu.make_async_copy(gbufs[b], acc.at[didx.at[k]], ssems[b])

    for b in range(NB):
        gat(b, b).start()

    def group(g, carry):
        k0 = g * NB
        for b in range(NB):
            gat(k0 + b, b).wait()
            sca(k0 + b, b).start(add=True)
        for b in range(NB):
            sca(k0 + b, b).wait()

            @pl.when(k0 + NB + b < NTPC)
            def _():
                gat(k0 + NB + b, b).start()

        return carry

    lax.fori_loop(0, NTPC // NB, group, 0)
    plsc.subcore_barrier()

    def wb_chunk(k, carry):
        r0 = (s + NS * k) * NCHUNK
        pltpu.sync_copy(acc.at[pl.ds(r0, NCHUNK)], gbufs[0])
        pltpu.sync_copy(gbufs[0], out.at[c, pl.ds(r0, NCHUNK)])
        return carry

    lax.fori_loop(0, NODE_SLOTS, wb_chunk, 0)


@functools.partial(
    pl.kernel,
    out_type=jax.ShapeDtypeStruct((NC, N_PAD, F_NAR), jnp.float32),
    mesh=_sc_mesh(),
    compiler_params=pltpu.CompilerParams(use_tc_tiling_on_sc=False),
    scratch_types=(
        [pltpu.VMEM((TPC, CHUNK), jnp.int32)] * 2
        + [pltpu.VMEM((CHUNK, F_NAR), jnp.float32)] * NB
        + [pltpu.SemaphoreType.DMA] * (2 * NB)
        + [pltpu.VMEM_SHARED((N_PAD, F_NAR), jnp.float32)]
    ),
)
def _agg_nar(table, src_e, dst_e, out, sidx, didx,
             g0, g1, g2, g3, g4,
             gs0, gs1, gs2, gs3, gs4,
             ss0, ss1, ss2, ss3, ss4, acc):
    gbufs = (g0, g1, g2, g3, g4)
    gsems = (gs0, gs1, gs2, gs3, gs4)
    ssems = (ss0, ss1, ss2, ss3, ss4)
    c = lax.axis_index("c")
    s = lax.axis_index("s")
    tid = c * NS + s
    pltpu.sync_copy(src_e.at[pl.ds(tid * TPC, TPC)], sidx)
    pltpu.sync_copy(dst_e.at[pl.ds(tid * TPC, TPC)], didx)

    _fill_zero_2d(gbufs[0], NCHUNK, F_NAR)

    def zero_chunk(k, carry):
        t = s + NS * k
        pltpu.sync_copy(gbufs[0], acc.at[pl.ds(t * NCHUNK, NCHUNK)])
        return carry

    lax.fori_loop(0, NODE_SLOTS, zero_chunk, 0)
    plsc.subcore_barrier()

    def gat(k, b):
        return pltpu.make_async_copy(table.at[sidx.at[k]], gbufs[b], gsems[b])

    def sca(k, b):
        return pltpu.make_async_copy(gbufs[b], acc.at[didx.at[k]], ssems[b])

    for b in range(NB):
        gat(b, b).start()

    def group(g, carry):
        k0 = g * NB
        for b in range(NB):
            gat(k0 + b, b).wait()
            sca(k0 + b, b).start(add=True)
        for b in range(NB):
            sca(k0 + b, b).wait()

            @pl.when(k0 + NB + b < TPC)
            def _():
                gat(k0 + NB + b, b).start()

        return carry

    lax.fori_loop(0, TPC // NB, group, 0)
    plsc.subcore_barrier()

    def wb_chunk(k, carry):
        r0 = (s + NS * k) * NCHUNK
        pltpu.sync_copy(acc.at[pl.ds(r0, NCHUNK)], gbufs[0])
        pltpu.sync_copy(gbufs[0], out.at[c, pl.ds(r0, NCHUNK)])
        return carry

    lax.fori_loop(0, NODE_SLOTS, wb_chunk, 0)


@functools.partial(
    pl.kernel,
    out_type=(
        jax.ShapeDtypeStruct((NC, N_PAD), jnp.float32),
        jax.ShapeDtypeStruct((NC, N_PAD), jnp.float32),
    ),
    mesh=_sc_mesh(),
    scratch_types=[
        pltpu.VMEM((TPC, CHUNK), jnp.int32),
        pltpu.VMEM((TPC, CHUNK), jnp.int32),
        pltpu.VMEM((CHUNK,), jnp.float32),
        pltpu.VMEM((CHUNK,), jnp.float32),
        pltpu.SemaphoreType.DMA,
        pltpu.SemaphoreType.DMA,
        pltpu.VMEM_SHARED((N_PAD,), jnp.float32),
        pltpu.VMEM_SHARED((N_PAD,), jnp.float32),
    ],
)
def _deg(src_e, dst_e, out_o, out_i, sidx, didx, ones, buf, sem_o, sem_i, acc_o, acc_i):
    c = lax.axis_index("c")
    s = lax.axis_index("s")
    tid = c * NS + s
    one = jnp.ones((16,), jnp.float32)
    z = jnp.zeros((16,), jnp.float32)
    for j in range(CHUNK // 16):
        ones[pl.ds(j * 16, 16)] = one
        buf[pl.ds(j * 16, 16)] = z

    pltpu.sync_copy(src_e.at[pl.ds(tid * TPC, TPC)], sidx)
    pltpu.sync_copy(dst_e.at[pl.ds(tid * TPC, TPC)], didx)

    def zero_chunk(k, carry):
        t = s + NS * k
        pltpu.sync_copy(buf, acc_o.at[pl.ds(t * NCHUNK, NCHUNK)])
        pltpu.sync_copy(buf, acc_i.at[pl.ds(t * NCHUNK, NCHUNK)])
        return carry

    lax.fori_loop(0, NODE_SLOTS, zero_chunk, 0)
    plsc.subcore_barrier()

    def fire(k, carry):
        pltpu.make_async_copy(ones, acc_o.at[sidx.at[k]], sem_o).start(add=True)
        pltpu.make_async_copy(ones, acc_i.at[didx.at[k]], sem_i).start(add=True)
        return carry

    lax.fori_loop(0, TPC, fire, 0)

    def drain(k, carry):
        pltpu.make_async_copy(ones, acc_o.at[sidx.at[0]], sem_o).wait()
        pltpu.make_async_copy(ones, acc_i.at[didx.at[0]], sem_i).wait()
        return carry

    lax.fori_loop(0, TPC, drain, 0)
    plsc.subcore_barrier()

    def wb_chunk(k, carry):
        r0 = (s + NS * k) * NCHUNK
        pltpu.sync_copy(acc_o.at[pl.ds(r0, NCHUNK)], buf)
        pltpu.sync_copy(buf, out_o.at[c, pl.ds(r0, NCHUNK)])
        pltpu.sync_copy(acc_i.at[pl.ds(r0, NCHUNK)], buf)
        pltpu.sync_copy(buf, out_i.at[c, pl.ds(r0, NCHUNK)])
        return carry

    lax.fori_loop(0, NODE_SLOTS, wb_chunk, 0)


def _norm(deg):
    return jnp.where(deg > 0, lax.rsqrt(jnp.maximum(deg, 1.0)), 0.0)


def _tc_first(features, deg_out, W):
    def body(x_ref, d_ref, w_ref, lo_ref, hi_ref):
        ns = _norm(d_ref[...])
        h = jnp.dot(x_ref[...] * ns, w_ref[...], preferred_element_type=jnp.float32)
        lo_ref[...] = h[:, :F_HALF]
        hi_ref[...] = h[:, F_HALF:]

    return pl.pallas_call(
        body,
        grid=(N_PAD // ROW_BLK,),
        in_specs=[
            pl.BlockSpec((ROW_BLK, F_IN), lambda i: (i, 0)),
            pl.BlockSpec((ROW_BLK, 1), lambda i: (i, 0)),
            pl.BlockSpec((F_IN, F_HID), lambda i: (0, 0)),
        ],
        out_specs=[pl.BlockSpec((ROW_BLK, F_HALF), lambda i: (i, 0))] * 2,
        out_shape=[jax.ShapeDtypeStruct((N_PAD, F_HALF), jnp.float32)] * 2,
    )(features, deg_out, W)


def _tc_mid(parts, deg_in, b, deg_out, W, d_out, split_out):
    def body(p_ref, di_ref, b_ref, do_ref, w_ref, *o_refs):
        nd = _norm(di_ref[...])
        ns = _norm(do_ref[...])
        p = jnp.concatenate([p_ref[0], p_ref[1]], axis=1)
        h = jnp.maximum(p * nd + b_ref[...], 0.0)
        r = jnp.dot(h * ns, w_ref[...], preferred_element_type=jnp.float32)
        if split_out:
            o_refs[0][...] = r[:, :F_HALF]
            o_refs[1][...] = r[:, F_HALF:]
        else:
            o_refs[0][...] = r

    if split_out:
        out_specs = [pl.BlockSpec((ROW_BLK, F_HALF), lambda i: (i, 0))] * 2
        out_shape = [jax.ShapeDtypeStruct((N_PAD, F_HALF), jnp.float32)] * 2
    else:
        out_specs = pl.BlockSpec((ROW_BLK, d_out), lambda i: (i, 0))
        out_shape = jax.ShapeDtypeStruct((N_PAD, d_out), jnp.float32)

    return pl.pallas_call(
        body,
        grid=(N_PAD // ROW_BLK,),
        in_specs=[
            pl.BlockSpec((NC, ROW_BLK, F_HALF), lambda i: (0, i, 0)),
            pl.BlockSpec((ROW_BLK, 1), lambda i: (i, 0)),
            pl.BlockSpec((1, F_HID), lambda i: (0, 0)),
            pl.BlockSpec((ROW_BLK, 1), lambda i: (i, 0)),
            pl.BlockSpec((F_HID, d_out), lambda i: (0, 0)),
        ],
        out_specs=out_specs,
        out_shape=out_shape,
    )(parts, deg_in, b, deg_out, W)


def _tc_final(parts, deg_in, b):
    def body(p_ref, di_ref, b_ref, o_ref):
        nd = _norm(di_ref[...])
        o_ref[...] = (p_ref[0] + p_ref[1]) * nd + b_ref[...]

    return pl.pallas_call(
        body,
        grid=(N_PAD // ROW_BLK,),
        in_specs=[
            pl.BlockSpec((NC, ROW_BLK, F_NAR), lambda i: (0, i, 0)),
            pl.BlockSpec((ROW_BLK, 1), lambda i: (i, 0)),
            pl.BlockSpec((1, F_NAR), lambda i: (0, 0)),
        ],
        out_specs=pl.BlockSpec((ROW_BLK, F_NAR), lambda i: (i, 0)),
        out_shape=jax.ShapeDtypeStruct((N_PAD, F_NAR), jnp.float32),
    )(parts, deg_in, b)


def kernel(features, edge_index, W1, b1, W2, b2, W3, b3):
    W3p = jnp.pad(W3, ((0, 0), (0, F_NAR - F_OUT)))
    b3p = jnp.pad(b3, (0, F_NAR - F_OUT))

    n_fill = E_PAD - N_EDGES
    trash = N_NODES + jnp.arange(n_fill, dtype=jnp.int32) % (N_PAD - N_NODES)
    src_e = jnp.concatenate([edge_index[0], trash]).reshape(E_PAD // CHUNK, CHUNK)
    dst_e = jnp.concatenate([edge_index[1], trash]).reshape(E_PAD // CHUNK, CHUNK)
    src_off = jnp.stack([src_e, src_e + N_PAD])
    features_p = jnp.pad(features, ((0, N_PAD - N_NODES), (0, 0)))

    do_parts, di_parts = _deg(src_e, dst_e)
    deg_out = (do_parts[0] + do_parts[1]).reshape(N_PAD, 1)
    deg_in = (di_parts[0] + di_parts[1]).reshape(N_PAD, 1)

    lo, hi = _tc_first(features_p, deg_out, W1)
    parts = _agg_split(jnp.concatenate([lo, hi]), src_off, dst_e)
    lo, hi = _tc_mid(parts, deg_in, b1.reshape(1, -1), deg_out, W2, F_HID, True)
    parts = _agg_split(jnp.concatenate([lo, hi]), src_off, dst_e)
    h = _tc_mid(parts, deg_in, b2.reshape(1, -1), deg_out, W3p, F_NAR, False)
    parts = _agg_nar(h, src_e, dst_e)
    out = _tc_final(parts, deg_in, b3p.reshape(1, -1))
    return out[:N_NODES, :F_OUT]

# --- scband reference (transcript-rebuilt; emitter-appended) ---
"""Pipeline reference for scband-gcn-53790170415760 (READ-ONLY COPY).

The authoritative reference and input builder live on the scoring server;
editing this copy changes nothing except your own understanding.
"""

import jax, jax.numpy as jnp
import numpy as np

N_NODES = 10000
N_EDGES = 320000
IN_FEATS = 128
N_HIDDEN = 128
N_CLASS = 40


def setup_inputs(seed: int = 0) -> dict:
    key = jax.random.key(seed)
    ks = jax.random.split(key, 9)
    features = jax.random.normal(ks[0], (N_NODES, IN_FEATS), dtype=jnp.float32)
    edge_index = jax.random.randint(ks[1], (2, N_EDGES), 0, N_NODES, dtype=jnp.int32)
    # GraphConv parameters (glorot-ish scale)
    W1 = jax.random.normal(ks[2], (IN_FEATS, N_HIDDEN), dtype=jnp.float32) * (1.0 / np.sqrt(IN_FEATS))
    b1 = jnp.zeros((N_HIDDEN,), dtype=jnp.float32)
    W2 = jax.random.normal(ks[3], (N_HIDDEN, N_HIDDEN), dtype=jnp.float32) * (1.0 / np.sqrt(N_HIDDEN))
    b2 = jnp.zeros((N_HIDDEN,), dtype=jnp.float32)
    W3 = jax.random.normal(ks[4], (N_HIDDEN, N_CLASS), dtype=jnp.float32) * (1.0 / np.sqrt(N_HIDDEN))
    b3 = jnp.zeros((N_CLASS,), dtype=jnp.float32)
    return {"features": features, "edge_index": edge_index, "W1": W1, "b1": b1, "W2": W2, "b2": b2, "W3": W3, "b3": b3}


def reference(features, edge_index, W1, b1, W2, b2, W3, b3):
    # DGL GraphConv with norm='both': out = D_in^{-1/2} A D_out^{-1/2} X W + b
    src = edge_index[0]
    dst = edge_index[1]
    deg_out = jnp.bincount(src, length=N_NODES).astype(jnp.float32)
    deg_in = jnp.bincount(dst, length=N_NODES).astype(jnp.float32)
    norm_src = jnp.where(deg_out > 0, jax.lax.rsqrt(jnp.maximum(deg_out, 1.0)), 0.0)
    norm_dst = jnp.where(deg_in > 0, jax.lax.rsqrt(jnp.maximum(deg_in, 1.0)), 0.0)

    def graph_conv(h, W, b, act):
        h = h * norm_src[:, None]
        h = h @ W
        msgs = jnp.take(h, src, axis=0)
        agg = jax.ops.segment_sum(msgs, dst, num_segments=N_NODES)
        agg = agg * norm_dst[:, None]
        out = agg + b
        if act:
            out = jax.nn.relu(out)
        return out

    h = graph_conv(features, W1, b1, True)
    # dropout with p=0.0 is identity (eval-mode reference)
    h = graph_conv(h, W2, b2, True)
    h = graph_conv(h, W3, b3, False)
    return h

if __name__ == "__main__":
    import jax
    _d = setup_inputs()
    print(jax.jit(kernel)(*tuple(_d.values())))

</pallas_src>

<mosaic_0001>
#map = affine_map<(d0, d1) -> (0, 0)>
module attributes {stable_mosaic.version = 14 : i64} {
  func.func @_deg(%arg0: i32, %arg1: i32, %arg2: memref<2560x128xi32, #tpu.memory_space<hbm>>, %arg3: memref<2560x128xi32, #tpu.memory_space<hbm>>, %arg4: memref<2x10240xf32, #tpu.memory_space<hbm>>, %arg5: memref<2x10240xf32, #tpu.memory_space<hbm>>, %arg6: memref<80x128xi32, #tpu.memory_space<vmem>>, %arg7: memref<80x128xi32, #tpu.memory_space<vmem>>, %arg8: memref<128xf32, #tpu.memory_space<vmem>>, %arg9: memref<128xf32, #tpu.memory_space<vmem>>, %arg10: memref<!tpu.dma_semaphore, #tpu.memory_space<semaphore_mem>>, %arg11: memref<!tpu.dma_semaphore, #tpu.memory_space<semaphore_mem>>, %arg12: memref<10240xf32, #tpu.memory_space<vmem_shared>>, %arg13: memref<10240xf32, #tpu.memory_space<vmem_shared>>) attributes {dimension_semantics = [#tpu.dimension_semantics<core_parallel>, #tpu.dimension_semantics<subcore_parallel>], iteration_bounds = array<i64: 2, 16>, scalar_prefetch = 0 : i64, scratch_operands = 8 : i64, tpu.core_type = #tpu.core_type<sc_vector_subcore>, window_params = [{transform_indices = #map}, {transform_indices = #map}, {transform_indices = #map}, {transform_indices = #map}]} {
    %mul3A = arith.constant 16 : i32
    %mul3A_0 = arith.muli %arg0, %mul3A : i32
    %add3A = arith.addi %mul3A_0, %arg1 : i32
    %broadcast_in_dim3A = arith.constant 1.000000e+00 : f32
    %broadcast_in_dim3A_1 = vector.broadcast %broadcast_in_dim3A : f32 to vector<16xf32>
    %broadcast_in_dim3A_2 = arith.constant 0.000000e+00 : f32
    %broadcast_in_dim3A_3 = vector.broadcast %broadcast_in_dim3A_2 : f32 to vector<16xf32>
    %swap3A = arith.constant 0 : index
    %swap3A_4 = tpu.vector_load %arg8[%swap3A] {strides = array<i32>} : memref<128xf32, #tpu.memory_space<vmem>>, vector<16xf32>,
    %swap3A_5 = vector.shape_cast %swap3A_4 : vector<16xf32> to vector<16xf32>
    %swap3A_6 = vector.shape_cast %broadcast_in_dim3A_1 : vector<16xf32> to vector<16xf32>
    tpu.vector_store %arg8[%swap3A], %swap3A_6 {strides = array<i32>} : memref<128xf32, #tpu.memory_space<vmem>>, vector<16xf32>,
    %swap3A_7 = arith.constant 0 : index
    %swap3A_8 = tpu.vector_load %arg9[%swap3A_7] {strides = array<i32>} : memref<128xf32, #tpu.memory_space<vmem>>, vector<16xf32>,
    %swap3A_9 = vector.shape_cast %swap3A_8 : vector<16xf32> to vector<16xf32>
    %swap3A_10 = vector.shape_cast %broadcast_in_dim3A_3 : vector<16xf32> to vector<16xf32>
    tpu.vector_store %arg9[%swap3A_7], %swap3A_10 {strides = array<i32>} : memref<128xf32, #tpu.memory_space<vmem>>, vector<16xf32>,
    %swap3A_11 = arith.constant 16 : index
    %swap3A_12 = tpu.vector_load %arg8[%swap3A_11] {strides = array<i32>} : memref<128xf32, #tpu.memory_space<vmem>>, vector<16xf32>,
    %swap3A_13 = vector.shape_cast %swap3A_12 : vector<16xf32> to vector<16xf32>
    %swap3A_14 = vector.shape_cast %broadcast_in_dim3A_1 : vector<16xf32> to vector<16xf32>
    tpu.vector_store %arg8[%swap3A_11], %swap3A_14 {strides = array<i32>} : memref<128xf32, #tpu.memory_space<vmem>>, vector<16xf32>,
    %swap3A_15 = arith.constant 16 : index
    %swap3A_16 = tpu.vector_load %arg9[%swap3A_15] {strides = array<i32>} : memref<128xf32, #tpu.memory_space<vmem>>, vector<16xf32>,
    %swap3A_17 = vector.shape_cast %swap3A_16 : vector<16xf32> to vector<16xf32>
    %swap3A_18 = vector.shape_cast %broadcast_in_dim3A_3 : vector<16xf32> to vector<16xf32>
    tpu.vector_store %arg9[%swap3A_15], %swap3A_18 {strides = array<i32>} : memref<128xf32, #tpu.memory_space<vmem>>, vector<16xf32>,
    %swap3A_19 = arith.constant 32 : index
    %swap3A_20 = tpu.vector_load %arg8[%swap3A_19] {strides = array<i32>} : memref<128xf32, #tpu.memory_space<vmem>>, vector<16xf32>,
    %swap3A_21 = vector.shape_cast %swap3A_20 : vector<16xf32> to vector<16xf32>
    %swap3A_22 = vector.shape_cast %broadcast_in_dim3A_1 : vector<16xf32> to vector<16xf32>
    tpu.vector_store %arg8[%swap3A_19], %swap3A_22 {strides = array<i32>} : memref<128xf32, #tpu.memory_space<vmem>>, vector<16xf32>,
    %swap3A_23 = arith.constant 32 : index
    %swap3A_24 = tpu.vector_load %arg9[%swap3A_23] {strides = array<i32>} : memref<128xf32, #tpu.memory_space<vmem>>, vector<16xf32>,
    %swap3A_25 = vector.shape_cast %swap3A_24 : vector<16xf32> to vector<16xf32>
    %swap3A_26 = vector.shape_cast %broadcast_in_dim3A_3 : vector<16xf32> to vector<16xf32>
    tpu.vector_store %arg9[%swap3A_23], %swap3A_26 {strides = array<i32>} : memref<128xf32, #tpu.memory_space<vmem>>, vector<16xf32>,
    %swap3A_27 = arith.constant 48 : index
    %swap3A_28 = tpu.vector_load %arg8[%swap3A_27] {strides = array<i32>} : memref<128xf32, #tpu.memory_space<vmem>>, vector<16xf32>,
    %swap3A_29 = vector.shape_cast %swap3A_28 : vector<16xf32> to vector<16xf32>
    %swap3A_30 = vector.shape_cast %broadcast_in_dim3A_1 : vector<16xf32> to vector<16xf32>
    tpu.vector_store %arg8[%swap3A_27], %swap3A_30 {strides = array<i32>} : memref<128xf32, #tpu.memory_space<vmem>>, vector<16xf32>,
    %swap3A_31 = arith.constant 48 : index
    %swap3A_32 = tpu.vector_load %arg9[%swap3A_31] {strides = array<i32>} : memref<128xf32, #tpu.memory_space<vmem>>, vector<16xf32>,
    %swap3A_33 = vector.shape_cast %swap3A_32 : vector<16xf32> to vector<16xf32>
    %swap3A_34 = vector.shape_cast %broadcast_in_dim3A_3 : vector<16xf32> to vector<16xf32>
    tpu.vector_store %arg9[%swap3A_31], %swap3A_34 {strides = array<i32>} : memref<128xf32, #tpu.memory_space<vmem>>, vector<16xf32>,
    %swap3A_35 = arith.constant 64 : index
    %swap3A_36 = tpu.vector_load %arg8[%swap3A_35] {strides = array<i32>} : memref<128xf32, #tpu.memory_space<vmem>>, vector<16xf32>,
    %swap3A_37 = vector.shape_cast %swap3A_36 : vector<16xf32> to vector<16xf32>
    %swap3A_38 = vector.shape_cast %broadcast_in_dim3A_1 : vector<16xf32> to vector<16xf32>
    tpu.vector_store %arg8[%swap3A_35], %swap3A_38 {strides = array<i32>} : memref<128xf32, #tpu.memory_space<vmem>>, vector<16xf32>,
    %swap3A_39 = arith.constant 64 : index
    %swap3A_40 = tpu.vector_load %arg9[%swap3A_39] {strides = array<i32>} : memref<128xf32, #tpu.memory_space<vmem>>, vector<16xf32>,
    %swap3A_41 = vector.shape_cast %swap3A_40 : vector<16xf32> to vector<16xf32>
    %swap3A_42 = vector.shape_cast %broadcast_in_dim3A_3 : vector<16xf32> to vector<16xf32>
    tpu.vector_store %arg9[%swap3A_39], %swap3A_42 {strides = array<i32>} : memref<128xf32, #tpu.memory_space<vmem>>, vector<16xf32>,
    %swap3A_43 = arith.constant 80 : index
    %swap3A_44 = tpu.vector_load %arg8[%swap3A_43] {strides = array<i32>} : memref<128xf32, #tpu.memory_space<vmem>>, vector<16xf32>,
    %swap3A_45 = vector.shape_cast %swap3A_44 : vector<16xf32> to vector<16xf32>
    %swap3A_46 = vector.shape_cast %broadcast_in_dim3A_1 : vector<16xf32> to vector<16xf32>
    tpu.vector_store %arg8[%swap3A_43], %swap3A_46 {strides = array<i32>} : memref<128xf32, #tpu.memory_space<vmem>>, vector<16xf32>,
    %swap3A_47 = arith.constant 80 : index
    %swap3A_48 = tpu.vector_load %arg9[%swap3A_47] {strides = array<i32>} : memref<128xf32, #tpu.memory_space<vmem>>, vector<16xf32>,
    %swap3A_49 = vector.shape_cast %swap3A_48 : vector<16xf32> to vector<16xf32>
    %swap3A_50 = vector.shape_cast %broadcast_in_dim3A_3 : vector<16xf32> to vector<16xf32>
    tpu.vector_store %arg9[%swap3A_47], %swap3A_50 {strides = array<i32>} : memref<128xf32, #tpu.memory_space<vmem>>, vector<16xf32>,
    %swap3A_51 = arith.constant 96 : index
    %swap3A_52 = tpu.vector_load %arg8[%swap3A_51] {strides = array<i32>} : memref<128xf32, #tpu.memory_space<vmem>>, vector<16xf32>,
    %swap3A_53 = vector.shape_cast %swap3A_52 : vector<16xf32> to vector<16xf32>
    %swap3A_54 = vector.shape_cast %broadcast_in_dim3A_1 : vector<16xf32> to vector<16xf32>
    tpu.vector_store %arg8[%swap3A_51], %swap3A_54 {strides = array<i32>} : memref<128xf32, #tpu.memory_space<vmem>>, vector<16xf32>,
    %swap3A_55 = arith.constant 96 : index
    %swap3A_56 = tpu.vector_load %arg9[%swap3A_55] {strides = array<i32>} : memref<128xf32, #tpu.memory_space<vmem>>, vector<16xf32>,
    %swap3A_57 = vector.shape_cast %swap3A_56 : vector<16xf32> to vector<16xf32>
    %swap3A_58 = vector.shape_cast %broadcast_in_dim3A_3 : vector<16xf32> to vector<16xf32>
    tpu.vector_store %arg9[%swap3A_55], %swap3A_58 {strides = array<i32>} : memref<128xf32, #tpu.memory_space<vmem>>, vector<16xf32>,
    %swap3A_59 = arith.constant 112 : index
    %swap3A_60 = tpu.vector_load %arg8[%swap3A_59] {strides = array<i32>} : memref<128xf32, #tpu.memory_space<vmem>>, vector<16xf32>,
    %swap3A_61 = vector.shape_cast %swap3A_60 : vector<16xf32> to vector<16xf32>
    %swap3A_62 = vector.shape_cast %broadcast_in_dim3A_1 : vector<16xf32> to vector<16xf32>
    tpu.vector_store %arg8[%swap3A_59], %swap3A_62 {strides = array<i32>} : memref<128xf32, #tpu.memory_space<vmem>>, vector<16xf32>,
    %swap3A_63 = arith.constant 112 : index
    %swap3A_64 = tpu.vector_load %arg9[%swap3A_63] {strides = array<i32>} : memref<128xf32, #tpu.memory_space<vmem>>, vector<16xf32>,
    %swap3A_65 = vector.shape_cast %swap3A_64 : vector<16xf32> to vector<16xf32>
    %swap3A_66 = vector.shape_cast %broadcast_in_dim3A_3 : vector<16xf32> to vector<16xf32>
    tpu.vector_store %arg9[%swap3A_63], %swap3A_66 {strides = array<i32>} : memref<128xf32, #tpu.memory_space<vmem>>, vector<16xf32>,
    %mul3A_67 = arith.constant 80 : i32
    %mul3A_68 = arith.muli %add3A, %mul3A_67 : i32
    "tpu.region"() ({
      %run_scoped3A = tpu.sem_alloc : memref<!tpu.dma_semaphore, #tpu.memory_space<semaphore_mem>>
      %dma_start3A = arith.constant 0 : i32
      %dma_start3A_95 = tpu.memref_slice %arg2[%mul3A_68, %dma_start3A] : memref<2560x128xi32, #tpu.memory_space<hbm>> -> memref<80x128xi32, #tpu.memory_space<hbm>>
      %dma_start3A_96 = arith.constant 0 : i32
      %dma_start3A_97 = tpu.memref_slice %arg2[%mul3A_68, %dma_start3A_96] : memref<2560x128xi32, #tpu.memory_space<hbm>> -> memref<80x128xi32, #tpu.memory_space<hbm>>
      tpu.enqueue_dma source(%dma_start3A_97 : memref<80x128xi32, #tpu.memory_space<hbm>>) target(%arg6 : memref<80x128xi32, #tpu.memory_space<vmem>>) target_semaphore(%run_scoped3A : memref<!tpu.dma_semaphore, #tpu.memory_space<semaphore_mem>>)
      %dma_wait3A = arith.constant 0 : i32
      %dma_wait3A_98 = tpu.memref_slice %arg2[%mul3A_68, %dma_wait3A] : memref<2560x128xi32, #tpu.memory_space<hbm>> -> memref<80x128xi32, #tpu.memory_space<hbm>>
      %dma_wait3A_99 = arith.constant 0 : i32
      %dma_wait3A_100 = tpu.memref_slice %arg2[%mul3A_68, %dma_wait3A_99] : memref<2560x128xi32, #tpu.memory_space<hbm>> -> memref<80x128xi32, #tpu.memory_space<hbm>>
      tpu.wait_dma2 semaphore(%run_scoped3A : memref<!tpu.dma_semaphore, #tpu.memory_space<semaphore_mem>>) src(%dma_wait3A_100 : memref<80x128xi32, #tpu.memory_space<hbm>>) dst(%arg6 : memref<80x128xi32, #tpu.memory_space<vmem>>)
      tpu.yield
    }) : () -> ()
    %mul3A_69 = arith.constant 80 : i32
    %mul3A_70 = arith.muli %add3A, %mul3A_69 : i32
    "tpu.region"() ({
      %run_scoped3A = tpu.sem_alloc : memref<!tpu.dma_semaphore, #tpu.memory_space<semaphore_mem>>
      %dma_start3A = arith.constant 0 : i32
      %dma_start3A_95 = tpu.memref_slice %arg3[%mul3A_70, %dma_start3A] : memref<2560x128xi32, #tpu.memory_space<hbm>> -> memref<80x128xi32, #tpu.memory_space<hbm>>
      %dma_start3A_96 = arith.constant 0 : i32
      %dma_start3A_97 = tpu.memref_slice %arg3[%mul3A_70, %dma_start3A_96] : memref<2560x128xi32, #tpu.memory_space<hbm>> -> memref<80x128xi32, #tpu.memory_space<hbm>>
      tpu.enqueue_dma source(%dma_start3A_97 : memref<80x128xi32, #tpu.memory_space<hbm>>) target(%arg7 : memref<80x128xi32, #tpu.memory_space<vmem>>) target_semaphore(%run_scoped3A : memref<!tpu.dma_semaphore, #tpu.memory_space<semaphore_mem>>)
      %dma_wait3A = arith.constant 0 : i32
      %dma_wait3A_98 = tpu.memref_slice %arg3[%mul3A_70, %dma_wait3A] : memref<2560x128xi32, #tpu.memory_space<hbm>> -> memref<80x128xi32, #tpu.memory_space<hbm>>
      %dma_wait3A_99 = arith.constant 0 : i32
      %dma_wait3A_100 = tpu.memref_slice %arg3[%mul3A_70, %dma_wait3A_99] : memref<2560x128xi32, #tpu.memory_space<hbm>> -> memref<80x128xi32, #tpu.memory_space<hbm>>
      tpu.wait_dma2 semaphore(%run_scoped3A : memref<!tpu.dma_semaphore, #tpu.memory_space<semaphore_mem>>) src(%dma_wait3A_100 : memref<80x128xi32, #tpu.memory_space<hbm>>) dst(%arg7 : memref<80x128xi32, #tpu.memory_space<vmem>>)
      tpu.yield
    }) : () -> ()
    %scan3A = arith.constant 0 : i32
    %scan3A_71 = arith.constant 0 : i32
    %scan3A_72 = arith.constant 5 : i32
    %scan3A_73 = arith.addi %scan3A_71, %scan3A_72 : i32
    %scan3A_74 = arith.constant 1 : i32
    scf.for %scan3A_95 = %scan3A_71 to %scan3A_73 step %scan3A_74  : i32 {
      %mul3A_96 = arith.constant 16 : i32
      %mul3A_97 = arith.muli %mul3A_96, %scan3A_95 : i32
      %add3A_98 = arith.addi %arg1, %mul3A_97 : i32
      %mul3A_99 = arith.constant 128 : i32
      %mul3A_100 = arith.muli %add3A_98, %mul3A_99 : i32
      "tpu.region"() ({
        %run_scoped3A = tpu.sem_alloc : memref<!tpu.dma_semaphore, #tpu.memory_space<semaphore_mem>>
        %dma_start3A = tpu.memref_slice %arg12[%mul3A_100] : memref<10240xf32, #tpu.memory_space<vmem_shared>> -> memref<128xf32, #tpu.memory_space<vmem_shared>>
        %dma_start3A_103 = tpu.memref_slice %arg12[%mul3A_100] : memref<10240xf32, #tpu.memory_space<vmem_shared>> -> memref<128xf32, #tpu.memory_space<vmem_shared>>
        tpu.enqueue_dma source(%arg9 : memref<128xf32, #tpu.memory_space<vmem>>) target(%dma_start3A_103 : memref<128xf32, #tpu.memory_space<vmem_shared>>) target_semaphore(%run_scoped3A : memref<!tpu.dma_semaphore, #tpu.memory_space<semaphore_mem>>)
        %dma_wait3A = tpu.memref_slice %arg12[%mul3A_100] : memref<10240xf32, #tpu.memory_space<vmem_shared>> -> memref<128xf32, #tpu.memory_space<vmem_shared>>
        %dma_wait3A_104 = tpu.memref_slice %arg12[%mul3A_100] : memref<10240xf32, #tpu.memory_space<vmem_shared>> -> memref<128xf32, #tpu.memory_space<vmem_shared>>
        tpu.wait_dma2 semaphore(%run_scoped3A : memref<!tpu.dma_semaphore, #tpu.memory_space<semaphore_mem>>) src(%arg9 : memref<128xf32, #tpu.memory_space<vmem>>) dst(%dma_wait3A_104 : memref<128xf32, #tpu.memory_space<vmem_shared>>)
        tpu.yield
      }) : () -> ()
      %mul3A_101 = arith.constant 128 : i32
      %mul3A_102 = arith.muli %add3A_98, %mul3A_101 : i32
      "tpu.region"() ({
        %run_scoped3A = tpu.sem_alloc : memref<!tpu.dma_semaphore, #tpu.memory_space<semaphore_mem>>
        %dma_start3A = tpu.memref_slice %arg13[%mul3A_102] : memref<10240xf32, #tpu.memory_space<vmem_shared>> -> memref<128xf32, #tpu.memory_space<vmem_shared>>
        %dma_start3A_103 = tpu.memref_slice %arg13[%mul3A_102] : memref<10240xf32, #tpu.memory_space<vmem_shared>> -> memref<128xf32, #tpu.memory_space<vmem_shared>>
        tpu.enqueue_dma source(%arg9 : memref<128xf32, #tpu.memory_space<vmem>>) target(%dma_start3A_103 : memref<128xf32, #tpu.memory_space<vmem_shared>>) target_semaphore(%run_scoped3A : memref<!tpu.dma_semaphore, #tpu.memory_space<semaphore_mem>>)
        %dma_wait3A = tpu.memref_slice %arg13[%mul3A_102] : memref<10240xf32, #tpu.memory_space<vmem_shared>> -> memref<128xf32, #tpu.memory_space<vmem_shared>>
        %dma_wait3A_104 = tpu.memref_slice %arg13[%mul3A_102] : memref<10240xf32, #tpu.memory_space<vmem_shared>> -> memref<128xf32, #tpu.memory_space<vmem_shared>>
        tpu.wait_dma2 semaphore(%run_scoped3A : memref<!tpu.dma_semaphore, #tpu.memory_space<semaphore_mem>>) src(%arg9 : memref<128xf32, #tpu.memory_space<vmem>>) dst(%dma_wait3A_104 : memref<128xf32, #tpu.memory_space<vmem_shared>>)
        tpu.yield
      }) : () -> ()
    }
    %scan3A_75 = arith.constant 5 : i32
    %barrier3A = arith.constant 0 : index
    tpu.barrier barrier_id(%barrier3A)
    %scan3A_76 = arith.constant 0 : i32
    %scan3A_77 = arith.constant 0 : i32
    %scan3A_78 = arith.constant 80 : i32
    %scan3A_79 = arith.addi %scan3A_77, %scan3A_78 : i32
    %scan3A_80 = arith.constant 1 : i32
    scf.for %scan3A_95 = %scan3A_77 to %scan3A_79 step %scan3A_80  : i32 {
      %dma_start3A = arith.constant 0 : i32
      %dma_start3A_96 = tpu.memref_slice %arg6[%scan3A_95, %dma_start3A] : memref<80x128xi32, #tpu.memory_space<vmem>> -> memref<1x128xi32, #tpu.memory_space<vmem>>
      %dma_start3A_97 = tpu.memref_squeeze %dma_start3A_96 : memref<1x128xi32, #tpu.memory_space<vmem>> -> memref<128xi32, #tpu.memory_space<vmem>>
      %dma_start3A_98 = arith.constant 0 : i32
      %dma_start3A_99 = tpu.memref_slice %arg12[%dma_start3A_98] : memref<10240xf32, #tpu.memory_space<vmem_shared>> -> memref<10240xf32, #tpu.memory_space<vmem_shared>>
      tpu.enqueue_indirect_dma source(%arg8 : memref<128xf32, #tpu.memory_space<vmem>>) target(%dma_start3A_99 : memref<10240xf32, #tpu.memory_space<vmem_shared>>) offsets(%dma_start3A_97 : memref<128xi32, #tpu.memory_space<vmem>>) semaphore(%arg10 : memref<!tpu.dma_semaphore, #tpu.memory_space<semaphore_mem>>) {add = true}
      %dma_start3A_100 = arith.constant 0 : i32
      %dma_start3A_101 = tpu.memref_slice %arg7[%scan3A_95, %dma_start3A_100] : memref<80x128xi32, #tpu.memory_space<vmem>> -> memref<1x128xi32, #tpu.memory_space<vmem>>
      %dma_start3A_102 = tpu.memref_squeeze %dma_start3A_101 : memref<1x128xi32, #tpu.memory_space<vmem>> -> memref<128xi32, #tpu.memory_space<vmem>>
      %dma_start3A_103 = arith.constant 0 : i32
      %dma_start3A_104 = tpu.memref_slice %arg13[%dma_start3A_103] : memref<10240xf32, #tpu.memory_space<vmem_shared>> -> memref<10240xf32, #tpu.memory_space<vmem_shared>>
      tpu.enqueue_indirect_dma source(%arg8 : memref<128xf32, #tpu.memory_space<vmem>>) target(%dma_start3A_104 : memref<10240xf32, #tpu.memory_space<vmem_shared>>) offsets(%dma_start3A_102 : memref<128xi32, #tpu.memory_space<vmem>>) semaphore(%arg11 : memref<!tpu.dma_semaphore, #tpu.memory_space<semaphore_mem>>) {add = true}
    }
    %scan3A_81 = arith.constant 80 : i32
    %scan3A_82 = arith.constant 0 : i32
    %scan3A_83 = arith.constant 0 : i32
    %scan3A_84 = arith.constant 80 : i32
    %scan3A_85 = arith.addi %scan3A_83, %scan3A_84 : i32
    %scan3A_86 = arith.constant 1 : i32
    scf.for %scan3A_95 = %scan3A_83 to %scan3A_85 step %scan3A_86  : i32 {
      %dma_wait3A = arith.constant 0 : i32
      %dma_wait3A_96 = arith.constant 0 : i32
      %dma_wait3A_97 = tpu.memref_slice %arg6[%dma_wait3A, %dma_wait3A_96] : memref<80x128xi32, #tpu.memory_space<vmem>> -> memref<1x128xi32, #tpu.memory_space<vmem>>
      %dma_wait3A_98 = tpu.memref_squeeze %dma_wait3A_97 : memref<1x128xi32, #tpu.memory_space<vmem>> -> memref<128xi32, #tpu.memory_space<vmem>>
      %dma_wait3A_99 = arith.constant 0 : i32
      %dma_wait3A_100 = tpu.memref_slice %arg12[%dma_wait3A_99] : memref<10240xf32, #tpu.memory_space<vmem_shared>> -> memref<10240xf32, #tpu.memory_space<vmem_shared>>
      tpu.wait_indirect_dma semaphore(%arg10 : memref<!tpu.dma_semaphore, #tpu.memory_space<semaphore_mem>>) src(%arg8 : memref<128xf32, #tpu.memory_space<vmem>>) dst(%dma_wait3A_100 : memref<10240xf32, #tpu.memory_space<vmem_shared>>)
      %dma_wait3A_101 = arith.constant 0 : i32
      %dma_wait3A_102 = arith.constant 0 : i32
      %dma_wait3A_103 = tpu.memref_slice %arg7[%dma_wait3A_101, %dma_wait3A_102] : memref<80x128xi32, #tpu.memory_space<vmem>> -> memref<1x128xi32, #tpu.memory_space<vmem>>
      %dma_wait3A_104 = tpu.memref_squeeze %dma_wait3A_103 : memref<1x128xi32, #tpu.memory_space<vmem>> -> memref<128xi32, #tpu.memory_space<vmem>>
      %dma_wait3A_105 = arith.constant 0 : i32
      %dma_wait3A_106 = tpu.memref_slice %arg13[%dma_wait3A_105] : memref<10240xf32, #tpu.memory_space<vmem_shared>> -> memref<10240xf32, #tpu.memory_space<vmem_shared>>
      tpu.wait_indirect_dma semaphore(%arg11 : memref<!tpu.dma_semaphore, #tpu.memory_space<semaphore_mem>>) src(%arg8 : memref<128xf32, #tpu.memory_space<vmem>>) dst(%dma_wait3A_106 : memref<10240xf32, #tpu.memory_space<vmem_shared>>)
    }
    %scan3A_87 = arith.constant 80 : i32
    %barrier3A_88 = arith.constant 0 : index
    tpu.barrier barrier_id(%barrier3A_88)
    %scan3A_89 = arith.constant 0 : i32
    %scan3A_90 = arith.constant 0 : i32
    %scan3A_91 = arith.constant 5 : i32
    %scan3A_92 = arith.addi %scan3A_90, %scan3A_91 : i32
    %scan3A_93 = arith.constant 1 : i32
    scf.for %scan3A_95 = %scan3A_90 to %scan3A_92 step %scan3A_93  : i32 {
      %mul3A_96 = arith.constant 16 : i32
      %mul3A_97 = arith.muli %mul3A_96, %scan3A_95 : i32
      %add3A_98 = arith.addi %arg1, %mul3A_97 : i32
      %mul3A_99 = arith.constant 128 : i32
      %mul3A_100 = arith.muli %add3A_98, %mul3A_99 : i32
      "tpu.region"() ({
        %run_scoped3A = tpu.sem_alloc : memref<!tpu.dma_semaphore, #tpu.memory_space<semaphore_mem>>
        %dma_start3A = tpu.memref_slice %arg12[%mul3A_100] : memref<10240xf32, #tpu.memory_space<vmem_shared>> -> memref<128xf32, #tpu.memory_space<vmem_shared>>
        %dma_start3A_101 = tpu.memref_slice %arg12[%mul3A_100] : memref<10240xf32, #tpu.memory_space<vmem_shared>> -> memref<128xf32, #tpu.memory_space<vmem_shared>>
        tpu.enqueue_dma source(%dma_start3A_101 : memref<128xf32, #tpu.memory_space<vmem_shared>>) target(%arg9 : memref<128xf32, #tpu.memory_space<vmem>>) target_semaphore(%run_scoped3A : memref<!tpu.dma_semaphore, #tpu.memory_space<semaphore_mem>>)
        %dma_wait3A = tpu.memref_slice %arg12[%mul3A_100] : memref<10240xf32, #tpu.memory_space<vmem_shared>> -> memref<128xf32, #tpu.memory_space<vmem_shared>>
        %dma_wait3A_102 = tpu.memref_slice %arg12[%mul3A_100] : memref<10240xf32, #tpu.memory_space<vmem_shared>> -> memref<128xf32, #tpu.memory_space<vmem_shared>>
        tpu.wait_dma2 semaphore(%run_scoped3A : memref<!tpu.dma_semaphore, #tpu.memory_space<semaphore_mem>>) src(%dma_wait3A_102 : memref<128xf32, #tpu.memory_space<vmem_shared>>) dst(%arg9 : memref<128xf32, #tpu.memory_space<vmem>>)
        tpu.yield
      }) : () -> ()
      "tpu.region"() ({
        %run_scoped3A = tpu.sem_alloc : memref<!tpu.dma_semaphore, #tpu.memory_space<semaphore_mem>>
        %dma_start3A = tpu.memref_slice %arg4[%arg0, %mul3A_100] : memref<2x10240xf32, #tpu.memory_space<hbm>> -> memref<1x128xf32, #tpu.memory_space<hbm>>
        %dma_start3A_101 = tpu.memref_squeeze %dma_start3A : memref<1x128xf32, #tpu.memory_space<hbm>> -> memref<128xf32, #tpu.memory_space<hbm>>
        %dma_start3A_102 = tpu.memref_slice %arg4[%arg0, %mul3A_100] : memref<2x10240xf32, #tpu.memory_space<hbm>> -> memref<1x128xf32, #tpu.memory_space<hbm>>
        %dma_start3A_103 = tpu.memref_squeeze %dma_start3A_102 : memref<1x128xf32, #tpu.memory_space<hbm>> -> memref<128xf32, #tpu.memory_space<hbm>>
        tpu.enqueue_dma source(%arg9 : memref<128xf32, #tpu.memory_space<vmem>>) target(%dma_start3A_103 : memref<128xf32, #tpu.memory_space<hbm>>) target_semaphore(%run_scoped3A : memref<!tpu.dma_semaphore, #tpu.memory_space<semaphore_mem>>)
        %dma_wait3A = tpu.memref_slice %arg4[%arg0, %mul3A_100] : memref<2x10240xf32, #tpu.memory_space<hbm>> -> memref<1x128xf32, #tpu.memory_space<hbm>>
        %dma_wait3A_104 = tpu.memref_squeeze %dma_wait3A : memref<1x128xf32, #tpu.memory_space<hbm>> -> memref<128xf32, #tpu.memory_space<hbm>>
        %dma_wait3A_105 = tpu.memref_slice %arg4[%arg0, %mul3A_100] : memref<2x10240xf32, #tpu.memory_space<hbm>> -> memref<1x128xf32, #tpu.memory_space<hbm>>
        %dma_wait3A_106 = tpu.memref_squeeze %dma_wait3A_105 : memref<1x128xf32, #tpu.memory_space<hbm>> -> memref<128xf32, #tpu.memory_space<hbm>>
        tpu.wait_dma2 semaphore(%run_scoped3A : memref<!tpu.dma_semaphore, #tpu.memory_space<semaphore_mem>>) src(%arg9 : memref<128xf32, #tpu.memory_space<vmem>>) dst(%dma_wait3A_106 : memref<128xf32, #tpu.memory_space<hbm>>)
        tpu.yield
      }) : () -> ()
      "tpu.region"() ({
        %run_scoped3A = tpu.sem_alloc : memref<!tpu.dma_semaphore, #tpu.memory_space<semaphore_mem>>
        %dma_start3A = tpu.memref_slice %arg13[%mul3A_100] : memref<10240xf32, #tpu.memory_space<vmem_shared>> -> memref<128xf32, #tpu.memory_space<vmem_shared>>
        %dma_start3A_101 = tpu.memref_slice %arg13[%mul3A_100] : memref<10240xf32, #tpu.memory_space<vmem_shared>> -> memref<128xf32, #tpu.memory_space<vmem_shared>>
        tpu.enqueue_dma source(%dma_start3A_101 : memref<128xf32, #tpu.memory_space<vmem_shared>>) target(%arg9 : memref<128xf32, #tpu.memory_space<vmem>>) target_semaphore(%run_scoped3A : memref<!tpu.dma_semaphore, #tpu.memory_space<semaphore_mem>>)
        %dma_wait3A = tpu.memref_slice %arg13[%mul3A_100] : memref<10240xf32, #tpu.memory_space<vmem_shared>> -> memref<128xf32, #tpu.memory_space<vmem_shared>>
        %dma_wait3A_102 = tpu.memref_slice %arg13[%mul3A_100] : memref<10240xf32, #tpu.memory_space<vmem_shared>> -> memref<128xf32, #tpu.memory_space<vmem_shared>>
        tpu.wait_dma2 semaphore(%run_scoped3A : memref<!tpu.dma_semaphore, #tpu.memory_space<semaphore_mem>>) src(%dma_wait3A_102 : memref<128xf32, #tpu.memory_space<vmem_shared>>) dst(%arg9 : memref<128xf32, #tpu.memory_space<vmem>>)
        tpu.yield
      }) : () -> ()
      "tpu.region"() ({
        %run_scoped3A = tpu.sem_alloc : memref<!tpu.dma_semaphore, #tpu.memory_space<semaphore_mem>>
        %dma_start3A = tpu.memref_slice %arg5[%arg0, %mul3A_100] : memref<2x10240xf32, #tpu.memory_space<hbm>> -> memref<1x128xf32, #tpu.memory_space<hbm>>
        %dma_start3A_101 = tpu.memref_squeeze %dma_start3A : memref<1x128xf32, #tpu.memory_space<hbm>> -> memref<128xf32, #tpu.memory_space<hbm>>
        %dma_start3A_102 = tpu.memref_slice %arg5[%arg0, %mul3A_100] : memref<2x10240xf32, #tpu.memory_space<hbm>> -> memref<1x128xf32, #tpu.memory_space<hbm>>
        %dma_start3A_103 = tpu.memref_squeeze %dma_start3A_102 : memref<1x128xf32, #tpu.memory_space<hbm>> -> memref<128xf32, #tpu.memory_space<hbm>>
        tpu.enqueue_dma source(%arg9 : memref<128xf32, #tpu.memory_space<vmem>>) target(%dma_start3A_103 : memref<128xf32, #tpu.memory_space<hbm>>) target_semaphore(%run_scoped3A : memref<!tpu.dma_semaphore, #tpu.memory_space<semaphore_mem>>)
        %dma_wait3A = tpu.memref_slice %arg5[%arg0, %mul3A_100] : memref<2x10240xf32, #tpu.memory_space<hbm>> -> memref<1x128xf32, #tpu.memory_space<hbm>>
        %dma_wait3A_104 = tpu.memref_squeeze %dma_wait3A : memref<1x128xf32, #tpu.memory_space<hbm>> -> memref<128xf32, #tpu.memory_space<hbm>>
        %dma_wait3A_105 = tpu.memref_slice %arg5[%arg0, %mul3A_100] : memref<2x10240xf32, #tpu.memory_space<hbm>> -> memref<1x128xf32, #tpu.memory_space<hbm>>
        %dma_wait3A_106 = tpu.memref_squeeze %dma_wait3A_105 : memref<1x128xf32, #tpu.memory_space<hbm>> -> memref<128xf32, #tpu.memory_space<hbm>>
        tpu.wait_dma2 semaphore(%run_scoped3A : memref<!tpu.dma_semaphore, #tpu.memory_space<semaphore_mem>>) src(%arg9 : memref<128xf32, #tpu.memory_space<vmem>>) dst(%dma_wait3A_106 : memref<128xf32, #tpu.memory_space<hbm>>)
        tpu.yield
      }) : () -> ()
    }
    %scan3A_94 = arith.constant 5 : i32
    return
  }
}

#map = affine_map<(d0, d1) -> (0, 0)>
#map1 = affine_map<(d0, d1) -> (0, 0, 0)>
module attributes {stable_mosaic.version = 14 : i64} {
  func.func @_agg_split(%arg0: i32, %arg1: i32, %arg2: memref<20480x64xf32, #tpu.memory_space<hbm>>, %arg3: memref<2x2560x128xi32, #tpu.memory_space<hbm>>, %arg4: memref<2560x128xi32, #tpu.memory_space<hbm>>, %arg5: memref<2x10240x64xf32, #tpu.memory_space<hbm>>, %arg6: memref<160x128xi32, #tpu.memory_space<vmem>>, %arg7: memref<160x128xi32, #tpu.memory_space<vmem>>, %arg8: memref<128x64xf32, #tpu.memory_space<vmem>>, %arg9: memref<128x64xf32, #tpu.memory_space<vmem>>, %arg10: memref<128x64xf32, #tpu.memory_space<vmem>>, %arg11: memref<128x64xf32, #tpu.memory_space<vmem>>, %arg12: memref<128x64xf32, #tpu.memory_space<vmem>>, %arg13: memref<!tpu.dma_semaphore, #tpu.memory_space<semaphore_mem>>, %arg14: memref<!tpu.dma_semaphore, #tpu.memory_space<semaphore_mem>>, %arg15: memref<!tpu.dma_semaphore, #tpu.memory_space<semaphore_mem>>, %arg16: memref<!tpu.dma_semaphore, #tpu.memory_space<semaphore_mem>>, %arg17: memref<!tpu.dma_semaphore, #tpu.memory_space<semaphore_mem>>, %arg18: memref<!tpu.dma_semaphore, #tpu.memory_space<semaphore_mem>>, %arg19: memref<!tpu.dma_semaphore, #tpu.memory_space<semaphore_mem>>, %arg20: memref<!tpu.dma_semaphore, #tpu.memory_space<semaphore_mem>>, %arg21: memref<!tpu.dma_semaphore, #tpu.memory_space<semaphore_mem>>, %arg22: memref<!tpu.dma_semaphore, #tpu.memory_space<semaphore_mem>>, %arg23: memref<10240x64xf32, #tpu.memory_space<vmem_shared>>) attributes {dimension_semantics = [#tpu.dimension_semantics<core_parallel>, #tpu.dimension_semantics<subcore_parallel>], iteration_bounds = array<i64: 2, 16>, scalar_prefetch = 0 : i64, scratch_operands = 18 : i64, tpu.core_type = #tpu.core_type<sc_vector_subcore>, window_params = [{transform_indices = #map}, {transform_indices = #map1}, {transform_indices = #map}, {transform_indices = #map1}]} {
    %mul3A = arith.constant 160 : i32
    %mul3A_0 = arith.muli %arg1, %mul3A : i32
    "tpu.region"() ({
      %run_scoped3A = tpu.sem_alloc : memref<!tpu.dma_semaphore, #tpu.memory_space<semaphore_mem>>
      %dma_start3A_62 = arith.constant 0 : i32
      %dma_start3A_63 = tpu.memref_slice %arg3[%arg0, %mul3A_0, %dma_start3A_62] : memref<2x2560x128xi32, #tpu.memory_space<hbm>> -> memref<1x160x128xi32, #tpu.memory_space<hbm>>
      %dma_start3A_64 = tpu.memref_squeeze %dma_start3A_63 : memref<1x160x128xi32, #tpu.memory_space<hbm>> -> memref<160x128xi32, #tpu.memory_space<hbm>>
      %dma_start3A_65 = arith.constant 0 : i32
      %dma_start3A_66 = tpu.memref_slice %arg3[%arg0, %mul3A_0, %dma_start3A_65] : memref<2x2560x128xi32, #tpu.memory_space<hbm>> -> memref<1x160x128xi32, #tpu.memory_space<hbm>>
      %dma_start3A_67 = tpu.memref_squeeze %dma_start3A_66 : memref<1x160x128xi32, #tpu.memory_space<hbm>> -> memref<160x128xi32, #tpu.memory_space<hbm>>
      tpu.enqueue_dma source(%dma_start3A_67 : memref<160x128xi32, #tpu.memory_space<hbm>>) target(%arg6 : memref<160x128xi32, #tpu.memory_space<vmem>>) target_semaphore(%run_scoped3A : memref<!tpu.dma_semaphore, #tpu.memory_space<semaphore_mem>>)
      %dma_wait3A = arith.constant 0 : i32
      %dma_wait3A_68 = tpu.memref_slice %arg3[%arg0, %mul3A_0, %dma_wait3A] : memref<2x2560x128xi32, #tpu.memory_space<hbm>> -> memref<1x160x128xi32, #tpu.memory_space<hbm>>
      %dma_wait3A_69 = tpu.memref_squeeze %dma_wait3A_68 : memref<1x160x128xi32, #tpu.memory_space<hbm>> -> memref<160x128xi32, #tpu.memory_space<hbm>>
      %dma_wait3A_70 = arith.constant 0 : i32
      %dma_wait3A_71 = tpu.memref_slice %arg3[%arg0, %mul3A_0, %dma_wait3A_70] : memref<2x2560x128xi32, #tpu.memory_space<hbm>> -> memref<1x160x128xi32, #tpu.memory_space<hbm>>
      %dma_wait3A_72 = tpu.memref_squeeze %dma_wait3A_71 : memref<1x160x128xi32, #tpu.memory_space<hbm>> -> memref<160x128xi32, #tpu.memory_space<hbm>>
      tpu.wait_dma2 semaphore(%run_scoped3A : memref<!tpu.dma_semaphore, #tpu.memory_space<semaphore_mem>>) src(%dma_wait3A_72 : memref<160x128xi32, #tpu.memory_space<hbm>>) dst(%arg6 : memref<160x128xi32, #tpu.memory_space<vmem>>)
      tpu.yield
    }) : () -> ()
    %mul3A_1 = arith.constant 160 : i32
    %mul3A_2 = arith.muli %arg1, %mul3A_1 : i32
    "tpu.region"() ({
      %run_scoped3A = tpu.sem_alloc : memref<!tpu.dma_semaphore, #tpu.memory_space<semaphore_mem>>
      %dma_start3A_62 = arith.constant 0 : i32
      %dma_start3A_63 = tpu.memref_slice %arg4[%mul3A_2, %dma_start3A_62] : memref<2560x128xi32, #tpu.memory_space<hbm>> -> memref<160x128xi32, #tpu.memory_space<hbm>>
      %dma_start3A_64 = arith.constant 0 : i32
      %dma_start3A_65 = tpu.memref_slice %arg4[%mul3A_2, %dma_start3A_64] : memref<2560x128xi32, #tpu.memory_space<hbm>> -> memref<160x128xi32, #tpu.memory_space<hbm>>
      tpu.enqueue_dma source(%dma_start3A_65 : memref<160x128xi32, #tpu.memory_space<hbm>>) target(%arg7 : memref<160x128xi32, #tpu.memory_space<vmem>>) target_semaphore(%run_scoped3A : memref<!tpu.dma_semaphore, #tpu.memory_space<semaphore_mem>>)
      %dma_wait3A = arith.constant 0 : i32
      %dma_wait3A_66 = tpu.memref_slice %arg4[%mul3A_2, %dma_wait3A] : memref<2560x128xi32, #tpu.memory_space<hbm>> -> memref<160x128xi32, #tpu.memory_space<hbm>>
      %dma_wait3A_67 = arith.constant 0 : i32
      %dma_wait3A_68 = tpu.memref_slice %arg4[%mul3A_2, %dma_wait3A_67] : memref<2560x128xi32, #tpu.memory_space<hbm>> -> memref<160x128xi32, #tpu.memory_space<hbm>>
      tpu.wait_dma2 semaphore(%run_scoped3A : memref<!tpu.dma_semaphore, #tpu.memory_space<semaphore_mem>>) src(%dma_wait3A_68 : memref<160x128xi32, #tpu.memory_space<hbm>>) dst(%arg7 : memref<160x128xi32, #tpu.memory_space<vmem>>)
      tpu.yield
    }) : () -> ()
    %broadcast_in_dim3A = arith.constant 0.000000e+00 : f32
    %broadcast_in_dim3A_3 = vector.broadcast %broadcast_in_dim3A : f32 to vector<16xf32>
    %scan3A = arith.constant 0 : i32
    %scan3A_4 = arith.constant 0 : i32
    %scan3A_5 = arith.constant 128 : i32
    %scan3A_6 = arith.addi %scan3A_4, %scan3A_5 : i32
    %scan3A_7 = arith.constant 1 : i32
    scf.for %scan3A_62 = %scan3A_4 to %scan3A_6 step %scan3A_7  : i32 {
      %swap3A = arith.index_cast %scan3A_62 : i32 to index
      %swap3A_63 = arith.constant 0 : index
      %swap3A_64 = tpu.vector_load %arg8[%swap3A, %swap3A_63] {strides = array<i32>} : memref<128x64xf32, #tpu.memory_space<vmem>>, vector<1x16xf32>,
      %swap3A_65 = vector.shape_cast %swap3A_64 : vector<1x16xf32> to vector<16xf32>
      %swap3A_66 = vector.shape_cast %broadcast_in_dim3A_3 : vector<16xf32> to vector<1x16xf32>
      tpu.vector_store %arg8[%swap3A, %swap3A_63], %swap3A_66 {strides = array<i32>} : memref<128x64xf32, #tpu.memory_space<vmem>>, vector<1x16xf32>,
      %swap3A_67 = arith.index_cast %scan3A_62 : i32 to index
      %swap3A_68 = arith.constant 16 : index
      %swap3A_69 = tpu.vector_load %arg8[%swap3A_67, %swap3A_68] {strides = array<i32>} : memref<128x64xf32, #tpu.memory_space<vmem>>, vector<1x16xf32>,
      %swap3A_70 = vector.shape_cast %swap3A_69 : vector<1x16xf32> to vector<16xf32>
      %swap3A_71 = vector.shape_cast %broadcast_in_dim3A_3 : vector<16xf32> to vector<1x16xf32>
      tpu.vector_store %arg8[%swap3A_67, %swap3A_68], %swap3A_71 {strides = array<i32>} : memref<128x64xf32, #tpu.memory_space<vmem>>, vector<1x16xf32>,
      %swap3A_72 = arith.index_cast %scan3A_62 : i32 to index
      %swap3A_73 = arith.constant 32 : index
      %swap3A_74 = tpu.vector_load %arg8[%swap3A_72, %swap3A_73] {strides = array<i32>} : memref<128x64xf32, #tpu.memory_space<vmem>>, vector<1x16xf32>,
      %swap3A_75 = vector.shape_cast %swap3A_74 : vector<1x16xf32> to vector<16xf32>
      %swap3A_76 = vector.shape_cast %broadcast_in_dim3A_3 : vector<16xf32> to vector<1x16xf32>
      tpu.vector_store %arg8[%swap3A_72, %swap3A_73], %swap3A_76 {strides = array<i32>} : memref<128x64xf32, #tpu.memory_space<vmem>>, vector<1x16xf32>,
      %swap3A_77 = arith.index_cast %scan3A_62 : i32 to index
      %swap3A_78 = arith.constant 48 : index
      %swap3A_79 = tpu.vector_load %arg8[%swap3A_77, %swap3A_78] {strides = array<i32>} : memref<128x64xf32, #tpu.memory_space<vmem>>, vector<1x16xf32>,
      %swap3A_80 = vector.shape_cast %swap3A_79 : vector<1x16xf32> to vector<16xf32>
      %swap3A_81 = vector.shape_cast %broadcast_in_dim3A_3 : vector<16xf32> to vector<1x16xf32>
      tpu.vector_store %arg8[%swap3A_77, %swap3A_78], %swap3A_81 {strides = array<i32>} : memref<128x64xf32, #tpu.memory_space<vmem>>, vector<1x16xf32>,
    }
    %scan3A_8 = arith.constant 128 : i32
    %scan3A_9 = arith.constant 0 : i32
    %scan3A_10 = arith.constant 0 : i32
    %scan3A_11 = arith.constant 5 : i32
    %scan3A_12 = arith.addi %scan3A_10, %scan3A_11 : i32
    %scan3A_13 = arith.constant 1 : i32
    scf.for %scan3A_62 = %scan3A_10 to %scan3A_12 step %scan3A_13  : i32 {
      %mul3A_63 = arith.constant 16 : i32
      %mul3A_64 = arith.muli %mul3A_63, %scan3A_62 : i32
      %add3A = arith.addi %arg1, %mul3A_64 : i32
      %mul3A_65 = arith.constant 128 : i32
      %mul3A_66 = arith.muli %add3A, %mul3A_65 : i32
      "tpu.region"() ({
        %run_scoped3A = tpu.sem_alloc : memref<!tpu.dma_semaphore, #tpu.memory_space<semaphore_mem>>
        %dma_start3A_67 = arith.constant 0 : i32
        %dma_start3A_68 = tpu.memref_slice %arg23[%mul3A_66, %dma_start3A_67] : memref<10240x64xf32, #tpu.memory_space<vmem_shared>> -> memref<128x64xf32, #tpu.memory_space<vmem_shared>>
        %dma_start3A_69 = arith.constant 0 : i32
        %dma_start3A_70 = tpu.memref_slice %arg23[%mul3A_66, %dma_start3A_69] : memref<10240x64xf32, #tpu.memory_space<vmem_shared>> -> memref<128x64xf32, #tpu.memory_space<vmem_shared>>
        tpu.enqueue_dma source(%arg8 : memref<128x64xf32, #tpu.memory_space<vmem>>) target(%dma_start3A_70 : memref<128x64xf32, #tpu.memory_space<vmem_shared>>) target_semaphore(%run_scoped3A : memref<!tpu.dma_semaphore, #tpu.memory_space<semaphore_mem>>)
        %dma_wait3A = arith.constant 0 : i32
        %dma_wait3A_71 = tpu.memref_slice %arg23[%mul3A_66, %dma_wait3A] : memref<10240x64xf32, #tpu.memory_space<vmem_shared>> -> memref<128x64xf32, #tpu.memory_space<vmem_shared>>
        %dma_wait3A_72 = arith.constant 0 : i32
        %dma_wait3A_73 = tpu.memref_slice %arg23[%mul3A_66, %dma_wait3A_72] : memref<10240x64xf32, #tpu.memory_space<vmem_shared>> -> memref<128x64xf32, #tpu.memory_space<vmem_shared>>
        tpu.wait_dma2 semaphore(%run_scoped3A : memref<!tpu.dma_semaphore, #tpu.memory_space<semaphore_mem>>) src(%arg8 : memref<128x64xf32, #tpu.memory_space<vmem>>) dst(%dma_wait3A_73 : memref<128x64xf32, #tpu.memory_space<vmem_shared>>)
        tpu.yield
      }) : () -> ()
    }
    %scan3A_14 = arith.constant 5 : i32
    %barrier3A = arith.constant 0 : index
    tpu.barrier barrier_id(%barrier3A)
    %dma_start3A = arith.constant 0 : i32
    %dma_start3A_15 = arith.constant 0 : i32
    %dma_start3A_16 = tpu.memref_slice %arg6[%dma_start3A, %dma_start3A_15] : memref<160x128xi32, #tpu.memory_space<vmem>> -> memref<1x128xi32, #tpu.memory_space<vmem>>
    %dma_start3A_17 = tpu.memref_squeeze %dma_start3A_16 : memref<1x128xi32, #tpu.memory_space<vmem>> -> memref<128xi32, #tpu.memory_space<vmem>>
    %dma_start3A_18 = arith.constant 0 : i32
    %dma_start3A_19 = arith.constant 0 : i32
    %dma_start3A_20 = tpu.memref_slice %arg2[%dma_start3A_18, %dma_start3A_19] : memref<20480x64xf32, #tpu.memory_space<hbm>> -> memref<20480x64xf32, #tpu.memory_space<hbm>>
    tpu.enqueue_indirect_dma source(%dma_start3A_20 : memref<20480x64xf32, #tpu.memory_space<hbm>>) target(%arg8 : memref<128x64xf32, #tpu.memory_space<vmem>>) offsets(%dma_start3A_17 : memref<128xi32, #tpu.memory_space<vmem>>) semaphore(%arg13 : memref<!tpu.dma_semaphore, #tpu.memory_space<semaphore_mem>>)
    %dma_start3A_21 = arith.constant 1 : i32
    %dma_start3A_22 = arith.constant 0 : i32
    %dma_start3A_23 = tpu.memref_slice %arg6[%dma_start3A_21, %dma_start3A_22] : memref<160x128xi32, #tpu.memory_space<vmem>> -> memref<1x128xi32, #tpu.memory_space<vmem>>
    %dma_start3A_24 = tpu.memref_squeeze %dma_start3A_23 : memref<1x128xi32, #tpu.memory_space<vmem>> -> memref<128xi32, #tpu.memory_space<vmem>>
    %dma_start3A_25 = arith.constant 0 : i32
    %dma_start3A_26 = arith.constant 0 : i32
    %dma_start3A_27 = tpu.memref_slice %arg2[%dma_start3A_25, %dma_start3A_26] : memref<20480x64xf32, #tpu.memory_space<hbm>> -> memref<20480x64xf32, #tpu.memory_space<hbm>>
    tpu.enqueue_indirect_dma source(%dma_start3A_27 : memref<20480x64xf32, #tpu.memory_space<hbm>>) target(%arg9 : memref<128x64xf32, #tpu.memory_space<vmem>>) offsets(%dma_start3A_24 : memref<128xi32, #tpu.memory_space<vmem>>) semaphore(%arg14 : memref<!tpu.dma_semaphore, #tpu.memory_space<semaphore_mem>>)
    %dma_start3A_28 = arith.constant 2 : i32
    %dma_start3A_29 = arith.constant 0 : i32
    %dma_start3A_30 = tpu.memref_slice %arg6[%dma_start3A_28, %dma_start3A_29] : memref<160x128xi32, #tpu.memory_space<vmem>> -> memref<1x128xi32, #tpu.memory_space<vmem>>
    %dma_start3A_31 = tpu.memref_squeeze %dma_start3A_30 : memref<1x128xi32, #tpu.memory_space<vmem>> -> memref<128xi32, #tpu.memory_space<vmem>>
    %dma_start3A_32 = arith.constant 0 : i32
    %dma_start3A_33 = arith.constant 0 : i32
    %dma_start3A_34 = tpu.memref_slice %arg2[%dma_start3A_32, %dma_start3A_33] : memref<20480x64xf32, #tpu.memory_space<hbm>> -> memref<20480x64xf32, #tpu.memory_space<hbm>>
    tpu.enqueue_indirect_dma source(%dma_start3A_34 : memref<20480x64xf32, #tpu.memory_space<hbm>>) target(%arg10 : memref<128x64xf32, #tpu.memory_space<vmem>>) offsets(%dma_start3A_31 : memref<128xi32, #tpu.memory_space<vmem>>) semaphore(%arg15 : memref<!tpu.dma_semaphore, #tpu.memory_space<semaphore_mem>>)
    %dma_start3A_35 = arith.constant 3 : i32
    %dma_start3A_36 = arith.constant 0 : i32
    %dma_start3A_37 = tpu.memref_slice %arg6[%dma_start3A_35, %dma_start3A_36] : memref<160x128xi32, #tpu.memory_space<vmem>> -> memref<1x128xi32, #tpu.memory_space<vmem>>
    %dma_start3A_38 = tpu.memref_squeeze %dma_start3A_37 : memref<1x128xi32, #tpu.memory_space<vmem>> -> memref<128xi32, #tpu.memory_space<vmem>>
    %dma_start3A_39 = arith.constant 0 : i32
    %dma_start3A_40 = arith.constant 0 : i32
    %dma_start3A_41 = tpu.memref_slice %arg2[%dma_start3A_39, %dma_start3A_40] : memref<20480x64xf32, #tpu.memory_space<hbm>> -> memref<20480x64xf32, #tpu.memory_space<hbm>>
    tpu.enqueue_indirect_dma source(%dma_start3A_41 : memref<20480x64xf32, #tpu.memory_space<hbm>>) target(%arg11 : memref<128x64xf32, #tpu.memory_space<vmem>>) offsets(%dma_start3A_38 : memref<128xi32, #tpu.memory_space<vmem>>) semaphore(%arg16 : memref<!tpu.dma_semaphore, #tpu.memory_space<semaphore_mem>>)
    %dma_start3A_42 = arith.constant 4 : i32
    %dma_start3A_43 = arith.constant 0 : i32
    %dma_start3A_44 = tpu.memref_slice %arg6[%dma_start3A_42, %dma_start3A_43] : memref<160x128xi32, #tpu.memory_space<vmem>> -> memref<1x128xi32, #tpu.memory_space<vmem>>
    %dma_start3A_45 = tpu.memref_squeeze %dma_start3A_44 : memref<1x128xi32, #tpu.memory_space<vmem>> -> memref<128xi32, #tpu.memory_space<vmem>>
    %dma_start3A_46 = arith.constant 0 : i32
    %dma_start3A_47 = arith.constant 0 : i32
    %dma_start3A_48 = tpu.memref_slice %arg2[%dma_start3A_46, %dma_start3A_47] : memref<20480x64xf32, #tpu.memory_space<hbm>> -> memref<20480x64xf32, #tpu.memory_space<hbm>>
    tpu.enqueue_indirect_dma source(%dma_start3A_48 : memref<20480x64xf32, #tpu.memory_space<hbm>>) target(%arg12 : memref<128x64xf32, #tpu.memory_space<vmem>>) offsets(%dma_start3A_45 : memref<128xi32, #tpu.memory_space<vmem>>) semaphore(%arg17 : memref<!tpu.dma_semaphore, #tpu.memory_space<semaphore_mem>>)
    %scan3A_49 = arith.constant 0 : i32
    %scan3A_50 = arith.constant 0 : i32
    %scan3A_51 = arith.constant 32 : i32
    %scan3A_52 = arith.addi %scan3A_50, %scan3A_51 : i32
    %scan3A_53 = arith.constant 1 : i32
    scf.for %scan3A_62 = %scan3A_50 to %scan3A_52 step %scan3A_53  : i32 {
      %mul3A_63 = arith.constant 5 : i32
      %mul3A_64 = arith.muli %scan3A_62, %mul3A_63 : i32
      %add3A = arith.constant 0 : i32
      %add3A_65 = arith.addi %mul3A_64, %add3A : i32
      %dma_wait3A = arith.constant 0 : i32
      %dma_wait3A_66 = tpu.memref_slice %arg6[%add3A_65, %dma_wait3A] : memref<160x128xi32, #tpu.memory_space<vmem>> -> memref<1x128xi32, #tpu.memory_space<vmem>>
      %dma_wait3A_67 = tpu.memref_squeeze %dma_wait3A_66 : memref<1x128xi32, #tpu.memory_space<vmem>> -> memref<128xi32, #tpu.memory_space<vmem>>
      %dma_wait3A_68 = arith.constant 0 : i32
      %dma_wait3A_69 = arith.constant 0 : i32
      %dma_wait3A_70 = tpu.memref_slice %arg2[%dma_wait3A_68, %dma_wait3A_69] : memref<20480x64xf32, #tpu.memory_space<hbm>> -> memref<20480x64xf32, #tpu.memory_space<hbm>>
      tpu.wait_indirect_dma semaphore(%arg13 : memref<!tpu.dma_semaphore, #tpu.memory_space<semaphore_mem>>) src(%dma_wait3A_70 : memref<20480x64xf32, #tpu.memory_space<hbm>>) dst(%arg8 : memref<128x64xf32, #tpu.memory_space<vmem>>)
      %add3A_71 = arith.constant 0 : i32
      %add3A_72 = arith.addi %mul3A_64, %add3A_71 : i32
      %dma_start3A_73 = arith.constant 0 : i32
      %dma_start3A_74 = tpu.memref_slice %arg7[%add3A_72, %dma_start3A_73] : memref<160x128xi32, #tpu.memory_space<vmem>> -> memref<1x128xi32, #tpu.memory_space<vmem>>
      %dma_start3A_75 = tpu.memref_squeeze %dma_start3A_74 : memref<1x128xi32, #tpu.memory_space<vmem>> -> memref<128xi32, #tpu.memory_space<vmem>>
      %dma_start3A_76 = arith.constant 0 : i32
      %dma_start3A_77 = arith.constant 0 : i32
      %dma_start3A_78 = tpu.memref_slice %arg23[%dma_start3A_76, %dma_start3A_77] : memref<10240x64xf32, #tpu.memory_space<vmem_shared>> -> memref<10240x64xf32, #tpu.memory_space<vmem_shared>>
      tpu.enqueue_indirect_dma source(%arg8 : memref<128x64xf32, #tpu.memory_space<vmem>>) target(%dma_start3A_78 : memref<10240x64xf32, #tpu.memory_space<vmem_shared>>) offsets(%dma_start3A_75 : memref<128xi32, #tpu.memory_space<vmem>>) semaphore(%arg18 : memref<!tpu.dma_semaphore, #tpu.memory_space<semaphore_mem>>) {add = true}
      %add3A_79 = arith.constant 1 : i32
      %add3A_80 = arith.addi %mul3A_64, %add3A_79 : i32
      %dma_wait3A_81 = arith.constant 0 : i32
      %dma_wait3A_82 = tpu.memref_slice %arg6[%add3A_80, %dma_wait3A_81] : memref<160x128xi32, #tpu.memory_space<vmem>> -> memref<1x128xi32, #tpu.memory_space<vmem>>
      %dma_wait3A_83 = tpu.memref_squeeze %dma_wait3A_82 : memref<1x128xi32, #tpu.memory_space<vmem>> -> memref<128xi32, #tpu.memory_space<vmem>>
      %dma_wait3A_84 = arith.constant 0 : i32
      %dma_wait3A_85 = arith.constant 0 : i32
      %dma_wait3A_86 = tpu.memref_slice %arg2[%dma_wait3A_84, %dma_wait3A_85] : memref<20480x64xf32, #tpu.memory_space<hbm>> -> memref<20480x64xf32, #tpu.memory_space<hbm>>
      tpu.wait_indirect_dma semaphore(%arg14 : memref<!tpu.dma_semaphore, #tpu.memory_space<semaphore_mem>>) src(%dma_wait3A_86 : memref<20480x64xf32, #tpu.memory_space<hbm>>) dst(%arg9 : memref<128x64xf32, #tpu.memory_space<vmem>>)
      %add3A_87 = arith.constant 1 : i32
      %add3A_88 = arith.addi %mul3A_64, %add3A_87 : i32
      %dma_start3A_89 = arith.constant 0 : i32
      %dma_start3A_90 = tpu.memref_slice %arg7[%add3A_88, %dma_start3A_89] : memref<160x128xi32, #tpu.memory_space<vmem>> -> memref<1x128xi32, #tpu.memory_space<vmem>>
      %dma_start3A_91 = tpu.memref_squeeze %dma_start3A_90 : memref<1x128xi32, #tpu.memory_space<vmem>> -> memref<128xi32, #tpu.memory_space<vmem>>
      %dma_start3A_92 = arith.constant 0 : i32
      %dma_start3A_93 = arith.constant 0 : i32
      %dma_start3A_94 = tpu.memref_slice %arg23[%dma_start3A_92, %dma_start3A_93] : memref<10240x64xf32, #tpu.memory_space<vmem_shared>> -> memref<10240x64xf32, #tpu.memory_space<vmem_shared>>
      tpu.enqueue_indirect_dma source(%arg9 : memref<128x64xf32, #tpu.memory_space<vmem>>) target(%dma_start3A_94 : memref<10240x64xf32, #tpu.memory_space<vmem_shared>>) offsets(%dma_start3A_91 : memref<128xi32, #tpu.memory_space<vmem>>) semaphore(%arg19 : memref<!tpu.dma_semaphore, #tpu.memory_space<semaphore_mem>>) {add = true}
      %add3A_95 = arith.constant 2 : i32
      %add3A_96 = arith.addi %mul3A_64, %add3A_95 : i32
      %dma_wait3A_97 = arith.constant 0 : i32
      %dma_wait3A_98 = tpu.memref_slice %arg6[%add3A_96, %dma_wait3A_97] : memref<160x128xi32, #tpu.memory_space<vmem>> -> memref<1x128xi32, #tpu.memory_space<vmem>>
      %dma_wait3A_99 = tpu.memref_squeeze %dma_wait3A_98 : memref<1x128xi32, #tpu.memory_space<vmem>> -> memref<128xi32, #tpu.memory_space<vmem>>
      %dma_wait3A_100 = arith.constant 0 : i32
      %dma_wait3A_101 = arith.constant 0 : i32
      %dma_wait3A_102 = tpu.memref_slice %arg2[%dma_wait3A_100, %dma_wait3A_101] : memref<20480x64xf32, #tpu.memory_space<hbm>> -> memref<20480x64xf32, #tpu.memory_space<hbm>>
      tpu.wait_indirect_dma semaphore(%arg15 : memref<!tpu.dma_semaphore, #tpu.memory_space<semaphore_mem>>) src(%dma_wait3A_102 : memref<20480x64xf32, #tpu.memory_space<hbm>>) dst(%arg10 : memref<128x64xf32, #tpu.memory_space<vmem>>)
      %add3A_103 = arith.constant 2 : i32
      %add3A_104 = arith.addi %mul3A_64, %add3A_103 : i32
      %dma_start3A_105 = arith.constant 0 : i32
      %dma_start3A_106 = tpu.memref_slice %arg7[%add3A_104, %dma_start3A_105] : memref<160x128xi32, #tpu.memory_space<vmem>> -> memref<1x128xi32, #tpu.memory_space<vmem>>
      %dma_start3A_107 = tpu.memref_squeeze %dma_start3A_106 : memref<1x128xi32, #tpu.memory_space<vmem>> -> memref<128xi32, #tpu.memory_space<vmem>>
      %dma_start3A_108 = arith.constant 0 : i32
      %dma_start3A_109 = arith.constant 0 : i32
      %dma_start3A_110 = tpu.memref_slice %arg23[%dma_start3A_108, %dma_start3A_109] : memref<10240x64xf32, #tpu.memory_space<vmem_shared>> -> memref<10240x64xf32, #tpu.memory_space<vmem_shared>>
      tpu.enqueue_indirect_dma source(%arg10 : memref<128x64xf32, #tpu.memory_space<vmem>>) target(%dma_start3A_110 : memref<10240x64xf32, #tpu.memory_space<vmem_shared>>) offsets(%dma_start3A_107 : memref<128xi32, #tpu.memory_space<vmem>>) semaphore(%arg20 : memref<!tpu.dma_semaphore, #tpu.memory_space<semaphore_mem>>) {add = true}
      %add3A_111 = arith.constant 3 : i32
      %add3A_112 = arith.addi %mul3A_64, %add3A_111 : i32
      %dma_wait3A_113 = arith.constant 0 : i32
      %dma_wait3A_114 = tpu.memref_slice %arg6[%add3A_112, %dma_wait3A_113] : memref<160x128xi32, #tpu.memory_space<vmem>> -> memref<1x128xi32, #tpu.memory_space<vmem>>
      %dma_wait3A_115 = tpu.memref_squeeze %dma_wait3A_114 : memref<1x128xi32, #tpu.memory_space<vmem>> -> memref<128xi32, #tpu.memory_space<vmem>>
      %dma_wait3A_116 = arith.constant 0 : i32
      %dma_wait3A_117 = arith.constant 0 : i32
      %dma_wait3A_118 = tpu.memref_slice %arg2[%dma_wait3A_116, %dma_wait3A_117] : memref<20480x64xf32, #tpu.memory_space<hbm>> -> memref<20480x64xf32, #tpu.memory_space<hbm>>
      tpu.wait_indirect_dma semaphore(%arg16 : memref<!tpu.dma_semaphore, #tpu.memory_space<semaphore_mem>>) src(%dma_wait3A_118 : memref<20480x64xf32, #tpu.memory_space<hbm>>) dst(%arg11 : memref<128x64xf32, #tpu.memory_space<vmem>>)
      %add3A_119 = arith.constant 3 : i32
      %add3A_120 = arith.addi %mul3A_64, %add3A_119 : i32
      %dma_start3A_121 = arith.constant 0 : i32
      %dma_start3A_122 = tpu.memref_slice %arg7[%add3A_120, %dma_start3A_121] : memref<160x128xi32, #tpu.memory_space<vmem>> -> memref<1x128xi32, #tpu.memory_space<vmem>>
      %dma_start3A_123 = tpu.memref_squeeze %dma_start3A_122 : memref<1x128xi32, #tpu.memory_space<vmem>> -> memref<128xi32, #tpu.memory_space<vmem>>
      %dma_start3A_124 = arith.constant 0 : i32
      %dma_start3A_125 = arith.constant 0 : i32
      %dma_start3A_126 = tpu.memref_slice %arg23[%dma_start3A_124, %dma_start3A_125] : memref<10240x64xf32, #tpu.memory_space<vmem_shared>> -> memref<10240x64xf32, #tpu.memory_space<vmem_shared>>
      tpu.enqueue_indirect_dma source(%arg11 : memref<128x64xf32, #tpu.memory_space<vmem>>) target(%dma_start3A_126 : memref<10240x64xf32, #tpu.memory_space<vmem_shared>>) offsets(%dma_start3A_123 : memref<128xi32, #tpu.memory_space<vmem>>) semaphore(%arg21 : memref<!tpu.dma_semaphore, #tpu.memory_space<semaphore_mem>>) {add = true}
      %add3A_127 = arith.constant 4 : i32
      %add3A_128 = arith.addi %mul3A_64, %add3A_127 : i32
      %dma_wait3A_129 = arith.constant 0 : i32
      %dma_wait3A_130 = tpu.memref_slice %arg6[%add3A_128, %dma_wait3A_129] : memref<160x128xi32, #tpu.memory_space<vmem>> -> memref<1x128xi32, #tpu.memory_space<vmem>>
      %dma_wait3A_131 = tpu.memref_squeeze %dma_wait3A_130 : memref<1x128xi32, #tpu.memory_space<vmem>> -> memref<128xi32, #tpu.memory_space<vmem>>
      %dma_wait3A_132 = arith.constant 0 : i32
      %dma_wait3A_133 = arith.constant 0 : i32
      %dma_wait3A_134 = tpu.memref_slice %arg2[%dma_wait3A_132, %dma_wait3A_133] : memref<20480x64xf32, #tpu.memory_space<hbm>> -> memref<20480x64xf32, #tpu.memory_space<hbm>>
      tpu.wait_indirect_dma semaphore(%arg17 : memref<!tpu.dma_semaphore, #tpu.memory_space<semaphore_mem>>) src(%dma_wait3A_134 : memref<20480x64xf32, #tpu.memory_space<hbm>>) dst(%arg12 : memref<128x64xf32, #tpu.memory_space<vmem>>)
      %add3A_135 = arith.constant 4 : i32
      %add3A_136 = arith.addi %mul3A_64, %add3A_135 : i32
      %dma_start3A_137 = arith.constant 0 : i32
      %dma_start3A_138 = tpu.memref_slice %arg7[%add3A_136, %dma_start3A_137] : memref<160x128xi32, #tpu.memory_space<vmem>> -> memref<1x128xi32, #tpu.memory_space<vmem>>
      %dma_start3A_139 = tpu.memref_squeeze %dma_start3A_138 : memref<1x128xi32, #tpu.memory_space<vmem>> -> memref<128xi32, #tpu.memory_space<vmem>>
      %dma_start3A_140 = arith.constant 0 : i32
      %dma_start3A_141 = arith.constant 0 : i32
      %dma_start3A_142 = tpu.memref_slice %arg23[%dma_start3A_140, %dma_start3A_141] : memref<10240x64xf32, #tpu.memory_space<vmem_shared>> -> memref<10240x64xf32, #tpu.memory_space<vmem_shared>>
      tpu.enqueue_indirect_dma source(%arg12 : memref<128x64xf32, #tpu.memory_space<vmem>>) target(%dma_start3A_142 : memref<10240x64xf32, #tpu.memory_space<vmem_shared>>) offsets(%dma_start3A_139 : memref<128xi32, #tpu.memory_space<vmem>>) semaphore(%arg22 : memref<!tpu.dma_semaphore, #tpu.memory_space<semaphore_mem>>) {add = true}
      %add3A_143 = arith.constant 0 : i32
      %add3A_144 = arith.addi %mul3A_64, %add3A_143 : i32
      %dma_wait3A_145 = arith.constant 0 : i32
      %dma_wait3A_146 = tpu.memref_slice %arg7[%add3A_144, %dma_wait3A_145] : memref<160x128xi32, #tpu.memory_space<vmem>> -> memref<1x128xi32, #tpu.memory_space<vmem>>
      %dma_wait3A_147 = tpu.memref_squeeze %dma_wait3A_146 : memref<1x128xi32, #tpu.memory_space<vmem>> -> memref<128xi32, #tpu.memory_space<vmem>>
      %dma_wait3A_148 = arith.constant 0 : i32
      %dma_wait3A_149 = arith.constant 0 : i32
      %dma_wait3A_150 = tpu.memref_slice %arg23[%dma_wait3A_148, %dma_wait3A_149] : memref<10240x64xf32, #tpu.memory_space<vmem_shared>> -> memref<10240x64xf32, #tpu.memory_space<vmem_shared>>
      tpu.wait_indirect_dma semaphore(%arg18 : memref<!tpu.dma_semaphore, #tpu.memory_space<semaphore_mem>>) src(%arg8 : memref<128x64xf32, #tpu.memory_space<vmem>>) dst(%dma_wait3A_150 : memref<10240x64xf32, #tpu.memory_space<vmem_shared>>)
      %add3A_151 = arith.constant 5 : i32
      %add3A_152 = arith.addi %mul3A_64, %add3A_151 : i32
      %add3A_153 = arith.constant 0 : i32
      %add3A_154 = arith.addi %add3A_152, %add3A_153 : i32
      %lt3A = arith.constant 160 : i32
      %lt3A_155 = arith.cmpi slt, %add3A_154, %lt3A : i32
      %convert_element_type3A = arith.extui %lt3A_155 : i1 to i32
      %cond3A = arith.constant 0 : i32
      %cond3A_156 = arith.cmpi ne, %convert_element_type3A, %cond3A : i32
      scf.if %cond3A_156 {
        %add3A_225 = arith.constant 5 : i32
        %add3A_226 = arith.addi %mul3A_64, %add3A_225 : i32
        %add3A_227 = arith.constant 0 : i32
        %add3A_228 = arith.addi %add3A_226, %add3A_227 : i32
        %dma_start3A_229 = arith.constant 0 : i32
        %dma_start3A_230 = tpu.memref_slice %arg6[%add3A_228, %dma_start3A_229] : memref<160x128xi32, #tpu.memory_space<vmem>> -> memref<1x128xi32, #tpu.memory_space<vmem>>
        %dma_start3A_231 = tpu.memref_squeeze %dma_start3A_230 : memref<1x128xi32, #tpu.memory_space<vmem>> -> memref<128xi32, #tpu.memory_space<vmem>>
        %dma_start3A_232 = arith.constant 0 : i32
        %dma_start3A_233 = arith.constant 0 : i32
        %dma_start3A_234 = tpu.memref_slice %arg2[%dma_start3A_232, %dma_start3A_233] : memref<20480x64xf32, #tpu.memory_space<hbm>> -> memref<20480x64xf32, #tpu.memory_space<hbm>>
        tpu.enqueue_indirect_dma source(%dma_start3A_234 : memref<20480x64xf32, #tpu.memory_space<hbm>>) target(%arg8 : memref<128x64xf32, #tpu.memory_space<vmem>>) offsets(%dma_start3A_231 : memref<128xi32, #tpu.memory_space<vmem>>) semaphore(%arg13 : memref<!tpu.dma_semaphore, #tpu.memory_space<semaphore_mem>>)
      } else {
      }
      %add3A_157 = arith.constant 1 : i32
      %add3A_158 = arith.addi %mul3A_64, %add3A_157 : i32
      %dma_wait3A_159 = arith.constant 0 : i32
      %dma_wait3A_160 = tpu.memref_slice %arg7[%add3A_158, %dma_wait3A_159] : memref<160x128xi32, #tpu.memory_space<vmem>> -> memref<1x128xi32, #tpu.memory_space<vmem>>
      %dma_wait3A_161 = tpu.memref_squeeze %dma_wait3A_160 : memref<1x128xi32, #tpu.memory_space<vmem>> -> memref<128xi32, #tpu.memory_space<vmem>>
      %dma_wait3A_162 = arith.constant 0 : i32
      %dma_wait3A_163 = arith.constant 0 : i32
      %dma_wait3A_164 = tpu.memref_slice %arg23[%dma_wait3A_162, %dma_wait3A_163] : memref<10240x64xf32, #tpu.memory_space<vmem_shared>> -> memref<10240x64xf32, #tpu.memory_space<vmem_shared>>
      tpu.wait_indirect_dma semaphore(%arg19 : memref<!tpu.dma_semaphore, #tpu.memory_space<semaphore_mem>>) src(%arg9 : memref<128x64xf32, #tpu.memory_space<vmem>>) dst(%dma_wait3A_164 : memref<10240x64xf32, #tpu.memory_space<vmem_shared>>)
      %add3A_165 = arith.constant 5 : i32
      %add3A_166 = arith.addi %mul3A_64, %add3A_165 : i32
      %add3A_167 = arith.constant 1 : i32
      %add3A_168 = arith.addi %add3A_166, %add3A_167 : i32
      %lt3A_169 = arith.constant 160 : i32
      %lt3A_170 = arith.cmpi slt, %add3A_168, %lt3A_169 : i32
      %convert_element_type3A_171 = arith.extui %lt3A_170 : i1 to i32
      %cond3A_172 = arith.constant 0 : i32
      %cond3A_173 = arith.cmpi ne, %convert_element_type3A_171, %cond3A_172 : i32
      scf.if %cond3A_173 {
        %add3A_225 = arith.constant 5 : i32
        %add3A_226 = arith.addi %mul3A_64, %add3A_225 : i32
        %add3A_227 = arith.constant 1 : i32
        %add3A_228 = arith.addi %add3A_226, %add3A_227 : i32
        %dma_start3A_229 = arith.constant 0 : i32
        %dma_start3A_230 = tpu.memref_slice %arg6[%add3A_228, %dma_start3A_229] : memref<160x128xi32, #tpu.memory_space<vmem>> -> memref<1x128xi32, #tpu.memory_space<vmem>>
        %dma_start3A_231 = tpu.memref_squeeze %dma_start3A_230 : memref<1x128xi32, #tpu.memory_space<vmem>> -> memref<128xi32, #tpu.memory_space<vmem>>
        %dma_start3A_232 = arith.constant 0 : i32
        %dma_start3A_233 = arith.constant 0 : i32
        %dma_start3A_234 = tpu.memref_slice %arg2[%dma_start3A_232, %dma_start3A_233] : memref<20480x64xf32, #tpu.memory_space<hbm>> -> memref<20480x64xf32, #tpu.memory_space<hbm>>
        tpu.enqueue_indirect_dma source(%dma_start3A_234 : memref<20480x64xf32, #tpu.memory_space<hbm>>) target(%arg9 : memref<128x64xf32, #tpu.memory_space<vmem>>) offsets(%dma_start3A_231 : memref<128xi32, #tpu.memory_space<vmem>>) semaphore(%arg14 : memref<!tpu.dma_semaphore, #tpu.memory_space<semaphore_mem>>)
      } else {
      }
      %add3A_174 = arith.constant 2 : i32
      %add3A_175 = arith.addi %mul3A_64, %add3A_174 : i32
      %dma_wait3A_176 = arith.constant 0 : i32
      %dma_wait3A_177 = tpu.memref_slice %arg7[%add3A_175, %dma_wait3A_176] : memref<160x128xi32, #tpu.memory_space<vmem>> -> memref<1x128xi32, #tpu.memory_space<vmem>>
      %dma_wait3A_178 = tpu.memref_squeeze %dma_wait3A_177 : memref<1x128xi32, #tpu.memory_space<vmem>> -> memref<128xi32, #tpu.memory_space<vmem>>
      %dma_wait3A_179 = arith.constant 0 : i32
      %dma_wait3A_180 = arith.constant 0 : i32
      %dma_wait3A_181 = tpu.memref_slice %arg23[%dma_wait3A_179, %dma_wait3A_180] : memref<10240x64xf32, #tpu.memory_space<vmem_shared>> -> memref<10240x64xf32, #tpu.memory_space<vmem_shared>>
      tpu.wait_indirect_dma semaphore(%arg20 : memref<!tpu.dma_semaphore, #tpu.memory_space<semaphore_mem>>) src(%arg10 : memref<128x64xf32, #tpu.memory_space<vmem>>) dst(%dma_wait3A_181 : memref<10240x64xf32, #tpu.memory_space<vmem_shared>>)
      %add3A_182 = arith.constant 5 : i32
      %add3A_183 = arith.addi %mul3A_64, %add3A_182 : i32
      %add3A_184 = arith.constant 2 : i32
      %add3A_185 = arith.addi %add3A_183, %add3A_184 : i32
      %lt3A_186 = arith.constant 160 : i32
      %lt3A_187 = arith.cmpi slt, %add3A_185, %lt3A_186 : i32
      %convert_element_type3A_188 = arith.extui %lt3A_187 : i1 to i32
      %cond3A_189 = arith.constant 0 : i32
      %cond3A_190 = arith.cmpi ne, %convert_element_type3A_188, %cond3A_189 : i32
      scf.if %cond3A_190 {
        %add3A_225 = arith.constant 5 : i32
        %add3A_226 = arith.addi %mul3A_64, %add3A_225 : i32
        %add3A_227 = arith.constant 2 : i32
        %add3A_228 = arith.addi %add3A_226, %add3A_227 : i32
        %dma_start3A_229 = arith.constant 0 : i32
        %dma_start3A_230 = tpu.memref_slice %arg6[%add3A_228, %dma_start3A_229] : memref<160x128xi32, #tpu.memory_space<vmem>> -> memref<1x128xi32, #tpu.memory_space<vmem>>
        %dma_start3A_231 = tpu.memref_squeeze %dma_start3A_230 : memref<1x128xi32, #tpu.memory_space<vmem>> -> memref<128xi32, #tpu.memory_space<vmem>>
        %dma_start3A_232 = arith.constant 0 : i32
        %dma_start3A_233 = arith.constant 0 : i32
        %dma_start3A_234 = tpu.memref_slice %arg2[%dma_start3A_232, %dma_start3A_233] : memref<20480x64xf32, #tpu.memory_space<hbm>> -> memref<20480x64xf32, #tpu.memory_space<hbm>>
        tpu.enqueue_indirect_dma source(%dma_start3A_234 : memref<20480x64xf32, #tpu.memory_space<hbm>>) target(%arg10 : memref<128x64xf32, #tpu.memory_space<vmem>>) offsets(%dma_start3A_231 : memref<128xi32, #tpu.memory_space<vmem>>) semaphore(%arg15 : memref<!tpu.dma_semaphore, #tpu.memory_space<semaphore_mem>>)
      } else {
      }
      %add3A_191 = arith.constant 3 : i32
      %add3A_192 = arith.addi %mul3A_64, %add3A_191 : i32
      %dma_wait3A_193 = arith.constant 0 : i32
      %dma_wait3A_194 = tpu.memref_slice %arg7[%add3A_192, %dma_wait3A_193] : memref<160x128xi32, #tpu.memory_space<vmem>> -> memref<1x128xi32, #tpu.memory_space<vmem>>
      %dma_wait3A_195 = tpu.memref_squeeze %dma_wait3A_194 : memref<1x128xi32, #tpu.memory_space<vmem>> -> memref<128xi32, #tpu.memory_space<vmem>>
      %dma_wait3A_196 = arith.constant 0 : i32
      %dma_wait3A_197 = arith.constant 0 : i32
      %dma_wait3A_198 = tpu.memref_slice %arg23[%dma_wait3A_196, %dma_wait3A_197] : memref<10240x64xf32, #tpu.memory_space<vmem_shared>> -> memref<10240x64xf32, #tpu.memory_space<vmem_shared>>
      tpu.wait_indirect_dma semaphore(%arg21 : memref<!tpu.dma_semaphore, #tpu.memory_space<semaphore_mem>>) src(%arg11 : memref<128x64xf32, #tpu.memory_space<vmem>>) dst(%dma_wait3A_198 : memref<10240x64xf32, #tpu.memory_space<vmem_shared>>)
      %add3A_199 = arith.constant 5 : i32
      %add3A_200 = arith.addi %mul3A_64, %add3A_199 : i32
      %add3A_201 = arith.constant 3 : i32
      %add3A_202 = arith.addi %add3A_200, %add3A_201 : i32
      %lt3A_203 = arith.constant 160 : i32
      %lt3A_204 = arith.cmpi slt, %add3A_202, %lt3A_203 : i32
      %convert_element_type3A_205 = arith.extui %lt3A_204 : i1 to i32
      %cond3A_206 = arith.constant 0 : i32
      %cond3A_207 = arith.cmpi ne, %convert_element_type3A_205, %cond3A_206 : i32
      scf.if %cond3A_207 {
        %add3A_225 = arith.constant 5 : i32
        %add3A_226 = arith.addi %mul3A_64, %add3A_225 : i32
        %add3A_227 = arith.constant 3 : i32
        %add3A_228 = arith.addi %add3A_226, %add3A_227 : i32
        %dma_start3A_229 = arith.constant 0 : i32
        %dma_start3A_230 = tpu.memref_slice %arg6[%add3A_228, %dma_start3A_229] : memref<160x128xi32, #tpu.memory_space<vmem>> -> memref<1x128xi32, #tpu.memory_space<vmem>>
        %dma_start3A_231 = tpu.memref_squeeze %dma_start3A_230 : memref<1x128xi32, #tpu.memory_space<vmem>> -> memref<128xi32, #tpu.memory_space<vmem>>
        %dma_start3A_232 = arith.constant 0 : i32
        %dma_start3A_233 = arith.constant 0 : i32
        %dma_start3A_234 = tpu.memref_slice %arg2[%dma_start3A_232, %dma_start3A_233] : memref<20480x64xf32, #tpu.memory_space<hbm>> -> memref<20480x64xf32, #tpu.memory_space<hbm>>
        tpu.enqueue_indirect_dma source(%dma_start3A_234 : memref<20480x64xf32, #tpu.memory_space<hbm>>) target(%arg11 : memref<128x64xf32, #tpu.memory_space<vmem>>) offsets(%dma_start3A_231 : memref<128xi32, #tpu.memory_space<vmem>>) semaphore(%arg16 : memref<!tpu.dma_semaphore, #tpu.memory_space<semaphore_mem>>)
      } else {
      }
      %add3A_208 = arith.constant 4 : i32
      %add3A_209 = arith.addi %mul3A_64, %add3A_208 : i32
      %dma_wait3A_210 = arith.constant 0 : i32
      %dma_wait3A_211 = tpu.memref_slice %arg7[%add3A_209, %dma_wait3A_210] : memref<160x128xi32, #tpu.memory_space<vmem>> -> memref<1x128xi32, #tpu.memory_space<vmem>>
      %dma_wait3A_212 = tpu.memref_squeeze %dma_wait3A_211 : memref<1x128xi32, #tpu.memory_space<vmem>> -> memref<128xi32, #tpu.memory_space<vmem>>
      %dma_wait3A_213 = arith.constant 0 : i32
      %dma_wait3A_214 = arith.constant 0 : i32
      %dma_wait3A_215 = tpu.memref_slice %arg23[%dma_wait3A_213, %dma_wait3A_214] : memref<10240x64xf32, #tpu.memory_space<vmem_shared>> -> memref<10240x64xf32, #tpu.memory_space<vmem_shared>>
      tpu.wait_indirect_dma semaphore(%arg22 : memref<!tpu.dma_semaphore, #tpu.memory_space<semaphore_mem>>) src(%arg12 : memref<128x64xf32, #tpu.memory_space<vmem>>) dst(%dma_wait3A_215 : memref<10240x64xf32, #tpu.memory_space<vmem_shared>>)
      %add3A_216 = arith.constant 5 : i32
      %add3A_217 = arith.addi %mul3A_64, %add3A_216 : i32
      %add3A_218 = arith.constant 4 : i32
      %add3A_219 = arith.addi %add3A_217, %add3A_218 : i32
      %lt3A_220 = arith.constant 160 : i32
      %lt3A_221 = arith.cmpi slt, %add3A_219, %lt3A_220 : i32
      %convert_element_type3A_222 = arith.extui %lt3A_221 : i1 to i32
      %cond3A_223 = arith.constant 0 : i32
      %cond3A_224 = arith.cmpi ne, %convert_element_type3A_222, %cond3A_223 : i32
      scf.if %cond3A_224 {
        %add3A_225 = arith.constant 5 : i32
        %add3A_226 = arith.addi %mul3A_64, %add3A_225 : i32
        %add3A_227 = arith.constant 4 : i32
        %add3A_228 = arith.addi %add3A_226, %add3A_227 : i32
        %dma_start3A_229 = arith.constant 0 : i32
        %dma_start3A_230 = tpu.memref_slice %arg6[%add3A_228, %dma_start3A_229] : memref<160x128xi32, #tpu.memory_space<vmem>> -> memref<1x128xi32, #tpu.memory_space<vmem>>
        %dma_start3A_231 = tpu.memref_squeeze %dma_start3A_230 : memref<1x128xi32, #tpu.memory_space<vmem>> -> memref<128xi32, #tpu.memory_space<vmem>>
        %dma_start3A_232 = arith.constant 0 : i32
        %dma_start3A_233 = arith.constant 0 : i32
        %dma_start3A_234 = tpu.memref_slice %arg2[%dma_start3A_232, %dma_start3A_233] : memref<20480x64xf32, #tpu.memory_space<hbm>> -> memref<20480x64xf32, #tpu.memory_space<hbm>>
        tpu.enqueue_indirect_dma source(%dma_start3A_234 : memref<20480x64xf32, #tpu.memory_space<hbm>>) target(%arg12 : memref<128x64xf32, #tpu.memory_space<vmem>>) offsets(%dma_start3A_231 : memref<128xi32, #tpu.memory_space<vmem>>) semaphore(%arg17 : memref<!tpu.dma_semaphore, #tpu.memory_space<semaphore_mem>>)
      } else {
      }
    }
    %scan3A_54 = arith.constant 32 : i32
    %barrier3A_55 = arith.constant 0 : index
    tpu.barrier barrier_id(%barrier3A_55)
    %scan3A_56 = arith.constant 0 : i32
    %scan3A_57 = arith.constant 0 : i32
    %scan3A_58 = arith.constant 5 : i32
    %scan3A_59 = arith.addi %scan3A_57, %scan3A_58 : i32
    %scan3A_60 = arith.constant 1 : i32
    scf.for %scan3A_62 = %scan3A_57 to %scan3A_59 step %scan3A_60  : i32 {
      %mul3A_63 = arith.constant 16 : i32
      %mul3A_64 = arith.muli %mul3A_63, %scan3A_62 : i32
      %add3A = arith.addi %arg1, %mul3A_64 : i32
      %mul3A_65 = arith.constant 128 : i32
      %mul3A_66 = arith.muli %add3A, %mul3A_65 : i32
      "tpu.region"() ({
        %run_scoped3A = tpu.sem_alloc : memref<!tpu.dma_semaphore, #tpu.memory_space<semaphore_mem>>
        %dma_start3A_67 = arith.constant 0 : i32
        %dma_start3A_68 = tpu.memref_slice %arg23[%mul3A_66, %dma_start3A_67] : memref<10240x64xf32, #tpu.memory_space<vmem_shared>> -> memref<128x64xf32, #tpu.memory_space<vmem_shared>>
        %dma_start3A_69 = arith.constant 0 : i32
        %dma_start3A_70 = tpu.memref_slice %arg23[%mul3A_66, %dma_start3A_69] : memref<10240x64xf32, #tpu.memory_space<vmem_shared>> -> memref<128x64xf32, #tpu.memory_space<vmem_shared>>
        tpu.enqueue_dma source(%dma_start3A_70 : memref<128x64xf32, #tpu.memory_space<vmem_shared>>) target(%arg8 : memref<128x64xf32, #tpu.memory_space<vmem>>) target_semaphore(%run_scoped3A : memref<!tpu.dma_semaphore, #tpu.memory_space<semaphore_mem>>)
        %dma_wait3A = arith.constant 0 : i32
        %dma_wait3A_71 = tpu.memref_slice %arg23[%mul3A_66, %dma_wait3A] : memref<10240x64xf32, #tpu.memory_space<vmem_shared>> -> memref<128x64xf32, #tpu.memory_space<vmem_shared>>
        %dma_wait3A_72 = arith.constant 0 : i32
        %dma_wait3A_73 = tpu.memref_slice %arg23[%mul3A_66, %dma_wait3A_72] : memref<10240x64xf32, #tpu.memory_space<vmem_shared>> -> memref<128x64xf32, #tpu.memory_space<vmem_shared>>
        tpu.wait_dma2 semaphore(%run_scoped3A : memref<!tpu.dma_semaphore, #tpu.memory_space<semaphore_mem>>) src(%dma_wait3A_73 : memref<128x64xf32, #tpu.memory_space<vmem_shared>>) dst(%arg8 : memref<128x64xf32, #tpu.memory_space<vmem>>)
        tpu.yield
      }) : () -> ()
      "tpu.region"() ({
        %run_scoped3A = tpu.sem_alloc : memref<!tpu.dma_semaphore, #tpu.memory_space<semaphore_mem>>
        %dma_start3A_67 = arith.constant 0 : i32
        %dma_start3A_68 = tpu.memref_slice %arg5[%arg0, %mul3A_66, %dma_start3A_67] : memref<2x10240x64xf32, #tpu.memory_space<hbm>> -> memref<1x128x64xf32, #tpu.memory_space<hbm>>
        %dma_start3A_69 = tpu.memref_squeeze %dma_start3A_68 : memref<1x128x64xf32, #tpu.memory_space<hbm>> -> memref<128x64xf32, #tpu.memory_space<hbm>>
        %dma_start3A_70 = arith.constant 0 : i32
        %dma_start3A_71 = tpu.memref_slice %arg5[%arg0, %mul3A_66, %dma_start3A_70] : memref<2x10240x64xf32, #tpu.memory_space<hbm>> -> memref<1x128x64xf32, #tpu.memory_space<hbm>>
        %dma_start3A_72 = tpu.memref_squeeze %dma_start3A_71 : memref<1x128x64xf32, #tpu.memory_space<hbm>> -> memref<128x64xf32, #tpu.memory_space<hbm>>
        tpu.enqueue_dma source(%arg8 : memref<128x64xf32, #tpu.memory_space<vmem>>) target(%dma_start3A_72 : memref<128x64xf32, #tpu.memory_space<hbm>>) target_semaphore(%run_scoped3A : memref<!tpu.dma_semaphore, #tpu.memory_space<semaphore_mem>>)
        %dma_wait3A = arith.constant 0 : i32
        %dma_wait3A_73 = tpu.memref_slice %arg5[%arg0, %mul3A_66, %dma_wait3A] : memref<2x10240x64xf32, #tpu.memory_space<hbm>> -> memref<1x128x64xf32, #tpu.memory_space<hbm>>
        %dma_wait3A_74 = tpu.memref_squeeze %dma_wait3A_73 : memref<1x128x64xf32, #tpu.memory_space<hbm>> -> memref<128x64xf32, #tpu.memory_space<hbm>>
        %dma_wait3A_75 = arith.constant 0 : i32
        %dma_wait3A_76 = tpu.memref_slice %arg5[%arg0, %mul3A_66, %dma_wait3A_75] : memref<2x10240x64xf32, #tpu.memory_space<hbm>> -> memref<1x128x64xf32, #tpu.memory_space<hbm>>
        %dma_wait3A_77 = tpu.memref_squeeze %dma_wait3A_76 : memref<1x128x64xf32, #tpu.memory_space<hbm>> -> memref<128x64xf32, #tpu.memory_space<hbm>>
        tpu.wait_dma2 semaphore(%run_scoped3A : memref<!tpu.dma_semaphore, #tpu.memory_space<semaphore_mem>>) src(%arg8 : memref<128x64xf32, #tpu.memory_space<vmem>>) dst(%dma_wait3A_77 : memref<128x64xf32, #tpu.memory_space<hbm>>)
        tpu.yield
      }) : () -> ()
    }
    %scan3A_61 = arith.constant 5 : i32
    return
  }
}

#map = affine_map<(d0, d1) -> (0, 0)>
#map1 = affine_map<(d0, d1) -> (0, 0, 0)>
module attributes {stable_mosaic.version = 14 : i64} {
  func.func @_agg_split(%arg0: i32, %arg1: i32, %arg2: memref<20480x64xf32, #tpu.memory_space<hbm>>, %arg3: memref<2x2560x128xi32, #tpu.memory_space<hbm>>, %arg4: memref<2560x128xi32, #tpu.memory_space<hbm>>, %arg5: memref<2x10240x64xf32, #tpu.memory_space<hbm>>, %arg6: memref<160x128xi32, #tpu.memory_space<vmem>>, %arg7: memref<160x128xi32, #tpu.memory_space<vmem>>, %arg8: memref<128x64xf32, #tpu.memory_space<vmem>>, %arg9: memref<128x64xf32, #tpu.memory_space<vmem>>, %arg10: memref<128x64xf32, #tpu.memory_space<vmem>>, %arg11: memref<128x64xf32, #tpu.memory_space<vmem>>, %arg12: memref<128x64xf32, #tpu.memory_space<vmem>>, %arg13: memref<!tpu.dma_semaphore, #tpu.memory_space<semaphore_mem>>, %arg14: memref<!tpu.dma_semaphore, #tpu.memory_space<semaphore_mem>>, %arg15: memref<!tpu.dma_semaphore, #tpu.memory_space<semaphore_mem>>, %arg16: memref<!tpu.dma_semaphore, #tpu.memory_space<semaphore_mem>>, %arg17: memref<!tpu.dma_semaphore, #tpu.memory_space<semaphore_mem>>, %arg18: memref<!tpu.dma_semaphore, #tpu.memory_space<semaphore_mem>>, %arg19: memref<!tpu.dma_semaphore, #tpu.memory_space<semaphore_mem>>, %arg20: memref<!tpu.dma_semaphore, #tpu.memory_space<semaphore_mem>>, %arg21: memref<!tpu.dma_semaphore, #tpu.memory_space<semaphore_mem>>, %arg22: memref<!tpu.dma_semaphore, #tpu.memory_space<semaphore_mem>>, %arg23: memref<10240x64xf32, #tpu.memory_space<vmem_shared>>) attributes {dimension_semantics = [#tpu.dimension_semantics<core_parallel>, #tpu.dimension_semantics<subcore_parallel>], iteration_bounds = array<i64: 2, 16>, scalar_prefetch = 0 : i64, scratch_operands = 18 : i64, tpu.core_type = #tpu.core_type<sc_vector_subcore>, window_params = [{transform_indices = #map}, {transform_indices = #map1}, {transform_indices = #map}, {transform_indices = #map1}]} {
    %mul3A = arith.constant 160 : i32
    %mul3A_0 = arith.muli %arg1, %mul3A : i32
    "tpu.region"() ({
      %run_scoped3A = tpu.sem_alloc : memref<!tpu.dma_semaphore, #tpu.memory_space<semaphore_mem>>
      %dma_start3A_62 = arith.constant 0 : i32
      %dma_start3A_63 = tpu.memref_slice %arg3[%arg0, %mul3A_0, %dma_start3A_62] : memref<2x2560x128xi32, #tpu.memory_space<hbm>> -> memref<1x160x128xi32, #tpu.memory_space<hbm>>
      %dma_start3A_64 = tpu.memref_squeeze %dma_start3A_63 : memref<1x160x128xi32, #tpu.memory_space<hbm>> -> memref<160x128xi32, #tpu.memory_space<hbm>>
      %dma_start3A_65 = arith.constant 0 : i32
      %dma_start3A_66 = tpu.memref_slice %arg3[%arg0, %mul3A_0, %dma_start3A_65] : memref<2x2560x128xi32, #tpu.memory_space<hbm>> -> memref<1x160x128xi32, #tpu.memory_space<hbm>>
      %dma_start3A_67 = tpu.memref_squeeze %dma_start3A_66 : memref<1x160x128xi32, #tpu.memory_space<hbm>> -> memref<160x128xi32, #tpu.memory_space<hbm>>
      tpu.enqueue_dma source(%dma_start3A_67 : memref<160x128xi32, #tpu.memory_space<hbm>>) target(%arg6 : memref<160x128xi32, #tpu.memory_space<vmem>>) target_semaphore(%run_scoped3A : memref<!tpu.dma_semaphore, #tpu.memory_space<semaphore_mem>>)
      %dma_wait3A = arith.constant 0 : i32
      %dma_wait3A_68 = tpu.memref_slice %arg3[%arg0, %mul3A_0, %dma_wait3A] : memref<2x2560x128xi32, #tpu.memory_space<hbm>> -> memref<1x160x128xi32, #tpu.memory_space<hbm>>
      %dma_wait3A_69 = tpu.memref_squeeze %dma_wait3A_68 : memref<1x160x128xi32, #tpu.memory_space<hbm>> -> memref<160x128xi32, #tpu.memory_space<hbm>>
      %dma_wait3A_70 = arith.constant 0 : i32
      %dma_wait3A_71 = tpu.memref_slice %arg3[%arg0, %mul3A_0, %dma_wait3A_70] : memref<2x2560x128xi32, #tpu.memory_space<hbm>> -> memref<1x160x128xi32, #tpu.memory_space<hbm>>
      %dma_wait3A_72 = tpu.memref_squeeze %dma_wait3A_71 : memref<1x160x128xi32, #tpu.memory_space<hbm>> -> memref<160x128xi32, #tpu.memory_space<hbm>>
      tpu.wait_dma2 semaphore(%run_scoped3A : memref<!tpu.dma_semaphore, #tpu.memory_space<semaphore_mem>>) src(%dma_wait3A_72 : memref<160x128xi32, #tpu.memory_space<hbm>>) dst(%arg6 : memref<160x128xi32, #tpu.memory_space<vmem>>)
      tpu.yield
    }) : () -> ()
    %mul3A_1 = arith.constant 160 : i32
    %mul3A_2 = arith.muli %arg1, %mul3A_1 : i32
    "tpu.region"() ({
      %run_scoped3A = tpu.sem_alloc : memref<!tpu.dma_semaphore, #tpu.memory_space<semaphore_mem>>
      %dma_start3A_62 = arith.constant 0 : i32
      %dma_start3A_63 = tpu.memref_slice %arg4[%mul3A_2, %dma_start3A_62] : memref<2560x128xi32, #tpu.memory_space<hbm>> -> memref<160x128xi32, #tpu.memory_space<hbm>>
      %dma_start3A_64 = arith.constant 0 : i32
      %dma_start3A_65 = tpu.memref_slice %arg4[%mul3A_2, %dma_start3A_64] : memref<2560x128xi32, #tpu.memory_space<hbm>> -> memref<160x128xi32, #tpu.memory_space<hbm>>
      tpu.enqueue_dma source(%dma_start3A_65 : memref<160x128xi32, #tpu.memory_space<hbm>>) target(%arg7 : memref<160x128xi32, #tpu.memory_space<vmem>>) target_semaphore(%run_scoped3A : memref<!tpu.dma_semaphore, #tpu.memory_space<semaphore_mem>>)
      %dma_wait3A = arith.constant 0 : i32
      %dma_wait3A_66 = tpu.memref_slice %arg4[%mul3A_2, %dma_wait3A] : memref<2560x128xi32, #tpu.memory_space<hbm>> -> memref<160x128xi32, #tpu.memory_space<hbm>>
      %dma_wait3A_67 = arith.constant 0 : i32
      %dma_wait3A_68 = tpu.memref_slice %arg4[%mul3A_2, %dma_wait3A_67] : memref<2560x128xi32, #tpu.memory_space<hbm>> -> memref<160x128xi32, #tpu.memory_space<hbm>>
      tpu.wait_dma2 semaphore(%run_scoped3A : memref<!tpu.dma_semaphore, #tpu.memory_space<semaphore_mem>>) src(%dma_wait3A_68 : memref<160x128xi32, #tpu.memory_space<hbm>>) dst(%arg7 : memref<160x128xi32, #tpu.memory_space<vmem>>)
      tpu.yield
    }) : () -> ()
    %broadcast_in_dim3A = arith.constant 0.000000e+00 : f32
    %broadcast_in_dim3A_3 = vector.broadcast %broadcast_in_dim3A : f32 to vector<16xf32>
    %scan3A = arith.constant 0 : i32
    %scan3A_4 = arith.constant 0 : i32
    %scan3A_5 = arith.constant 128 : i32
    %scan3A_6 = arith.addi %scan3A_4, %scan3A_5 : i32
    %scan3A_7 = arith.constant 1 : i32
    scf.for %scan3A_62 = %scan3A_4 to %scan3A_6 step %scan3A_7  : i32 {
      %swap3A = arith.index_cast %scan3A_62 : i32 to index
      %swap3A_63 = arith.constant 0 : index
      %swap3A_64 = tpu.vector_load %arg8[%swap3A, %swap3A_63] {strides = array<i32>} : memref<128x64xf32, #tpu.memory_space<vmem>>, vector<1x16xf32>,
      %swap3A_65 = vector.shape_cast %swap3A_64 : vector<1x16xf32> to vector<16xf32>
      %swap3A_66 = vector.shape_cast %broadcast_in_dim3A_3 : vector<16xf32> to vector<1x16xf32>
      tpu.vector_store %arg8[%swap3A, %swap3A_63], %swap3A_66 {strides = array<i32>} : memref<128x64xf32, #tpu.memory_space<vmem>>, vector<1x16xf32>,
      %swap3A_67 = arith.index_cast %scan3A_62 : i32 to index
      %swap3A_68 = arith.constant 16 : index
      %swap3A_69 = tpu.vector_load %arg8[%swap3A_67, %swap3A_68] {strides = array<i32>} : memref<128x64xf32, #tpu.memory_space<vmem>>, vector<1x16xf32>,
      %swap3A_70 = vector.shape_cast %swap3A_69 : vector<1x16xf32> to vector<16xf32>
      %swap3A_71 = vector.shape_cast %broadcast_in_dim3A_3 : vector<16xf32> to vector<1x16xf32>
      tpu.vector_store %arg8[%swap3A_67, %swap3A_68], %swap3A_71 {strides = array<i32>} : memref<128x64xf32, #tpu.memory_space<vmem>>, vector<1x16xf32>,
      %swap3A_72 = arith.index_cast %scan3A_62 : i32 to index
      %swap3A_73 = arith.constant 32 : index
      %swap3A_74 = tpu.vector_load %arg8[%swap3A_72, %swap3A_73] {strides = array<i32>} : memref<128x64xf32, #tpu.memory_space<vmem>>, vector<1x16xf32>,
      %swap3A_75 = vector.shape_cast %swap3A_74 : vector<1x16xf32> to vector<16xf32>
      %swap3A_76 = vector.shape_cast %broadcast_in_dim3A_3 : vector<16xf32> to vector<1x16xf32>
      tpu.vector_store %arg8[%swap3A_72, %swap3A_73], %swap3A_76 {strides = array<i32>} : memref<128x64xf32, #tpu.memory_space<vmem>>, vector<1x16xf32>,
      %swap3A_77 = arith.index_cast %scan3A_62 : i32 to index
      %swap3A_78 = arith.constant 48 : index
      %swap3A_79 = tpu.vector_load %arg8[%swap3A_77, %swap3A_78] {strides = array<i32>} : memref<128x64xf32, #tpu.memory_space<vmem>>, vector<1x16xf32>,
      %swap3A_80 = vector.shape_cast %swap3A_79 : vector<1x16xf32> to vector<16xf32>
      %swap3A_81 = vector.shape_cast %broadcast_in_dim3A_3 : vector<16xf32> to vector<1x16xf32>
      tpu.vector_store %arg8[%swap3A_77, %swap3A_78], %swap3A_81 {strides = array<i32>} : memref<128x64xf32, #tpu.memory_space<vmem>>, vector<1x16xf32>,
    }
    %scan3A_8 = arith.constant 128 : i32
    %scan3A_9 = arith.constant 0 : i32
    %scan3A_10 = arith.constant 0 : i32
    %scan3A_11 = arith.constant 5 : i32
    %scan3A_12 = arith.addi %scan3A_10, %scan3A_11 : i32
    %scan3A_13 = arith.constant 1 : i32
    scf.for %scan3A_62 = %scan3A_10 to %scan3A_12 step %scan3A_13  : i32 {
      %mul3A_63 = arith.constant 16 : i32
      %mul3A_64 = arith.muli %mul3A_63, %scan3A_62 : i32
      %add3A = arith.addi %arg1, %mul3A_64 : i32
      %mul3A_65 = arith.constant 128 : i32
      %mul3A_66 = arith.muli %add3A, %mul3A_65 : i32
      "tpu.region"() ({
        %run_scoped3A = tpu.sem_alloc : memref<!tpu.dma_semaphore, #tpu.memory_space<semaphore_mem>>
        %dma_start3A_67 = arith.constant 0 : i32
        %dma_start3A_68 = tpu.memref_slice %arg23[%mul3A_66, %dma_start3A_67] : memref<10240x64xf32, #tpu.memory_space<vmem_shared>> -> memref<128x64xf32, #tpu.memory_space<vmem_shared>>
        %dma_start3A_69 = arith.constant 0 : i32
        %dma_start3A_70 = tpu.memref_slice %arg23[%mul3A_66, %dma_start3A_69] : memref<10240x64xf32, #tpu.memory_space<vmem_shared>> -> memref<128x64xf32, #tpu.memory_space<vmem_shared>>
        tpu.enqueue_dma source(%arg8 : memref<128x64xf32, #tpu.memory_space<vmem>>) target(%dma_start3A_70 : memref<128x64xf32, #tpu.memory_space<vmem_shared>>) target_semaphore(%run_scoped3A : memref<!tpu.dma_semaphore, #tpu.memory_space<semaphore_mem>>)
        %dma_wait3A = arith.constant 0 : i32
        %dma_wait3A_71 = tpu.memref_slice %arg23[%mul3A_66, %dma_wait3A] : memref<10240x64xf32, #tpu.memory_space<vmem_shared>> -> memref<128x64xf32, #tpu.memory_space<vmem_shared>>
        %dma_wait3A_72 = arith.constant 0 : i32
        %dma_wait3A_73 = tpu.memref_slice %arg23[%mul3A_66, %dma_wait3A_72] : memref<10240x64xf32, #tpu.memory_space<vmem_shared>> -> memref<128x64xf32, #tpu.memory_space<vmem_shared>>
        tpu.wait_dma2 semaphore(%run_scoped3A : memref<!tpu.dma_semaphore, #tpu.memory_space<semaphore_mem>>) src(%arg8 : memref<128x64xf32, #tpu.memory_space<vmem>>) dst(%dma_wait3A_73 : memref<128x64xf32, #tpu.memory_space<vmem_shared>>)
        tpu.yield
      }) : () -> ()
    }
    %scan3A_14 = arith.constant 5 : i32
    %barrier3A = arith.constant 0 : index
    tpu.barrier barrier_id(%barrier3A)
    %dma_start3A = arith.constant 0 : i32
    %dma_start3A_15 = arith.constant 0 : i32
    %dma_start3A_16 = tpu.memref_slice %arg6[%dma_start3A, %dma_start3A_15] : memref<160x128xi32, #tpu.memory_space<vmem>> -> memref<1x128xi32, #tpu.memory_space<vmem>>
    %dma_start3A_17 = tpu.memref_squeeze %dma_start3A_16 : memref<1x128xi32, #tpu.memory_space<vmem>> -> memref<128xi32, #tpu.memory_space<vmem>>
    %dma_start3A_18 = arith.constant 0 : i32
    %dma_start3A_19 = arith.constant 0 : i32
    %dma_start3A_20 = tpu.memref_slice %arg2[%dma_start3A_18, %dma_start3A_19] : memref<20480x64xf32, #tpu.memory_space<hbm>> -> memref<20480x64xf32, #tpu.memory_space<hbm>>
    tpu.enqueue_indirect_dma source(%dma_start3A_20 : memref<20480x64xf32, #tpu.memory_space<hbm>>) target(%arg8 : memref<128x64xf32, #tpu.memory_space<vmem>>) offsets(%dma_start3A_17 : memref<128xi32, #tpu.memory_space<vmem>>) semaphore(%arg13 : memref<!tpu.dma_semaphore, #tpu.memory_space<semaphore_mem>>)
    %dma_start3A_21 = arith.constant 1 : i32
    %dma_start3A_22 = arith.constant 0 : i32
    %dma_start3A_23 = tpu.memref_slice %arg6[%dma_start3A_21, %dma_start3A_22] : memref<160x128xi32, #tpu.memory_space<vmem>> -> memref<1x128xi32, #tpu.memory_space<vmem>>
    %dma_start3A_24 = tpu.memref_squeeze %dma_start3A_23 : memref<1x128xi32, #tpu.memory_space<vmem>> -> memref<128xi32, #tpu.memory_space<vmem>>
    %dma_start3A_25 = arith.constant 0 : i32
    %dma_start3A_26 = arith.constant 0 : i32
    %dma_start3A_27 = tpu.memref_slice %arg2[%dma_start3A_25, %dma_start3A_26] : memref<20480x64xf32, #tpu.memory_space<hbm>> -> memref<20480x64xf32, #tpu.memory_space<hbm>>
    tpu.enqueue_indirect_dma source(%dma_start3A_27 : memref<20480x64xf32, #tpu.memory_space<hbm>>) target(%arg9 : memref<128x64xf32, #tpu.memory_space<vmem>>) offsets(%dma_start3A_24 : memref<128xi32, #tpu.memory_space<vmem>>) semaphore(%arg14 : memref<!tpu.dma_semaphore, #tpu.memory_space<semaphore_mem>>)
    %dma_start3A_28 = arith.constant 2 : i32
    %dma_start3A_29 = arith.constant 0 : i32
    %dma_start3A_30 = tpu.memref_slice %arg6[%dma_start3A_28, %dma_start3A_29] : memref<160x128xi32, #tpu.memory_space<vmem>> -> memref<1x128xi32, #tpu.memory_space<vmem>>
    %dma_start3A_31 = tpu.memref_squeeze %dma_start3A_30 : memref<1x128xi32, #tpu.memory_space<vmem>> -> memref<128xi32, #tpu.memory_space<vmem>>
    %dma_start3A_32 = arith.constant 0 : i32
    %dma_start3A_33 = arith.constant 0 : i32
    %dma_start3A_34 = tpu.memref_slice %arg2[%dma_start3A_32, %dma_start3A_33] : memref<20480x64xf32, #tpu.memory_space<hbm>> -> memref<20480x64xf32, #tpu.memory_space<hbm>>
    tpu.enqueue_indirect_dma source(%dma_start3A_34 : memref<20480x64xf32, #tpu.memory_space<hbm>>) target(%arg10 : memref<128x64xf32, #tpu.memory_space<vmem>>) offsets(%dma_start3A_31 : memref<128xi32, #tpu.memory_space<vmem>>) semaphore(%arg15 : memref<!tpu.dma_semaphore, #tpu.memory_space<semaphore_mem>>)
    %dma_start3A_35 = arith.constant 3 : i32
    %dma_start3A_36 = arith.constant 0 : i32
    %dma_start3A_37 = tpu.memref_slice %arg6[%dma_start3A_35, %dma_start3A_36] : memref<160x128xi32, #tpu.memory_space<vmem>> -> memref<1x128xi32, #tpu.memory_space<vmem>>
    %dma_start3A_38 = tpu.memref_squeeze %dma_start3A_37 : memref<1x128xi32, #tpu.memory_space<vmem>> -> memref<128xi32, #tpu.memory_space<vmem>>
    %dma_start3A_39 = arith.constant 0 : i32
    %dma_start3A_40 = arith.constant 0 : i32
    %dma_start3A_41 = tpu.memref_slice %arg2[%dma_start3A_39, %dma_start3A_40] : memref<20480x64xf32, #tpu.memory_space<hbm>> -> memref<20480x64xf32, #tpu.memory_space<hbm>>
    tpu.enqueue_indirect_dma source(%dma_start3A_41 : memref<20480x64xf32, #tpu.memory_space<hbm>>) target(%arg11 : memref<128x64xf32, #tpu.memory_space<vmem>>) offsets(%dma_start3A_38 : memref<128xi32, #tpu.memory_space<vmem>>) semaphore(%arg16 : memref<!tpu.dma_semaphore, #tpu.memory_space<semaphore_mem>>)
    %dma_start3A_42 = arith.constant 4 : i32
    %dma_start3A_43 = arith.constant 0 : i32
    %dma_start3A_44 = tpu.memref_slice %arg6[%dma_start3A_42, %dma_start3A_43] : memref<160x128xi32, #tpu.memory_space<vmem>> -> memref<1x128xi32, #tpu.memory_space<vmem>>
    %dma_start3A_45 = tpu.memref_squeeze %dma_start3A_44 : memref<1x128xi32, #tpu.memory_space<vmem>> -> memref<128xi32, #tpu.memory_space<vmem>>
    %dma_start3A_46 = arith.constant 0 : i32
    %dma_start3A_47 = arith.constant 0 : i32
    %dma_start3A_48 = tpu.memref_slice %arg2[%dma_start3A_46, %dma_start3A_47] : memref<20480x64xf32, #tpu.memory_space<hbm>> -> memref<20480x64xf32, #tpu.memory_space<hbm>>
    tpu.enqueue_indirect_dma source(%dma_start3A_48 : memref<20480x64xf32, #tpu.memory_space<hbm>>) target(%arg12 : memref<128x64xf32, #tpu.memory_space<vmem>>) offsets(%dma_start3A_45 : memref<128xi32, #tpu.memory_space<vmem>>) semaphore(%arg17 : memref<!tpu.dma_semaphore, #tpu.memory_space<semaphore_mem>>)
    %scan3A_49 = arith.constant 0 : i32
    %scan3A_50 = arith.constant 0 : i32
    %scan3A_51 = arith.constant 32 : i32
    %scan3A_52 = arith.addi %scan3A_50, %scan3A_51 : i32
    %scan3A_53 = arith.constant 1 : i32
    scf.for %scan3A_62 = %scan3A_50 to %scan3A_52 step %scan3A_53  : i32 {
      %mul3A_63 = arith.constant 5 : i32
      %mul3A_64 = arith.muli %scan3A_62, %mul3A_63 : i32
      %add3A = arith.constant 0 : i32
      %add3A_65 = arith.addi %mul3A_64, %add3A : i32
      %dma_wait3A = arith.constant 0 : i32
      %dma_wait3A_66 = tpu.memref_slice %arg6[%add3A_65, %dma_wait3A] : memref<160x128xi32, #tpu.memory_space<vmem>> -> memref<1x128xi32, #tpu.memory_space<vmem>>
      %dma_wait3A_67 = tpu.memref_squeeze %dma_wait3A_66 : memref<1x128xi32, #tpu.memory_space<vmem>> -> memref<128xi32, #tpu.memory_space<vmem>>
      %dma_wait3A_68 = arith.constant 0 : i32
      %dma_wait3A_69 = arith.constant 0 : i32
      %dma_wait3A_70 = tpu.memref_slice %arg2[%dma_wait3A_68, %dma_wait3A_69] : memref<20480x64xf32, #tpu.memory_space<hbm>> -> memref<20480x64xf32, #tpu.memory_space<hbm>>
      tpu.wait_indirect_dma semaphore(%arg13 : memref<!tpu.dma_semaphore, #tpu.memory_space<semaphore_mem>>) src(%dma_wait3A_70 : memref<20480x64xf32, #tpu.memory_space<hbm>>) dst(%arg8 : memref<128x64xf32, #tpu.memory_space<vmem>>)
      %add3A_71 = arith.constant 0 : i32
      %add3A_72 = arith.addi %mul3A_64, %add3A_71 : i32
      %dma_start3A_73 = arith.constant 0 : i32
      %dma_start3A_74 = tpu.memref_slice %arg7[%add3A_72, %dma_start3A_73] : memref<160x128xi32, #tpu.memory_space<vmem>> -> memref<1x128xi32, #tpu.memory_space<vmem>>
      %dma_start3A_75 = tpu.memref_squeeze %dma_start3A_74 : memref<1x128xi32, #tpu.memory_space<vmem>> -> memref<128xi32, #tpu.memory_space<vmem>>
      %dma_start3A_76 = arith.constant 0 : i32
      %dma_start3A_77 = arith.constant 0 : i32
      %dma_start3A_78 = tpu.memref_slice %arg23[%dma_start3A_76, %dma_start3A_77] : memref<10240x64xf32, #tpu.memory_space<vmem_shared>> -> memref<10240x64xf32, #tpu.memory_space<vmem_shared>>
      tpu.enqueue_indirect_dma source(%arg8 : memref<128x64xf32, #tpu.memory_space<vmem>>) target(%dma_start3A_78 : memref<10240x64xf32, #tpu.memory_space<vmem_shared>>) offsets(%dma_start3A_75 : memref<128xi32, #tpu.memory_space<vmem>>) semaphore(%arg18 : memref<!tpu.dma_semaphore, #tpu.memory_space<semaphore_mem>>) {add = true}
      %add3A_79 = arith.constant 1 : i32
      %add3A_80 = arith.addi %mul3A_64, %add3A_79 : i32
      %dma_wait3A_81 = arith.constant 0 : i32
      %dma_wait3A_82 = tpu.memref_slice %arg6[%add3A_80, %dma_wait3A_81] : memref<160x128xi32, #tpu.memory_space<vmem>> -> memref<1x128xi32, #tpu.memory_space<vmem>>
      %dma_wait3A_83 = tpu.memref_squeeze %dma_wait3A_82 : memref<1x128xi32, #tpu.memory_space<vmem>> -> memref<128xi32, #tpu.memory_space<vmem>>
      %dma_wait3A_84 = arith.constant 0 : i32
      %dma_wait3A_85 = arith.constant 0 : i32
      %dma_wait3A_86 = tpu.memref_slice %arg2[%dma_wait3A_84, %dma_wait3A_85] : memref<20480x64xf32, #tpu.memory_space<hbm>> -> memref<20480x64xf32, #tpu.memory_space<hbm>>
      tpu.wait_indirect_dma semaphore(%arg14 : memref<!tpu.dma_semaphore, #tpu.memory_space<semaphore_mem>>) src(%dma_wait3A_86 : memref<20480x64xf32, #tpu.memory_space<hbm>>) dst(%arg9 : memref<128x64xf32, #tpu.memory_space<vmem>>)
      %add3A_87 = arith.constant 1 : i32
      %add3A_88 = arith.addi %mul3A_64, %add3A_87 : i32
      %dma_start3A_89 = arith.constant 0 : i32
      %dma_start3A_90 = tpu.memref_slice %arg7[%add3A_88, %dma_start3A_89] : memref<160x128xi32, #tpu.memory_space<vmem>> -> memref<1x128xi32, #tpu.memory_space<vmem>>
      %dma_start3A_91 = tpu.memref_squeeze %dma_start3A_90 : memref<1x128xi32, #tpu.memory_space<vmem>> -> memref<128xi32, #tpu.memory_space<vmem>>
      %dma_start3A_92 = arith.constant 0 : i32
      %dma_start3A_93 = arith.constant 0 : i32
      %dma_start3A_94 = tpu.memref_slice %arg23[%dma_start3A_92, %dma_start3A_93] : memref<10240x64xf32, #tpu.memory_space<vmem_shared>> -> memref<10240x64xf32, #tpu.memory_space<vmem_shared>>
      tpu.enqueue_indirect_dma source(%arg9 : memref<128x64xf32, #tpu.memory_space<vmem>>) target(%dma_start3A_94 : memref<10240x64xf32, #tpu.memory_space<vmem_shared>>) offsets(%dma_start3A_91 : memref<128xi32, #tpu.memory_space<vmem>>) semaphore(%arg19 : memref<!tpu.dma_semaphore, #tpu.memory_space<semaphore_mem>>) {add = true}
      %add3A_95 = arith.constant 2 : i32
      %add3A_96 = arith.addi %mul3A_64, %add3A_95 : i32
      %dma_wait3A_97 = arith.constant 0 : i32
      %dma_wait3A_98 = tpu.memref_slice %arg6[%add3A_96, %dma_wait3A_97] : memref<160x128xi32, #tpu.memory_space<vmem>> -> memref<1x128xi32, #tpu.memory_space<vmem>>
      %dma_wait3A_99 = tpu.memref_squeeze %dma_wait3A_98 : memref<1x128xi32, #tpu.memory_space<vmem>> -> memref<128xi32, #tpu.memory_space<vmem>>
      %dma_wait3A_100 = arith.constant 0 : i32
      %dma_wait3A_101 = arith.constant 0 : i32
      %dma_wait3A_102 = tpu.memref_slice %arg2[%dma_wait3A_100, %dma_wait3A_101] : memref<20480x64xf32, #tpu.memory_space<hbm>> -> memref<20480x64xf32, #tpu.memory_space<hbm>>
      tpu.wait_indirect_dma semaphore(%arg15 : memref<!tpu.dma_semaphore, #tpu.memory_space<semaphore_mem>>) src(%dma_wait3A_102 : memref<20480x64xf32, #tpu.memory_space<hbm>>) dst(%arg10 : memref<128x64xf32, #tpu.memory_space<vmem>>)
      %add3A_103 = arith.constant 2 : i32
      %add3A_104 = arith.addi %mul3A_64, %add3A_103 : i32
      %dma_start3A_105 = arith.constant 0 : i32
      %dma_start3A_106 = tpu.memref_slice %arg7[%add3A_104, %dma_start3A_105] : memref<160x128xi32, #tpu.memory_space<vmem>> -> memref<1x128xi32, #tpu.memory_space<vmem>>
      %dma_start3A_107 = tpu.memref_squeeze %dma_start3A_106 : memref<1x128xi32, #tpu.memory_space<vmem>> -> memref<128xi32, #tpu.memory_space<vmem>>
      %dma_start3A_108 = arith.constant 0 : i32
      %dma_start3A_109 = arith.constant 0 : i32
      %dma_start3A_110 = tpu.memref_slice %arg23[%dma_start3A_108, %dma_start3A_109] : memref<10240x64xf32, #tpu.memory_space<vmem_shared>> -> memref<10240x64xf32, #tpu.memory_space<vmem_shared>>
      tpu.enqueue_indirect_dma source(%arg10 : memref<128x64xf32, #tpu.memory_space<vmem>>) target(%dma_start3A_110 : memref<10240x64xf32, #tpu.memory_space<vmem_shared>>) offsets(%dma_start3A_107 : memref<128xi32, #tpu.memory_space<vmem>>) semaphore(%arg20 : memref<!tpu.dma_semaphore, #tpu.memory_space<semaphore_mem>>) {add = true}
      %add3A_111 = arith.constant 3 : i32
      %add3A_112 = arith.addi %mul3A_64, %add3A_111 : i32
      %dma_wait3A_113 = arith.constant 0 : i32
      %dma_wait3A_114 = tpu.memref_slice %arg6[%add3A_112, %dma_wait3A_113] : memref<160x128xi32, #tpu.memory_space<vmem>> -> memref<1x128xi32, #tpu.memory_space<vmem>>
      %dma_wait3A_115 = tpu.memref_squeeze %dma_wait3A_114 : memref<1x128xi32, #tpu.memory_space<vmem>> -> memref<128xi32, #tpu.memory_space<vmem>>
      %dma_wait3A_116 = arith.constant 0 : i32
      %dma_wait3A_117 = arith.constant 0 : i32
      %dma_wait3A_118 = tpu.memref_slice %arg2[%dma_wait3A_116, %dma_wait3A_117] : memref<20480x64xf32, #tpu.memory_space<hbm>> -> memref<20480x64xf32, #tpu.memory_space<hbm>>
      tpu.wait_indirect_dma semaphore(%arg16 : memref<!tpu.dma_semaphore, #tpu.memory_space<semaphore_mem>>) src(%dma_wait3A_118 : memref<20480x64xf32, #tpu.memory_space<hbm>>) dst(%arg11 : memref<128x64xf32, #tpu.memory_space<vmem>>)
      %add3A_119 = arith.constant 3 : i32
      %add3A_120 = arith.addi %mul3A_64, %add3A_119 : i32
      %dma_start3A_121 = arith.constant 0 : i32
      %dma_start3A_122 = tpu.memref_slice %arg7[%add3A_120, %dma_start3A_121] : memref<160x128xi32, #tpu.memory_space<vmem>> -> memref<1x128xi32, #tpu.memory_space<vmem>>
      %dma_start3A_123 = tpu.memref_squeeze %dma_start3A_122 : memref<1x128xi32, #tpu.memory_space<vmem>> -> memref<128xi32, #tpu.memory_space<vmem>>
      %dma_start3A_124 = arith.constant 0 : i32
      %dma_start3A_125 = arith.constant 0 : i32
      %dma_start3A_126 = tpu.memref_slice %arg23[%dma_start3A_124, %dma_start3A_125] : memref<10240x64xf32, #tpu.memory_space<vmem_shared>> -> memref<10240x64xf32, #tpu.memory_space<vmem_shared>>
      tpu.enqueue_indirect_dma source(%arg11 : memref<128x64xf32, #tpu.memory_space<vmem>>) target(%dma_start3A_126 : memref<10240x64xf32, #tpu.memory_space<vmem_shared>>) offsets(%dma_start3A_123 : memref<128xi32, #tpu.memory_space<vmem>>) semaphore(%arg21 : memref<!tpu.dma_semaphore, #tpu.memory_space<semaphore_mem>>) {add = true}
      %add3A_127 = arith.constant 4 : i32
      %add3A_128 = arith.addi %mul3A_64, %add3A_127 : i32
      %dma_wait3A_129 = arith.constant 0 : i32
      %dma_wait3A_130 = tpu.memref_slice %arg6[%add3A_128, %dma_wait3A_129] : memref<160x128xi32, #tpu.memory_space<vmem>> -> memref<1x128xi32, #tpu.memory_space<vmem>>
      %dma_wait3A_131 = tpu.memref_squeeze %dma_wait3A_130 : memref<1x128xi32, #tpu.memory_space<vmem>> -> memref<128xi32, #tpu.memory_space<vmem>>
      %dma_wait3A_132 = arith.constant 0 : i32
      %dma_wait3A_133 = arith.constant 0 : i32
      %dma_wait3A_134 = tpu.memref_slice %arg2[%dma_wait3A_132, %dma_wait3A_133] : memref<20480x64xf32, #tpu.memory_space<hbm>> -> memref<20480x64xf32, #tpu.memory_space<hbm>>
      tpu.wait_indirect_dma semaphore(%arg17 : memref<!tpu.dma_semaphore, #tpu.memory_space<semaphore_mem>>) src(%dma_wait3A_134 : memref<20480x64xf32, #tpu.memory_space<hbm>>) dst(%arg12 : memref<128x64xf32, #tpu.memory_space<vmem>>)
      %add3A_135 = arith.constant 4 : i32
      %add3A_136 = arith.addi %mul3A_64, %add3A_135 : i32
      %dma_start3A_137 = arith.constant 0 : i32
      %dma_start3A_138 = tpu.memref_slice %arg7[%add3A_136, %dma_start3A_137] : memref<160x128xi32, #tpu.memory_space<vmem>> -> memref<1x128xi32, #tpu.memory_space<vmem>>
      %dma_start3A_139 = tpu.memref_squeeze %dma_start3A_138 : memref<1x128xi32, #tpu.memory_space<vmem>> -> memref<128xi32, #tpu.memory_space<vmem>>
      %dma_start3A_140 = arith.constant 0 : i32
      %dma_start3A_141 = arith.constant 0 : i32
      %dma_start3A_142 = tpu.memref_slice %arg23[%dma_start3A_140, %dma_start3A_141] : memref<10240x64xf32, #tpu.memory_space<vmem_shared>> -> memref<10240x64xf32, #tpu.memory_space<vmem_shared>>
      tpu.enqueue_indirect_dma source(%arg12 : memref<128x64xf32, #tpu.memory_space<vmem>>) target(%dma_start3A_142 : memref<10240x64xf32, #tpu.memory_space<vmem_shared>>) offsets(%dma_start3A_139 : memref<128xi32, #tpu.memory_space<vmem>>) semaphore(%arg22 : memref<!tpu.dma_semaphore, #tpu.memory_space<semaphore_mem>>) {add = true}
      %add3A_143 = arith.constant 0 : i32
      %add3A_144 = arith.addi %mul3A_64, %add3A_143 : i32
      %dma_wait3A_145 = arith.constant 0 : i32
      %dma_wait3A_146 = tpu.memref_slice %arg7[%add3A_144, %dma_wait3A_145] : memref<160x128xi32, #tpu.memory_space<vmem>> -> memref<1x128xi32, #tpu.memory_space<vmem>>
      %dma_wait3A_147 = tpu.memref_squeeze %dma_wait3A_146 : memref<1x128xi32, #tpu.memory_space<vmem>> -> memref<128xi32, #tpu.memory_space<vmem>>
      %dma_wait3A_148 = arith.constant 0 : i32
      %dma_wait3A_149 = arith.constant 0 : i32
      %dma_wait3A_150 = tpu.memref_slice %arg23[%dma_wait3A_148, %dma_wait3A_149] : memref<10240x64xf32, #tpu.memory_space<vmem_shared>> -> memref<10240x64xf32, #tpu.memory_space<vmem_shared>>
      tpu.wait_indirect_dma semaphore(%arg18 : memref<!tpu.dma_semaphore, #tpu.memory_space<semaphore_mem>>) src(%arg8 : memref<128x64xf32, #tpu.memory_space<vmem>>) dst(%dma_wait3A_150 : memref<10240x64xf32, #tpu.memory_space<vmem_shared>>)
      %add3A_151 = arith.constant 5 : i32
      %add3A_152 = arith.addi %mul3A_64, %add3A_151 : i32
      %add3A_153 = arith.constant 0 : i32
      %add3A_154 = arith.addi %add3A_152, %add3A_153 : i32
      %lt3A = arith.constant 160 : i32
      %lt3A_155 = arith.cmpi slt, %add3A_154, %lt3A : i32
      %convert_element_type3A = arith.extui %lt3A_155 : i1 to i32
      %cond3A = arith.constant 0 : i32
      %cond3A_156 = arith.cmpi ne, %convert_element_type3A, %cond3A : i32
      scf.if %cond3A_156 {
        %add3A_225 = arith.constant 5 : i32
        %add3A_226 = arith.addi %mul3A_64, %add3A_225 : i32
        %add3A_227 = arith.constant 0 : i32
        %add3A_228 = arith.addi %add3A_226, %add3A_227 : i32
        %dma_start3A_229 = arith.constant 0 : i32
        %dma_start3A_230 = tpu.memref_slice %arg6[%add3A_228, %dma_start3A_229] : memref<160x128xi32, #tpu.memory_space<vmem>> -> memref<1x128xi32, #tpu.memory_space<vmem>>
        %dma_start3A_231 = tpu.memref_squeeze %dma_start3A_230 : memref<1x128xi32, #tpu.memory_space<vmem>> -> memref<128xi32, #tpu.memory_space<vmem>>
        %dma_start3A_232 = arith.constant 0 : i32
        %dma_start3A_233 = arith.constant 0 : i32
        %dma_start3A_234 = tpu.memref_slice %arg2[%dma_start3A_232, %dma_start3A_233] : memref<20480x64xf32, #tpu.memory_space<hbm>> -> memref<20480x64xf32, #tpu.memory_space<hbm>>
        tpu.enqueue_indirect_dma source(%dma_start3A_234 : memref<20480x64xf32, #tpu.memory_space<hbm>>) target(%arg8 : memref<128x64xf32, #tpu.memory_space<vmem>>) offsets(%dma_start3A_231 : memref<128xi32, #tpu.memory_space<vmem>>) semaphore(%arg13 : memref<!tpu.dma_semaphore, #tpu.memory_space<semaphore_mem>>)
      } else {
      }
      %add3A_157 = arith.constant 1 : i32
      %add3A_158 = arith.addi %mul3A_64, %add3A_157 : i32
      %dma_wait3A_159 = arith.constant 0 : i32
      %dma_wait3A_160 = tpu.memref_slice %arg7[%add3A_158, %dma_wait3A_159] : memref<160x128xi32, #tpu.memory_space<vmem>> -> memref<1x128xi32, #tpu.memory_space<vmem>>
      %dma_wait3A_161 = tpu.memref_squeeze %dma_wait3A_160 : memref<1x128xi32, #tpu.memory_space<vmem>> -> memref<128xi32, #tpu.memory_space<vmem>>
      %dma_wait3A_162 = arith.constant 0 : i32
      %dma_wait3A_163 = arith.constant 0 : i32
      %dma_wait3A_164 = tpu.memref_slice %arg23[%dma_wait3A_162, %dma_wait3A_163] : memref<10240x64xf32, #tpu.memory_space<vmem_shared>> -> memref<10240x64xf32, #tpu.memory_space<vmem_shared>>
      tpu.wait_indirect_dma semaphore(%arg19 : memref<!tpu.dma_semaphore, #tpu.memory_space<semaphore_mem>>) src(%arg9 : memref<128x64xf32, #tpu.memory_space<vmem>>) dst(%dma_wait3A_164 : memref<10240x64xf32, #tpu.memory_space<vmem_shared>>)
      %add3A_165 = arith.constant 5 : i32
      %add3A_166 = arith.addi %mul3A_64, %add3A_165 : i32
      %add3A_167 = arith.constant 1 : i32
      %add3A_168 = arith.addi %add3A_166, %add3A_167 : i32
      %lt3A_169 = arith.constant 160 : i32
      %lt3A_170 = arith.cmpi slt, %add3A_168, %lt3A_169 : i32
      %convert_element_type3A_171 = arith.extui %lt3A_170 : i1 to i32
      %cond3A_172 = arith.constant 0 : i32
      %cond3A_173 = arith.cmpi ne, %convert_element_type3A_171, %cond3A_172 : i32
      scf.if %cond3A_173 {
        %add3A_225 = arith.constant 5 : i32
        %add3A_226 = arith.addi %mul3A_64, %add3A_225 : i32
        %add3A_227 = arith.constant 1 : i32
        %add3A_228 = arith.addi %add3A_226, %add3A_227 : i32
        %dma_start3A_229 = arith.constant 0 : i32
        %dma_start3A_230 = tpu.memref_slice %arg6[%add3A_228, %dma_start3A_229] : memref<160x128xi32, #tpu.memory_space<vmem>> -> memref<1x128xi32, #tpu.memory_space<vmem>>
        %dma_start3A_231 = tpu.memref_squeeze %dma_start3A_230 : memref<1x128xi32, #tpu.memory_space<vmem>> -> memref<128xi32, #tpu.memory_space<vmem>>
        %dma_start3A_232 = arith.constant 0 : i32
        %dma_start3A_233 = arith.constant 0 : i32
        %dma_start3A_234 = tpu.memref_slice %arg2[%dma_start3A_232, %dma_start3A_233] : memref<20480x64xf32, #tpu.memory_space<hbm>> -> memref<20480x64xf32, #tpu.memory_space<hbm>>
        tpu.enqueue_indirect_dma source(%dma_start3A_234 : memref<20480x64xf32, #tpu.memory_space<hbm>>) target(%arg9 : memref<128x64xf32, #tpu.memory_space<vmem>>) offsets(%dma_start3A_231 : memref<128xi32, #tpu.memory_space<vmem>>) semaphore(%arg14 : memref<!tpu.dma_semaphore, #tpu.memory_space<semaphore_mem>>)
      } else {
      }
      %add3A_174 = arith.constant 2 : i32
      %add3A_175 = arith.addi %mul3A_64, %add3A_174 : i32
      %dma_wait3A_176 = arith.constant 0 : i32
      %dma_wait3A_177 = tpu.memref_slice %arg7[%add3A_175, %dma_wait3A_176] : memref<160x128xi32, #tpu.memory_space<vmem>> -> memref<1x128xi32, #tpu.memory_space<vmem>>
      %dma_wait3A_178 = tpu.memref_squeeze %dma_wait3A_177 : memref<1x128xi32, #tpu.memory_space<vmem>> -> memref<128xi32, #tpu.memory_space<vmem>>
      %dma_wait3A_179 = arith.constant 0 : i32
      %dma_wait3A_180 = arith.constant 0 : i32
      %dma_wait3A_181 = tpu.memref_slice %arg23[%dma_wait3A_179, %dma_wait3A_180] : memref<10240x64xf32, #tpu.memory_space<vmem_shared>> -> memref<10240x64xf32, #tpu.memory_space<vmem_shared>>
      tpu.wait_indirect_dma semaphore(%arg20 : memref<!tpu.dma_semaphore, #tpu.memory_space<semaphore_mem>>) src(%arg10 : memref<128x64xf32, #tpu.memory_space<vmem>>) dst(%dma_wait3A_181 : memref<10240x64xf32, #tpu.memory_space<vmem_shared>>)
      %add3A_182 = arith.constant 5 : i32
      %add3A_183 = arith.addi %mul3A_64, %add3A_182 : i32
      %add3A_184 = arith.constant 2 : i32
      %add3A_185 = arith.addi %add3A_183, %add3A_184 : i32
      %lt3A_186 = arith.constant 160 : i32
      %lt3A_187 = arith.cmpi slt, %add3A_185, %lt3A_186 : i32
      %convert_element_type3A_188 = arith.extui %lt3A_187 : i1 to i32
      %cond3A_189 = arith.constant 0 : i32
      %cond3A_190 = arith.cmpi ne, %convert_element_type3A_188, %cond3A_189 : i32
      scf.if %cond3A_190 {
        %add3A_225 = arith.constant 5 : i32
        %add3A_226 = arith.addi %mul3A_64, %add3A_225 : i32
        %add3A_227 = arith.constant 2 : i32
        %add3A_228 = arith.addi %add3A_226, %add3A_227 : i32
        %dma_start3A_229 = arith.constant 0 : i32
        %dma_start3A_230 = tpu.memref_slice %arg6[%add3A_228, %dma_start3A_229] : memref<160x128xi32, #tpu.memory_space<vmem>> -> memref<1x128xi32, #tpu.memory_space<vmem>>
        %dma_start3A_231 = tpu.memref_squeeze %dma_start3A_230 : memref<1x128xi32, #tpu.memory_space<vmem>> -> memref<128xi32, #tpu.memory_space<vmem>>
        %dma_start3A_232 = arith.constant 0 : i32
        %dma_start3A_233 = arith.constant 0 : i32
        %dma_start3A_234 = tpu.memref_slice %arg2[%dma_start3A_232, %dma_start3A_233] : memref<20480x64xf32, #tpu.memory_space<hbm>> -> memref<20480x64xf32, #tpu.memory_space<hbm>>
        tpu.enqueue_indirect_dma source(%dma_start3A_234 : memref<20480x64xf32, #tpu.memory_space<hbm>>) target(%arg10 : memref<128x64xf32, #tpu.memory_space<vmem>>) offsets(%dma_start3A_231 : memref<128xi32, #tpu.memory_space<vmem>>) semaphore(%arg15 : memref<!tpu.dma_semaphore, #tpu.memory_space<semaphore_mem>>)
      } else {
      }
      %add3A_191 = arith.constant 3 : i32
      %add3A_192 = arith.addi %mul3A_64, %add3A_191 : i32
      %dma_wait3A_193 = arith.constant 0 : i32
      %dma_wait3A_194 = tpu.memref_slice %arg7[%add3A_192, %dma_wait3A_193] : memref<160x128xi32, #tpu.memory_space<vmem>> -> memref<1x128xi32, #tpu.memory_space<vmem>>
      %dma_wait3A_195 = tpu.memref_squeeze %dma_wait3A_194 : memref<1x128xi32, #tpu.memory_space<vmem>> -> memref<128xi32, #tpu.memory_space<vmem>>
      %dma_wait3A_196 = arith.constant 0 : i32
      %dma_wait3A_197 = arith.constant 0 : i32
      %dma_wait3A_198 = tpu.memref_slice %arg23[%dma_wait3A_196, %dma_wait3A_197] : memref<10240x64xf32, #tpu.memory_space<vmem_shared>> -> memref<10240x64xf32, #tpu.memory_space<vmem_shared>>
      tpu.wait_indirect_dma semaphore(%arg21 : memref<!tpu.dma_semaphore, #tpu.memory_space<semaphore_mem>>) src(%arg11 : memref<128x64xf32, #tpu.memory_space<vmem>>) dst(%dma_wait3A_198 : memref<10240x64xf32, #tpu.memory_space<vmem_shared>>)
      %add3A_199 = arith.constant 5 : i32
      %add3A_200 = arith.addi %mul3A_64, %add3A_199 : i32
      %add3A_201 = arith.constant 3 : i32
      %add3A_202 = arith.addi %add3A_200, %add3A_201 : i32
      %lt3A_203 = arith.constant 160 : i32
      %lt3A_204 = arith.cmpi slt, %add3A_202, %lt3A_203 : i32
      %convert_element_type3A_205 = arith.extui %lt3A_204 : i1 to i32
      %cond3A_206 = arith.constant 0 : i32
      %cond3A_207 = arith.cmpi ne, %convert_element_type3A_205, %cond3A_206 : i32
      scf.if %cond3A_207 {
        %add3A_225 = arith.constant 5 : i32
        %add3A_226 = arith.addi %mul3A_64, %add3A_225 : i32
        %add3A_227 = arith.constant 3 : i32
        %add3A_228 = arith.addi %add3A_226, %add3A_227 : i32
        %dma_start3A_229 = arith.constant 0 : i32
        %dma_start3A_230 = tpu.memref_slice %arg6[%add3A_228, %dma_start3A_229] : memref<160x128xi32, #tpu.memory_space<vmem>> -> memref<1x128xi32, #tpu.memory_space<vmem>>
        %dma_start3A_231 = tpu.memref_squeeze %dma_start3A_230 : memref<1x128xi32, #tpu.memory_space<vmem>> -> memref<128xi32, #tpu.memory_space<vmem>>
        %dma_start3A_232 = arith.constant 0 : i32
        %dma_start3A_233 = arith.constant 0 : i32
        %dma_start3A_234 = tpu.memref_slice %arg2[%dma_start3A_232, %dma_start3A_233] : memref<20480x64xf32, #tpu.memory_space<hbm>> -> memref<20480x64xf32, #tpu.memory_space<hbm>>
        tpu.enqueue_indirect_dma source(%dma_start3A_234 : memref<20480x64xf32, #tpu.memory_space<hbm>>) target(%arg11 : memref<128x64xf32, #tpu.memory_space<vmem>>) offsets(%dma_start3A_231 : memref<128xi32, #tpu.memory_space<vmem>>) semaphore(%arg16 : memref<!tpu.dma_semaphore, #tpu.memory_space<semaphore_mem>>)
      } else {
      }
      %add3A_208 = arith.constant 4 : i32
      %add3A_209 = arith.addi %mul3A_64, %add3A_208 : i32
      %dma_wait3A_210 = arith.constant 0 : i32
      %dma_wait3A_211 = tpu.memref_slice %arg7[%add3A_209, %dma_wait3A_210] : memref<160x128xi32, #tpu.memory_space<vmem>> -> memref<1x128xi32, #tpu.memory_space<vmem>>
      %dma_wait3A_212 = tpu.memref_squeeze %dma_wait3A_211 : memref<1x128xi32, #tpu.memory_space<vmem>> -> memref<128xi32, #tpu.memory_space<vmem>>
      %dma_wait3A_213 = arith.constant 0 : i32
      %dma_wait3A_214 = arith.constant 0 : i32
      %dma_wait3A_215 = tpu.memref_slice %arg23[%dma_wait3A_213, %dma_wait3A_214] : memref<10240x64xf32, #tpu.memory_space<vmem_shared>> -> memref<10240x64xf32, #tpu.memory_space<vmem_shared>>
      tpu.wait_indirect_dma semaphore(%arg22 : memref<!tpu.dma_semaphore, #tpu.memory_space<semaphore_mem>>) src(%arg12 : memref<128x64xf32, #tpu.memory_space<vmem>>) dst(%dma_wait3A_215 : memref<10240x64xf32, #tpu.memory_space<vmem_shared>>)
      %add3A_216 = arith.constant 5 : i32
      %add3A_217 = arith.addi %mul3A_64, %add3A_216 : i32
      %add3A_218 = arith.constant 4 : i32
      %add3A_219 = arith.addi %add3A_217, %add3A_218 : i32
      %lt3A_220 = arith.constant 160 : i32
      %lt3A_221 = arith.cmpi slt, %add3A_219, %lt3A_220 : i32
      %convert_element_type3A_222 = arith.extui %lt3A_221 : i1 to i32
      %cond3A_223 = arith.constant 0 : i32
      %cond3A_224 = arith.cmpi ne, %convert_element_type3A_222, %cond3A_223 : i32
      scf.if %cond3A_224 {
        %add3A_225 = arith.constant 5 : i32
        %add3A_226 = arith.addi %mul3A_64, %add3A_225 : i32
        %add3A_227 = arith.constant 4 : i32
        %add3A_228 = arith.addi %add3A_226, %add3A_227 : i32
        %dma_start3A_229 = arith.constant 0 : i32
        %dma_start3A_230 = tpu.memref_slice %arg6[%add3A_228, %dma_start3A_229] : memref<160x128xi32, #tpu.memory_space<vmem>> -> memref<1x128xi32, #tpu.memory_space<vmem>>
        %dma_start3A_231 = tpu.memref_squeeze %dma_start3A_230 : memref<1x128xi32, #tpu.memory_space<vmem>> -> memref<128xi32, #tpu.memory_space<vmem>>
        %dma_start3A_232 = arith.constant 0 : i32
        %dma_start3A_233 = arith.constant 0 : i32
        %dma_start3A_234 = tpu.memref_slice %arg2[%dma_start3A_232, %dma_start3A_233] : memref<20480x64xf32, #tpu.memory_space<hbm>> -> memref<20480x64xf32, #tpu.memory_space<hbm>>
        tpu.enqueue_indirect_dma source(%dma_start3A_234 : memref<20480x64xf32, #tpu.memory_space<hbm>>) target(%arg12 : memref<128x64xf32, #tpu.memory_space<vmem>>) offsets(%dma_start3A_231 : memref<128xi32, #tpu.memory_space<vmem>>) semaphore(%arg17 : memref<!tpu.dma_semaphore, #tpu.memory_space<semaphore_mem>>)
      } else {
      }
    }
    %scan3A_54 = arith.constant 32 : i32
    %barrier3A_55 = arith.constant 0 : index
    tpu.barrier barrier_id(%barrier3A_55)
    %scan3A_56 = arith.constant 0 : i32
    %scan3A_57 = arith.constant 0 : i32
    %scan3A_58 = arith.constant 5 : i32
    %scan3A_59 = arith.addi %scan3A_57, %scan3A_58 : i32
    %scan3A_60 = arith.constant 1 : i32
    scf.for %scan3A_62 = %scan3A_57 to %scan3A_59 step %scan3A_60  : i32 {
      %mul3A_63 = arith.constant 16 : i32
      %mul3A_64 = arith.muli %mul3A_63, %scan3A_62 : i32
      %add3A = arith.addi %arg1, %mul3A_64 : i32
      %mul3A_65 = arith.constant 128 : i32
      %mul3A_66 = arith.muli %add3A, %mul3A_65 : i32
      "tpu.region"() ({
        %run_scoped3A = tpu.sem_alloc : memref<!tpu.dma_semaphore, #tpu.memory_space<semaphore_mem>>
        %dma_start3A_67 = arith.constant 0 : i32
        %dma_start3A_68 = tpu.memref_slice %arg23[%mul3A_66, %dma_start3A_67] : memref<10240x64xf32, #tpu.memory_space<vmem_shared>> -> memref<128x64xf32, #tpu.memory_space<vmem_shared>>
        %dma_start3A_69 = arith.constant 0 : i32
        %dma_start3A_70 = tpu.memref_slice %arg23[%mul3A_66, %dma_start3A_69] : memref<10240x64xf32, #tpu.memory_space<vmem_shared>> -> memref<128x64xf32, #tpu.memory_space<vmem_shared>>
        tpu.enqueue_dma source(%dma_start3A_70 : memref<128x64xf32, #tpu.memory_space<vmem_shared>>) target(%arg8 : memref<128x64xf32, #tpu.memory_space<vmem>>) target_semaphore(%run_scoped3A : memref<!tpu.dma_semaphore, #tpu.memory_space<semaphore_mem>>)
        %dma_wait3A = arith.constant 0 : i32
        %dma_wait3A_71 = tpu.memref_slice %arg23[%mul3A_66, %dma_wait3A] : memref<10240x64xf32, #tpu.memory_space<vmem_shared>> -> memref<128x64xf32, #tpu.memory_space<vmem_shared>>
        %dma_wait3A_72 = arith.constant 0 : i32
        %dma_wait3A_73 = tpu.memref_slice %arg23[%mul3A_66, %dma_wait3A_72] : memref<10240x64xf32, #tpu.memory_space<vmem_shared>> -> memref<128x64xf32, #tpu.memory_space<vmem_shared>>
        tpu.wait_dma2 semaphore(%run_scoped3A : memref<!tpu.dma_semaphore, #tpu.memory_space<semaphore_mem>>) src(%dma_wait3A_73 : memref<128x64xf32, #tpu.memory_space<vmem_shared>>) dst(%arg8 : memref<128x64xf32, #tpu.memory_space<vmem>>)
        tpu.yield
      }) : () -> ()
      "tpu.region"() ({
        %run_scoped3A = tpu.sem_alloc : memref<!tpu.dma_semaphore, #tpu.memory_space<semaphore_mem>>
        %dma_start3A_67 = arith.constant 0 : i32
        %dma_start3A_68 = tpu.memref_slice %arg5[%arg0, %mul3A_66, %dma_start3A_67] : memref<2x10240x64xf32, #tpu.memory_space<hbm>> -> memref<1x128x64xf32, #tpu.memory_space<hbm>>
        %dma_start3A_69 = tpu.memref_squeeze %dma_start3A_68 : memref<1x128x64xf32, #tpu.memory_space<hbm>> -> memref<128x64xf32, #tpu.memory_space<hbm>>
        %dma_start3A_70 = arith.constant 0 : i32
        %dma_start3A_71 = tpu.memref_slice %arg5[%arg0, %mul3A_66, %dma_start3A_70] : memref<2x10240x64xf32, #tpu.memory_space<hbm>> -> memref<1x128x64xf32, #tpu.memory_space<hbm>>
        %dma_start3A_72 = tpu.memref_squeeze %dma_start3A_71 : memref<1x128x64xf32, #tpu.memory_space<hbm>> -> memref<128x64xf32, #tpu.memory_space<hbm>>
        tpu.enqueue_dma source(%arg8 : memref<128x64xf32, #tpu.memory_space<vmem>>) target(%dma_start3A_72 : memref<128x64xf32, #tpu.memory_space<hbm>>) target_semaphore(%run_scoped3A : memref<!tpu.dma_semaphore, #tpu.memory_space<semaphore_mem>>)
        %dma_wait3A = arith.constant 0 : i32
        %dma_wait3A_73 = tpu.memref_slice %arg5[%arg0, %mul3A_66, %dma_wait3A] : memref<2x10240x64xf32, #tpu.memory_space<hbm>> -> memref<1x128x64xf32, #tpu.memory_space<hbm>>
        %dma_wait3A_74 = tpu.memref_squeeze %dma_wait3A_73 : memref<1x128x64xf32, #tpu.memory_space<hbm>> -> memref<128x64xf32, #tpu.memory_space<hbm>>
        %dma_wait3A_75 = arith.constant 0 : i32
        %dma_wait3A_76 = tpu.memref_slice %arg5[%arg0, %mul3A_66, %dma_wait3A_75] : memref<2x10240x64xf32, #tpu.memory_space<hbm>> -> memref<1x128x64xf32, #tpu.memory_space<hbm>>
        %dma_wait3A_77 = tpu.memref_squeeze %dma_wait3A_76 : memref<1x128x64xf32, #tpu.memory_space<hbm>> -> memref<128x64xf32, #tpu.memory_space<hbm>>
        tpu.wait_dma2 semaphore(%run_scoped3A : memref<!tpu.dma_semaphore, #tpu.memory_space<semaphore_mem>>) src(%arg8 : memref<128x64xf32, #tpu.memory_space<vmem>>) dst(%dma_wait3A_77 : memref<128x64xf32, #tpu.memory_space<hbm>>)
        tpu.yield
      }) : () -> ()
    }
    %scan3A_61 = arith.constant 5 : i32
    return
  }
}

#map = affine_map<(d0, d1) -> (0, 0)>
#map1 = affine_map<(d0, d1) -> (0, 0, 0)>
module attributes {stable_mosaic.version = 14 : i64} {
  func.func @_agg_nar(%arg0: i32, %arg1: i32, %arg2: memref<10240x48xf32, #tpu.memory_space<hbm>>, %arg3: memref<2560x128xi32, #tpu.memory_space<hbm>>, %arg4: memref<2560x128xi32, #tpu.memory_space<hbm>>, %arg5: memref<2x10240x48xf32, #tpu.memory_space<hbm>>, %arg6: memref<80x128xi32, #tpu.memory_space<vmem>>, %arg7: memref<80x128xi32, #tpu.memory_space<vmem>>, %arg8: memref<128x48xf32, #tpu.memory_space<vmem>>, %arg9: memref<128x48xf32, #tpu.memory_space<vmem>>, %arg10: memref<128x48xf32, #tpu.memory_space<vmem>>, %arg11: memref<128x48xf32, #tpu.memory_space<vmem>>, %arg12: memref<128x48xf32, #tpu.memory_space<vmem>>, %arg13: memref<!tpu.dma_semaphore, #tpu.memory_space<semaphore_mem>>, %arg14: memref<!tpu.dma_semaphore, #tpu.memory_space<semaphore_mem>>, %arg15: memref<!tpu.dma_semaphore, #tpu.memory_space<semaphore_mem>>, %arg16: memref<!tpu.dma_semaphore, #tpu.memory_space<semaphore_mem>>, %arg17: memref<!tpu.dma_semaphore, #tpu.memory_space<semaphore_mem>>, %arg18: memref<!tpu.dma_semaphore, #tpu.memory_space<semaphore_mem>>, %arg19: memref<!tpu.dma_semaphore, #tpu.memory_space<semaphore_mem>>, %arg20: memref<!tpu.dma_semaphore, #tpu.memory_space<semaphore_mem>>, %arg21: memref<!tpu.dma_semaphore, #tpu.memory_space<semaphore_mem>>, %arg22: memref<!tpu.dma_semaphore, #tpu.memory_space<semaphore_mem>>, %arg23: memref<10240x48xf32, #tpu.memory_space<vmem_shared>>) attributes {dimension_semantics = [#tpu.dimension_semantics<core_parallel>, #tpu.dimension_semantics<subcore_parallel>], iteration_bounds = array<i64: 2, 16>, scalar_prefetch = 0 : i64, scratch_operands = 18 : i64, tpu.core_type = #tpu.core_type<sc_vector_subcore>, window_params = [{transform_indices = #map}, {transform_indices = #map}, {transform_indices = #map}, {transform_indices = #map1}]} {
    %mul3A = arith.constant 16 : i32
    %mul3A_0 = arith.muli %arg0, %mul3A : i32
    %add3A = arith.addi %mul3A_0, %arg1 : i32
    %mul3A_1 = arith.constant 80 : i32
    %mul3A_2 = arith.muli %add3A, %mul3A_1 : i32
    "tpu.region"() ({
      %run_scoped3A = tpu.sem_alloc : memref<!tpu.dma_semaphore, #tpu.memory_space<semaphore_mem>>
      %dma_start3A_64 = arith.constant 0 : i32
      %dma_start3A_65 = tpu.memref_slice %arg3[%mul3A_2, %dma_start3A_64] : memref<2560x128xi32, #tpu.memory_space<hbm>> -> memref<80x128xi32, #tpu.memory_space<hbm>>
      %dma_start3A_66 = arith.constant 0 : i32
      %dma_start3A_67 = tpu.memref_slice %arg3[%mul3A_2, %dma_start3A_66] : memref<2560x128xi32, #tpu.memory_space<hbm>> -> memref<80x128xi32, #tpu.memory_space<hbm>>
      tpu.enqueue_dma source(%dma_start3A_67 : memref<80x128xi32, #tpu.memory_space<hbm>>) target(%arg6 : memref<80x128xi32, #tpu.memory_space<vmem>>) target_semaphore(%run_scoped3A : memref<!tpu.dma_semaphore, #tpu.memory_space<semaphore_mem>>)
      %dma_wait3A = arith.constant 0 : i32
      %dma_wait3A_68 = tpu.memref_slice %arg3[%mul3A_2, %dma_wait3A] : memref<2560x128xi32, #tpu.memory_space<hbm>> -> memref<80x128xi32, #tpu.memory_space<hbm>>
      %dma_wait3A_69 = arith.constant 0 : i32
      %dma_wait3A_70 = tpu.memref_slice %arg3[%mul3A_2, %dma_wait3A_69] : memref<2560x128xi32, #tpu.memory_space<hbm>> -> memref<80x128xi32, #tpu.memory_space<hbm>>
      tpu.wait_dma2 semaphore(%run_scoped3A : memref<!tpu.dma_semaphore, #tpu.memory_space<semaphore_mem>>) src(%dma_wait3A_70 : memref<80x128xi32, #tpu.memory_space<hbm>>) dst(%arg6 : memref<80x128xi32, #tpu.memory_space<vmem>>)
      tpu.yield
    }) : () -> ()
    %mul3A_3 = arith.constant 80 : i32
    %mul3A_4 = arith.muli %add3A, %mul3A_3 : i32
    "tpu.region"() ({
      %run_scoped3A = tpu.sem_alloc : memref<!tpu.dma_semaphore, #tpu.memory_space<semaphore_mem>>
      %dma_start3A_64 = arith.constant 0 : i32
      %dma_start3A_65 = tpu.memref_slice %arg4[%mul3A_4, %dma_start3A_64] : memref<2560x128xi32, #tpu.memory_space<hbm>> -> memref<80x128xi32, #tpu.memory_space<hbm>>
      %dma_start3A_66 = arith.constant 0 : i32
      %dma_start3A_67 = tpu.memref_slice %arg4[%mul3A_4, %dma_start3A_66] : memref<2560x128xi32, #tpu.memory_space<hbm>> -> memref<80x128xi32, #tpu.memory_space<hbm>>
      tpu.enqueue_dma source(%dma_start3A_67 : memref<80x128xi32, #tpu.memory_space<hbm>>) target(%arg7 : memref<80x128xi32, #tpu.memory_space<vmem>>) target_semaphore(%run_scoped3A : memref<!tpu.dma_semaphore, #tpu.memory_space<semaphore_mem>>)
      %dma_wait3A = arith.constant 0 : i32
      %dma_wait3A_68 = tpu.memref_slice %arg4[%mul3A_4, %dma_wait3A] : memref<2560x128xi32, #tpu.memory_space<hbm>> -> memref<80x128xi32, #tpu.memory_space<hbm>>
      %dma_wait3A_69 = arith.constant 0 : i32
      %dma_wait3A_70 = tpu.memref_slice %arg4[%mul3A_4, %dma_wait3A_69] : memref<2560x128xi32, #tpu.memory_space<hbm>> -> memref<80x128xi32, #tpu.memory_space<hbm>>
      tpu.wait_dma2 semaphore(%run_scoped3A : memref<!tpu.dma_semaphore, #tpu.memory_space<semaphore_mem>>) src(%dma_wait3A_70 : memref<80x128xi32, #tpu.memory_space<hbm>>) dst(%arg7 : memref<80x128xi32, #tpu.memory_space<vmem>>)
      tpu.yield
    }) : () -> ()
    %broadcast_in_dim3A = arith.constant 0.000000e+00 : f32
    %broadcast_in_dim3A_5 = vector.broadcast %broadcast_in_dim3A : f32 to vector<16xf32>
    %scan3A = arith.constant 0 : i32
    %scan3A_6 = arith.constant 0 : i32
    %scan3A_7 = arith.constant 128 : i32
    %scan3A_8 = arith.addi %scan3A_6, %scan3A_7 : i32
    %scan3A_9 = arith.constant 1 : i32
    scf.for %scan3A_64 = %scan3A_6 to %scan3A_8 step %scan3A_9  : i32 {
      %swap3A = arith.index_cast %scan3A_64 : i32 to index
      %swap3A_65 = arith.constant 0 : index
      %swap3A_66 = tpu.vector_load %arg8[%swap3A, %swap3A_65] {strides = array<i32>} : memref<128x48xf32, #tpu.memory_space<vmem>>, vector<1x16xf32>,
      %swap3A_67 = vector.shape_cast %swap3A_66 : vector<1x16xf32> to vector<16xf32>
      %swap3A_68 = vector.shape_cast %broadcast_in_dim3A_5 : vector<16xf32> to vector<1x16xf32>
      tpu.vector_store %arg8[%swap3A, %swap3A_65], %swap3A_68 {strides = array<i32>} : memref<128x48xf32, #tpu.memory_space<vmem>>, vector<1x16xf32>,
      %swap3A_69 = arith.index_cast %scan3A_64 : i32 to index
      %swap3A_70 = arith.constant 16 : index
      %swap3A_71 = tpu.vector_load %arg8[%swap3A_69, %swap3A_70] {strides = array<i32>} : memref<128x48xf32, #tpu.memory_space<vmem>>, vector<1x16xf32>,
      %swap3A_72 = vector.shape_cast %swap3A_71 : vector<1x16xf32> to vector<16xf32>
      %swap3A_73 = vector.shape_cast %broadcast_in_dim3A_5 : vector<16xf32> to vector<1x16xf32>
      tpu.vector_store %arg8[%swap3A_69, %swap3A_70], %swap3A_73 {strides = array<i32>} : memref<128x48xf32, #tpu.memory_space<vmem>>, vector<1x16xf32>,
      %swap3A_74 = arith.index_cast %scan3A_64 : i32 to index
      %swap3A_75 = arith.constant 32 : index
      %swap3A_76 = tpu.vector_load %arg8[%swap3A_74, %swap3A_75] {strides = array<i32>} : memref<128x48xf32, #tpu.memory_space<vmem>>, vector<1x16xf32>,
      %swap3A_77 = vector.shape_cast %swap3A_76 : vector<1x16xf32> to vector<16xf32>
      %swap3A_78 = vector.shape_cast %broadcast_in_dim3A_5 : vector<16xf32> to vector<1x16xf32>
      tpu.vector_store %arg8[%swap3A_74, %swap3A_75], %swap3A_78 {strides = array<i32>} : memref<128x48xf32, #tpu.memory_space<vmem>>, vector<1x16xf32>,
    }
    %scan3A_10 = arith.constant 128 : i32
    %scan3A_11 = arith.constant 0 : i32
    %scan3A_12 = arith.constant 0 : i32
    %scan3A_13 = arith.constant 5 : i32
    %scan3A_14 = arith.addi %scan3A_12, %scan3A_13 : i32
    %scan3A_15 = arith.constant 1 : i32
    scf.for %scan3A_64 = %scan3A_12 to %scan3A_14 step %scan3A_15  : i32 {
      %mul3A_65 = arith.constant 16 : i32
      %mul3A_66 = arith.muli %mul3A_65, %scan3A_64 : i32
      %add3A_67 = arith.addi %arg1, %mul3A_66 : i32
      %mul3A_68 = arith.constant 128 : i32
      %mul3A_69 = arith.muli %add3A_67, %mul3A_68 : i32
      "tpu.region"() ({
        %run_scoped3A = tpu.sem_alloc : memref<!tpu.dma_semaphore, #tpu.memory_space<semaphore_mem>>
        %dma_start3A_70 = arith.constant 0 : i32
        %dma_start3A_71 = tpu.memref_slice %arg23[%mul3A_69, %dma_start3A_70] : memref<10240x48xf32, #tpu.memory_space<vmem_shared>> -> memref<128x48xf32, #tpu.memory_space<vmem_shared>>
        %dma_start3A_72 = arith.constant 0 : i32
        %dma_start3A_73 = tpu.memref_slice %arg23[%mul3A_69, %dma_start3A_72] : memref<10240x48xf32, #tpu.memory_space<vmem_shared>> -> memref<128x48xf32, #tpu.memory_space<vmem_shared>>
        tpu.enqueue_dma source(%arg8 : memref<128x48xf32, #tpu.memory_space<vmem>>) target(%dma_start3A_73 : memref<128x48xf32, #tpu.memory_space<vmem_shared>>) target_semaphore(%run_scoped3A : memref<!tpu.dma_semaphore, #tpu.memory_space<semaphore_mem>>)
        %dma_wait3A = arith.constant 0 : i32
        %dma_wait3A_74 = tpu.memref_slice %arg23[%mul3A_69, %dma_wait3A] : memref<10240x48xf32, #tpu.memory_space<vmem_shared>> -> memref<128x48xf32, #tpu.memory_space<vmem_shared>>
        %dma_wait3A_75 = arith.constant 0 : i32
        %dma_wait3A_76 = tpu.memref_slice %arg23[%mul3A_69, %dma_wait3A_75] : memref<10240x48xf32, #tpu.memory_space<vmem_shared>> -> memref<128x48xf32, #tpu.memory_space<vmem_shared>>
        tpu.wait_dma2 semaphore(%run_scoped3A : memref<!tpu.dma_semaphore, #tpu.memory_space<semaphore_mem>>) src(%arg8 : memref<128x48xf32, #tpu.memory_space<vmem>>) dst(%dma_wait3A_76 : memref<128x48xf32, #tpu.memory_space<vmem_shared>>)
        tpu.yield
      }) : () -> ()
    }
    %scan3A_16 = arith.constant 5 : i32
    %barrier3A = arith.constant 0 : index
    tpu.barrier barrier_id(%barrier3A)
    %dma_start3A = arith.constant 0 : i32
    %dma_start3A_17 = arith.constant 0 : i32
    %dma_start3A_18 = tpu.memref_slice %arg6[%dma_start3A, %dma_start3A_17] : memref<80x128xi32, #tpu.memory_space<vmem>> -> memref<1x128xi32, #tpu.memory_space<vmem>>
    %dma_start3A_19 = tpu.memref_squeeze %dma_start3A_18 : memref<1x128xi32, #tpu.memory_space<vmem>> -> memref<128xi32, #tpu.memory_space<vmem>>
    %dma_start3A_20 = arith.constant 0 : i32
    %dma_start3A_21 = arith.constant 0 : i32
    %dma_start3A_22 = tpu.memref_slice %arg2[%dma_start3A_20, %dma_start3A_21] : memref<10240x48xf32, #tpu.memory_space<hbm>> -> memref<10240x48xf32, #tpu.memory_space<hbm>>
    tpu.enqueue_indirect_dma source(%dma_start3A_22 : memref<10240x48xf32, #tpu.memory_space<hbm>>) target(%arg8 : memref<128x48xf32, #tpu.memory_space<vmem>>) offsets(%dma_start3A_19 : memref<128xi32, #tpu.memory_space<vmem>>) semaphore(%arg13 : memref<!tpu.dma_semaphore, #tpu.memory_space<semaphore_mem>>)
    %dma_start3A_23 = arith.constant 1 : i32
    %dma_start3A_24 = arith.constant 0 : i32
    %dma_start3A_25 = tpu.memref_slice %arg6[%dma_start3A_23, %dma_start3A_24] : memref<80x128xi32, #tpu.memory_space<vmem>> -> memref<1x128xi32, #tpu.memory_space<vmem>>
    %dma_start3A_26 = tpu.memref_squeeze %dma_start3A_25 : memref<1x128xi32, #tpu.memory_space<vmem>> -> memref<128xi32, #tpu.memory_space<vmem>>
    %dma_start3A_27 = arith.constant 0 : i32
    %dma_start3A_28 = arith.constant 0 : i32
    %dma_start3A_29 = tpu.memref_slice %arg2[%dma_start3A_27, %dma_start3A_28] : memref<10240x48xf32, #tpu.memory_space<hbm>> -> memref<10240x48xf32, #tpu.memory_space<hbm>>
    tpu.enqueue_indirect_dma source(%dma_start3A_29 : memref<10240x48xf32, #tpu.memory_space<hbm>>) target(%arg9 : memref<128x48xf32, #tpu.memory_space<vmem>>) offsets(%dma_start3A_26 : memref<128xi32, #tpu.memory_space<vmem>>) semaphore(%arg14 : memref<!tpu.dma_semaphore, #tpu.memory_space<semaphore_mem>>)
    %dma_start3A_30 = arith.constant 2 : i32
    %dma_start3A_31 = arith.constant 0 : i32
    %dma_start3A_32 = tpu.memref_slice %arg6[%dma_start3A_30, %dma_start3A_31] : memref<80x128xi32, #tpu.memory_space<vmem>> -> memref<1x128xi32, #tpu.memory_space<vmem>>
    %dma_start3A_33 = tpu.memref_squeeze %dma_start3A_32 : memref<1x128xi32, #tpu.memory_space<vmem>> -> memref<128xi32, #tpu.memory_space<vmem>>
    %dma_start3A_34 = arith.constant 0 : i32
    %dma_start3A_35 = arith.constant 0 : i32
    %dma_start3A_36 = tpu.memref_slice %arg2[%dma_start3A_34, %dma_start3A_35] : memref<10240x48xf32, #tpu.memory_space<hbm>> -> memref<10240x48xf32, #tpu.memory_space<hbm>>
    tpu.enqueue_indirect_dma source(%dma_start3A_36 : memref<10240x48xf32, #tpu.memory_space<hbm>>) target(%arg10 : memref<128x48xf32, #tpu.memory_space<vmem>>) offsets(%dma_start3A_33 : memref<128xi32, #tpu.memory_space<vmem>>) semaphore(%arg15 : memref<!tpu.dma_semaphore, #tpu.memory_space<semaphore_mem>>)
    %dma_start3A_37 = arith.constant 3 : i32
    %dma_start3A_38 = arith.constant 0 : i32
    %dma_start3A_39 = tpu.memref_slice %arg6[%dma_start3A_37, %dma_start3A_38] : memref<80x128xi32, #tpu.memory_space<vmem>> -> memref<1x128xi32, #tpu.memory_space<vmem>>
    %dma_start3A_40 = tpu.memref_squeeze %dma_start3A_39 : memref<1x128xi32, #tpu.memory_space<vmem>> -> memref<128xi32, #tpu.memory_space<vmem>>
    %dma_start3A_41 = arith.constant 0 : i32
    %dma_start3A_42 = arith.constant 0 : i32
    %dma_start3A_43 = tpu.memref_slice %arg2[%dma_start3A_41, %dma_start3A_42] : memref<10240x48xf32, #tpu.memory_space<hbm>> -> memref<10240x48xf32, #tpu.memory_space<hbm>>
    tpu.enqueue_indirect_dma source(%dma_start3A_43 : memref<10240x48xf32, #tpu.memory_space<hbm>>) target(%arg11 : memref<128x48xf32, #tpu.memory_space<vmem>>) offsets(%dma_start3A_40 : memref<128xi32, #tpu.memory_space<vmem>>) semaphore(%arg16 : memref<!tpu.dma_semaphore, #tpu.memory_space<semaphore_mem>>)
    %dma_start3A_44 = arith.constant 4 : i32
    %dma_start3A_45 = arith.constant 0 : i32
    %dma_start3A_46 = tpu.memref_slice %arg6[%dma_start3A_44, %dma_start3A_45] : memref<80x128xi32, #tpu.memory_space<vmem>> -> memref<1x128xi32, #tpu.memory_space<vmem>>
    %dma_start3A_47 = tpu.memref_squeeze %dma_start3A_46 : memref<1x128xi32, #tpu.memory_space<vmem>> -> memref<128xi32, #tpu.memory_space<vmem>>
    %dma_start3A_48 = arith.constant 0 : i32
    %dma_start3A_49 = arith.constant 0 : i32
    %dma_start3A_50 = tpu.memref_slice %arg2[%dma_start3A_48, %dma_start3A_49] : memref<10240x48xf32, #tpu.memory_space<hbm>> -> memref<10240x48xf32, #tpu.memory_space<hbm>>
    tpu.enqueue_indirect_dma source(%dma_start3A_50 : memref<10240x48xf32, #tpu.memory_space<hbm>>) target(%arg12 : memref<128x48xf32, #tpu.memory_space<vmem>>) offsets(%dma_start3A_47 : memref<128xi32, #tpu.memory_space<vmem>>) semaphore(%arg17 : memref<!tpu.dma_semaphore, #tpu.memory_space<semaphore_mem>>)
    %scan3A_51 = arith.constant 0 : i32
    %scan3A_52 = arith.constant 0 : i32
    %scan3A_53 = arith.constant 16 : i32
    %scan3A_54 = arith.addi %scan3A_52, %scan3A_53 : i32
    %scan3A_55 = arith.constant 1 : i32
    scf.for %scan3A_64 = %scan3A_52 to %scan3A_54 step %scan3A_55  : i32 {
      %mul3A_65 = arith.constant 5 : i32
      %mul3A_66 = arith.muli %scan3A_64, %mul3A_65 : i32
      %add3A_67 = arith.constant 0 : i32
      %add3A_68 = arith.addi %mul3A_66, %add3A_67 : i32
      %dma_wait3A = arith.constant 0 : i32
      %dma_wait3A_69 = tpu.memref_slice %arg6[%add3A_68, %dma_wait3A] : memref<80x128xi32, #tpu.memory_space<vmem>> -> memref<1x128xi32, #tpu.memory_space<vmem>>
      %dma_wait3A_70 = tpu.memref_squeeze %dma_wait3A_69 : memref<1x128xi32, #tpu.memory_space<vmem>> -> memref<128xi32, #tpu.memory_space<vmem>>
      %dma_wait3A_71 = arith.constant 0 : i32
      %dma_wait3A_72 = arith.constant 0 : i32
      %dma_wait3A_73 = tpu.memref_slice %arg2[%dma_wait3A_71, %dma_wait3A_72] : memref<10240x48xf32, #tpu.memory_space<hbm>> -> memref<10240x48xf32, #tpu.memory_space<hbm>>
      tpu.wait_indirect_dma semaphore(%arg13 : memref<!tpu.dma_semaphore, #tpu.memory_space<semaphore_mem>>) src(%dma_wait3A_73 : memref<10240x48xf32, #tpu.memory_space<hbm>>) dst(%arg8 : memref<128x48xf32, #tpu.memory_space<vmem>>)
      %add3A_74 = arith.constant 0 : i32
      %add3A_75 = arith.addi %mul3A_66, %add3A_74 : i32
      %dma_start3A_76 = arith.constant 0 : i32
      %dma_start3A_77 = tpu.memref_slice %arg7[%add3A_75, %dma_start3A_76] : memref<80x128xi32, #tpu.memory_space<vmem>> -> memref<1x128xi32, #tpu.memory_space<vmem>>
      %dma_start3A_78 = tpu.memref_squeeze %dma_start3A_77 : memref<1x128xi32, #tpu.memory_space<vmem>> -> memref<128xi32, #tpu.memory_space<vmem>>
      %dma_start3A_79 = arith.constant 0 : i32
      %dma_start3A_80 = arith.constant 0 : i32
      %dma_start3A_81 = tpu.memref_slice %arg23[%dma_start3A_79, %dma_start3A_80] : memref<10240x48xf32, #tpu.memory_space<vmem_shared>> -> memref<10240x48xf32, #tpu.memory_space<vmem_shared>>
      tpu.enqueue_indirect_dma source(%arg8 : memref<128x48xf32, #tpu.memory_space<vmem>>) target(%dma_start3A_81 : memref<10240x48xf32, #tpu.memory_space<vmem_shared>>) offsets(%dma_start3A_78 : memref<128xi32, #tpu.memory_space<vmem>>) semaphore(%arg18 : memref<!tpu.dma_semaphore, #tpu.memory_space<semaphore_mem>>) {add = true}
      %add3A_82 = arith.constant 1 : i32
      %add3A_83 = arith.addi %mul3A_66, %add3A_82 : i32
      %dma_wait3A_84 = arith.constant 0 : i32
      %dma_wait3A_85 = tpu.memref_slice %arg6[%add3A_83, %dma_wait3A_84] : memref<80x128xi32, #tpu.memory_space<vmem>> -> memref<1x128xi32, #tpu.memory_space<vmem>>
      %dma_wait3A_86 = tpu.memref_squeeze %dma_wait3A_85 : memref<1x128xi32, #tpu.memory_space<vmem>> -> memref<128xi32, #tpu.memory_space<vmem>>
      %dma_wait3A_87 = arith.constant 0 : i32
      %dma_wait3A_88 = arith.constant 0 : i32
      %dma_wait3A_89 = tpu.memref_slice %arg2[%dma_wait3A_87, %dma_wait3A_88] : memref<10240x48xf32, #tpu.memory_space<hbm>> -> memref<10240x48xf32, #tpu.memory_space<hbm>>
      tpu.wait_indirect_dma semaphore(%arg14 : memref<!tpu.dma_semaphore, #tpu.memory_space<semaphore_mem>>) src(%dma_wait3A_89 : memref<10240x48xf32, #tpu.memory_space<hbm>>) dst(%arg9 : memref<128x48xf32, #tpu.memory_space<vmem>>)
      %add3A_90 = arith.constant 1 : i32
      %add3A_91 = arith.addi %mul3A_66, %add3A_90 : i32
      %dma_start3A_92 = arith.constant 0 : i32
      %dma_start3A_93 = tpu.memref_slice %arg7[%add3A_91, %dma_start3A_92] : memref<80x128xi32, #tpu.memory_space<vmem>> -> memref<1x128xi32, #tpu.memory_space<vmem>>
      %dma_start3A_94 = tpu.memref_squeeze %dma_start3A_93 : memref<1x128xi32, #tpu.memory_space<vmem>> -> memref<128xi32, #tpu.memory_space<vmem>>
      %dma_start3A_95 = arith.constant 0 : i32
      %dma_start3A_96 = arith.constant 0 : i32
      %dma_start3A_97 = tpu.memref_slice %arg23[%dma_start3A_95, %dma_start3A_96] : memref<10240x48xf32, #tpu.memory_space<vmem_shared>> -> memref<10240x48xf32, #tpu.memory_space<vmem_shared>>
      tpu.enqueue_indirect_dma source(%arg9 : memref<128x48xf32, #tpu.memory_space<vmem>>) target(%dma_start3A_97 : memref<10240x48xf32, #tpu.memory_space<vmem_shared>>) offsets(%dma_start3A_94 : memref<128xi32, #tpu.memory_space<vmem>>) semaphore(%arg19 : memref<!tpu.dma_semaphore, #tpu.memory_space<semaphore_mem>>) {add = true}
      %add3A_98 = arith.constant 2 : i32
      %add3A_99 = arith.addi %mul3A_66, %add3A_98 : i32
      %dma_wait3A_100 = arith.constant 0 : i32
      %dma_wait3A_101 = tpu.memref_slice %arg6[%add3A_99, %dma_wait3A_100] : memref<80x128xi32, #tpu.memory_space<vmem>> -> memref<1x128xi32, #tpu.memory_space<vmem>>
      %dma_wait3A_102 = tpu.memref_squeeze %dma_wait3A_101 : memref<1x128xi32, #tpu.memory_space<vmem>> -> memref<128xi32, #tpu.memory_space<vmem>>
      %dma_wait3A_103 = arith.constant 0 : i32
      %dma_wait3A_104 = arith.constant 0 : i32
      %dma_wait3A_105 = tpu.memref_slice %arg2[%dma_wait3A_103, %dma_wait3A_104] : memref<10240x48xf32, #tpu.memory_space<hbm>> -> memref<10240x48xf32, #tpu.memory_space<hbm>>
      tpu.wait_indirect_dma semaphore(%arg15 : memref<!tpu.dma_semaphore, #tpu.memory_space<semaphore_mem>>) src(%dma_wait3A_105 : memref<10240x48xf32, #tpu.memory_space<hbm>>) dst(%arg10 : memref<128x48xf32, #tpu.memory_space<vmem>>)
      %add3A_106 = arith.constant 2 : i32
      %add3A_107 = arith.addi %mul3A_66, %add3A_106 : i32
      %dma_start3A_108 = arith.constant 0 : i32
      %dma_start3A_109 = tpu.memref_slice %arg7[%add3A_107, %dma_start3A_108] : memref<80x128xi32, #tpu.memory_space<vmem>> -> memref<1x128xi32, #tpu.memory_space<vmem>>
      %dma_start3A_110 = tpu.memref_squeeze %dma_start3A_109 : memref<1x128xi32, #tpu.memory_space<vmem>> -> memref<128xi32, #tpu.memory_space<vmem>>
      %dma_start3A_111 = arith.constant 0 : i32
      %dma_start3A_112 = arith.constant 0 : i32
      %dma_start3A_113 = tpu.memref_slice %arg23[%dma_start3A_111, %dma_start3A_112] : memref<10240x48xf32, #tpu.memory_space<vmem_shared>> -> memref<10240x48xf32, #tpu.memory_space<vmem_shared>>
      tpu.enqueue_indirect_dma source(%arg10 : memref<128x48xf32, #tpu.memory_space<vmem>>) target(%dma_start3A_113 : memref<10240x48xf32, #tpu.memory_space<vmem_shared>>) offsets(%dma_start3A_110 : memref<128xi32, #tpu.memory_space<vmem>>) semaphore(%arg20 : memref<!tpu.dma_semaphore, #tpu.memory_space<semaphore_mem>>) {add = true}
      %add3A_114 = arith.constant 3 : i32
      %add3A_115 = arith.addi %mul3A_66, %add3A_114 : i32
      %dma_wait3A_116 = arith.constant 0 : i32
      %dma_wait3A_117 = tpu.memref_slice %arg6[%add3A_115, %dma_wait3A_116] : memref<80x128xi32, #tpu.memory_space<vmem>> -> memref<1x128xi32, #tpu.memory_space<vmem>>
      %dma_wait3A_118 = tpu.memref_squeeze %dma_wait3A_117 : memref<1x128xi32, #tpu.memory_space<vmem>> -> memref<128xi32, #tpu.memory_space<vmem>>
      %dma_wait3A_119 = arith.constant 0 : i32
      %dma_wait3A_120 = arith.constant 0 : i32
      %dma_wait3A_121 = tpu.memref_slice %arg2[%dma_wait3A_119, %dma_wait3A_120] : memref<10240x48xf32, #tpu.memory_space<hbm>> -> memref<10240x48xf32, #tpu.memory_space<hbm>>
      tpu.wait_indirect_dma semaphore(%arg16 : memref<!tpu.dma_semaphore, #tpu.memory_space<semaphore_mem>>) src(%dma_wait3A_121 : memref<10240x48xf32, #tpu.memory_space<hbm>>) dst(%arg11 : memref<128x48xf32, #tpu.memory_space<vmem>>)
      %add3A_122 = arith.constant 3 : i32
      %add3A_123 = arith.addi %mul3A_66, %add3A_122 : i32
      %dma_start3A_124 = arith.constant 0 : i32
      %dma_start3A_125 = tpu.memref_slice %arg7[%add3A_123, %dma_start3A_124] : memref<80x128xi32, #tpu.memory_space<vmem>> -> memref<1x128xi32, #tpu.memory_space<vmem>>
      %dma_start3A_126 = tpu.memref_squeeze %dma_start3A_125 : memref<1x128xi32, #tpu.memory_space<vmem>> -> memref<128xi32, #tpu.memory_space<vmem>>
      %dma_start3A_127 = arith.constant 0 : i32
      %dma_start3A_128 = arith.constant 0 : i32
      %dma_start3A_129 = tpu.memref_slice %arg23[%dma_start3A_127, %dma_start3A_128] : memref<10240x48xf32, #tpu.memory_space<vmem_shared>> -> memref<10240x48xf32, #tpu.memory_space<vmem_shared>>
      tpu.enqueue_indirect_dma source(%arg11 : memref<128x48xf32, #tpu.memory_space<vmem>>) target(%dma_start3A_129 : memref<10240x48xf32, #tpu.memory_space<vmem_shared>>) offsets(%dma_start3A_126 : memref<128xi32, #tpu.memory_space<vmem>>) semaphore(%arg21 : memref<!tpu.dma_semaphore, #tpu.memory_space<semaphore_mem>>) {add = true}
      %add3A_130 = arith.constant 4 : i32
      %add3A_131 = arith.addi %mul3A_66, %add3A_130 : i32
      %dma_wait3A_132 = arith.constant 0 : i32
      %dma_wait3A_133 = tpu.memref_slice %arg6[%add3A_131, %dma_wait3A_132] : memref<80x128xi32, #tpu.memory_space<vmem>> -> memref<1x128xi32, #tpu.memory_space<vmem>>
      %dma_wait3A_134 = tpu.memref_squeeze %dma_wait3A_133 : memref<1x128xi32, #tpu.memory_space<vmem>> -> memref<128xi32, #tpu.memory_space<vmem>>
      %dma_wait3A_135 = arith.constant 0 : i32
      %dma_wait3A_136 = arith.constant 0 : i32
      %dma_wait3A_137 = tpu.memref_slice %arg2[%dma_wait3A_135, %dma_wait3A_136] : memref<10240x48xf32, #tpu.memory_space<hbm>> -> memref<10240x48xf32, #tpu.memory_space<hbm>>
      tpu.wait_indirect_dma semaphore(%arg17 : memref<!tpu.dma_semaphore, #tpu.memory_space<semaphore_mem>>) src(%dma_wait3A_137 : memref<10240x48xf32, #tpu.memory_space<hbm>>) dst(%arg12 : memref<128x48xf32, #tpu.memory_space<vmem>>)
      %add3A_138 = arith.constant 4 : i32
      %add3A_139 = arith.addi %mul3A_66, %add3A_138 : i32
      %dma_start3A_140 = arith.constant 0 : i32
      %dma_start3A_141 = tpu.memref_slice %arg7[%add3A_139, %dma_start3A_140] : memref<80x128xi32, #tpu.memory_space<vmem>> -> memref<1x128xi32, #tpu.memory_space<vmem>>
      %dma_start3A_142 = tpu.memref_squeeze %dma_start3A_141 : memref<1x128xi32, #tpu.memory_space<vmem>> -> memref<128xi32, #tpu.memory_space<vmem>>
      %dma_start3A_143 = arith.constant 0 : i32
      %dma_start3A_144 = arith.constant 0 : i32
      %dma_start3A_145 = tpu.memref_slice %arg23[%dma_start3A_143, %dma_start3A_144] : memref<10240x48xf32, #tpu.memory_space<vmem_shared>> -> memref<10240x48xf32, #tpu.memory_space<vmem_shared>>
      tpu.enqueue_indirect_dma source(%arg12 : memref<128x48xf32, #tpu.memory_space<vmem>>) target(%dma_start3A_145 : memref<10240x48xf32, #tpu.memory_space<vmem_shared>>) offsets(%dma_start3A_142 : memref<128xi32, #tpu.memory_space<vmem>>) semaphore(%arg22 : memref<!tpu.dma_semaphore, #tpu.memory_space<semaphore_mem>>) {add = true}
      %add3A_146 = arith.constant 0 : i32
      %add3A_147 = arith.addi %mul3A_66, %add3A_146 : i32
      %dma_wait3A_148 = arith.constant 0 : i32
      %dma_wait3A_149 = tpu.memref_slice %arg7[%add3A_147, %dma_wait3A_148] : memref<80x128xi32, #tpu.memory_space<vmem>> -> memref<1x128xi32, #tpu.memory_space<vmem>>
      %dma_wait3A_150 = tpu.memref_squeeze %dma_wait3A_149 : memref<1x128xi32, #tpu.memory_space<vmem>> -> memref<128xi32, #tpu.memory_space<vmem>>
      %dma_wait3A_151 = arith.constant 0 : i32
      %dma_wait3A_152 = arith.constant 0 : i32
      %dma_wait3A_153 = tpu.memref_slice %arg23[%dma_wait3A_151, %dma_wait3A_152] : memref<10240x48xf32, #tpu.memory_space<vmem_shared>> -> memref<10240x48xf32, #tpu.memory_space<vmem_shared>>
      tpu.wait_indirect_dma semaphore(%arg18 : memref<!tpu.dma_semaphore, #tpu.memory_space<semaphore_mem>>) src(%arg8 : memref<128x48xf32, #tpu.memory_space<vmem>>) dst(%dma_wait3A_153 : memref<10240x48xf32, #tpu.memory_space<vmem_shared>>)
      %add3A_154 = arith.constant 5 : i32
      %add3A_155 = arith.addi %mul3A_66, %add3A_154 : i32
      %add3A_156 = arith.constant 0 : i32
      %add3A_157 = arith.addi %add3A_155, %add3A_156 : i32
      %lt3A = arith.constant 80 : i32
      %lt3A_158 = arith.cmpi slt, %add3A_157, %lt3A : i32
      %convert_element_type3A = arith.extui %lt3A_158 : i1 to i32
      %cond3A = arith.constant 0 : i32
      %cond3A_159 = arith.cmpi ne, %convert_element_type3A, %cond3A : i32
      scf.if %cond3A_159 {
        %add3A_228 = arith.constant 5 : i32
        %add3A_229 = arith.addi %mul3A_66, %add3A_228 : i32
        %add3A_230 = arith.constant 0 : i32
        %add3A_231 = arith.addi %add3A_229, %add3A_230 : i32
        %dma_start3A_232 = arith.constant 0 : i32
        %dma_start3A_233 = tpu.memref_slice %arg6[%add3A_231, %dma_start3A_232] : memref<80x128xi32, #tpu.memory_space<vmem>> -> memref<1x128xi32, #tpu.memory_space<vmem>>
        %dma_start3A_234 = tpu.memref_squeeze %dma_start3A_233 : memref<1x128xi32, #tpu.memory_space<vmem>> -> memref<128xi32, #tpu.memory_space<vmem>>
        %dma_start3A_235 = arith.constant 0 : i32
        %dma_start3A_236 = arith.constant 0 : i32
        %dma_start3A_237 = tpu.memref_slice %arg2[%dma_start3A_235, %dma_start3A_236] : memref<10240x48xf32, #tpu.memory_space<hbm>> -> memref<10240x48xf32, #tpu.memory_space<hbm>>
        tpu.enqueue_indirect_dma source(%dma_start3A_237 : memref<10240x48xf32, #tpu.memory_space<hbm>>) target(%arg8 : memref<128x48xf32, #tpu.memory_space<vmem>>) offsets(%dma_start3A_234 : memref<128xi32, #tpu.memory_space<vmem>>) semaphore(%arg13 : memref<!tpu.dma_semaphore, #tpu.memory_space<semaphore_mem>>)
      } else {
      }
      %add3A_160 = arith.constant 1 : i32
      %add3A_161 = arith.addi %mul3A_66, %add3A_160 : i32
      %dma_wait3A_162 = arith.constant 0 : i32
      %dma_wait3A_163 = tpu.memref_slice %arg7[%add3A_161, %dma_wait3A_162] : memref<80x128xi32, #tpu.memory_space<vmem>> -> memref<1x128xi32, #tpu.memory_space<vmem>>
      %dma_wait3A_164 = tpu.memref_squeeze %dma_wait3A_163 : memref<1x128xi32, #tpu.memory_space<vmem>> -> memref<128xi32, #tpu.memory_space<vmem>>
      %dma_wait3A_165 = arith.constant 0 : i32
      %dma_wait3A_166 = arith.constant 0 : i32
      %dma_wait3A_167 = tpu.memref_slice %arg23[%dma_wait3A_165, %dma_wait3A_166] : memref<10240x48xf32, #tpu.memory_space<vmem_shared>> -> memref<10240x48xf32, #tpu.memory_space<vmem_shared>>
      tpu.wait_indirect_dma semaphore(%arg19 : memref<!tpu.dma_semaphore, #tpu.memory_space<semaphore_mem>>) src(%arg9 : memref<128x48xf32, #tpu.memory_space<vmem>>) dst(%dma_wait3A_167 : memref<10240x48xf32, #tpu.memory_space<vmem_shared>>)
      %add3A_168 = arith.constant 5 : i32
      %add3A_169 = arith.addi %mul3A_66, %add3A_168 : i32
      %add3A_170 = arith.constant 1 : i32
      %add3A_171 = arith.addi %add3A_169, %add3A_170 : i32
      %lt3A_172 = arith.constant 80 : i32
      %lt3A_173 = arith.cmpi slt, %add3A_171, %lt3A_172 : i32
      %convert_element_type3A_174 = arith.extui %lt3A_173 : i1 to i32
      %cond3A_175 = arith.constant 0 : i32
      %cond3A_176 = arith.cmpi ne, %convert_element_type3A_174, %cond3A_175 : i32
      scf.if %cond3A_176 {
        %add3A_228 = arith.constant 5 : i32
        %add3A_229 = arith.addi %mul3A_66, %add3A_228 : i32
        %add3A_230 = arith.constant 1 : i32
        %add3A_231 = arith.addi %add3A_229, %add3A_230 : i32
        %dma_start3A_232 = arith.constant 0 : i32
        %dma_start3A_233 = tpu.memref_slice %arg6[%add3A_231, %dma_start3A_232] : memref<80x128xi32, #tpu.memory_space<vmem>> -> memref<1x128xi32, #tpu.memory_space<vmem>>
        %dma_start3A_234 = tpu.memref_squeeze %dma_start3A_233 : memref<1x128xi32, #tpu.memory_space<vmem>> -> memref<128xi32, #tpu.memory_space<vmem>>
        %dma_start3A_235 = arith.constant 0 : i32
        %dma_start3A_236 = arith.constant 0 : i32
        %dma_start3A_237 = tpu.memref_slice %arg2[%dma_start3A_235, %dma_start3A_236] : memref<10240x48xf32, #tpu.memory_space<hbm>> -> memref<10240x48xf32, #tpu.memory_space<hbm>>
        tpu.enqueue_indirect_dma source(%dma_start3A_237 : memref<10240x48xf32, #tpu.memory_space<hbm>>) target(%arg9 : memref<128x48xf32, #tpu.memory_space<vmem>>) offsets(%dma_start3A_234 : memref<128xi32, #tpu.memory_space<vmem>>) semaphore(%arg14 : memref<!tpu.dma_semaphore, #tpu.memory_space<semaphore_mem>>)
      } else {
      }
      %add3A_177 = arith.constant 2 : i32
      %add3A_178 = arith.addi %mul3A_66, %add3A_177 : i32
      %dma_wait3A_179 = arith.constant 0 : i32
      %dma_wait3A_180 = tpu.memref_slice %arg7[%add3A_178, %dma_wait3A_179] : memref<80x128xi32, #tpu.memory_space<vmem>> -> memref<1x128xi32, #tpu.memory_space<vmem>>
      %dma_wait3A_181 = tpu.memref_squeeze %dma_wait3A_180 : memref<1x128xi32, #tpu.memory_space<vmem>> -> memref<128xi32, #tpu.memory_space<vmem>>
      %dma_wait3A_182 = arith.constant 0 : i32
      %dma_wait3A_183 = arith.constant 0 : i32
      %dma_wait3A_184 = tpu.memref_slice %arg23[%dma_wait3A_182, %dma_wait3A_183] : memref<10240x48xf32, #tpu.memory_space<vmem_shared>> -> memref<10240x48xf32, #tpu.memory_space<vmem_shared>>
      tpu.wait_indirect_dma semaphore(%arg20 : memref<!tpu.dma_semaphore, #tpu.memory_space<semaphore_mem>>) src(%arg10 : memref<128x48xf32, #tpu.memory_space<vmem>>) dst(%dma_wait3A_184 : memref<10240x48xf32, #tpu.memory_space<vmem_shared>>)
      %add3A_185 = arith.constant 5 : i32
      %add3A_186 = arith.addi %mul3A_66, %add3A_185 : i32
      %add3A_187 = arith.constant 2 : i32
      %add3A_188 = arith.addi %add3A_186, %add3A_187 : i32
      %lt3A_189 = arith.constant 80 : i32
      %lt3A_190 = arith.cmpi slt, %add3A_188, %lt3A_189 : i32
      %convert_element_type3A_191 = arith.extui %lt3A_190 : i1 to i32
      %cond3A_192 = arith.constant 0 : i32
      %cond3A_193 = arith.cmpi ne, %convert_element_type3A_191, %cond3A_192 : i32
      scf.if %cond3A_193 {
        %add3A_228 = arith.constant 5 : i32
        %add3A_229 = arith.addi %mul3A_66, %add3A_228 : i32
        %add3A_230 = arith.constant 2 : i32
        %add3A_231 = arith.addi %add3A_229, %add3A_230 : i32
        %dma_start3A_232 = arith.constant 0 : i32
        %dma_start3A_233 = tpu.memref_slice %arg6[%add3A_231, %dma_start3A_232] : memref<80x128xi32, #tpu.memory_space<vmem>> -> memref<1x128xi32, #tpu.memory_space<vmem>>
        %dma_start3A_234 = tpu.memref_squeeze %dma_start3A_233 : memref<1x128xi32, #tpu.memory_space<vmem>> -> memref<128xi32, #tpu.memory_space<vmem>>
        %dma_start3A_235 = arith.constant 0 : i32
        %dma_start3A_236 = arith.constant 0 : i32
        %dma_start3A_237 = tpu.memref_slice %arg2[%dma_start3A_235, %dma_start3A_236] : memref<10240x48xf32, #tpu.memory_space<hbm>> -> memref<10240x48xf32, #tpu.memory_space<hbm>>
        tpu.enqueue_indirect_dma source(%dma_start3A_237 : memref<10240x48xf32, #tpu.memory_space<hbm>>) target(%arg10 : memref<128x48xf32, #tpu.memory_space<vmem>>) offsets(%dma_start3A_234 : memref<128xi32, #tpu.memory_space<vmem>>) semaphore(%arg15 : memref<!tpu.dma_semaphore, #tpu.memory_space<semaphore_mem>>)
      } else {
      }
      %add3A_194 = arith.constant 3 : i32
      %add3A_195 = arith.addi %mul3A_66, %add3A_194 : i32
      %dma_wait3A_196 = arith.constant 0 : i32
      %dma_wait3A_197 = tpu.memref_slice %arg7[%add3A_195, %dma_wait3A_196] : memref<80x128xi32, #tpu.memory_space<vmem>> -> memref<1x128xi32, #tpu.memory_space<vmem>>
      %dma_wait3A_198 = tpu.memref_squeeze %dma_wait3A_197 : memref<1x128xi32, #tpu.memory_space<vmem>> -> memref<128xi32, #tpu.memory_space<vmem>>
      %dma_wait3A_199 = arith.constant 0 : i32
      %dma_wait3A_200 = arith.constant 0 : i32
      %dma_wait3A_201 = tpu.memref_slice %arg23[%dma_wait3A_199, %dma_wait3A_200] : memref<10240x48xf32, #tpu.memory_space<vmem_shared>> -> memref<10240x48xf32, #tpu.memory_space<vmem_shared>>
      tpu.wait_indirect_dma semaphore(%arg21 : memref<!tpu.dma_semaphore, #tpu.memory_space<semaphore_mem>>) src(%arg11 : memref<128x48xf32, #tpu.memory_space<vmem>>) dst(%dma_wait3A_201 : memref<10240x48xf32, #tpu.memory_space<vmem_shared>>)
      %add3A_202 = arith.constant 5 : i32
      %add3A_203 = arith.addi %mul3A_66, %add3A_202 : i32
      %add3A_204 = arith.constant 3 : i32
      %add3A_205 = arith.addi %add3A_203, %add3A_204 : i32
      %lt3A_206 = arith.constant 80 : i32
      %lt3A_207 = arith.cmpi slt, %add3A_205, %lt3A_206 : i32
      %convert_element_type3A_208 = arith.extui %lt3A_207 : i1 to i32
      %cond3A_209 = arith.constant 0 : i32
      %cond3A_210 = arith.cmpi ne, %convert_element_type3A_208, %cond3A_209 : i32
      scf.if %cond3A_210 {
        %add3A_228 = arith.constant 5 : i32
        %add3A_229 = arith.addi %mul3A_66, %add3A_228 : i32
        %add3A_230 = arith.constant 3 : i32
        %add3A_231 = arith.addi %add3A_229, %add3A_230 : i32
        %dma_start3A_232 = arith.constant 0 : i32
        %dma_start3A_233 = tpu.memref_slice %arg6[%add3A_231, %dma_start3A_232] : memref<80x128xi32, #tpu.memory_space<vmem>> -> memref<1x128xi32, #tpu.memory_space<vmem>>
        %dma_start3A_234 = tpu.memref_squeeze %dma_start3A_233 : memref<1x128xi32, #tpu.memory_space<vmem>> -> memref<128xi32, #tpu.memory_space<vmem>>
        %dma_start3A_235 = arith.constant 0 : i32
        %dma_start3A_236 = arith.constant 0 : i32
        %dma_start3A_237 = tpu.memref_slice %arg2[%dma_start3A_235, %dma_start3A_236] : memref<10240x48xf32, #tpu.memory_space<hbm>> -> memref<10240x48xf32, #tpu.memory_space<hbm>>
        tpu.enqueue_indirect_dma source(%dma_start3A_237 : memref<10240x48xf32, #tpu.memory_space<hbm>>) target(%arg11 : memref<128x48xf32, #tpu.memory_space<vmem>>) offsets(%dma_start3A_234 : memref<128xi32, #tpu.memory_space<vmem>>) semaphore(%arg16 : memref<!tpu.dma_semaphore, #tpu.memory_space<semaphore_mem>>)
      } else {
      }
      %add3A_211 = arith.constant 4 : i32
      %add3A_212 = arith.addi %mul3A_66, %add3A_211 : i32
      %dma_wait3A_213 = arith.constant 0 : i32
      %dma_wait3A_214 = tpu.memref_slice %arg7[%add3A_212, %dma_wait3A_213] : memref<80x128xi32, #tpu.memory_space<vmem>> -> memref<1x128xi32, #tpu.memory_space<vmem>>
      %dma_wait3A_215 = tpu.memref_squeeze %dma_wait3A_214 : memref<1x128xi32, #tpu.memory_space<vmem>> -> memref<128xi32, #tpu.memory_space<vmem>>
      %dma_wait3A_216 = arith.constant 0 : i32
      %dma_wait3A_217 = arith.constant 0 : i32
      %dma_wait3A_218 = tpu.memref_slice %arg23[%dma_wait3A_216, %dma_wait3A_217] : memref<10240x48xf32, #tpu.memory_space<vmem_shared>> -> memref<10240x48xf32, #tpu.memory_space<vmem_shared>>
      tpu.wait_indirect_dma semaphore(%arg22 : memref<!tpu.dma_semaphore, #tpu.memory_space<semaphore_mem>>) src(%arg12 : memref<128x48xf32, #tpu.memory_space<vmem>>) dst(%dma_wait3A_218 : memref<10240x48xf32, #tpu.memory_space<vmem_shared>>)
      %add3A_219 = arith.constant 5 : i32
      %add3A_220 = arith.addi %mul3A_66, %add3A_219 : i32
      %add3A_221 = arith.constant 4 : i32
      %add3A_222 = arith.addi %add3A_220, %add3A_221 : i32
      %lt3A_223 = arith.constant 80 : i32
      %lt3A_224 = arith.cmpi slt, %add3A_222, %lt3A_223 : i32
      %convert_element_type3A_225 = arith.extui %lt3A_224 : i1 to i32
      %cond3A_226 = arith.constant 0 : i32
      %cond3A_227 = arith.cmpi ne, %convert_element_type3A_225, %cond3A_226 : i32
      scf.if %cond3A_227 {
        %add3A_228 = arith.constant 5 : i32
        %add3A_229 = arith.addi %mul3A_66, %add3A_228 : i32
        %add3A_230 = arith.constant 4 : i32
        %add3A_231 = arith.addi %add3A_229, %add3A_230 : i32
        %dma_start3A_232 = arith.constant 0 : i32
        %dma_start3A_233 = tpu.memref_slice %arg6[%add3A_231, %dma_start3A_232] : memref<80x128xi32, #tpu.memory_space<vmem>> -> memref<1x128xi32, #tpu.memory_space<vmem>>
        %dma_start3A_234 = tpu.memref_squeeze %dma_start3A_233 : memref<1x128xi32, #tpu.memory_space<vmem>> -> memref<128xi32, #tpu.memory_space<vmem>>
        %dma_start3A_235 = arith.constant 0 : i32
        %dma_start3A_236 = arith.constant 0 : i32
        %dma_start3A_237 = tpu.memref_slice %arg2[%dma_start3A_235, %dma_start3A_236] : memref<10240x48xf32, #tpu.memory_space<hbm>> -> memref<10240x48xf32, #tpu.memory_space<hbm>>
        tpu.enqueue_indirect_dma source(%dma_start3A_237 : memref<10240x48xf32, #tpu.memory_space<hbm>>) target(%arg12 : memref<128x48xf32, #tpu.memory_space<vmem>>) offsets(%dma_start3A_234 : memref<128xi32, #tpu.memory_space<vmem>>) semaphore(%arg17 : memref<!tpu.dma_semaphore, #tpu.memory_space<semaphore_mem>>)
      } else {
      }
    }
    %scan3A_56 = arith.constant 16 : i32
    %barrier3A_57 = arith.constant 0 : index
    tpu.barrier barrier_id(%barrier3A_57)
    %scan3A_58 = arith.constant 0 : i32
    %scan3A_59 = arith.constant 0 : i32
    %scan3A_60 = arith.constant 5 : i32
    %scan3A_61 = arith.addi %scan3A_59, %scan3A_60 : i32
    %scan3A_62 = arith.constant 1 : i32
    scf.for %scan3A_64 = %scan3A_59 to %scan3A_61 step %scan3A_62  : i32 {
      %mul3A_65 = arith.constant 16 : i32
      %mul3A_66 = arith.muli %mul3A_65, %scan3A_64 : i32
      %add3A_67 = arith.addi %arg1, %mul3A_66 : i32
      %mul3A_68 = arith.constant 128 : i32
      %mul3A_69 = arith.muli %add3A_67, %mul3A_68 : i32
      "tpu.region"() ({
        %run_scoped3A = tpu.sem_alloc : memref<!tpu.dma_semaphore, #tpu.memory_space<semaphore_mem>>
        %dma_start3A_70 = arith.constant 0 : i32
        %dma_start3A_71 = tpu.memref_slice %arg23[%mul3A_69, %dma_start3A_70] : memref<10240x48xf32, #tpu.memory_space<vmem_shared>> -> memref<128x48xf32, #tpu.memory_space<vmem_shared>>
        %dma_start3A_72 = arith.constant 0 : i32
        %dma_start3A_73 = tpu.memref_slice %arg23[%mul3A_69, %dma_start3A_72] : memref<10240x48xf32, #tpu.memory_space<vmem_shared>> -> memref<128x48xf32, #tpu.memory_space<vmem_shared>>
        tpu.enqueue_dma source(%dma_start3A_73 : memref<128x48xf32, #tpu.memory_space<vmem_shared>>) target(%arg8 : memref<128x48xf32, #tpu.memory_space<vmem>>) target_semaphore(%run_scoped3A : memref<!tpu.dma_semaphore, #tpu.memory_space<semaphore_mem>>)
        %dma_wait3A = arith.constant 0 : i32
        %dma_wait3A_74 = tpu.memref_slice %arg23[%mul3A_69, %dma_wait3A] : memref<10240x48xf32, #tpu.memory_space<vmem_shared>> -> memref<128x48xf32, #tpu.memory_space<vmem_shared>>
        %dma_wait3A_75 = arith.constant 0 : i32
        %dma_wait3A_76 = tpu.memref_slice %arg23[%mul3A_69, %dma_wait3A_75] : memref<10240x48xf32, #tpu.memory_space<vmem_shared>> -> memref<128x48xf32, #tpu.memory_space<vmem_shared>>
        tpu.wait_dma2 semaphore(%run_scoped3A : memref<!tpu.dma_semaphore, #tpu.memory_space<semaphore_mem>>) src(%dma_wait3A_76 : memref<128x48xf32, #tpu.memory_space<vmem_shared>>) dst(%arg8 : memref<128x48xf32, #tpu.memory_space<vmem>>)
        tpu.yield
      }) : () -> ()
      "tpu.region"() ({
        %run_scoped3A = tpu.sem_alloc : memref<!tpu.dma_semaphore, #tpu.memory_space<semaphore_mem>>
        %dma_start3A_70 = arith.constant 0 : i32
        %dma_start3A_71 = tpu.memref_slice %arg5[%arg0, %mul3A_69, %dma_start3A_70] : memref<2x10240x48xf32, #tpu.memory_space<hbm>> -> memref<1x128x48xf32, #tpu.memory_space<hbm>>
        %dma_start3A_72 = tpu.memref_squeeze %dma_start3A_71 : memref<1x128x48xf32, #tpu.memory_space<hbm>> -> memref<128x48xf32, #tpu.memory_space<hbm>>
        %dma_start3A_73 = arith.constant 0 : i32
        %dma_start3A_74 = tpu.memref_slice %arg5[%arg0, %mul3A_69, %dma_start3A_73] : memref<2x10240x48xf32, #tpu.memory_space<hbm>> -> memref<1x128x48xf32, #tpu.memory_space<hbm>>
        %dma_start3A_75 = tpu.memref_squeeze %dma_start3A_74 : memref<1x128x48xf32, #tpu.memory_space<hbm>> -> memref<128x48xf32, #tpu.memory_space<hbm>>
        tpu.enqueue_dma source(%arg8 : memref<128x48xf32, #tpu.memory_space<vmem>>) target(%dma_start3A_75 : memref<128x48xf32, #tpu.memory_space<hbm>>) target_semaphore(%run_scoped3A : memref<!tpu.dma_semaphore, #tpu.memory_space<semaphore_mem>>)
        %dma_wait3A = arith.constant 0 : i32
        %dma_wait3A_76 = tpu.memref_slice %arg5[%arg0, %mul3A_69, %dma_wait3A] : memref<2x10240x48xf32, #tpu.memory_space<hbm>> -> memref<1x128x48xf32, #tpu.memory_space<hbm>>
        %dma_wait3A_77 = tpu.memref_squeeze %dma_wait3A_76 : memref<1x128x48xf32, #tpu.memory_space<hbm>> -> memref<128x48xf32, #tpu.memory_space<hbm>>
        %dma_wait3A_78 = arith.constant 0 : i32
        %dma_wait3A_79 = tpu.memref_slice %arg5[%arg0, %mul3A_69, %dma_wait3A_78] : memref<2x10240x48xf32, #tpu.memory_space<hbm>> -> memref<1x128x48xf32, #tpu.memory_space<hbm>>
        %dma_wait3A_80 = tpu.memref_squeeze %dma_wait3A_79 : memref<1x128x48xf32, #tpu.memory_space<hbm>> -> memref<128x48xf32, #tpu.memory_space<hbm>>
        tpu.wait_dma2 semaphore(%run_scoped3A : memref<!tpu.dma_semaphore, #tpu.memory_space<semaphore_mem>>) src(%arg8 : memref<128x48xf32, #tpu.memory_space<vmem>>) dst(%dma_wait3A_80 : memref<128x48xf32, #tpu.memory_space<hbm>>)
        tpu.yield
      }) : () -> ()
    }
    %scan3A_63 = arith.constant 5 : i32
    return
  }
}

module attributes {stable_mosaic.version = 14 : i64} {
  func.func @body(%arg0: i32, %arg1: memref<1024x128xf32, #tpu.memory_space<vmem>>, %arg2: memref<1024x1xf32, #tpu.memory_space<vmem>>, %arg3: memref<128x128xf32, #tpu.memory_space<vmem>>, %arg4: memref<1024x64xf32, #tpu.memory_space<vmem>>, %arg5: memref<1024x64xf32, #tpu.memory_space<vmem>>) attributes {dimension_semantics = [#tpu.dimension_semantics<arbitrary>], iteration_bounds = array<i64: 10>, scalar_prefetch = 0 : i64, scratch_operands = 0 : i64, tpu.core_type = #tpu.core_type<tc>, window_params = [{transform_indices = @transform_0, window_bounds = array<i64: 1024, 128>}, {transform_indices = @transform_1, window_bounds = array<i64: 1024, 1>}, {pipeline_mode = #tpu.pipeline_mode<synchronous>, transform_indices = @transform_2, window_bounds = array<i64: 128, 128>}, {transform_indices = @transform_3, window_bounds = array<i64: 1024, 64>}, {transform_indices = @transform_4, window_bounds = array<i64: 1024, 64>}]} {
    %get3A = arith.constant 0 : index
    %get3A_0 = arith.constant 0 : index
    %get3A_1 = vector.load %arg2[%get3A, %get3A_0] : memref<1024x1xf32, #tpu.memory_space<vmem>>, vector<1024x1xf32>
    %gt3A = arith.constant 0.000000e+00 : f32
    %gt3A_2 = vector.broadcast %gt3A : f32 to vector<1024x1xf32>
    %gt3A_3 = arith.cmpf ogt, %get3A_1, %gt3A_2 : vector<1024x1xf32>
    %max3A = arith.constant 1.000000e+00 : f32
    %max3A_4 = vector.broadcast %max3A : f32 to vector<1024x1xf32>
    %max3A_5 = arith.maximumf %get3A_1, %max3A_4 : vector<1024x1xf32>
    %rsqrt3A = math.rsqrt %max3A_5 : vector<1024x1xf32>
    %jit3A = arith.constant 0.000000e+00 : f32
    %broadcast_in_dim3A = vector.broadcast %jit3A : f32 to vector<1024x1xf32>
    %select_n3A = arith.select %gt3A_3, %rsqrt3A, %broadcast_in_dim3A : vector<1024x1xi1>, vector<1024x1xf32>
    %get3A_6 = arith.constant 0 : index
    %get3A_7 = arith.constant 0 : index
    %get3A_8 = vector.load %arg1[%get3A_6, %get3A_7] : memref<1024x128xf32, #tpu.memory_space<vmem>>, vector<1024x128xf32>
    %mul3A = vector.broadcast %select_n3A : vector<1024x1xf32> to vector<1024x128xf32>
    %mul3A_9 = arith.mulf %get3A_8, %mul3A : vector<1024x128xf32>
    %get3A_10 = arith.constant 0 : index
    %get3A_11 = arith.constant 0 : index
    %get3A_12 = vector.load %arg3[%get3A_10, %get3A_11] : memref<128x128xf32, #tpu.memory_space<vmem>>, vector<128x128xf32>
    %dot_general3A = arith.constant dense<0.000000e+00> : vector<1024x128xf32>
    %dot_general3A_13 = tpu.matmul %mul3A_9, %get3A_12, %dot_general3A {dimension_numbers = #tpu.dot_dimension_numbers<[1], [0], [0], [1], [0, 0, 1, 1], [], []>, transpose_lhs_hint = false} : vector<1024x128xf32>, vector<128x128xf32>, vector<1024x128xf32> -> vector<1024x128xf32>
    %slice3A = vector.extract_strided_slice %dot_general3A_13 {offsets = [0, 0], sizes = [1024, 64], strides = [1, 1]} : vector<1024x128xf32> to vector<1024x64xf32>
    %swap3A = arith.constant 0 : index
    %swap3A_14 = arith.constant 0 : index
    %swap3A_15 = vector.load %arg4[%swap3A, %swap3A_14] : memref<1024x64xf32, #tpu.memory_space<vmem>>, vector<1024x64xf32>
    tpu.vector_store %arg4[%swap3A, %swap3A_14], %slice3A {strides = array<i32>} : memref<1024x64xf32, #tpu.memory_space<vmem>>, vector<1024x64xf32>,
    %slice3A_16 = vector.extract_strided_slice %dot_general3A_13 {offsets = [0, 64], sizes = [1024, 64], strides = [1, 1]} : vector<1024x128xf32> to vector<1024x64xf32>
    %swap3A_17 = arith.constant 0 : index
    %swap3A_18 = arith.constant 0 : index
    %swap3A_19 = vector.load %arg5[%swap3A_17, %swap3A_18] : memref<1024x64xf32, #tpu.memory_space<vmem>>, vector<1024x64xf32>
    tpu.vector_store %arg5[%swap3A_17, %swap3A_18], %slice3A_16 {strides = array<i32>} : memref<1024x64xf32, #tpu.memory_space<vmem>>, vector<1024x64xf32>,
    return
  }
  func.func @transform_0(%arg0: i32) -> (i32, i32) {
    %c0_i32 = arith.constant 0 : i32
    %c0_i32_0 = arith.constant 0 : i32
    return %arg0, %c0_i32 : i32, i32
  }
  func.func @transform_1(%arg0: i32) -> (i32, i32) {
    %c0_i32 = arith.constant 0 : i32
    %c0_i32_0 = arith.constant 0 : i32
    return %arg0, %c0_i32 : i32, i32
  }
  func.func @transform_2(%arg0: i32) -> (i32, i32) {
    %c0_i32 = arith.constant 0 : i32
    %c0_i32_0 = arith.constant 0 : i32
    %c0_i32_1 = arith.constant 0 : i32
    return %c0_i32, %c0_i32_0 : i32, i32
  }
  func.func @transform_3(%arg0: i32) -> (i32, i32) {
    %c0_i32 = arith.constant 0 : i32
    %c0_i32_0 = arith.constant 0 : i32
    return %arg0, %c0_i32 : i32, i32
  }
  func.func @transform_4(%arg0: i32) -> (i32, i32) {
    %c0_i32 = arith.constant 0 : i32
    %c0_i32_0 = arith.constant 0 : i32
    return %arg0, %c0_i32 : i32, i32
  }
}

module attributes {stable_mosaic.version = 14 : i64} {
  func.func @body(%arg0: i32, %arg1: memref<2x1024x64xf32, #tpu.memory_space<vmem>>, %arg2: memref<1024x1xf32, #tpu.memory_space<vmem>>, %arg3: memref<1x128xf32, #tpu.memory_space<vmem>>, %arg4: memref<1024x1xf32, #tpu.memory_space<vmem>>, %arg5: memref<128x128xf32, #tpu.memory_space<vmem>>, %arg6: memref<1024x64xf32, #tpu.memory_space<vmem>>, %arg7: memref<1024x64xf32, #tpu.memory_space<vmem>>) attributes {dimension_semantics = [#tpu.dimension_semantics<arbitrary>], iteration_bounds = array<i64: 10>, scalar_prefetch = 0 : i64, scratch_operands = 0 : i64, tpu.core_type = #tpu.core_type<tc>, window_params = [{transform_indices = @transform_0, window_bounds = array<i64: 2, 1024, 64>}, {transform_indices = @transform_1, window_bounds = array<i64: 1024, 1>}, {pipeline_mode = #tpu.pipeline_mode<synchronous>, transform_indices = @transform_2, window_bounds = array<i64: 1, 128>}, {transform_indices = @transform_3, window_bounds = array<i64: 1024, 1>}, {pipeline_mode = #tpu.pipeline_mode<synchronous>, transform_indices = @transform_4, window_bounds = array<i64: 128, 128>}, {transform_indices = @transform_5, window_bounds = array<i64: 1024, 64>}, {transform_indices = @transform_6, window_bounds = array<i64: 1024, 64>}]} {
    %get3A = arith.constant 0 : index
    %get3A_0 = arith.constant 0 : index
    %get3A_1 = vector.load %arg2[%get3A, %get3A_0] : memref<1024x1xf32, #tpu.memory_space<vmem>>, vector<1024x1xf32>
    %gt3A = arith.constant 0.000000e+00 : f32
    %gt3A_2 = vector.broadcast %gt3A : f32 to vector<1024x1xf32>
    %gt3A_3 = arith.cmpf ogt, %get3A_1, %gt3A_2 : vector<1024x1xf32>
    %max3A = arith.constant 1.000000e+00 : f32
    %max3A_4 = vector.broadcast %max3A : f32 to vector<1024x1xf32>
    %max3A_5 = arith.maximumf %get3A_1, %max3A_4 : vector<1024x1xf32>
    %rsqrt3A = math.rsqrt %max3A_5 : vector<1024x1xf32>
    %jit3A = arith.constant 0.000000e+00 : f32
    %broadcast_in_dim3A = vector.broadcast %jit3A : f32 to vector<1024x1xf32>
    %select_n3A = arith.select %gt3A_3, %rsqrt3A, %broadcast_in_dim3A : vector<1024x1xi1>, vector<1024x1xf32>
    %get3A_6 = arith.constant 0 : index
    %get3A_7 = arith.constant 0 : index
    %get3A_8 = vector.load %arg4[%get3A_6, %get3A_7] : memref<1024x1xf32, #tpu.memory_space<vmem>>, vector<1024x1xf32>
    %gt3A_9 = arith.constant 0.000000e+00 : f32
    %gt3A_10 = vector.broadcast %gt3A_9 : f32 to vector<1024x1xf32>
    %gt3A_11 = arith.cmpf ogt, %get3A_8, %gt3A_10 : vector<1024x1xf32>
    %max3A_12 = arith.constant 1.000000e+00 : f32
    %max3A_13 = vector.broadcast %max3A_12 : f32 to vector<1024x1xf32>
    %max3A_14 = arith.maximumf %get3A_8, %max3A_13 : vector<1024x1xf32>
    %rsqrt3A_15 = math.rsqrt %max3A_14 : vector<1024x1xf32>
    %jit3A_16 = arith.constant 0.000000e+00 : f32
    %broadcast_in_dim3A_17 = vector.broadcast %jit3A_16 : f32 to vector<1024x1xf32>
    %select_n3A_18 = arith.select %gt3A_11, %rsqrt3A_15, %broadcast_in_dim3A_17 : vector<1024x1xi1>, vector<1024x1xf32>
    %get3A_19 = arith.constant 0 : index
    %get3A_20 = arith.constant 0 : index
    %get3A_21 = arith.constant 0 : index
    %get3A_22 = vector.load %arg1[%get3A_19, %get3A_20, %get3A_21] : memref<2x1024x64xf32, #tpu.memory_space<vmem>>, vector<1x1024x64xf32>
    %get3A_23 = vector.shape_cast %get3A_22 : vector<1x1024x64xf32> to vector<1024x64xf32>
    %get3A_24 = arith.constant 1 : index
    %get3A_25 = arith.constant 0 : index
    %get3A_26 = arith.constant 0 : index
    %get3A_27 = vector.load %arg1[%get3A_24, %get3A_25, %get3A_26] : memref<2x1024x64xf32, #tpu.memory_space<vmem>>, vector<1x1024x64xf32>
    %get3A_28 = vector.shape_cast %get3A_27 : vector<1x1024x64xf32> to vector<1024x64xf32>
    %concatenate3A = tpu.concatenate %get3A_23, %get3A_28 in 1 : vector<1024x64xf32>, vector<1024x64xf32> -> vector<1024x128xf32>
    %mul3A = vector.broadcast %select_n3A : vector<1024x1xf32> to vector<1024x128xf32>
    %mul3A_29 = arith.mulf %concatenate3A, %mul3A : vector<1024x128xf32>
    %get3A_30 = arith.constant 0 : index
    %get3A_31 = arith.constant 0 : index
    %get3A_32 = vector.load %arg3[%get3A_30, %get3A_31] : memref<1x128xf32, #tpu.memory_space<vmem>>, vector<1x128xf32>
    %add3A = vector.broadcast %get3A_32 : vector<1x128xf32> to vector<1024x128xf32>
    %add3A_33 = arith.addf %mul3A_29, %add3A : vector<1024x128xf32>
    %max3A_34 = arith.constant 0.000000e+00 : f32
    %max3A_35 = vector.broadcast %max3A_34 : f32 to vector<1024x128xf32>
    %max3A_36 = arith.maximumf %add3A_33, %max3A_35 : vector<1024x128xf32>
    %mul3A_37 = vector.broadcast %select_n3A_18 : vector<1024x1xf32> to vector<1024x128xf32>
    %mul3A_38 = arith.mulf %max3A_36, %mul3A_37 : vector<1024x128xf32>
    %get3A_39 = arith.constant 0 : index
    %get3A_40 = arith.constant 0 : index
    %get3A_41 = vector.load %arg5[%get3A_39, %get3A_40] : memref<128x128xf32, #tpu.memory_space<vmem>>, vector<128x128xf32>
    %dot_general3A = arith.constant dense<0.000000e+00> : vector<1024x128xf32>
    %dot_general3A_42 = tpu.matmul %mul3A_38, %get3A_41, %dot_general3A {dimension_numbers = #tpu.dot_dimension_numbers<[1], [0], [0], [1], [0, 0, 1, 1], [], []>, transpose_lhs_hint = false} : vector<1024x128xf32>, vector<128x128xf32>, vector<1024x128xf32> -> vector<1024x128xf32>
    %slice3A = vector.extract_strided_slice %dot_general3A_42 {offsets = [0, 0], sizes = [1024, 64], strides = [1, 1]} : vector<1024x128xf32> to vector<1024x64xf32>
    %swap3A = arith.constant 0 : index
    %swap3A_43 = arith.constant 0 : index
    %swap3A_44 = vector.load %arg6[%swap3A, %swap3A_43] : memref<1024x64xf32, #tpu.memory_space<vmem>>, vector<1024x64xf32>
    tpu.vector_store %arg6[%swap3A, %swap3A_43], %slice3A {strides = array<i32>} : memref<1024x64xf32, #tpu.memory_space<vmem>>, vector<1024x64xf32>,
    %slice3A_45 = vector.extract_strided_slice %dot_general3A_42 {offsets = [0, 64], sizes = [1024, 64], strides = [1, 1]} : vector<1024x128xf32> to vector<1024x64xf32>
    %swap3A_46 = arith.constant 0 : index
    %swap3A_47 = arith.constant 0 : index
    %swap3A_48 = vector.load %arg7[%swap3A_46, %swap3A_47] : memref<1024x64xf32, #tpu.memory_space<vmem>>, vector<1024x64xf32>
    tpu.vector_store %arg7[%swap3A_46, %swap3A_47], %slice3A_45 {strides = array<i32>} : memref<1024x64xf32, #tpu.memory_space<vmem>>, vector<1024x64xf32>,
    return
  }
  func.func @transform_0(%arg0: i32) -> (i32, i32, i32) {
    %c0_i32 = arith.constant 0 : i32
    %c0_i32_0 = arith.constant 0 : i32
    %c0_i32_1 = arith.constant 0 : i32
    return %c0_i32, %arg0, %c0_i32_0 : i32, i32, i32
  }
  func.func @transform_1(%arg0: i32) -> (i32, i32) {
    %c0_i32 = arith.constant 0 : i32
    %c0_i32_0 = arith.constant 0 : i32
    return %arg0, %c0_i32 : i32, i32
  }
  func.func @transform_2(%arg0: i32) -> (i32, i32) {
    %c0_i32 = arith.constant 0 : i32
    %c0_i32_0 = arith.constant 0 : i32
    %c0_i32_1 = arith.constant 0 : i32
    return %c0_i32, %c0_i32_0 : i32, i32
  }
  func.func @transform_3(%arg0: i32) -> (i32, i32) {
    %c0_i32 = arith.constant 0 : i32
    %c0_i32_0 = arith.constant 0 : i32
    return %arg0, %c0_i32 : i32, i32
  }
  func.func @transform_4(%arg0: i32) -> (i32, i32) {
    %c0_i32 = arith.constant 0 : i32
    %c0_i32_0 = arith.constant 0 : i32
    %c0_i32_1 = arith.constant 0 : i32
    return %c0_i32, %c0_i32_0 : i32, i32
  }
  func.func @transform_5(%arg0: i32) -> (i32, i32) {
    %c0_i32 = arith.constant 0 : i32
    %c0_i32_0 = arith.constant 0 : i32
    return %arg0, %c0_i32 : i32, i32
  }
  func.func @transform_6(%arg0: i32) -> (i32, i32) {
    %c0_i32 = arith.constant 0 : i32
    %c0_i32_0 = arith.constant 0 : i32
    return %arg0, %c0_i32 : i32, i32
  }
}

module attributes {stable_mosaic.version = 14 : i64} {
  func.func @body(%arg0: i32, %arg1: memref<2x1024x64xf32, #tpu.memory_space<vmem>>, %arg2: memref<1024x1xf32, #tpu.memory_space<vmem>>, %arg3: memref<1x128xf32, #tpu.memory_space<vmem>>, %arg4: memref<1024x1xf32, #tpu.memory_space<vmem>>, %arg5: memref<128x48xf32, #tpu.memory_space<vmem>>, %arg6: memref<1024x48xf32, #tpu.memory_space<vmem>>) attributes {dimension_semantics = [#tpu.dimension_semantics<arbitrary>], iteration_bounds = array<i64: 10>, scalar_prefetch = 0 : i64, scratch_operands = 0 : i64, tpu.core_type = #tpu.core_type<tc>, window_params = [{transform_indices = @transform_0, window_bounds = array<i64: 2, 1024, 64>}, {transform_indices = @transform_1, window_bounds = array<i64: 1024, 1>}, {pipeline_mode = #tpu.pipeline_mode<synchronous>, transform_indices = @transform_2, window_bounds = array<i64: 1, 128>}, {transform_indices = @transform_3, window_bounds = array<i64: 1024, 1>}, {pipeline_mode = #tpu.pipeline_mode<synchronous>, transform_indices = @transform_4, window_bounds = array<i64: 128, 48>}, {transform_indices = @transform_5, window_bounds = array<i64: 1024, 48>}]} {
    %get3A = arith.constant 0 : index
    %get3A_0 = arith.constant 0 : index
    %get3A_1 = vector.load %arg2[%get3A, %get3A_0] : memref<1024x1xf32, #tpu.memory_space<vmem>>, vector<1024x1xf32>
    %gt3A = arith.constant 0.000000e+00 : f32
    %gt3A_2 = vector.broadcast %gt3A : f32 to vector<1024x1xf32>
    %gt3A_3 = arith.cmpf ogt, %get3A_1, %gt3A_2 : vector<1024x1xf32>
    %max3A = arith.constant 1.000000e+00 : f32
    %max3A_4 = vector.broadcast %max3A : f32 to vector<1024x1xf32>
    %max3A_5 = arith.maximumf %get3A_1, %max3A_4 : vector<1024x1xf32>
    %rsqrt3A = math.rsqrt %max3A_5 : vector<1024x1xf32>
    %jit3A = arith.constant 0.000000e+00 : f32
    %broadcast_in_dim3A = vector.broadcast %jit3A : f32 to vector<1024x1xf32>
    %select_n3A = arith.select %gt3A_3, %rsqrt3A, %broadcast_in_dim3A : vector<1024x1xi1>, vector<1024x1xf32>
    %get3A_6 = arith.constant 0 : index
    %get3A_7 = arith.constant 0 : index
    %get3A_8 = vector.load %arg4[%get3A_6, %get3A_7] : memref<1024x1xf32, #tpu.memory_space<vmem>>, vector<1024x1xf32>
    %gt3A_9 = arith.constant 0.000000e+00 : f32
    %gt3A_10 = vector.broadcast %gt3A_9 : f32 to vector<1024x1xf32>
    %gt3A_11 = arith.cmpf ogt, %get3A_8, %gt3A_10 : vector<1024x1xf32>
    %max3A_12 = arith.constant 1.000000e+00 : f32
    %max3A_13 = vector.broadcast %max3A_12 : f32 to vector<1024x1xf32>
    %max3A_14 = arith.maximumf %get3A_8, %max3A_13 : vector<1024x1xf32>
    %rsqrt3A_15 = math.rsqrt %max3A_14 : vector<1024x1xf32>
    %jit3A_16 = arith.constant 0.000000e+00 : f32
    %broadcast_in_dim3A_17 = vector.broadcast %jit3A_16 : f32 to vector<1024x1xf32>
    %select_n3A_18 = arith.select %gt3A_11, %rsqrt3A_15, %broadcast_in_dim3A_17 : vector<1024x1xi1>, vector<1024x1xf32>
    %get3A_19 = arith.constant 0 : index
    %get3A_20 = arith.constant 0 : index
    %get3A_21 = arith.constant 0 : index
    %get3A_22 = vector.load %arg1[%get3A_19, %get3A_20, %get3A_21] : memref<2x1024x64xf32, #tpu.memory_space<vmem>>, vector<1x1024x64xf32>
    %get3A_23 = vector.shape_cast %get3A_22 : vector<1x1024x64xf32> to vector<1024x64xf32>
    %get3A_24 = arith.constant 1 : index
    %get3A_25 = arith.constant 0 : index
    %get3A_26 = arith.constant 0 : index
    %get3A_27 = vector.load %arg1[%get3A_24, %get3A_25, %get3A_26] : memref<2x1024x64xf32, #tpu.memory_space<vmem>>, vector<1x1024x64xf32>
    %get3A_28 = vector.shape_cast %get3A_27 : vector<1x1024x64xf32> to vector<1024x64xf32>
    %concatenate3A = tpu.concatenate %get3A_23, %get3A_28 in 1 : vector<1024x64xf32>, vector<1024x64xf32> -> vector<1024x128xf32>
    %mul3A = vector.broadcast %select_n3A : vector<1024x1xf32> to vector<1024x128xf32>
    %mul3A_29 = arith.mulf %concatenate3A, %mul3A : vector<1024x128xf32>
    %get3A_30 = arith.constant 0 : index
    %get3A_31 = arith.constant 0 : index
    %get3A_32 = vector.load %arg3[%get3A_30, %get3A_31] : memref<1x128xf32, #tpu.memory_space<vmem>>, vector<1x128xf32>
    %add3A = vector.broadcast %get3A_32 : vector<1x128xf32> to vector<1024x128xf32>
    %add3A_33 = arith.addf %mul3A_29, %add3A : vector<1024x128xf32>
    %max3A_34 = arith.constant 0.000000e+00 : f32
    %max3A_35 = vector.broadcast %max3A_34 : f32 to vector<1024x128xf32>
    %max3A_36 = arith.maximumf %add3A_33, %max3A_35 : vector<1024x128xf32>
    %mul3A_37 = vector.broadcast %select_n3A_18 : vector<1024x1xf32> to vector<1024x128xf32>
    %mul3A_38 = arith.mulf %max3A_36, %mul3A_37 : vector<1024x128xf32>
    %get3A_39 = arith.constant 0 : index
    %get3A_40 = arith.constant 0 : index
    %get3A_41 = vector.load %arg5[%get3A_39, %get3A_40] : memref<128x48xf32, #tpu.memory_space<vmem>>, vector<128x48xf32>
    %dot_general3A = arith.constant dense<0.000000e+00> : vector<1024x48xf32>
    %dot_general3A_42 = tpu.matmul %mul3A_38, %get3A_41, %dot_general3A {dimension_numbers = #tpu.dot_dimension_numbers<[1], [0], [0], [1], [0, 0, 1, 1], [], []>, transpose_lhs_hint = false} : vector<1024x128xf32>, vector<128x48xf32>, vector<1024x48xf32> -> vector<1024x48xf32>
    %swap3A = arith.constant 0 : index
    %swap3A_43 = arith.constant 0 : index
    %swap3A_44 = vector.load %arg6[%swap3A, %swap3A_43] : memref<1024x48xf32, #tpu.memory_space<vmem>>, vector<1024x48xf32>
    tpu.vector_store %arg6[%swap3A, %swap3A_43], %dot_general3A_42 {strides = array<i32>} : memref<1024x48xf32, #tpu.memory_space<vmem>>, vector<1024x48xf32>,
    return
  }
  func.func @transform_0(%arg0: i32) -> (i32, i32, i32) {
    %c0_i32 = arith.constant 0 : i32
    %c0_i32_0 = arith.constant 0 : i32
    %c0_i32_1 = arith.constant 0 : i32
    return %c0_i32, %arg0, %c0_i32_0 : i32, i32, i32
  }
  func.func @transform_1(%arg0: i32) -> (i32, i32) {
    %c0_i32 = arith.constant 0 : i32
    %c0_i32_0 = arith.constant 0 : i32
    return %arg0, %c0_i32 : i32, i32
  }
  func.func @transform_2(%arg0: i32) -> (i32, i32) {
    %c0_i32 = arith.constant 0 : i32
    %c0_i32_0 = arith.constant 0 : i32
    %c0_i32_1 = arith.constant 0 : i32
    return %c0_i32, %c0_i32_0 : i32, i32
  }
  func.func @transform_3(%arg0: i32) -> (i32, i32) {
    %c0_i32 = arith.constant 0 : i32
    %c0_i32_0 = arith.constant 0 : i32
    return %arg0, %c0_i32 : i32, i32
  }
  func.func @transform_4(%arg0: i32) -> (i32, i32) {
    %c0_i32 = arith.constant 0 : i32
    %c0_i32_0 = arith.constant 0 : i32
    %c0_i32_1 = arith.constant 0 : i32
    return %c0_i32, %c0_i32_0 : i32, i32
  }
  func.func @transform_5(%arg0: i32) -> (i32, i32) {
    %c0_i32 = arith.constant 0 : i32
    %c0_i32_0 = arith.constant 0 : i32
    return %arg0, %c0_i32 : i32, i32
  }
}

module attributes {stable_mosaic.version = 14 : i64} {
  func.func @body(%arg0: i32, %arg1: memref<2x1024x48xf32, #tpu.memory_space<vmem>>, %arg2: memref<1024x1xf32, #tpu.memory_space<vmem>>, %arg3: memref<1x48xf32, #tpu.memory_space<vmem>>, %arg4: memref<1024x48xf32, #tpu.memory_space<vmem>>) attributes {dimension_semantics = [#tpu.dimension_semantics<arbitrary>], iteration_bounds = array<i64: 10>, scalar_prefetch = 0 : i64, scratch_operands = 0 : i64, tpu.core_type = #tpu.core_type<tc>, window_params = [{transform_indices = @transform_0, window_bounds = array<i64: 2, 1024, 48>}, {transform_indices = @transform_1, window_bounds = array<i64: 1024, 1>}, {pipeline_mode = #tpu.pipeline_mode<synchronous>, transform_indices = @transform_2, window_bounds = array<i64: 1, 48>}, {transform_indices = @transform_3, window_bounds = array<i64: 1024, 48>}]} {
    %get3A = arith.constant 0 : index
    %get3A_0 = arith.constant 0 : index
    %get3A_1 = vector.load %arg2[%get3A, %get3A_0] : memref<1024x1xf32, #tpu.memory_space<vmem>>, vector<1024x1xf32>
    %gt3A = arith.constant 0.000000e+00 : f32
    %gt3A_2 = vector.broadcast %gt3A : f32 to vector<1024x1xf32>
    %gt3A_3 = arith.cmpf ogt, %get3A_1, %gt3A_2 : vector<1024x1xf32>
    %max3A = arith.constant 1.000000e+00 : f32
    %max3A_4 = vector.broadcast %max3A : f32 to vector<1024x1xf32>
    %max3A_5 = arith.maximumf %get3A_1, %max3A_4 : vector<1024x1xf32>
    %rsqrt3A = math.rsqrt %max3A_5 : vector<1024x1xf32>
    %jit3A = arith.constant 0.000000e+00 : f32
    %broadcast_in_dim3A = vector.broadcast %jit3A : f32 to vector<1024x1xf32>
    %select_n3A = arith.select %gt3A_3, %rsqrt3A, %broadcast_in_dim3A : vector<1024x1xi1>, vector<1024x1xf32>
    %get3A_6 = arith.constant 0 : index
    %get3A_7 = arith.constant 0 : index
    %get3A_8 = arith.constant 0 : index
    %get3A_9 = vector.load %arg1[%get3A_6, %get3A_7, %get3A_8] : memref<2x1024x48xf32, #tpu.memory_space<vmem>>, vector<1x1024x48xf32>
    %get3A_10 = vector.shape_cast %get3A_9 : vector<1x1024x48xf32> to vector<1024x48xf32>
    %get3A_11 = arith.constant 1 : index
    %get3A_12 = arith.constant 0 : index
    %get3A_13 = arith.constant 0 : index
    %get3A_14 = vector.load %arg1[%get3A_11, %get3A_12, %get3A_13] : memref<2x1024x48xf32, #tpu.memory_space<vmem>>, vector<1x1024x48xf32>
    %get3A_15 = vector.shape_cast %get3A_14 : vector<1x1024x48xf32> to vector<1024x48xf32>
    %add3A = arith.addf %get3A_10, %get3A_15 : vector<1024x48xf32>
    %mul3A = vector.broadcast %select_n3A : vector<1024x1xf32> to vector<1024x48xf32>
    %mul3A_16 = arith.mulf %add3A, %mul3A : vector<1024x48xf32>
    %get3A_17 = arith.constant 0 : index
    %get3A_18 = arith.constant 0 : index
    %get3A_19 = vector.load %arg3[%get3A_17, %get3A_18] : memref<1x48xf32, #tpu.memory_space<vmem>>, vector<1x48xf32>
    %add3A_20 = vector.broadcast %get3A_19 : vector<1x48xf32> to vector<1024x48xf32>
    %add3A_21 = arith.addf %mul3A_16, %add3A_20 : vector<1024x48xf32>
    %swap3A = arith.constant 0 : index
    %swap3A_22 = arith.constant 0 : index
    %swap3A_23 = vector.load %arg4[%swap3A, %swap3A_22] : memref<1024x48xf32, #tpu.memory_space<vmem>>, vector<1024x48xf32>
    tpu.vector_store %arg4[%swap3A, %swap3A_22], %add3A_21 {strides = array<i32>} : memref<1024x48xf32, #tpu.memory_space<vmem>>, vector<1024x48xf32>,
    return
  }
  func.func @transform_0(%arg0: i32) -> (i32, i32, i32) {
    %c0_i32 = arith.constant 0 : i32
    %c0_i32_0 = arith.constant 0 : i32
    %c0_i32_1 = arith.constant 0 : i32
    return %c0_i32, %arg0, %c0_i32_0 : i32, i32, i32
  }
  func.func @transform_1(%arg0: i32) -> (i32, i32) {
    %c0_i32 = arith.constant 0 : i32
    %c0_i32_0 = arith.constant 0 : i32
    return %arg0, %c0_i32 : i32, i32
  }
  func.func @transform_2(%arg0: i32) -> (i32, i32) {
    %c0_i32 = arith.constant 0 : i32
    %c0_i32_0 = arith.constant 0 : i32
    %c0_i32_1 = arith.constant 0 : i32
    return %c0_i32, %c0_i32_0 : i32, i32
  }
  func.func @transform_3(%arg0: i32) -> (i32, i32) {
    %c0_i32 = arith.constant 0 : i32
    %c0_i32_0 = arith.constant 0 : i32
    return %arg0, %c0_i32 : i32, i32
  }
}

</mosaic_0001>

<sc_bundles>
// kernel: kernel.10.cloned.1.call-start
scs
__scs_entry_jumppad:
0x0: {  	(pc) =	sbr.rel $0x88, $3  }
0x1: {  	(tag) =	ssettag $0x0;
	lr =	simm.s32 $0x1  }
0x2: {  	[smem:$0x3F99] =	sst lr;
	_ =	strace $0xD0000000  }
0x3: {  	_ = 	snop  }
0x4: {  	_ = 	snop  }
0x5: {  	_ = 	snop  }
0x6: {  	_ = 	snop  }
0x7: {  	_ = 	snop  }
__scs_overlays_trampoline_lowered:
0x8: {  	[smem:$0x3FA8] =	sst s0  }
0x9: {  	[smem:$0x3FA9] =	sst s1  }
0xa: {  	[smem:$0x3FAA] =	sst s2  }
0xb: {  	[smem:$0x3FAB] =	sst s3  }
0xc: {  	[smem:$0x3FAC] =	sst s4  }
0xd: {  	[smem:$0x3FAD] =	sst s5  }
0xe: {  	[smem:$0x3FAE] =	sst s6  }
0xf: {  	[smem:$0x3FAF] =	sst s7  }
0x10: {  	[smem:$0x3FB0] =	sst s8  }
0x11: {  	[smem:$0x3FB1] =	sst s9;
	s0 =	simm.s32 @!p0 $0x0  }
0x12: {  	s1 =	sld [smem:$0x3F97];
	s0 =	simm.s32 @p0 $0x1  }
0x13: {  	[smem:$0x3FB2] =	sst s0;
	s0 =	simm.s32 @!p1 $0x0  }
0x14: {  	s2 =	sld [smem:$0x3F96];
	s0 =	simm.s32 @p1 $0x1  }
0x15: {  	[smem:$0x3FB3] =	sst s0;
	s0 =	simm.s32 @!p2 $0x0  }
0x16: {  	s3 =	sld [smem:$0x3FDB];
	s0 =	simm.s32 @p2 $0x1  }
0x17: {  	s4 =	simm.s32 $0x1BF5;
	[smem:$0x3FB5] =	sst s0  }
0x18: {  	s0 =	sld [smem:$0x3F98];
	_ =	swait.ge [sflag:s4], $0x0  }
0x19: {  	s7 =	sld [smem:$0x3F99]  }
0x1a: {  	s8 =	sadd.s32 $0xFFFFE003, lr  }
0x1b: {  	s9 =	sadd.s32 $0xFFFFFEF7, lr;
	s5 =	simm.s32 $0xFFFFFFFF;
	p2 =	slt.u32 s8, $0xFFFFF086  }
0x1c: {  	p1 =	slt.u32 s9, $0xF7A;
	s5 =	simm.s32 @!p2 $0x0  }
0x1d: {  	s5 =	simm.s32 @p1 $0x1;
	p0 =	seq.s32 s7, s2  }
0x1e: {  	s7 =	smul.u32 @!p0 $0xF7A, s2;
	p2 =	seq.s32 @!p0 s5, $0x0  }
0x1f: {  	s9 =	smul.u32 $0xF7A, s1;
	s8 =	simm.s32 @!p0 $0x1BF5;
	p2 =	por !p2, p0  }
0x20: {  	[sflag:s8] =	ssyncset.s32 @!p0 $0xFFFFF086;
	s6 =	sadd.s32 @!p0 s3, s7;
	s7 =	simm.s32 @!p0 $0x108  }
0x21: {  	s3 =	sadd.s32 s3, s9;
	s6 =	sadd.s32 @!p0 $0x88, s6;
	s7 =	simm.s32 @p2 $0x1082  }
0x22: {  	[simem:s7], [sflag:s8] =	dma.local @!p0 [hbm:s6], $0xF7A  }
0x23: {  	s9 =	sor.u32 $0xD0000000, s2;
	s6 =	simm.s32 $0x108;
	_ =	swait.ge @!p0 [sflag:s8], $0x0  }
0x24: {  	s3 =	sadd.s32 $0x88, s3;
	s6 =	simm.s32 @!p1 $0x1082;
	[sflag:s4] =	ssyncset.s32 $0xFFFFF086  }
0x25: {  	[simem:s6], [sflag:s4] =	dma.local [hbm:s3], $0xF7A  }
0x26: {  	[smem:$0x3F99] =	sst s1;
	(tag) =	ssettag s2;
	_ =	strace s9  }
0x27: {  	s1 =	sld [smem:$0x3FA9]  }
0x28: {  	s2 =	sld [smem:$0x3FAA]  }
0x29: {  	s4 =	sld [smem:$0x3FAC]  }
0x2a: {  	p0 =	seq.s32 s5, $0x0;
	s5 =	sld [smem:$0x3FAD]  }
0x2b: {  	s6 =	sld [smem:$0x3FAE]  }
0x2c: {  	s7 =	sld [smem:$0x3FAF]  }
0x2d: {  	s3 =	simm.s32 $0x108;
	s8 =	sld [smem:$0x3FB0]  }
0x2e: {  	s3 =	simm.s32 @!p0 $0x1082;
	s9 =	sld [smem:$0x3FB1]  }
0x2f: {  	lr =	sadd.s32 s0, s3;
	s0 =	sld [smem:$0x3FA8]  }
0x30: {  	s3 =	sld [smem:$0x3FAB]  }
0x31: {  	[smem:$0x3FB4] =	sst s10  }
0x32: {  	s10 =	sld [smem:$0x3FB2];
	_ =	sdelay $0x3  }
0x33: {  	p0 =	seq.s32 s10, $0x1;
	s10 =	sld [smem:$0x3FB4];
	_ =	sdelay $0x3  }
0x34: {  	[smem:$0x3FB4] =	sst s10  }
0x35: {  	s10 =	sld [smem:$0x3FB3];
	_ =	sdelay $0x3  }
0x36: {  	p1 =	seq.s32 s10, $0x1;
	s10 =	sld [smem:$0x3FB4];
	_ =	sdelay $0x3  }
0x37: {  	[smem:$0x3FB4] =	sst s10  }
0x38: {  	s10 =	sld [smem:$0x3FB5]  }
0x39: {  	_ = 	snop;
	(pc) =	sbr.ind lr, $3  }
0x3a: {  	_ = 	snop  }
0x3b: {  	_ = 	snop  }
0x3c: {  	p2 =	seq.s32 s10, $0x1;
	s10 =	sld [smem:$0x3FB4]  }
0x3d: {  	_ =	shalt  }
0x3e: {  	_ =	shalt  }
0x3f: {  	_ =	shalt  }
0x40: {  	_ =	shalt  }
0x41: {  	_ =	shalt  }
0x42: {  	_ =	shalt  }
0x43: {  	_ =	shalt  }
0x44: {  	_ =	shalt  }
0x45: {  	_ =	shalt  }
0x46: {  	_ =	shalt  }
0x47: {  	_ =	shalt  }
0x48: {  	_ =	shalt  }
0x49: {  	_ =	shalt  }
0x4a: {  	_ =	shalt  }
0x4b: {  	_ =	shalt  }
0x4c: {  	_ =	shalt  }
0x4d: {  	_ =	shalt  }
0x4e: {  	_ =	shalt  }
0x4f: {  	_ =	shalt  }
0x50: {  	_ =	shalt  }
0x51: {  	_ =	shalt  }
0x52: {  	_ =	shalt  }
0x53: {  	_ =	shalt  }
0x54: {  	_ =	shalt  }
0x55: {  	_ =	shalt  }
0x56: {  	_ =	shalt  }
0x57: {  	_ =	shalt  }
0x58: {  	_ =	shalt  }
0x59: {  	_ =	shalt  }
0x5a: {  	_ =	shalt  }
0x5b: {  	_ =	shalt  }
0x5c: {  	_ =	shalt  }
0x5d: {  	_ =	shalt  }
0x5e: {  	_ =	shalt  }
0x5f: {  	_ =	shalt  }
0x60: {  	_ =	shalt  }
0x61: {  	_ =	shalt  }
0x62: {  	_ =	shalt  }
0x63: {  	_ =	shalt  }
0x64: {  	_ =	shalt  }
0x65: {  	_ =	shalt  }
0x66: {  	_ =	shalt  }
0x67: {  	_ =	shalt  }
0x68: {  	_ =	shalt  }
0x69: {  	_ =	shalt  }
0x6a: {  	_ =	shalt  }
0x6b: {  	_ =	shalt  }
0x6c: {  	_ =	shalt  }
0x6d: {  	_ =	shalt  }
0x6e: {  	_ =	shalt  }
0x6f: {  	_ =	shalt  }
0x70: {  	_ =	shalt  }
0x71: {  	_ =	shalt  }
0x72: {  	_ =	shalt  }
0x73: {  	_ =	shalt  }
0x74: {  	_ =	shalt  }
0x75: {  	_ =	shalt  }
0x76: {  	_ =	shalt  }
0x77: {  	_ =	shalt  }
0x78: {  	_ =	shalt  }
0x79: {  	_ =	shalt  }
0x7a: {  	_ =	shalt  }
0x7b: {  	_ =	shalt  }
0x7c: {  	_ =	shalt  }
0x7d: {  	_ =	shalt  }
0x7e: {  	_ =	shalt  }
0x7f: {  	_ =	shalt  }
0x80: {  	_ =	shalt  }
0x81: {  	_ =	shalt  }
0x82: {  	_ =	shalt  }
0x83: {  	_ =	shalt  }
0x84: {  	_ =	shalt  }
0x85: {  	_ =	shalt  }
0x86: {  	_ =	shalt  }
0x87: {  	_ =	shalt  }
.Lfunc_end0:
.L_simem_size_0:
called_computation_lowered:
.L_overlay_start_0:
0x88: {  	s2 =	sld [smem:$0x3FD9]  }
0x89: {  	s3 =	sld [smem:$0x3FFE];
	_ =	sdelay $0x1  }
0x8a: {  	s1 =	srdreg.scid  }
0x8b: {  	s0 =	sand.u32 $0x1, s1  }
0x8c: {  	s17 =	sshll.u32 s0, $0xA;
	s2 =	sadd.s32 s3, s2  }
0x8d: {  	s2 =	sadd.s32 s2, s17  }
0x8e: {  	[smem:$0x3FC0] =	sst s2  }
0x8f: {  	_ = 	snop  }
0x90: {  	s2 =	sld [smem:$0x3FD0];
	(tm) =	ssettm $0x1  }
0x91: {  	s18 =	sld [smem:$0x3FFB];
	_ =	sdelay $0x3  }
0x92: {  	_ =	strace s18  }
0x93: {  	s3 =	sld [smem:$0x3FFC];
	_ =	sdelay $0x3  }
0x94: {  	_ =	strace s3  }
0x95: {  	s3 =	sld [smem:$0x3FFD];
	_ =	sdelay $0x3  }
0x96: {  	_ =	strace s3  }
0x97: {  	_ =	strace $0x8FFFFFFF  }
0x98: {  	s19 =	sld [smem:$0x3FDB];
	_ =	sdelay $0x1  }
0x99: {  	s4 =	simm.s32 $_scs_section_size  }
0x9a: {  	s5 =	simm.s32 $_size__tile_overlayer_lowered;
	s6 =	simm.s32 $_tile_overlayer_lowered  }
0x9b: {  	s22 =	simm.s32 $0x1BFF;
	s21 =	sshll.u32 s6, $0x1;
	s3 =	sadd.s32 s4, s19  }
0x9c: {  	s7 =	simm.s32 $0x0;
	s20 =	sshll.u32 s5, $0x1;
	s5 =	sadd.s32 s21, s3  }
0x9d: {  	[timem:s7], [sflag:s22] =	dma.local [hbm:s5], s20  }
0x9e: {  	_ =	swait.ge [sflag:s22], s20  }
0x9f: {  	s4 =	ssub.s32 $0x0, s20;
	[sflag:s22] =	ssyncset.done $0x0  }
0xa0: {  	[sflag:s22] =	ssyncadd.s32 s4;
	_ =	sdelay $0x1  }
0xa1: {  	s23 =	simm.s32 $0x1B8B  }
0xa2: {  	_ =	swait.ge [sflag:s23], $0x1  }
0xa3: {  	[sflag:s23] =	ssyncset.done $0x0  }
0xa4: {  	s25 =	simm.s32 $0x1B8E;
	s24 =	sld [smem:$0x3FFE];
	[sflag:s23] =	ssyncadd.s32 $0xFFFFFFFF  }
0xa5: {  	s26 =	simm.s32 $execute0_lowered;
	[smem:$0x3FD2] =	sst s25  }
0xa6: {  	s5 =	sshll.u32 s26, $0x1;
	_ =	strace $0x80000046;
	[dreg:$0x1] =	wrdreg $0xFFFFFFFF  }
0xa7: {  	s28 =	simm.s32 $_size_execute0_lowered;
	s3 =	sadd.s32 s3, s5;
	[dreg:$0x0] =	wrdreg $0x0  }
0xa8: {  	s5 =	sshll.u32 s28, $0x1;
	[dreg:$0x2] =	wrdreg s3  }
0xa9: {  	[dreg:$0x3] =	wrdreg s5  }
0xaa: {  	[dreg:$0x4] =	wrdreg $0xC0  }
0xab: {  	_ =	task [dreg:s7], $0x5FFFF  }
0xac: {  	[dreg:$0x1] =	wrdreg $0xFFFFFFFF  }
0xad: {  	[dreg:$0x0] =	wrdreg $0x60  }
0xae: {  	[dreg:$0x2] =	wrdreg s2  }
0xaf: {  	[dreg:$0x3] =	wrdreg s24  }
0xb0: {  	[dreg:$0x4] =	wrdreg $0x51000  }
0xb1: {  	[dreg:$0x5] =	wrdreg $0x53800  }
0xb2: {  	[dreg:$0x6] =	wrdreg $0x9  }
0xb3: {  	_ =	task.clear_ibuf [dreg:s7], $0x7FFFF;
	_ =	strace $0x90000046  }
0xb4: {  	s29 =	simm.s32 $0x9;
	_ =	strace $0x80000048  }
0xb5: {  	_ =	swait.ge [sflag:s29], $0x1  }
0xb6: {  	[sflag:s29] =	ssyncadd.s32 $0xFFFFFFFF  }
0xb7: {  	_ =	strace $0x90000048  }
0xb8: {  	_ =	sfence  }
0xb9: {  	s30 =	sld [smem:$0x0];
	_ =	sdelay $0x2  }
0xba: {  	s31 =	sshll.u32 s1, $0xD;
	s1 =	sshrl.u32 s1, $0x2  }
0xbb: {  	s3 =	sand.u32 $0x4000, s31;
	s1 =	sadd.s32 s1, s30  }
0xbc: {  	s0 =	sor.u32 s3, s0;
	s1 =	sshll.u32 s1, $0x11  }
0xbd: {  	s0 =	sor.u32 s1, s0  }
0xbe: {  	s0 =	sadd.s32 $0x8F2B, s0  }
0xbf: {  	[sflag:s0] =	ssyncadd.remote.s32 $0x1  }
0xc0: {  	_ =	sfence.sel $0xFFFF  }
0xc1: {  	[dreg:$0x0] =	wrdreg $0xFFFFFFFF;
	(pc) =	sbr.abs _section_cstart, $3  }
0xc2: {  	[dreg:$0x1] =	wrdreg $0xFFFFFFFF  }
0xc3: {  	_ =	task.clear_ibuf [dreg:s7], $0x2FFFF;
	_ =	strace $0x9FFFFFFF  }
0xc4: {  	(tm) =	ssettm $0x7FFFFFFF  }
0xc5: {  	_ =	shalt  }
tec
execute0_lowered:
.L_overlay_start_1:
0x0: {  	(tag) =	ssettag $0x1  }
0x1: {  	s0 =	rddreg [dreg:$0x0]  }
0x2: {  	s1 =	srdreg.scid;
	s5 =	rddreg [dreg:$0x1]  }
0x3: {  	s2 =	rddreg [dreg:$0x2];
	s12 =	stileid.u32  }
0x4: {  	s3 =	rddreg [dreg:$0x3];
	s4 =	simm.s32 $0x0;
	s1 =	sand.u32 $0x1, s1  }
0x5: {  	[smem:$0x7FF] =	sst s4;
	s9 =	sadd.s32 $0xCA00, s5;
	s25 =	sshll.u32 s12, $0x5  }
0x6: {  	s16 =	sor.u32 $0x30, s12;
	s6 =	sshll.u32 s1, $0x4;
	s1 =	ssub.s32 $0x2, s1  }
0x7: {  	_ =	strace $0x80000047;
	s7 =	sor.u32 s12, s6;
	s10 =	sshrl.u32 s1, $0x1  }
0x8: {  	s26 =	sor.u32 s6, s25;
	s7 =	smul.u32 $0x500, s7;
	s1 =	ssub.s32 s1, s10  }
0x9: {  	s13 =	sadd.s32 s9, s26;
	s10 =	sor.u32 $0x20, s12;
	s1 =	smax.u32 s1, $0x1  }
0xa: {  	[dreg:$0xa] =	wrdreg s13;
	s15 =	sshll.u32 s10, $0x5;
	s8 =	sadd.s32 s7, s5  }
0xb: {  	s5 =	sadd.s32 $0xD400, s5;
	s0 =	sadd.s32 s0, s7;
	[dreg:$0x7] =	wrdreg s1  }
0xc: {  	[dreg:$0x5] =	wrdreg s0;
	s0 =	sshll.u32 s12, $0x7;
	s22 =	sadd.s32 $0x2A00, s8  }
0xd: {  	s8 =	sor.u32 $0x10, s12;
	s12 =	sor.u32 $0x40, s12;
	[dreg:$0x6] =	wrdreg s22  }
0xe: {  	s23 =	sor.u32 $0x800, s0;
	s11 =	sshll.u32 s8, $0x5;
	s25 =	sshll.u32 s12, $0x5  }
0xf: {  	s22 =	sadd.s32 s0, s2;
	s13 =	sshll.u32 s8, $0x7;
	s8 =	simm.s32 $0x3  }
0x10: {  	s24 =	sadd.s32 s23, s2;
	s1 =	sadd.s32 s23, s3;
	s7 =	sor.u32 s6, s11  }
0x11: {  	s23 =	sshll.u32 s16, $0x5;
	s29 =	sadd.s32 s13, s2;
	[dreg:$0x8] =	wrdreg s24  }
0x12: {  	s30 =	sadd.s32 s13, s3;
	[dreg:$0x9] =	wrdreg s1;
	s1 =	sadd.s32 s5, s26  }
0x13: {  	s13 =	simm.s32 $0x2;
	s14 =	sadd.s32 s9, s7;
	[dreg:$0xb] =	wrdreg s1  }
0x14: {  	s7 =	sadd.s32 s5, s7;
	s24 =	sor.u32 s6, s23;
	[dreg:$0xc] =	wrdreg s14  }
0x15: {  	s23 =	sadd.s32 s0, s3;
	[dreg:$0xd] =	wrdreg s7;
	s1 =	sor.u32 s6, s15  }
0x16: {  	s6 =	sor.u32 s6, s25;
	s26 =	sadd.s32 s9, s24;
	s17 =	sadd.s32 s5, s24  }
0x17: {  	s14 =	sshll.u32 s10, $0x7;
	s15 =	sshll.u32 s16, $0x7;
	s16 =	sshll.u32 s12, $0x7  }
0x18: {  	s10 =	simm.s32 $0x80;
	s12 =	simm.s32 $0x1;
	s11 =	sadd.s32 s9, s1  }
0x19: {  	s1 =	sadd.s32 s5, s1;
	[dreg:$0x10] =	wrdreg s26;
	s18 =	sadd.s32 s9, s6  }
0x1a: {  	s19 =	sadd.s32 s5, s6;
	s9 =	sor.u32 $0x1000, s0;
	s31 =	sadd.s32 s14, s2  }
0x1b: {  	s5 =	sadd.s32 s15, s3;
	s6 =	sadd.s32 s16, s2;
	[dreg:$0xe] =	wrdreg s11  }
0x1c: {  	s7 =	sadd.s32 s16, s3;
	[dreg:$0xf] =	wrdreg s1;
	s20 =	sadd.s32 s9, s2  }
0x1d: {  	s21 =	sadd.s32 s9, s3;
	s11 =	sor.u32 $0x1800, s0;
	s0 =	sor.u32 $0x2000, s0  }
0x1e: {  	s1 =	sadd.s32 s14, s3;
	s9 =	simm.s32 $0x5080;
	s14 =	simm.s32 $0x0  }
0x1f: {  	s24 =	sadd.s32 s11, s2;
	s25 =	sadd.s32 s11, s3;
	s26 =	sadd.s32 s0, s2  }
0x20: {  	v0 =	vimm.f32 $1.000000000e+00;
	v1 =	vimm.f32 $0.0e+00;
	s28 =	sadd.s32 s0, s3;
	s0 =	sadd.s32 s15, s2;
	s11 =	simm.s32 $0x5000  }
.LBB2_1:
0x21: {  	[tilespmem:$0x5000] =	vst v0  }
0x22: {  	[tilespmem:$0x5080] =	vst v1  }
0x23: {  	[tilespmem:$0x5010] =	vst v0  }
0x24: {  	[tilespmem:$0x5090] =	vst v1  }
0x25: {  	[tilespmem:$0x5020] =	vst v0  }
0x26: {  	[tilespmem:$0x50A0] =	vst v1  }
0x27: {  	[tilespmem:$0x5030] =	vst v0  }
0x28: {  	[tilespmem:$0x50B0] =	vst v1  }
0x29: {  	[tilespmem:$0x5040] =	vst v0  }
0x2a: {  	[tilespmem:$0x50C0] =	vst v1  }
0x2b: {  	[tilespmem:$0x5050] =	vst v0  }
0x2c: {  	[tilespmem:$0x50D0] =	vst v1  }
0x2d: {  	[tilespmem:$0x5060] =	vst v0  }
0x2e: {  	[tilespmem:$0x50E0] =	vst v1  }
0x2f: {  	[tilespmem:$0x5070] =	vst v0  }
0x30: {  	[tilespmem:$0x50F0] =	vst v1;
	s15 =	rddreg [dreg:$0x5]  }
0x31: {  	[tilespmem:s4], [sflag:$0x3] =	stream.linear.gather [hbm4b:s15+s4], $0x2800, $0x38;
	[tilespmem:$0x5600] =	vst v63  }
0x32: {  	_ =	swait.ge [sflag:s8], $0x2800  }
0x33: {  	[sflag:s8] =	ssyncset.done $0x0  }
0x34: {  	s16 =	simm.s32 $0x2800;
	s15 =	rddreg [dreg:$0x6];
	[sflag:s8] =	ssyncadd.s32 $0xFFFFD800  }
0x35: {  	[tilespmem:s16], [sflag:$0x3] =	stream.linear.gather [hbm4b:s15+s4], $0x2800, $0x38;
	[tilespmem:$0x5600] =	vst v63  }
0x36: {  	_ =	swait.ge [sflag:s8], $0x2800  }
0x37: {  	[sflag:s8] =	ssyncset.done $0x0  }
0x38: {  	[sflag:s8] =	ssyncadd.s32 $0xFFFFD800  }
0x39: {  	[spmem:s22] =	stream.linear.scatter [tilespmem:s9], [sflag:$0x3], $0x80, $0x38;
	[tilespmem:$0x5600] =	vst v63  }
0x3a: {  	_ =	swait.ge [sflag:s8], $0x80  }
0x3b: {  	[sflag:s8] =	ssyncset.done $0x0  }
0x3c: {  	[sflag:s8] =	ssyncadd.s32 $0xFFFFFF80  }
0x3d: {  	[spmem:s23] =	stream.linear.scatter [tilespmem:s9], [sflag:$0x3], $0x80, $0x38;
	[tilespmem:$0x5600] =	vst v63  }
0x3e: {  	_ =	swait.ge [sflag:s8], $0x80  }
0x3f: {  	[sflag:s8] =	ssyncset.done $0x0  }
0x40: {  	s16 =	rddreg [dreg:$0x8];
	[sflag:s8] =	ssyncadd.s32 $0xFFFFFF80  }
0x41: {  	[spmem:s16] =	stream.linear.scatter [tilespmem:s9], [sflag:$0x3], $0x80, $0x38;
	[tilespmem:$0x5600] =	vst v63  }
0x42: {  	_ =	swait.ge [sflag:s8], $0x80  }
0x43: {  	[sflag:s8] =	ssyncset.done $0x0  }
0x44: {  	s16 =	rddreg [dreg:$0x9];
	[sflag:s8] =	ssyncadd.s32 $0xFFFFFF80  }
0x45: {  	[spmem:s16] =	stream.linear.scatter [tilespmem:s9], [sflag:$0x3], $0x80, $0x38;
	[tilespmem:$0x5600] =	vst v63  }
0x46: {  	_ =	swait.ge [sflag:s8], $0x80  }
0x47: {  	[sflag:s8] =	ssyncset.done $0x0  }
0x48: {  	[sflag:s8] =	ssyncadd.s32 $0xFFFFFF80  }
0x49: {  	[spmem:s20] =	stream.linear.scatter [tilespmem:s9], [sflag:$0x3], $0x80, $0x38;
	[tilespmem:$0x5600] =	vst v63  }
0x4a: {  	_ =	swait.ge [sflag:s8], $0x80  }
0x4b: {  	[sflag:s8] =	ssyncset.done $0x0  }
0x4c: {  	[sflag:s8] =	ssyncadd.s32 $0xFFFFFF80  }
0x4d: {  	[spmem:s21] =	stream.linear.scatter [tilespmem:s9], [sflag:$0x3], $0x80, $0x38;
	[tilespmem:$0x5600] =	vst v63  }
0x4e: {  	_ =	swait.ge [sflag:s8], $0x80  }
0x4f: {  	[sflag:s8] =	ssyncset.done $0x0  }
0x50: {  	[sflag:s8] =	ssyncadd.s32 $0xFFFFFF80  }
0x51: {  	[spmem:s24] =	stream.linear.scatter [tilespmem:s9], [sflag:$0x3], $0x80, $0x38;
	[tilespmem:$0x5600] =	vst v63  }
0x52: {  	_ =	swait.ge [sflag:s8], $0x80  }
0x53: {  	[sflag:s8] =	ssyncset.done $0x0  }
0x54: {  	[sflag:s8] =	ssyncadd.s32 $0xFFFFFF80  }
0x55: {  	[spmem:s25] =	stream.linear.scatter [tilespmem:s9], [sflag:$0x3], $0x80, $0x38;
	[tilespmem:$0x5600] =	vst v63  }
0x56: {  	_ =	swait.ge [sflag:s8], $0x80  }
0x57: {  	[sflag:s8] =	ssyncset.done $0x0  }
0x58: {  	[sflag:s8] =	ssyncadd.s32 $0xFFFFFF80  }
0x59: {  	[spmem:s26] =	stream.linear.scatter [tilespmem:s9], [sflag:$0x3], $0x80, $0x38;
	[tilespmem:$0x5600] =	vst v63  }
0x5a: {  	_ =	swait.ge [sflag:s8], $0x80  }
0x5b: {  	[sflag:s8] =	ssyncset.done $0x0  }
0x5c: {  	[sflag:s8] =	ssyncadd.s32 $0xFFFFFF80  }
0x5d: {  	[spmem:s28] =	stream.linear.scatter [tilespmem:s9], [sflag:$0x3], $0x80, $0x38;
	[tilespmem:$0x5600] =	vst v63  }
0x5e: {  	_ =	swait.ge [sflag:s8], $0x80  }
0x5f: {  	[sflag:s8] =	ssyncset.done $0x0  }
0x60: {  	[sflag:s8] =	ssyncadd.s32 $0xFFFFFF80  }
0x61: {  	s16 =	simm.s32 $0x0;
	[bflag:$0x0] =	sbarrier.arrive $0xFFFF  }
0x62: {  	[spmem:s2] =	stream.indirect.scatter.add.f32 [tilespmem:s11], [sflag:$0x1], $0x1, s16, s10, $0xb8;
	[tilespmem:$0x5600] =	vst v63  }
0x63: {  	s15 =	simm.s32 $0x200;
	s16 =	simm.s32 $0x2800  }
.LBB2_2:
0x64: {  	[spmem:s3] =	stream.indirect.scatter.add.f32 [tilespmem:s11], [sflag:$0x2], $0x1, s16, s10, $0xb8;
	[tilespmem:$0x5600] =	vst v63  }
0x65: {  	s16 =	smov.u32 s15;
	p0 =	sne.s32 s15, $0x9E00  }
.Ltmp0:
0x66: {  	s15 =	sadd.s32 $0x200, s15;
	(pc) =	sbr.rel @p0 .LBB2_2-.Ltmp0, $4  }
0x67: {  	_ = 	snop  }
0x68: {  	s16 =	sshra.s32 s16, $0x2  }
0x69: {  	[spmem:s2] =	stream.indirect.scatter.add.f32 [tilespmem:s11], [sflag:$0x1], $0x1, s16, s10, $0xb8;
	[tilespmem:$0x5600] =	vst v63  }
0x6a: {  	s16 =	sadd.s32 $0x2800, s16  }
0x6b: {  	[spmem:s3] =	stream.indirect.scatter.add.f32 [tilespmem:s11], [sflag:$0x2], $0x1, s16, s10, $0xb8;
	[tilespmem:$0x5600] =	vst v63  }
0x6c: {  	_ =	swait.ge [sflag:s12], $0x80  }
0x6d: {  	[sflag:s12] =	ssyncset.done $0x0  }
0x6e: {  	[sflag:s12] =	ssyncadd.s32 $0xFFFFFF80  }
0x6f: {  	_ =	swait.ge [sflag:s13], $0x80  }
0x70: {  	s15 =	simm.s32 $0x4F;
	[sflag:s13] =	ssyncset.done $0x0  }
.LBB2_4:
0x71: {  	p0 =	sne.s32 s15, $0x1;
	s15 =	sadd.s32 $0xFFFFFFFF, s15;
	[sflag:s13] =	ssyncadd.s32 $0xFFFFFF80  }
.Ltmp1:
0x72: {  	_ =	swait.ge [sflag:s12], $0x80;
	(pc) =	sbr.rel @p0 .LBB2_4-.Ltmp1, $4  }
0x73: {  	[sflag:s12] =	ssyncset.done $0x0  }
0x74: {  	[sflag:s12] =	ssyncadd.s32 $0xFFFFFF80  }
0x75: {  	_ =	swait.ge [sflag:s13], $0x80  }
0x76: {  	[sflag:s13] =	ssyncset.done $0x0  }
0x77: {  	[sflag:s13] =	ssyncadd.s32 $0xFFFFFF80  }
0x78: {  	[bflag:$0x0] =	sbarrier.arrive $0xFFFF  }
0x79: {  	[tilespmem:s9], [sflag:$0x3] =	stream.linear.gather [spmem:s22], $0x80, $0x38;
	[tilespmem:$0x5600] =	vst v63  }
0x7a: {  	_ =	swait.ge [sflag:s8], $0x80  }
0x7b: {  	[sflag:s8] =	ssyncset.done $0x0  }
0x7c: {  	s15 =	rddreg [dreg:$0xa];
	[sflag:s8] =	ssyncadd.s32 $0xFFFFFF80  }
0x7d: {  	[hbm4b:s15+s4] =	stream.linear.scatter [tilespmem:s9], [sflag:$0x3], $0x80, $0x38;
	[tilespmem:$0x5600] =	vst v63  }
0x7e: {  	_ =	swait.ge [sflag:s8], $0x80  }
0x7f: {  	[sflag:s8] =	ssyncset.done $0x0  }
0x80: {  	[sflag:s8] =	ssyncadd.s32 $0xFFFFFF80  }
0x81: {  	[tilespmem:s9], [sflag:$0x3] =	stream.linear.gather [spmem:s23], $0x80, $0x38;
	[tilespmem:$0x5600] =	vst v63  }
0x82: {  	_ =	swait.ge [sflag:s8], $0x80  }
0x83: {  	[sflag:s8] =	ssyncset.done $0x0  }
0x84: {  	s16 =	rddreg [dreg:$0xb];
	[sflag:s8] =	ssyncadd.s32 $0xFFFFFF80  }
0x85: {  	[hbm4b:s16+s4] =	stream.linear.scatter [tilespmem:s9], [sflag:$0x3], $0x80, $0x38;
	[tilespmem:$0x5600] =	vst v63  }
0x86: {  	_ =	swait.ge [sflag:s8], $0x80  }
0x87: {  	[sflag:s8] =	ssyncset.done $0x0  }
0x88: {  	[sflag:s8] =	ssyncadd.s32 $0xFFFFFF80  }
0x89: {  	[tilespmem:s9], [sflag:$0x3] =	stream.linear.gather [spmem:s29], $0x80, $0x38;
	[tilespmem:$0x5600] =	vst v63  }
0x8a: {  	_ =	swait.ge [sflag:s8], $0x80  }
0x8b: {  	[sflag:s8] =	ssyncset.done $0x0  }
0x8c: {  	s16 =	rddreg [dreg:$0xc];
	[sflag:s8] =	ssyncadd.s32 $0xFFFFFF80  }
0x8d: {  	[hbm4b:s16+s4] =	stream.linear.scatter [tilespmem:s9], [sflag:$0x3], $0x80, $0x38;
	[tilespmem:$0x5600] =	vst v63  }
0x8e: {  	_ =	swait.ge [sflag:s8], $0x80  }
0x8f: {  	[sflag:s8] =	ssyncset.done $0x0  }
0x90: {  	[sflag:s8] =	ssyncadd.s32 $0xFFFFFF80  }
0x91: {  	[tilespmem:s9], [sflag:$0x3] =	stream.linear.gather [spmem:s30], $0x80, $0x38;
	[tilespmem:$0x5600] =	vst v63  }
0x92: {  	_ =	swait.ge [sflag:s8], $0x80  }
0x93: {  	[sflag:s8] =	ssyncset.done $0x0  }
0x94: {  	s16 =	rddreg [dreg:$0xd];
	[sflag:s8] =	ssyncadd.s32 $0xFFFFFF80  }
0x95: {  	[hbm4b:s16+s4] =	stream.linear.scatter [tilespmem:s9], [sflag:$0x3], $0x80, $0x38;
	[tilespmem:$0x5600] =	vst v63  }
0x96: {  	_ =	swait.ge [sflag:s8], $0x80  }
0x97: {  	[sflag:s8] =	ssyncset.done $0x0  }
0x98: {  	[sflag:s8] =	ssyncadd.s32 $0xFFFFFF80  }
0x99: {  	[tilespmem:s9], [sflag:$0x3] =	stream.linear.gather [spmem:s31], $0x80, $0x38;
	[tilespmem:$0x5600] =	vst v63  }
0x9a: {  	_ =	swait.ge [sflag:s8], $0x80  }
0x9b: {  	[sflag:s8] =	ssyncset.done $0x0  }
0x9c: {  	s16 =	rddreg [dreg:$0xe];
	[sflag:s8] =	ssyncadd.s32 $0xFFFFFF80  }
0x9d: {  	[hbm4b:s16+s4] =	stream.linear.scatter [tilespmem:s9], [sflag:$0x3], $0x80, $0x38;
	[tilespmem:$0x5600] =	vst v63  }
0x9e: {  	_ =	swait.ge [sflag:s8], $0x80  }
0x9f: {  	[sflag:s8] =	ssyncset.done $0x0  }
0xa0: {  	[sflag:s8] =	ssyncadd.s32 $0xFFFFFF80  }
0xa1: {  	[tilespmem:s9], [sflag:$0x3] =	stream.linear.gather [spmem:s1], $0x80, $0x38;
	[tilespmem:$0x5600] =	vst v63  }
0xa2: {  	_ =	swait.ge [sflag:s8], $0x80  }
0xa3: {  	[sflag:s8] =	ssyncset.done $0x0  }
0xa4: {  	s16 =	rddreg [dreg:$0xf];
	[sflag:s8] =	ssyncadd.s32 $0xFFFFFF80  }
0xa5: {  	[hbm4b:s16+s4] =	stream.linear.scatter [tilespmem:s9], [sflag:$0x3], $0x80, $0x38;
	[tilespmem:$0x5600] =	vst v63  }
0xa6: {  	_ =	swait.ge [sflag:s8], $0x80  }
0xa7: {  	[sflag:s8] =	ssyncset.done $0x0  }
0xa8: {  	[sflag:s8] =	ssyncadd.s32 $0xFFFFFF80  }
0xa9: {  	[tilespmem:s9], [sflag:$0x3] =	stream.linear.gather [spmem:s0], $0x80, $0x38;
	[tilespmem:$0x5600] =	vst v63  }
0xaa: {  	_ =	swait.ge [sflag:s8], $0x80  }
0xab: {  	[sflag:s8] =	ssyncset.done $0x0  }
0xac: {  	s16 =	rddreg [dreg:$0x10];
	[sflag:s8] =	ssyncadd.s32 $0xFFFFFF80  }
0xad: {  	[hbm4b:s16+s4] =	stream.linear.scatter [tilespmem:s9], [sflag:$0x3], $0x80, $0x38;
	[tilespmem:$0x5600] =	vst v63  }
0xae: {  	_ =	swait.ge [sflag:s8], $0x80  }
0xaf: {  	[sflag:s8] =	ssyncset.done $0x0  }
0xb0: {  	[sflag:s8] =	ssyncadd.s32 $0xFFFFFF80  }
0xb1: {  	[tilespmem:s9], [sflag:$0x3] =	stream.linear.gather [spmem:s5], $0x80, $0x38;
	[tilespmem:$0x5600] =	vst v63  }
0xb2: {  	_ =	swait.ge [sflag:s8], $0x80  }
0xb3: {  	[sflag:s8] =	ssyncset.done $0x0  }
0xb4: {  	[sflag:s8] =	ssyncadd.s32 $0xFFFFFF80  }
0xb5: {  	[hbm4b:s17+s4] =	stream.linear.scatter [tilespmem:s9], [sflag:$0x3], $0x80, $0x38;
	[tilespmem:$0x5600] =	vst v63  }
0xb6: {  	_ =	swait.ge [sflag:s8], $0x80  }
0xb7: {  	[sflag:s8] =	ssyncset.done $0x0  }
0xb8: {  	[sflag:s8] =	ssyncadd.s32 $0xFFFFFF80  }
0xb9: {  	[tilespmem:s9], [sflag:$0x3] =	stream.linear.gather [spmem:s6], $0x80, $0x38;
	[tilespmem:$0x5600] =	vst v63  }
0xba: {  	_ =	swait.ge [sflag:s8], $0x80  }
0xbb: {  	[sflag:s8] =	ssyncset.done $0x0  }
0xbc: {  	[sflag:s8] =	ssyncadd.s32 $0xFFFFFF80  }
0xbd: {  	[hbm4b:s18+s4] =	stream.linear.scatter [tilespmem:s9], [sflag:$0x3], $0x80, $0x38;
	[tilespmem:$0x5600] =	vst v63  }
0xbe: {  	_ =	swait.ge [sflag:s8], $0x80  }
0xbf: {  	[sflag:s8] =	ssyncset.done $0x0  }
0xc0: {  	[sflag:s8] =	ssyncadd.s32 $0xFFFFFF80  }
0xc1: {  	[tilespmem:s9], [sflag:$0x3] =	stream.linear.gather [spmem:s7], $0x80, $0x38;
	[tilespmem:$0x5600] =	vst v63  }
0xc2: {  	_ =	swait.ge [sflag:s8], $0x80  }
0xc3: {  	[sflag:s8] =	ssyncset.done $0x0  }
0xc4: {  	[sflag:s8] =	ssyncadd.s32 $0xFFFFFF80  }
0xc5: {  	[hbm4b:s19+s4] =	stream.linear.scatter [tilespmem:s9], [sflag:$0x3], $0x80, $0x38;
	[tilespmem:$0x5600] =	vst v63  }
0xc6: {  	_ =	swait.ge [sflag:s8], $0x80  }
0xc7: {  	s14 =	sadd.s32 $0x1, s14;
	s16 =	rddreg [dreg:$0x7]  }
0xc8: {  	p0 =	sne.s32 s14, s16  }
.Ltmp2:
0xc9: {  	_ = 	snop;
	(pc) =	sbr.rel @p0 .LBB2_1-.Ltmp2, $3  }
0xca: {  	_ =	sdelay $0x1  }
0xcb: {  	[sflag:s8] =	ssyncset.done $0x0  }
0xcc: {  	[sflag:s8] =	ssyncadd.s32 $0xFFFFFF80  }
0xcd: {  	_ =	sfence.sel $0x180000  }
0xce: {  	[bflag:$0x0] =	sbarrier.arrive $0xFFFF  }
0xcf: {  	_ =	strace $0x90000047  }
0xd0: {  	s0 =	stileid.u32;
	[bflag:$0x2] =	sbarrier.arrive $0xFFFF  }
0xd1: {  	p0 =	sne.s32 s0, $0x0;
	s0 =	rddreg [dreg:$0x4]  }
0xd2: {  	s0 =	sadd.s32 @!p0 $0x100000, s0  }
0xd3: {  	[sflag:s0] =	ssyncadd.tile.s32 @!p0 $0x1;
	_ =	shalt  }
.Lfunc_end2:
_tile_overlayer_lowered:
.L_overlay_start_2:
0xd4: {  	(tag) =	ssettag $0x2  }
0xd5: {  	s0 =	rddreg [dreg:$0x0];
	s2 =	stileid.u32  }
0xd6: {  	s1 =	rddreg [dreg:$0x1];
	p0 =	sne.s32 s2, $0x0  }
0xd7: {  	s3 =	rddreg [dreg:$0x2];
	[bflag:$0x3] =	sbarrier.arrive $0xFFFF;
	s2 =	simm.s32 @!p0 $0x1C03  }
0xd8: {  	[timem:s3], [sflag:s2] =	dma.local @!p0 [hbm:s0], s1  }
0xd9: {  	s0 =	simm.s32 @!p0 $0x3  }
0xda: {  	_ =	swait.ge @!p0 [sflag:s0], s1  }
0xdb: {  	s1 =	ssub.s32 @!p0 $0x0, s1;
	[sflag:s0] =	ssyncset.done @!p0 $0x0  }
0xdc: {  	[sflag:s0] =	ssyncadd.s32 @!p0 s1  }
0xdd: {  	[bflag:$0x3] =	sbarrier.arrive $0xFFFF  }
0xde: {  	_ =	shalt  }

// kernel: kernel.13.cloned.1.call-start
scs
__scs_entry_jumppad:
0x0: {  	(pc) =	sbr.rel $0x88, $3  }
0x1: {  	(tag) =	ssettag $0x0;
	lr =	simm.s32 $0x1  }
0x2: {  	[smem:$0x3F99] =	sst lr;
	_ =	strace $0xD0000000  }
0x3: {  	_ = 	snop  }
0x4: {  	_ = 	snop  }
0x5: {  	_ = 	snop  }
0x6: {  	_ = 	snop  }
0x7: {  	_ = 	snop  }
__scs_overlays_trampoline_lowered:
0x8: {  	[smem:$0x3FA8] =	sst s0  }
0x9: {  	[smem:$0x3FA9] =	sst s1  }
0xa: {  	[smem:$0x3FAA] =	sst s2  }
0xb: {  	[smem:$0x3FAB] =	sst s3  }
0xc: {  	[smem:$0x3FAC] =	sst s4  }
0xd: {  	[smem:$0x3FAD] =	sst s5  }
0xe: {  	[smem:$0x3FAE] =	sst s6  }
0xf: {  	[smem:$0x3FAF] =	sst s7  }
0x10: {  	[smem:$0x3FB0] =	sst s8  }
0x11: {  	[smem:$0x3FB1] =	sst s9;
	s0 =	simm.s32 @!p0 $0x0  }
0x12: {  	s1 =	sld [smem:$0x3F97];
	s0 =	simm.s32 @p0 $0x1  }
0x13: {  	[smem:$0x3FB2] =	sst s0;
	s0 =	simm.s32 @!p1 $0x0  }
0x14: {  	s2 =	sld [smem:$0x3F96];
	s0 =	simm.s32 @p1 $0x1  }
0x15: {  	[smem:$0x3FB3] =	sst s0;
	s0 =	simm.s32 @!p2 $0x0  }
0x16: {  	s3 =	sld [smem:$0x3FDB];
	s0 =	simm.s32 @p2 $0x1  }
0x17: {  	s4 =	simm.s32 $0x1BF5;
	[smem:$0x3FB5] =	sst s0  }
0x18: {  	s0 =	sld [smem:$0x3F98];
	_ =	swait.ge [sflag:s4], $0x0  }
0x19: {  	s7 =	sld [smem:$0x3F99]  }
0x1a: {  	s8 =	sadd.s32 $0xFFFFE003, lr  }
0x1b: {  	s9 =	sadd.s32 $0xFFFFFEF7, lr;
	s5 =	simm.s32 $0xFFFFFFFF;
	p2 =	slt.u32 s8, $0xFFFFF086  }
0x1c: {  	p1 =	slt.u32 s9, $0xF7A;
	s5 =	simm.s32 @!p2 $0x0  }
0x1d: {  	s5 =	simm.s32 @p1 $0x1;
	p0 =	seq.s32 s7, s2  }
0x1e: {  	s7 =	smul.u32 @!p0 $0xF7A, s2;
	p2 =	seq.s32 @!p0 s5, $0x0  }
0x1f: {  	s9 =	smul.u32 $0xF7A, s1;
	s8 =	simm.s32 @!p0 $0x1BF5;
	p2 =	por !p2, p0  }
0x20: {  	[sflag:s8] =	ssyncset.s32 @!p0 $0xFFFFF086;
	s6 =	sadd.s32 @!p0 s3, s7;
	s7 =	simm.s32 @!p0 $0x108  }
0x21: {  	s3 =	sadd.s32 s3, s9;
	s6 =	sadd.s32 @!p0 $0x88, s6;
	s7 =	simm.s32 @p2 $0x1082  }
0x22: {  	[simem:s7], [sflag:s8] =	dma.local @!p0 [hbm:s6], $0xF7A  }
0x23: {  	s9 =	sor.u32 $0xD0000000, s2;
	s6 =	simm.s32 $0x108;
	_ =	swait.ge @!p0 [sflag:s8], $0x0  }
0x24: {  	s3 =	sadd.s32 $0x88, s3;
	s6 =	simm.s32 @!p1 $0x1082;
	[sflag:s4] =	ssyncset.s32 $0xFFFFF086  }
0x25: {  	[simem:s6], [sflag:s4] =	dma.local [hbm:s3], $0xF7A  }
0x26: {  	[smem:$0x3F99] =	sst s1;
	(tag) =	ssettag s2;
	_ =	strace s9  }
0x27: {  	s1 =	sld [smem:$0x3FA9]  }
0x28: {  	s2 =	sld [smem:$0x3FAA]  }
0x29: {  	s4 =	sld [smem:$0x3FAC]  }
0x2a: {  	p0 =	seq.s32 s5, $0x0;
	s5 =	sld [smem:$0x3FAD]  }
0x2b: {  	s6 =	sld [smem:$0x3FAE]  }
0x2c: {  	s7 =	sld [smem:$0x3FAF]  }
0x2d: {  	s3 =	simm.s32 $0x108;
	s8 =	sld [smem:$0x3FB0]  }
0x2e: {  	s3 =	simm.s32 @!p0 $0x1082;
	s9 =	sld [smem:$0x3FB1]  }
0x2f: {  	lr =	sadd.s32 s0, s3;
	s0 =	sld [smem:$0x3FA8]  }
0x30: {  	s3 =	sld [smem:$0x3FAB]  }
0x31: {  	[smem:$0x3FB4] =	sst s10  }
0x32: {  	s10 =	sld [smem:$0x3FB2];
	_ =	sdelay $0x3  }
0x33: {  	p0 =	seq.s32 s10, $0x1;
	s10 =	sld [smem:$0x3FB4];
	_ =	sdelay $0x3  }
0x34: {  	[smem:$0x3FB4] =	sst s10  }
0x35: {  	s10 =	sld [smem:$0x3FB3];
	_ =	sdelay $0x3  }
0x36: {  	p1 =	seq.s32 s10, $0x1;
	s10 =	sld [smem:$0x3FB4];
	_ =	sdelay $0x3  }
0x37: {  	[smem:$0x3FB4] =	sst s10  }
0x38: {  	s10 =	sld [smem:$0x3FB5]  }
0x39: {  	_ = 	snop;
	(pc) =	sbr.ind lr, $3  }
0x3a: {  	_ = 	snop  }
0x3b: {  	_ = 	snop  }
0x3c: {  	p2 =	seq.s32 s10, $0x1;
	s10 =	sld [smem:$0x3FB4]  }
0x3d: {  	_ =	shalt  }
0x3e: {  	_ =	shalt  }
0x3f: {  	_ =	shalt  }
0x40: {  	_ =	shalt  }
0x41: {  	_ =	shalt  }
0x42: {  	_ =	shalt  }
0x43: {  	_ =	shalt  }
0x44: {  	_ =	shalt  }
0x45: {  	_ =	shalt  }
0x46: {  	_ =	shalt  }
0x47: {  	_ =	shalt  }
0x48: {  	_ =	shalt  }
0x49: {  	_ =	shalt  }
0x4a: {  	_ =	shalt  }
0x4b: {  	_ =	shalt  }
0x4c: {  	_ =	shalt  }
0x4d: {  	_ =	shalt  }
0x4e: {  	_ =	shalt  }
0x4f: {  	_ =	shalt  }
0x50: {  	_ =	shalt  }
0x51: {  	_ =	shalt  }
0x52: {  	_ =	shalt  }
0x53: {  	_ =	shalt  }
0x54: {  	_ =	shalt  }
0x55: {  	_ =	shalt  }
0x56: {  	_ =	shalt  }
0x57: {  	_ =	shalt  }
0x58: {  	_ =	shalt  }
0x59: {  	_ =	shalt  }
0x5a: {  	_ =	shalt  }
0x5b: {  	_ =	shalt  }
0x5c: {  	_ =	shalt  }
0x5d: {  	_ =	shalt  }
0x5e: {  	_ =	shalt  }
0x5f: {  	_ =	shalt  }
0x60: {  	_ =	shalt  }
0x61: {  	_ =	shalt  }
0x62: {  	_ =	shalt  }
0x63: {  	_ =	shalt  }
0x64: {  	_ =	shalt  }
0x65: {  	_ =	shalt  }
0x66: {  	_ =	shalt  }
0x67: {  	_ =	shalt  }
0x68: {  	_ =	shalt  }
0x69: {  	_ =	shalt  }
0x6a: {  	_ =	shalt  }
0x6b: {  	_ =	shalt  }
0x6c: {  	_ =	shalt  }
0x6d: {  	_ =	shalt  }
0x6e: {  	_ =	shalt  }
0x6f: {  	_ =	shalt  }
0x70: {  	_ =	shalt  }
0x71: {  	_ =	shalt  }
0x72: {  	_ =	shalt  }
0x73: {  	_ =	shalt  }
0x74: {  	_ =	shalt  }
0x75: {  	_ =	shalt  }
0x76: {  	_ =	shalt  }
0x77: {  	_ =	shalt  }
0x78: {  	_ =	shalt  }
0x79: {  	_ =	shalt  }
0x7a: {  	_ =	shalt  }
0x7b: {  	_ =	shalt  }
0x7c: {  	_ =	shalt  }
0x7d: {  	_ =	shalt  }
0x7e: {  	_ =	shalt  }
0x7f: {  	_ =	shalt  }
0x80: {  	_ =	shalt  }
0x81: {  	_ =	shalt  }
0x82: {  	_ =	shalt  }
0x83: {  	_ =	shalt  }
0x84: {  	_ =	shalt  }
0x85: {  	_ =	shalt  }
0x86: {  	_ =	shalt  }
0x87: {  	_ =	shalt  }
.Lfunc_end0:
.L_simem_size_0:
called_computation.1_lowered:
.L_overlay_start_0:
0x88: {  	s2 =	sld [smem:$0x3FD9]  }
0x89: {  	s3 =	sld [smem:$0x3FFE];
	_ =	sdelay $0x1  }
0x8a: {  	s1 =	srdreg.scid  }
0x8b: {  	s0 =	sand.u32 $0x1, s1  }
0x8c: {  	s16 =	sshll.u32 s0, $0xA;
	s2 =	sadd.s32 s3, s2  }
0x8d: {  	s2 =	sadd.s32 s2, s16  }
0x8e: {  	[smem:$0x3FC0] =	sst s2  }
0x8f: {  	_ = 	snop  }
0x90: {  	(tm) =	ssettm $0x1  }
0x91: {  	s17 =	sld [smem:$0x3FFB];
	_ =	sdelay $0x3  }
0x92: {  	_ =	strace s17  }
0x93: {  	s2 =	sld [smem:$0x3FFC];
	_ =	sdelay $0x3  }
0x94: {  	_ =	strace s2  }
0x95: {  	s2 =	sld [smem:$0x3FFD];
	_ =	sdelay $0x3  }
0x96: {  	_ =	strace s2  }
0x97: {  	_ =	strace $0x8FFFFFFF  }
0x98: {  	s18 =	sld [smem:$0x3FDB];
	_ =	sdelay $0x1  }
0x99: {  	s19 =	simm.s32 $_scs_section_size  }
0x9a: {  	s4 =	simm.s32 $_size__tile_overlayer_lowered;
	s5 =	simm.s32 $_tile_overlayer_lowered  }
0x9b: {  	s22 =	simm.s32 $0x1BFF;
	s21 =	sshll.u32 s5, $0x1;
	s2 =	sadd.s32 s19, s18  }
0x9c: {  	s6 =	simm.s32 $0x0;
	s20 =	sshll.u32 s4, $0x1;
	s4 =	sadd.s32 s21, s2  }
0x9d: {  	[timem:s6], [sflag:s22] =	dma.local [hbm:s4], s20  }
0x9e: {  	_ =	swait.ge [sflag:s22], s20  }
0x9f: {  	s3 =	ssub.s32 $0x0, s20;
	[sflag:s22] =	ssyncset.done $0x0  }
0xa0: {  	[sflag:s22] =	ssyncadd.s32 s3;
	_ =	sdelay $0x1  }
0xa1: {  	s23 =	simm.s32 $0x1B8B  }
0xa2: {  	_ =	swait.ge [sflag:s23], $0x1  }
0xa3: {  	[sflag:s23] =	ssyncset.done $0x0  }
0xa4: {  	s25 =	simm.s32 $0x1B8E;
	s24 =	sld [smem:$0x3FFE];
	[sflag:s23] =	ssyncadd.s32 $0xFFFFFFFF  }
0xa5: {  	s26 =	simm.s32 $execute0_lowered;
	[smem:$0x3FD2] =	sst s25  }
0xa6: {  	s4 =	sshll.u32 s26, $0x1;
	_ =	strace $0x80000049;
	[dreg:$0x1] =	wrdreg $0xFFFFFFFF  }
0xa7: {  	s28 =	simm.s32 $_size_execute0_lowered;
	s2 =	sadd.s32 s2, s4;
	[dreg:$0x0] =	wrdreg $0x0  }
0xa8: {  	s4 =	sshll.u32 s28, $0x1;
	[dreg:$0x2] =	wrdreg s2  }
0xa9: {  	[dreg:$0x3] =	wrdreg s4  }
0xaa: {  	[dreg:$0x4] =	wrdreg $0xC0  }
0xab: {  	_ =	task [dreg:s6], $0x5FFFF  }
0xac: {  	[dreg:$0x1] =	wrdreg $0xFFFFFFFF  }
0xad: {  	[dreg:$0x0] =	wrdreg $0x60  }
0xae: {  	[dreg:$0x2] =	wrdreg s24  }
0xaf: {  	[dreg:$0x3] =	wrdreg $0x140000  }
0xb0: {  	[dreg:$0x4] =	wrdreg $0x9  }
0xb1: {  	_ =	task.clear_ibuf [dreg:s6], $0x5FFFF;
	_ =	strace $0x90000049  }
0xb2: {  	s29 =	simm.s32 $0x9;
	_ =	strace $0x8000004B  }
0xb3: {  	_ =	swait.ge [sflag:s29], $0x1  }
0xb4: {  	[sflag:s29] =	ssyncadd.s32 $0xFFFFFFFF  }
0xb5: {  	_ =	strace $0x9000004B  }
0xb6: {  	_ =	sfence  }
0xb7: {  	s30 =	sld [smem:$0x0];
	_ =	sdelay $0x2  }
0xb8: {  	s31 =	sshll.u32 s1, $0xD;
	s1 =	sshrl.u32 s1, $0x2  }
0xb9: {  	s3 =	sand.u32 $0x4000, s31;
	s1 =	sadd.s32 s1, s30  }
0xba: {  	s0 =	sor.u32 s3, s0;
	s1 =	sshll.u32 s1, $0x11  }
0xbb: {  	s0 =	sor.u32 s1, s0  }
0xbc: {  	s0 =	sadd.s32 $0x8F2B, s0  }
0xbd: {  	[sflag:s0] =	ssyncadd.remote.s32 $0x1  }
0xbe: {  	_ =	sfence.sel $0xFFFF  }
0xbf: {  	[dreg:$0x0] =	wrdreg $0xFFFFFFFF;
	(pc) =	sbr.abs _section_cstart, $3  }
0xc0: {  	[dreg:$0x1] =	wrdreg $0xFFFFFFFF  }
0xc1: {  	_ =	task.clear_ibuf [dreg:s6], $0x2FFFF;
	_ =	strace $0x9FFFFFFF  }
0xc2: {  	(tm) =	ssettm $0x7FFFFFFF  }
0xc3: {  	_ =	shalt  }
tec
execute0_lowered:
.L_overlay_start_1:
0x0: {  	(tag) =	ssettag $0x1  }
0x1: {  	s0 =	rddreg [dreg:$0x0]  }
0x2: {  	s1 =	srdreg.scid;
	s9 =	stileid.u32  }
0x3: {  	s2 =	rddreg [dreg:$0x1];
	s3 =	simm.s32 $0x0;
	s29 =	simm.s32 $0xE000  }
0x4: {  	s31 =	simm.s32 $0x10000;
	s28 =	simm.s32 $0x2;
	s30 =	simm.s32 $0x3  }
0x5: {  	s10 =	simm.s32 $0x9;
	s11 =	simm.s32 $0xA;
	s12 =	simm.s32 $0x0  }
0x6: {  	s1 =	sand.u32 $0x1, s1;
	s5 =	smul.u32 $0x5000, s9;
	[smem:$0x7FF] =	sst s3  }
0x7: {  	s14 =	sshll.u32 s9, $0xD;
	s9 =	simm.s32 $0x8;
	s4 =	smul.u32 $0x50000, s1  }
0x8: {  	_ =	strace $0x8000004A;
	s7 =	ssub.s32 $0x2, s1;
	s1 =	smul.u32 $0xA0000, s1  }
0x9: {  	s20 =	sor.u32 $0x20000, s14;
	s23 =	sor.u32 $0x40000, s14;
	s25 =	sor.u32 $0x60000, s14  }
0xa: {  	s8 =	sshrl.u32 s7, $0x1;
	s6 =	sadd.s32 s5, s4;
	s4 =	sadd.s32 $0x2BE00, s0  }
0xb: {  	s5 =	sshrl.u32 s5, $0x3;
	s8 =	ssub.s32 s7, s8;
	s7 =	sadd.s32 s14, s2  }
0xc: {  	s18 =	sor.u32 s1, s14;
	s22 =	sadd.s32 s1, s20;
	s15 =	smax.u32 s8, $0x1  }
0xd: {  	s24 =	sadd.s32 s1, s23;
	s16 =	sadd.s32 $0x20000, s7;
	[dreg:$0x5] =	wrdreg s15  }
0xe: {  	s26 =	sadd.s32 s1, s25;
	s17 =	sadd.s32 $0x40000, s7;
	[dreg:$0x6] =	wrdreg s16  }
0xf: {  	s6 =	sshrl.u32 s6, $0x3;
	s19 =	sadd.s32 $0x60000, s7;
	[dreg:$0x7] =	wrdreg s17  }
0x10: {  	s5 =	sadd.s32 s5, s0;
	s21 =	sadd.s32 $0x80000, s7;
	[dreg:$0x8] =	wrdreg s19  }
0x11: {  	s8 =	sadd.s32 s20, s2;
	s6 =	sadd.s32 s6, s0;
	[dreg:$0x9] =	wrdreg s21  }
0x12: {  	s0 =	sadd.s32 $0x53E00, s0;
	s5 =	sadd.s32 $0x21E00, s5;
	[dreg:$0xb] =	wrdreg s8  }
0x13: {  	s16 =	sadd.s32 s23, s2;
	s23 =	simm.s32 $0x1;
	s8 =	simm.s32 $0x7  }
0x14: {  	s6 =	sadd.s32 $0xDE00, s6;
	[dreg:$0x4] =	wrdreg s5;
	s5 =	sshrl.u32 s18, $0x3  }
0x15: {  	s18 =	sadd.s32 s25, s2;
	[dreg:$0x3] =	wrdreg s6;
	s5 =	sadd.s32 s0, s5  }
0x16: {  	s25 =	simm.s32 $0x80;
	s6 =	sor.u32 $0x80000, s14;
	[dreg:$0xa] =	wrdreg s5  }
0x17: {  	s5 =	sshrl.u32 s22, $0x3;
	s1 =	sadd.s32 s1, s6;
	s20 =	sadd.s32 s6, s2  }
0x18: {  	s22 =	simm.s32 $0xB;
	s6 =	simm.s32 $0x6;
	s5 =	sadd.s32 s0, s5  }
0x19: {  	s1 =	sshrl.u32 s1, $0x3;
	[dreg:$0xc] =	wrdreg s5;
	s5 =	sshrl.u32 s24, $0x3  }
0x1a: {  	s21 =	sadd.s32 s0, s1;
	s24 =	simm.s32 $0xA000;
	s1 =	simm.s32 $0x4  }
0x1b: {  	s17 =	sadd.s32 s0, s5;
	s5 =	sshrl.u32 s26, $0x3;
	s26 =	simm.s32 $0xC000  }
0x1c: {  	v0 =	vimm.f32 $0.0e+00;
	s19 =	sadd.s32 s0, s5;
	s0 =	simm.s32 $0x12000;
	s5 =	simm.s32 $0x5  }
.LBB2_1:
0x1d: {  	s13 =	rddreg [dreg:$0x3]  }
0x1e: {  	[tilespmem:s3], [sflag:$0xB] =	stream.linear.gather [hbm4b:s13+s3], $0x5000, $0x38;
	[tilespmem:$0x1E000] =	vst v63  }
0x1f: {  	_ =	swait.ge [sflag:s22], $0x5000  }
0x20: {  	[sflag:s22] =	ssyncset.done $0x0  }
0x21: {  	s14 =	simm.s32 $0x5000;
	s15 =	rddreg [dreg:$0x4];
	[sflag:s22] =	ssyncadd.s32 $0xFFFFB000  }
0x22: {  	[tilespmem:s14], [sflag:$0xB] =	stream.linear.gather [hbm4b:s15+s3], $0x5000, $0x38;
	[tilespmem:$0x1E000] =	vst v63  }
0x23: {  	_ =	swait.ge [sflag:s22], $0x5000  }
0x24: {  	[sflag:s22] =	ssyncset.done $0x0  }
0x25: {  	s13 =	simm.s32 $0x0;
	s14 =	simm.s32 $0x100;
	[sflag:s22] =	ssyncadd.s32 $0xFFFFB000  }
.LBB2_2:
0x26: {  	p0 =	sne.s32 s14, $0x7F00;
	[tilespmem:s13+$0xA030] =	vst v0;
	s15 =	smov.u32 s14;
	s14 =	sadd.s32 $0x100, s14  }
.Ltmp0:
0x27: {  	[tilespmem:s13+$0xA020] =	vst v0;
	(pc) =	sbr.rel @p0 .LBB2_2-.Ltmp0, $3  }
0x28: {  	[tilespmem:s13+$0xA000] =	vst v0  }
0x29: {  	[tilespmem:s13+$0xA010] =	vst v0;
	_ =	sdelay $0x1  }
0x2a: {  	s13 =	sshra.s32 s15, $0x2  }
0x2b: {  	[tilespmem:s13+$0xA030] =	vst v0  }
0x2c: {  	[tilespmem:s13+$0xA020] =	vst v0  }
0x2d: {  	[tilespmem:s13+$0xA000] =	vst v0  }
0x2e: {  	[tilespmem:s13+$0xA010] =	vst v0  }
0x2f: {  	[spmem:s7] =	stream.linear.scatter [tilespmem:s24], [sflag:$0xB], $0x2000, $0x38;
	[tilespmem:$0x1E000] =	vst v63  }
0x30: {  	_ =	swait.ge [sflag:s22], $0x2000  }
0x31: {  	[sflag:s22] =	ssyncset.done $0x0  }
0x32: {  	s15 =	rddreg [dreg:$0x6];
	[sflag:s22] =	ssyncadd.s32 $0xFFFFE000  }
0x33: {  	[spmem:s15] =	stream.linear.scatter [tilespmem:s24], [sflag:$0xB], $0x2000, $0x38;
	[tilespmem:$0x1E000] =	vst v63  }
0x34: {  	_ =	swait.ge [sflag:s22], $0x2000  }
0x35: {  	[sflag:s22] =	ssyncset.done $0x0  }
0x36: {  	s14 =	rddreg [dreg:$0x7];
	[sflag:s22] =	ssyncadd.s32 $0xFFFFE000  }
0x37: {  	[spmem:s14] =	stream.linear.scatter [tilespmem:s24], [sflag:$0xB], $0x2000, $0x38;
	[tilespmem:$0x1E000] =	vst v63  }
0x38: {  	_ =	swait.ge [sflag:s22], $0x2000  }
0x39: {  	[sflag:s22] =	ssyncset.done $0x0  }
0x3a: {  	s15 =	rddreg [dreg:$0x8];
	[sflag:s22] =	ssyncadd.s32 $0xFFFFE000  }
0x3b: {  	[spmem:s15] =	stream.linear.scatter [tilespmem:s24], [sflag:$0xB], $0x2000, $0x38;
	[tilespmem:$0x1E000] =	vst v63  }
0x3c: {  	_ =	swait.ge [sflag:s22], $0x2000  }
0x3d: {  	[sflag:s22] =	ssyncset.done $0x0  }
0x3e: {  	s14 =	rddreg [dreg:$0x9];
	[sflag:s22] =	ssyncadd.s32 $0xFFFFE000  }
0x3f: {  	[spmem:s14] =	stream.linear.scatter [tilespmem:s24], [sflag:$0xB], $0x2000, $0x38;
	[tilespmem:$0x1E000] =	vst v63  }
0x40: {  	_ =	swait.ge [sflag:s22], $0x2000  }
0x41: {  	[sflag:s22] =	ssyncset.done $0x0  }
0x42: {  	[sflag:s22] =	ssyncadd.s32 $0xFFFFE000  }
0x43: {  	s15 =	simm.s32 $0x0;
	[bflag:$0x0] =	sbarrier.arrive $0xFFFF  }
0x44: {  	[tilespmem:s24], [sflag:$0x1] =	stream.indirect.gather [hbm4b:s4+s25], $0x40, s15, s25, $0xb8;
	[tilespmem:$0x1E000] =	vst v63  }
0x45: {  	_ = 	snop  }
0x46: {  	[tilespmem:s26], [sflag:$0x2] =	stream.indirect.gather [hbm4b:s4+s25], $0x40, s25, s25, $0xb8;
	[tilespmem:$0x1E000] =	vst v63  }
0x47: {  	s14 =	simm.s32 $0x100  }
0x48: {  	[tilespmem:s29], [sflag:$0x3] =	stream.indirect.gather [hbm4b:s4+s25], $0x40, s14, s25, $0xb8;
	[tilespmem:$0x1E000] =	vst v63  }
0x49: {  	s15 =	simm.s32 $0x180  }
0x4a: {  	[tilespmem:s31], [sflag:$0x4] =	stream.indirect.gather [hbm4b:s4+s25], $0x40, s15, s25, $0xb8;
	[tilespmem:$0x1E000] =	vst v63  }
0x4b: {  	s14 =	simm.s32 $0x200  }
0x4c: {  	[tilespmem:s0], [sflag:$0x5] =	stream.indirect.gather [hbm4b:s4+s25], $0x40, s14, s25, $0xb8;
	[tilespmem:$0x1E000] =	vst v63  }
0x4d: {  	_ =	swait.ge [sflag:s23], $0x2000  }
0x4e: {  	[sflag:s23] =	ssyncset.done $0x0  }
0x4f: {  	s15 =	simm.s32 $0x5000;
	[sflag:s23] =	ssyncadd.s32 $0xFFFFE000  }
0x50: {  	[spmem:s2] =	stream.indirect.scatter.add.f32 [tilespmem:s24], [sflag:$0x6], $0x40, s15, s25, $0xb8;
	[tilespmem:$0x1E000] =	vst v63  }
0x51: {  	_ =	swait.ge [sflag:s28], $0x2000  }
0x52: {  	[sflag:s28] =	ssyncset.done $0x0  }
0x53: {  	s14 =	simm.s32 $0x5080;
	[sflag:s28] =	ssyncadd.s32 $0xFFFFE000  }
0x54: {  	[spmem:s2] =	stream.indirect.scatter.add.f32 [tilespmem:s26], [sflag:$0x7], $0x40, s14, s25, $0xb8;
	[tilespmem:$0x1E000] =	vst v63  }
0x55: {  	_ =	swait.ge [sflag:s30], $0x2000  }
0x56: {  	[sflag:s30] =	ssyncset.done $0x0  }
0x57: {  	s15 =	simm.s32 $0x5100;
	[sflag:s30] =	ssyncadd.s32 $0xFFFFE000  }
0x58: {  	[spmem:s2] =	stream.indirect.scatter.add.f32 [tilespmem:s29], [sflag:$0x8], $0x40, s15, s25, $0xb8;
	[tilespmem:$0x1E000] =	vst v63  }
0x59: {  	_ =	swait.ge [sflag:s1], $0x2000  }
0x5a: {  	[sflag:s1] =	ssyncset.done $0x0  }
0x5b: {  	s14 =	simm.s32 $0x5180;
	[sflag:s1] =	ssyncadd.s32 $0xFFFFE000  }
0x5c: {  	[spmem:s2] =	stream.indirect.scatter.add.f32 [tilespmem:s31], [sflag:$0x9], $0x40, s14, s25, $0xb8;
	[tilespmem:$0x1E000] =	vst v63  }
0x5d: {  	_ =	swait.ge [sflag:s5], $0x2000  }
0x5e: {  	[sflag:s5] =	ssyncset.done $0x0  }
0x5f: {  	s15 =	simm.s32 $0x5200;
	[sflag:s5] =	ssyncadd.s32 $0xFFFFE000  }
0x60: {  	[spmem:s2] =	stream.indirect.scatter.add.f32 [tilespmem:s0], [sflag:$0xA], $0x40, s15, s25, $0xb8;
	[tilespmem:$0x1E000] =	vst v63  }
0x61: {  	_ =	swait.ge [sflag:s6], $0x2000  }
0x62: {  	[sflag:s6] =	ssyncset.done $0x0  }
0x63: {  	s14 =	simm.s32 $0x280;
	[sflag:s6] =	ssyncadd.s32 $0xFFFFE000  }
0x64: {  	[tilespmem:s24], [sflag:$0x1] =	stream.indirect.gather [hbm4b:s4+s25], $0x40, s14, s25, $0xb8;
	[tilespmem:$0x1E000] =	vst v63  }
0x65: {  	_ =	swait.ge [sflag:s8], $0x2000  }
0x66: {  	[sflag:s8] =	ssyncset.done $0x0  }
0x67: {  	s15 =	simm.s32 $0x300;
	[sflag:s8] =	ssyncadd.s32 $0xFFFFE000  }
0x68: {  	[tilespmem:s26], [sflag:$0x2] =	stream.indirect.gather [hbm4b:s4+s25], $0x40, s15, s25, $0xb8;
	[tilespmem:$0x1E000] =	vst v63  }
0x69: {  	_ =	swait.ge [sflag:s9], $0x2000  }
0x6a: {  	[sflag:s9] =	ssyncset.done $0x0  }
0x6b: {  	s14 =	simm.s32 $0x380;
	[sflag:s9] =	ssyncadd.s32 $0xFFFFE000  }
0x6c: {  	[tilespmem:s29], [sflag:$0x3] =	stream.indirect.gather [hbm4b:s4+s25], $0x40, s14, s25, $0xb8;
	[tilespmem:$0x1E000] =	vst v63  }
0x6d: {  	_ =	swait.ge [sflag:s10], $0x2000  }
0x6e: {  	[sflag:s10] =	ssyncset.done $0x0  }
0x6f: {  	s15 =	simm.s32 $0x400;
	[sflag:s10] =	ssyncadd.s32 $0xFFFFE000  }
0x70: {  	[tilespmem:s31], [sflag:$0x4] =	stream.indirect.gather [hbm4b:s4+s25], $0x40, s15, s25, $0xb8;
	[tilespmem:$0x1E000] =	vst v63  }
0x71: {  	_ =	swait.ge [sflag:s11], $0x2000  }
0x72: {  	[sflag:s11] =	ssyncset.done $0x0  }
0x73: {  	s13 =	simm.s32 $0xA00;
	s14 =	simm.s32 $0x480;
	[sflag:s11] =	ssyncadd.s32 $0xFFFFE000  }
.LBB2_4:
0x74: {  	[tilespmem:s0], [sflag:$0x5] =	stream.indirect.gather [hbm4b:s4+s25], $0x40, s14, s25, $0xb8;
	[tilespmem:$0x1E000] =	vst v63  }
0x75: {  	s14 =	smov.u32 s13  }
0x76: {  	p0 =	sne.s32 s13, $0x12C00;
	s13 =	sadd.s32 $0xA00, s13;
	_ =	swait.ge [sflag:s23], $0x2000  }
0x77: {  	s14 =	sshra.s32 s14, $0x2;
	[sflag:s23] =	ssyncset.done $0x0  }
0x78: {  	s15 =	sadd.s32 $0x5000, s14;
	[sflag:s23] =	ssyncadd.s32 $0xFFFFE000  }
0x79: {  	[spmem:s2] =	stream.indirect.scatter.add.f32 [tilespmem:s24], [sflag:$0x6], $0x40, s15, s25, $0xb8;
	[tilespmem:$0x1E000] =	vst v63  }
0x7a: {  	_ =	swait.ge [sflag:s28], $0x2000  }
0x7b: {  	[sflag:s28] =	ssyncset.done $0x0  }
0x7c: {  	s15 =	sadd.s32 $0x5080, s14;
	[sflag:s28] =	ssyncadd.s32 $0xFFFFE000  }
0x7d: {  	[spmem:s2] =	stream.indirect.scatter.add.f32 [tilespmem:s26], [sflag:$0x7], $0x40, s15, s25, $0xb8;
	[tilespmem:$0x1E000] =	vst v63  }
0x7e: {  	_ =	swait.ge [sflag:s30], $0x2000  }
0x7f: {  	[sflag:s30] =	ssyncset.done $0x0  }
0x80: {  	s15 =	sadd.s32 $0x5100, s14;
	[sflag:s30] =	ssyncadd.s32 $0xFFFFE000  }
0x81: {  	[spmem:s2] =	stream.indirect.scatter.add.f32 [tilespmem:s29], [sflag:$0x8], $0x40, s15, s25, $0xb8;
	[tilespmem:$0x1E000] =	vst v63  }
0x82: {  	_ =	swait.ge [sflag:s1], $0x2000  }
0x83: {  	[sflag:s1] =	ssyncset.done $0x0  }
0x84: {  	s15 =	sadd.s32 $0x5180, s14;
	[sflag:s1] =	ssyncadd.s32 $0xFFFFE000  }
0x85: {  	[spmem:s2] =	stream.indirect.scatter.add.f32 [tilespmem:s31], [sflag:$0x9], $0x40, s15, s25, $0xb8;
	[tilespmem:$0x1E000] =	vst v63  }
0x86: {  	_ =	swait.ge [sflag:s5], $0x2000  }
0x87: {  	[sflag:s5] =	ssyncset.done $0x0  }
0x88: {  	s15 =	sadd.s32 $0x5200, s14;
	[sflag:s5] =	ssyncadd.s32 $0xFFFFE000  }
0x89: {  	[spmem:s2] =	stream.indirect.scatter.add.f32 [tilespmem:s0], [sflag:$0xA], $0x40, s15, s25, $0xb8;
	[tilespmem:$0x1E000] =	vst v63  }
0x8a: {  	_ =	swait.ge [sflag:s6], $0x2000  }
0x8b: {  	[sflag:s6] =	ssyncset.done $0x0  }
0x8c: {  	s15 =	sadd.s32 $0x280, s14;
	[sflag:s6] =	ssyncadd.s32 $0xFFFFE000  }
0x8d: {  	[tilespmem:s24], [sflag:$0x1] =	stream.indirect.gather [hbm4b:s4+s25], $0x40, s15, s25, $0xb8;
	[tilespmem:$0x1E000] =	vst v63  }
0x8e: {  	_ =	swait.ge [sflag:s8], $0x2000  }
0x8f: {  	[sflag:s8] =	ssyncset.done $0x0  }
0x90: {  	s15 =	sadd.s32 $0x300, s14;
	[sflag:s8] =	ssyncadd.s32 $0xFFFFE000  }
0x91: {  	[tilespmem:s26], [sflag:$0x2] =	stream.indirect.gather [hbm4b:s4+s25], $0x40, s15, s25, $0xb8;
	[tilespmem:$0x1E000] =	vst v63  }
0x92: {  	_ =	swait.ge [sflag:s9], $0x2000  }
0x93: {  	[sflag:s9] =	ssyncset.done $0x0  }
0x94: {  	s15 =	sadd.s32 $0x380, s14;
	[sflag:s9] =	ssyncadd.s32 $0xFFFFE000  }
0x95: {  	[tilespmem:s29], [sflag:$0x3] =	stream.indirect.gather [hbm4b:s4+s25], $0x40, s15, s25, $0xb8;
	[tilespmem:$0x1E000] =	vst v63  }
0x96: {  	_ =	swait.ge [sflag:s10], $0x2000  }
0x97: {  	[sflag:s10] =	ssyncset.done $0x0  }
.Ltmp1:
0x98: {  	s15 =	sadd.s32 $0x400, s14;
	[sflag:s10] =	ssyncadd.s32 $0xFFFFE000;
	(pc) =	sbr.rel @p0 .LBB2_4-.Ltmp1, $4  }
0x99: {  	[tilespmem:s31], [sflag:$0x4] =	stream.indirect.gather [hbm4b:s4+s25], $0x40, s15, s25, $0xb8;
	[tilespmem:$0x1E000] =	vst v63  }
0x9a: {  	_ =	swait.ge [sflag:s11], $0x2000  }
0x9b: {  	[sflag:s11] =	ssyncset.done $0x0  }
0x9c: {  	s14 =	sadd.s32 $0x480, s14;
	[sflag:s11] =	ssyncadd.s32 $0xFFFFE000  }
0x9d: {  	[tilespmem:s0], [sflag:$0x5] =	stream.indirect.gather [hbm4b:s4+s25], $0x40, s14, s25, $0xb8;
	[tilespmem:$0x1E000] =	vst v63  }
0x9e: {  	_ =	swait.ge [sflag:s23], $0x2000  }
0x9f: {  	[sflag:s23] =	ssyncset.done $0x0  }
0xa0: {  	s13 =	simm.s32 $0x9D80;
	[sflag:s23] =	ssyncadd.s32 $0xFFFFE000  }
0xa1: {  	[spmem:s2] =	stream.indirect.scatter.add.f32 [tilespmem:s24], [sflag:$0x6], $0x40, s13, s25, $0xb8;
	[tilespmem:$0x1E000] =	vst v63  }
0xa2: {  	_ =	swait.ge [sflag:s28], $0x2000  }
0xa3: {  	[sflag:s28] =	ssyncset.done $0x0  }
0xa4: {  	s14 =	simm.s32 $0x9E00;
	[sflag:s28] =	ssyncadd.s32 $0xFFFFE000  }
0xa5: {  	[spmem:s2] =	stream.indirect.scatter.add.f32 [tilespmem:s26], [sflag:$0x7], $0x40, s14, s25, $0xb8;
	[tilespmem:$0x1E000] =	vst v63  }
0xa6: {  	_ =	swait.ge [sflag:s30], $0x2000  }
0xa7: {  	[sflag:s30] =	ssyncset.done $0x0  }
0xa8: {  	s15 =	simm.s32 $0x9E80;
	[sflag:s30] =	ssyncadd.s32 $0xFFFFE000  }
0xa9: {  	[spmem:s2] =	stream.indirect.scatter.add.f32 [tilespmem:s29], [sflag:$0x8], $0x40, s15, s25, $0xb8;
	[tilespmem:$0x1E000] =	vst v63  }
0xaa: {  	_ =	swait.ge [sflag:s1], $0x2000  }
0xab: {  	[sflag:s1] =	ssyncset.done $0x0  }
0xac: {  	s14 =	simm.s32 $0x9F00;
	[sflag:s1] =	ssyncadd.s32 $0xFFFFE000  }
0xad: {  	[spmem:s2] =	stream.indirect.scatter.add.f32 [tilespmem:s31], [sflag:$0x9], $0x40, s14, s25, $0xb8;
	[tilespmem:$0x1E000] =	vst v63  }
0xae: {  	_ =	swait.ge [sflag:s5], $0x2000  }
0xaf: {  	[sflag:s5] =	ssyncset.done $0x0  }
0xb0: {  	s15 =	simm.s32 $0x9F80;
	[sflag:s5] =	ssyncadd.s32 $0xFFFFE000  }
0xb1: {  	[spmem:s2] =	stream.indirect.scatter.add.f32 [tilespmem:s0], [sflag:$0xA], $0x40, s15, s25, $0xb8;
	[tilespmem:$0x1E000] =	vst v63  }
0xb2: {  	_ =	swait.ge [sflag:s6], $0x2000  }
0xb3: {  	[sflag:s6] =	ssyncset.done $0x0  }
0xb4: {  	[sflag:s6] =	ssyncadd.s32 $0xFFFFE000  }
0xb5: {  	_ =	swait.ge [sflag:s8], $0x2000  }
0xb6: {  	[sflag:s8] =	ssyncset.done $0x0  }
0xb7: {  	[sflag:s8] =	ssyncadd.s32 $0xFFFFE000  }
0xb8: {  	_ =	swait.ge [sflag:s9], $0x2000  }
0xb9: {  	[sflag:s9] =	ssyncset.done $0x0  }
0xba: {  	[sflag:s9] =	ssyncadd.s32 $0xFFFFE000  }
0xbb: {  	_ =	swait.ge [sflag:s10], $0x2000  }
0xbc: {  	[sflag:s10] =	ssyncset.done $0x0  }
0xbd: {  	[sflag:s10] =	ssyncadd.s32 $0xFFFFE000  }
0xbe: {  	_ =	swait.ge [sflag:s11], $0x2000  }
0xbf: {  	[sflag:s11] =	ssyncset.done $0x0  }
0xc0: {  	[sflag:s11] =	ssyncadd.s32 $0xFFFFE000  }
0xc1: {  	[bflag:$0x0] =	sbarrier.arrive $0xFFFF  }
0xc2: {  	[tilespmem:s24], [sflag:$0xB] =	stream.linear.gather [spmem:s7], $0x2000, $0x38;
	[tilespmem:$0x1E000] =	vst v63  }
0xc3: {  	_ =	swait.ge [sflag:s22], $0x2000  }
0xc4: {  	[sflag:s22] =	ssyncset.done $0x0  }
0xc5: {  	s14 =	rddreg [dreg:$0xa];
	[sflag:s22] =	ssyncadd.s32 $0xFFFFE000  }
0xc6: {  	[hbm4b:s14+s3] =	stream.linear.scatter [tilespmem:s24], [sflag:$0xB], $0x2000, $0x38;
	[tilespmem:$0x1E000] =	vst v63  }
0xc7: {  	_ =	swait.ge [sflag:s22], $0x2000  }
0xc8: {  	[sflag:s22] =	ssyncset.done $0x0  }
0xc9: {  	s15 =	rddreg [dreg:$0xb];
	[sflag:s22] =	ssyncadd.s32 $0xFFFFE000  }
0xca: {  	[tilespmem:s24], [sflag:$0xB] =	stream.linear.gather [spmem:s15], $0x2000, $0x38;
	[tilespmem:$0x1E000] =	vst v63  }
0xcb: {  	_ =	swait.ge [sflag:s22], $0x2000  }
0xcc: {  	[sflag:s22] =	ssyncset.done $0x0  }
0xcd: {  	s14 =	rddreg [dreg:$0xc];
	[sflag:s22] =	ssyncadd.s32 $0xFFFFE000  }
0xce: {  	[hbm4b:s14+s3] =	stream.linear.scatter [tilespmem:s24], [sflag:$0xB], $0x2000, $0x38;
	[tilespmem:$0x1E000] =	vst v63  }
0xcf: {  	_ =	swait.ge [sflag:s22], $0x2000  }
0xd0: {  	[sflag:s22] =	ssyncset.done $0x0  }
0xd1: {  	[sflag:s22] =	ssyncadd.s32 $0xFFFFE000  }
0xd2: {  	[tilespmem:s24], [sflag:$0xB] =	stream.linear.gather [spmem:s16], $0x2000, $0x38;
	[tilespmem:$0x1E000] =	vst v63  }
0xd3: {  	_ =	swait.ge [sflag:s22], $0x2000  }
0xd4: {  	[sflag:s22] =	ssyncset.done $0x0  }
0xd5: {  	[sflag:s22] =	ssyncadd.s32 $0xFFFFE000  }
0xd6: {  	[hbm4b:s17+s3] =	stream.linear.scatter [tilespmem:s24], [sflag:$0xB], $0x2000, $0x38;
	[tilespmem:$0x1E000] =	vst v63  }
0xd7: {  	_ =	swait.ge [sflag:s22], $0x2000  }
0xd8: {  	[sflag:s22] =	ssyncset.done $0x0  }
0xd9: {  	[sflag:s22] =	ssyncadd.s32 $0xFFFFE000  }
0xda: {  	[tilespmem:s24], [sflag:$0xB] =	stream.linear.gather [spmem:s18], $0x2000, $0x38;
	[tilespmem:$0x1E000] =	vst v63  }
0xdb: {  	_ =	swait.ge [sflag:s22], $0x2000  }
0xdc: {  	[sflag:s22] =	ssyncset.done $0x0  }
0xdd: {  	[sflag:s22] =	ssyncadd.s32 $0xFFFFE000  }
0xde: {  	[hbm4b:s19+s3] =	stream.linear.scatter [tilespmem:s24], [sflag:$0xB], $0x2000, $0x38;
	[tilespmem:$0x1E000] =	vst v63  }
0xdf: {  	_ =	swait.ge [sflag:s22], $0x2000  }
0xe0: {  	[sflag:s22] =	ssyncset.done $0x0  }
0xe1: {  	[sflag:s22] =	ssyncadd.s32 $0xFFFFE000  }
0xe2: {  	[tilespmem:s24], [sflag:$0xB] =	stream.linear.gather [spmem:s20], $0x2000, $0x38;
	[tilespmem:$0x1E000] =	vst v63  }
0xe3: {  	_ =	swait.ge [sflag:s22], $0x2000  }
0xe4: {  	[sflag:s22] =	ssyncset.done $0x0  }
0xe5: {  	[sflag:s22] =	ssyncadd.s32 $0xFFFFE000  }
0xe6: {  	[hbm4b:s21+s3] =	stream.linear.scatter [tilespmem:s24], [sflag:$0xB], $0x2000, $0x38;
	[tilespmem:$0x1E000] =	vst v63  }
0xe7: {  	_ =	swait.ge [sflag:s22], $0x2000  }
0xe8: {  	s12 =	sadd.s32 $0x1, s12;
	s15 =	rddreg [dreg:$0x5]  }
0xe9: {  	p0 =	sne.s32 s12, s15  }
.Ltmp2:
0xea: {  	_ = 	snop;
	(pc) =	sbr.rel @p0 .LBB2_1-.Ltmp2, $3  }
0xeb: {  	_ =	sdelay $0x1  }
0xec: {  	[sflag:s22] =	ssyncset.done $0x0  }
0xed: {  	[sflag:s22] =	ssyncadd.s32 $0xFFFFE000  }
0xee: {  	_ =	sfence.sel $0x180000  }
0xef: {  	[bflag:$0x0] =	sbarrier.arrive $0xFFFF  }
0xf0: {  	_ =	strace $0x9000004A  }
0xf1: {  	s0 =	stileid.u32;
	[bflag:$0x2] =	sbarrier.arrive $0xFFFF  }
0xf2: {  	p0 =	sne.s32 s0, $0x0;
	s0 =	rddreg [dreg:$0x2]  }
0xf3: {  	s0 =	sadd.s32 @!p0 $0x100000, s0  }
0xf4: {  	[sflag:s0] =	ssyncadd.tile.s32 @!p0 $0x1;
	_ =	shalt  }
.Lfunc_end2:
_tile_overlayer_lowered:
.L_overlay_start_2:
0xf5: {  	(tag) =	ssettag $0x2  }
0xf6: {  	s0 =	rddreg [dreg:$0x0];
	s2 =	stileid.u32  }
0xf7: {  	s1 =	rddreg [dreg:$0x1];
	p0 =	sne.s32 s2, $0x0  }
0xf8: {  	s3 =	rddreg [dreg:$0x2];
	[bflag:$0x3] =	sbarrier.arrive $0xFFFF;
	s2 =	simm.s32 @!p0 $0x1C0B  }
0xf9: {  	[timem:s3], [sflag:s2] =	dma.local @!p0 [hbm:s0], s1  }
0xfa: {  	s0 =	simm.s32 @!p0 $0xB  }
0xfb: {  	_ =	swait.ge @!p0 [sflag:s0], s1  }
0xfc: {  	s1 =	ssub.s32 @!p0 $0x0, s1;
	[sflag:s0] =	ssyncset.done @!p0 $0x0  }
0xfd: {  	[sflag:s0] =	ssyncadd.s32 @!p0 s1  }
0xfe: {  	[bflag:$0x3] =	sbarrier.arrive $0xFFFF  }
0xff: {  	_ =	shalt  }

// kernel: kernel.16.cloned.1.call-start
scs
__scs_entry_jumppad:
0x0: {  	(pc) =	sbr.rel $0x88, $3  }
0x1: {  	(tag) =	ssettag $0x0;
	lr =	simm.s32 $0x1  }
0x2: {  	[smem:$0x3F99] =	sst lr;
	_ =	strace $0xD0000000  }
0x3: {  	_ = 	snop  }
0x4: {  	_ = 	snop  }
0x5: {  	_ = 	snop  }
0x6: {  	_ = 	snop  }
0x7: {  	_ = 	snop  }
__scs_overlays_trampoline_lowered:
0x8: {  	[smem:$0x3FA8] =	sst s0  }
0x9: {  	[smem:$0x3FA9] =	sst s1  }
0xa: {  	[smem:$0x3FAA] =	sst s2  }
0xb: {  	[smem:$0x3FAB] =	sst s3  }
0xc: {  	[smem:$0x3FAC] =	sst s4  }
0xd: {  	[smem:$0x3FAD] =	sst s5  }
0xe: {  	[smem:$0x3FAE] =	sst s6  }
0xf: {  	[smem:$0x3FAF] =	sst s7  }
0x10: {  	[smem:$0x3FB0] =	sst s8  }
0x11: {  	[smem:$0x3FB1] =	sst s9;
	s0 =	simm.s32 @!p0 $0x0  }
0x12: {  	s1 =	sld [smem:$0x3F97];
	s0 =	simm.s32 @p0 $0x1  }
0x13: {  	[smem:$0x3FB2] =	sst s0;
	s0 =	simm.s32 @!p1 $0x0  }
0x14: {  	s2 =	sld [smem:$0x3F96];
	s0 =	simm.s32 @p1 $0x1  }
0x15: {  	[smem:$0x3FB3] =	sst s0;
	s0 =	simm.s32 @!p2 $0x0  }
0x16: {  	s3 =	sld [smem:$0x3FDB];
	s0 =	simm.s32 @p2 $0x1  }
0x17: {  	s4 =	simm.s32 $0x1BF5;
	[smem:$0x3FB5] =	sst s0  }
0x18: {  	s0 =	sld [smem:$0x3F98];
	_ =	swait.ge [sflag:s4], $0x0  }
0x19: {  	s7 =	sld [smem:$0x3F99]  }
0x1a: {  	s8 =	sadd.s32 $0xFFFFE003, lr  }
0x1b: {  	s9 =	sadd.s32 $0xFFFFFEF7, lr;
	s5 =	simm.s32 $0xFFFFFFFF;
	p2 =	slt.u32 s8, $0xFFFFF086  }
0x1c: {  	p1 =	slt.u32 s9, $0xF7A;
	s5 =	simm.s32 @!p2 $0x0  }
0x1d: {  	s5 =	simm.s32 @p1 $0x1;
	p0 =	seq.s32 s7, s2  }
0x1e: {  	s7 =	smul.u32 @!p0 $0xF7A, s2;
	p2 =	seq.s32 @!p0 s5, $0x0  }
0x1f: {  	s9 =	smul.u32 $0xF7A, s1;
	s8 =	simm.s32 @!p0 $0x1BF5;
	p2 =	por !p2, p0  }
0x20: {  	[sflag:s8] =	ssyncset.s32 @!p0 $0xFFFFF086;
	s6 =	sadd.s32 @!p0 s3, s7;
	s7 =	simm.s32 @!p0 $0x108  }
0x21: {  	s3 =	sadd.s32 s3, s9;
	s6 =	sadd.s32 @!p0 $0x88, s6;
	s7 =	simm.s32 @p2 $0x1082  }
0x22: {  	[simem:s7], [sflag:s8] =	dma.local @!p0 [hbm:s6], $0xF7A  }
0x23: {  	s9 =	sor.u32 $0xD0000000, s2;
	s6 =	simm.s32 $0x108;
	_ =	swait.ge @!p0 [sflag:s8], $0x0  }
0x24: {  	s3 =	sadd.s32 $0x88, s3;
	s6 =	simm.s32 @!p1 $0x1082;
	[sflag:s4] =	ssyncset.s32 $0xFFFFF086  }
0x25: {  	[simem:s6], [sflag:s4] =	dma.local [hbm:s3], $0xF7A  }
0x26: {  	[smem:$0x3F99] =	sst s1;
	(tag) =	ssettag s2;
	_ =	strace s9  }
0x27: {  	s1 =	sld [smem:$0x3FA9]  }
0x28: {  	s2 =	sld [smem:$0x3FAA]  }
0x29: {  	s4 =	sld [smem:$0x3FAC]  }
0x2a: {  	p0 =	seq.s32 s5, $0x0;
	s5 =	sld [smem:$0x3FAD]  }
0x2b: {  	s6 =	sld [smem:$0x3FAE]  }
0x2c: {  	s7 =	sld [smem:$0x3FAF]  }
0x2d: {  	s3 =	simm.s32 $0x108;
	s8 =	sld [smem:$0x3FB0]  }
0x2e: {  	s3 =	simm.s32 @!p0 $0x1082;
	s9 =	sld [smem:$0x3FB1]  }
0x2f: {  	lr =	sadd.s32 s0, s3;
	s0 =	sld [smem:$0x3FA8]  }
0x30: {  	s3 =	sld [smem:$0x3FAB]  }
0x31: {  	[smem:$0x3FB4] =	sst s10  }
0x32: {  	s10 =	sld [smem:$0x3FB2];
	_ =	sdelay $0x3  }
0x33: {  	p0 =	seq.s32 s10, $0x1;
	s10 =	sld [smem:$0x3FB4];
	_ =	sdelay $0x3  }
0x34: {  	[smem:$0x3FB4] =	sst s10  }
0x35: {  	s10 =	sld [smem:$0x3FB3];
	_ =	sdelay $0x3  }
0x36: {  	p1 =	seq.s32 s10, $0x1;
	s10 =	sld [smem:$0x3FB4];
	_ =	sdelay $0x3  }
0x37: {  	[smem:$0x3FB4] =	sst s10  }
0x38: {  	s10 =	sld [smem:$0x3FB5]  }
0x39: {  	_ = 	snop;
	(pc) =	sbr.ind lr, $3  }
0x3a: {  	_ = 	snop  }
0x3b: {  	_ = 	snop  }
0x3c: {  	p2 =	seq.s32 s10, $0x1;
	s10 =	sld [smem:$0x3FB4]  }
0x3d: {  	_ =	shalt  }
0x3e: {  	_ =	shalt  }
0x3f: {  	_ =	shalt  }
0x40: {  	_ =	shalt  }
0x41: {  	_ =	shalt  }
0x42: {  	_ =	shalt  }
0x43: {  	_ =	shalt  }
0x44: {  	_ =	shalt  }
0x45: {  	_ =	shalt  }
0x46: {  	_ =	shalt  }
0x47: {  	_ =	shalt  }
0x48: {  	_ =	shalt  }
0x49: {  	_ =	shalt  }
0x4a: {  	_ =	shalt  }
0x4b: {  	_ =	shalt  }
0x4c: {  	_ =	shalt  }
0x4d: {  	_ =	shalt  }
0x4e: {  	_ =	shalt  }
0x4f: {  	_ =	shalt  }
0x50: {  	_ =	shalt  }
0x51: {  	_ =	shalt  }
0x52: {  	_ =	shalt  }
0x53: {  	_ =	shalt  }
0x54: {  	_ =	shalt  }
0x55: {  	_ =	shalt  }
0x56: {  	_ =	shalt  }
0x57: {  	_ =	shalt  }
0x58: {  	_ =	shalt  }
0x59: {  	_ =	shalt  }
0x5a: {  	_ =	shalt  }
0x5b: {  	_ =	shalt  }
0x5c: {  	_ =	shalt  }
0x5d: {  	_ =	shalt  }
0x5e: {  	_ =	shalt  }
0x5f: {  	_ =	shalt  }
0x60: {  	_ =	shalt  }
0x61: {  	_ =	shalt  }
0x62: {  	_ =	shalt  }
0x63: {  	_ =	shalt  }
0x64: {  	_ =	shalt  }
0x65: {  	_ =	shalt  }
0x66: {  	_ =	shalt  }
0x67: {  	_ =	shalt  }
0x68: {  	_ =	shalt  }
0x69: {  	_ =	shalt  }
0x6a: {  	_ =	shalt  }
0x6b: {  	_ =	shalt  }
0x6c: {  	_ =	shalt  }
0x6d: {  	_ =	shalt  }
0x6e: {  	_ =	shalt  }
0x6f: {  	_ =	shalt  }
0x70: {  	_ =	shalt  }
0x71: {  	_ =	shalt  }
0x72: {  	_ =	shalt  }
0x73: {  	_ =	shalt  }
0x74: {  	_ =	shalt  }
0x75: {  	_ =	shalt  }
0x76: {  	_ =	shalt  }
0x77: {  	_ =	shalt  }
0x78: {  	_ =	shalt  }
0x79: {  	_ =	shalt  }
0x7a: {  	_ =	shalt  }
0x7b: {  	_ =	shalt  }
0x7c: {  	_ =	shalt  }
0x7d: {  	_ =	shalt  }
0x7e: {  	_ =	shalt  }
0x7f: {  	_ =	shalt  }
0x80: {  	_ =	shalt  }
0x81: {  	_ =	shalt  }
0x82: {  	_ =	shalt  }
0x83: {  	_ =	shalt  }
0x84: {  	_ =	shalt  }
0x85: {  	_ =	shalt  }
0x86: {  	_ =	shalt  }
0x87: {  	_ =	shalt  }
.Lfunc_end0:
.L_simem_size_0:
called_computation.2_lowered:
.L_overlay_start_0:
0x88: {  	s2 =	sld [smem:$0x3FD9]  }
0x89: {  	s3 =	sld [smem:$0x3FFE];
	_ =	sdelay $0x1  }
0x8a: {  	s1 =	srdreg.scid  }
0x8b: {  	s0 =	sand.u32 $0x1, s1  }
0x8c: {  	s16 =	sshll.u32 s0, $0xA;
	s2 =	sadd.s32 s3, s2  }
0x8d: {  	s2 =	sadd.s32 s2, s16  }
0x8e: {  	[smem:$0x3FC0] =	sst s2  }
0x8f: {  	_ = 	snop  }
0x90: {  	(tm) =	ssettm $0x1  }
0x91: {  	s17 =	sld [smem:$0x3FFB];
	_ =	sdelay $0x3  }
0x92: {  	_ =	strace s17  }
0x93: {  	s2 =	sld [smem:$0x3FFC];
	_ =	sdelay $0x3  }
0x94: {  	_ =	strace s2  }
0x95: {  	s2 =	sld [smem:$0x3FFD];
	_ =	sdelay $0x3  }
0x96: {  	_ =	strace s2  }
0x97: {  	_ =	strace $0x8FFFFFFF  }
0x98: {  	s18 =	sld [smem:$0x3FDB];
	_ =	sdelay $0x1  }
0x99: {  	s19 =	simm.s32 $_scs_section_size  }
0x9a: {  	s4 =	simm.s32 $_size__tile_overlayer_lowered;
	s5 =	simm.s32 $_tile_overlayer_lowered  }
0x9b: {  	s22 =	simm.s32 $0x1BFF;
	s21 =	sshll.u32 s5, $0x1;
	s2 =	sadd.s32 s19, s18  }
0x9c: {  	s6 =	simm.s32 $0x0;
	s20 =	sshll.u32 s4, $0x1;
	s4 =	sadd.s32 s21, s2  }
0x9d: {  	[timem:s6], [sflag:s22] =	dma.local [hbm:s4], s20  }
0x9e: {  	_ =	swait.ge [sflag:s22], s20  }
0x9f: {  	s3 =	ssub.s32 $0x0, s20;
	[sflag:s22] =	ssyncset.done $0x0  }
0xa0: {  	[sflag:s22] =	ssyncadd.s32 s3;
	_ =	sdelay $0x1  }
0xa1: {  	s23 =	simm.s32 $0x1B8B  }
0xa2: {  	_ =	swait.ge [sflag:s23], $0x1  }
0xa3: {  	[sflag:s23] =	ssyncset.done $0x0  }
0xa4: {  	s25 =	simm.s32 $0x1B8E;
	s24 =	sld [smem:$0x3FFE];
	[sflag:s23] =	ssyncadd.s32 $0xFFFFFFFF  }
0xa5: {  	s26 =	simm.s32 $execute0_lowered;
	[smem:$0x3FD2] =	sst s25  }
0xa6: {  	s4 =	sshll.u32 s26, $0x1;
	_ =	strace $0x8000004C;
	[dreg:$0x1] =	wrdreg $0xFFFFFFFF  }
0xa7: {  	s28 =	simm.s32 $_size_execute0_lowered;
	s2 =	sadd.s32 s2, s4;
	[dreg:$0x0] =	wrdreg $0x0  }
0xa8: {  	s4 =	sshll.u32 s28, $0x1;
	[dreg:$0x2] =	wrdreg s2  }
0xa9: {  	[dreg:$0x3] =	wrdreg s4  }
0xaa: {  	[dreg:$0x4] =	wrdreg $0xC0  }
0xab: {  	_ =	task [dreg:s6], $0x5FFFF  }
0xac: {  	[dreg:$0x1] =	wrdreg $0xFFFFFFFF  }
0xad: {  	[dreg:$0x0] =	wrdreg $0x60  }
0xae: {  	[dreg:$0x2] =	wrdreg s24  }
0xaf: {  	[dreg:$0x3] =	wrdreg $0x140000  }
0xb0: {  	[dreg:$0x4] =	wrdreg $0x9  }
0xb1: {  	_ =	task.clear_ibuf [dreg:s6], $0x5FFFF;
	_ =	strace $0x9000004C  }
0xb2: {  	s29 =	simm.s32 $0x9;
	_ =	strace $0x8000004E  }
0xb3: {  	_ =	swait.ge [sflag:s29], $0x1  }
0xb4: {  	[sflag:s29] =	ssyncadd.s32 $0xFFFFFFFF  }
0xb5: {  	_ =	strace $0x9000004E  }
0xb6: {  	_ =	sfence  }
0xb7: {  	s30 =	sld [smem:$0x0];
	_ =	sdelay $0x2  }
0xb8: {  	s31 =	sshll.u32 s1, $0xD;
	s1 =	sshrl.u32 s1, $0x2  }
0xb9: {  	s3 =	sand.u32 $0x4000, s31;
	s1 =	sadd.s32 s1, s30  }
0xba: {  	s0 =	sor.u32 s3, s0;
	s1 =	sshll.u32 s1, $0x11  }
0xbb: {  	s0 =	sor.u32 s1, s0  }
0xbc: {  	s0 =	sadd.s32 $0x8F2B, s0  }
0xbd: {  	[sflag:s0] =	ssyncadd.remote.s32 $0x1  }
0xbe: {  	_ =	sfence.sel $0xFFFF  }
0xbf: {  	[dreg:$0x0] =	wrdreg $0xFFFFFFFF;
	(pc) =	sbr.abs _section_cstart, $3  }
0xc0: {  	[dreg:$0x1] =	wrdreg $0xFFFFFFFF  }
0xc1: {  	_ =	task.clear_ibuf [dreg:s6], $0x2FFFF;
	_ =	strace $0x9FFFFFFF  }
0xc2: {  	(tm) =	ssettm $0x7FFFFFFF  }
0xc3: {  	_ =	shalt  }
tec
execute0_lowered:
.L_overlay_start_1:
0x0: {  	(tag) =	ssettag $0x1  }
0x1: {  	s0 =	rddreg [dreg:$0x0]  }
0x2: {  	s1 =	srdreg.scid;
	s9 =	stileid.u32  }
0x3: {  	s2 =	rddreg [dreg:$0x1];
	s3 =	simm.s32 $0x0;
	s29 =	simm.s32 $0xE000  }
0x4: {  	s31 =	simm.s32 $0x10000;
	s28 =	simm.s32 $0x2;
	s30 =	simm.s32 $0x3  }
0x5: {  	s10 =	simm.s32 $0x9;
	s11 =	simm.s32 $0xA;
	s12 =	simm.s32 $0x0  }
0x6: {  	s1 =	sand.u32 $0x1, s1;
	s5 =	smul.u32 $0x5000, s9;
	[smem:$0x7FF] =	sst s3  }
0x7: {  	s14 =	sshll.u32 s9, $0xD;
	s9 =	simm.s32 $0x8;
	s4 =	smul.u32 $0x50000, s1  }
0x8: {  	_ =	strace $0x8000004D;
	s7 =	ssub.s32 $0x2, s1;
	s1 =	smul.u32 $0xA0000, s1  }
0x9: {  	s20 =	sor.u32 $0x20000, s14;
	s23 =	sor.u32 $0x40000, s14;
	s25 =	sor.u32 $0x60000, s14  }
0xa: {  	s8 =	sshrl.u32 s7, $0x1;
	s6 =	sadd.s32 s5, s4;
	s4 =	sadd.s32 $0x2BE00, s0  }
0xb: {  	s5 =	sshrl.u32 s5, $0x3;
	s8 =	ssub.s32 s7, s8;
	s7 =	sadd.s32 s14, s2  }
0xc: {  	s18 =	sor.u32 s1, s14;
	s22 =	sadd.s32 s1, s20;
	s15 =	smax.u32 s8, $0x1  }
0xd: {  	s24 =	sadd.s32 s1, s23;
	s16 =	sadd.s32 $0x20000, s7;
	[dreg:$0x5] =	wrdreg s15  }
0xe: {  	s26 =	sadd.s32 s1, s25;
	s17 =	sadd.s32 $0x40000, s7;
	[dreg:$0x6] =	wrdreg s16  }
0xf: {  	s6 =	sshrl.u32 s6, $0x3;
	s19 =	sadd.s32 $0x60000, s7;
	[dreg:$0x7] =	wrdreg s17  }
0x10: {  	s5 =	sadd.s32 s5, s0;
	s21 =	sadd.s32 $0x80000, s7;
	[dreg:$0x8] =	wrdreg s19  }
0x11: {  	s8 =	sadd.s32 s20, s2;
	s6 =	sadd.s32 s6, s0;
	[dreg:$0x9] =	wrdreg s21  }
0x12: {  	s0 =	sadd.s32 $0x53E00, s0;
	s5 =	sadd.s32 $0x21E00, s5;
	[dreg:$0xb] =	wrdreg s8  }
0x13: {  	s16 =	sadd.s32 s23, s2;
	s23 =	simm.s32 $0x1;
	s8 =	simm.s32 $0x7  }
0x14: {  	s6 =	sadd.s32 $0xDE00, s6;
	[dreg:$0x4] =	wrdreg s5;
	s5 =	sshrl.u32 s18, $0x3  }
0x15: {  	s18 =	sadd.s32 s25, s2;
	[dreg:$0x3] =	wrdreg s6;
	s5 =	sadd.s32 s0, s5  }
0x16: {  	s25 =	simm.s32 $0x80;
	s6 =	sor.u32 $0x80000, s14;
	[dreg:$0xa] =	wrdreg s5  }
0x17: {  	s5 =	sshrl.u32 s22, $0x3;
	s1 =	sadd.s32 s1, s6;
	s20 =	sadd.s32 s6, s2  }
0x18: {  	s22 =	simm.s32 $0xB;
	s6 =	simm.s32 $0x6;
	s5 =	sadd.s32 s0, s5  }
0x19: {  	s1 =	sshrl.u32 s1, $0x3;
	[dreg:$0xc] =	wrdreg s5;
	s5 =	sshrl.u32 s24, $0x3  }
0x1a: {  	s21 =	sadd.s32 s0, s1;
	s24 =	simm.s32 $0xA000;
	s1 =	simm.s32 $0x4  }
0x1b: {  	s17 =	sadd.s32 s0, s5;
	s5 =	sshrl.u32 s26, $0x3;
	s26 =	simm.s32 $0xC000  }
0x1c: {  	v0 =	vimm.f32 $0.0e+00;
	s19 =	sadd.s32 s0, s5;
	s0 =	simm.s32 $0x12000;
	s5 =	simm.s32 $0x5  }
.LBB2_1:
0x1d: {  	s13 =	rddreg [dreg:$0x3]  }
0x1e: {  	[tilespmem:s3], [sflag:$0xB] =	stream.linear.gather [hbm4b:s13+s3], $0x5000, $0x38;
	[tilespmem:$0x1E000] =	vst v63  }
0x1f: {  	_ =	swait.ge [sflag:s22], $0x5000  }
0x20: {  	[sflag:s22] =	ssyncset.done $0x0  }
0x21: {  	s14 =	simm.s32 $0x5000;
	s15 =	rddreg [dreg:$0x4];
	[sflag:s22] =	ssyncadd.s32 $0xFFFFB000  }
0x22: {  	[tilespmem:s14], [sflag:$0xB] =	stream.linear.gather [hbm4b:s15+s3], $0x5000, $0x38;
	[tilespmem:$0x1E000] =	vst v63  }
0x23: {  	_ =	swait.ge [sflag:s22], $0x5000  }
0x24: {  	[sflag:s22] =	ssyncset.done $0x0  }
0x25: {  	s13 =	simm.s32 $0x0;
	s14 =	simm.s32 $0x100;
	[sflag:s22] =	ssyncadd.s32 $0xFFFFB000  }
.LBB2_2:
0x26: {  	p0 =	sne.s32 s14, $0x7F00;
	[tilespmem:s13+$0xA030] =	vst v0;
	s15 =	smov.u32 s14;
	s14 =	sadd.s32 $0x100, s14  }
.Ltmp0:
0x27: {  	[tilespmem:s13+$0xA020] =	vst v0;
	(pc) =	sbr.rel @p0 .LBB2_2-.Ltmp0, $3  }
0x28: {  	[tilespmem:s13+$0xA000] =	vst v0  }
0x29: {  	[tilespmem:s13+$0xA010] =	vst v0;
	_ =	sdelay $0x1  }
0x2a: {  	s13 =	sshra.s32 s15, $0x2  }
0x2b: {  	[tilespmem:s13+$0xA030] =	vst v0  }
0x2c: {  	[tilespmem:s13+$0xA020] =	vst v0  }
0x2d: {  	[tilespmem:s13+$0xA000] =	vst v0  }
0x2e: {  	[tilespmem:s13+$0xA010] =	vst v0  }
0x2f: {  	[spmem:s7] =	stream.linear.scatter [tilespmem:s24], [sflag:$0xB], $0x2000, $0x38;
	[tilespmem:$0x1E000] =	vst v63  }
0x30: {  	_ =	swait.ge [sflag:s22], $0x2000  }
0x31: {  	[sflag:s22] =	ssyncset.done $0x0  }
0x32: {  	s15 =	rddreg [dreg:$0x6];
	[sflag:s22] =	ssyncadd.s32 $0xFFFFE000  }
0x33: {  	[spmem:s15] =	stream.linear.scatter [tilespmem:s24], [sflag:$0xB], $0x2000, $0x38;
	[tilespmem:$0x1E000] =	vst v63  }
0x34: {  	_ =	swait.ge [sflag:s22], $0x2000  }
0x35: {  	[sflag:s22] =	ssyncset.done $0x0  }
0x36: {  	s14 =	rddreg [dreg:$0x7];
	[sflag:s22] =	ssyncadd.s32 $0xFFFFE000  }
0x37: {  	[spmem:s14] =	stream.linear.scatter [tilespmem:s24], [sflag:$0xB], $0x2000, $0x38;
	[tilespmem:$0x1E000] =	vst v63  }
0x38: {  	_ =	swait.ge [sflag:s22], $0x2000  }
0x39: {  	[sflag:s22] =	ssyncset.done $0x0  }
0x3a: {  	s15 =	rddreg [dreg:$0x8];
	[sflag:s22] =	ssyncadd.s32 $0xFFFFE000  }
0x3b: {  	[spmem:s15] =	stream.linear.scatter [tilespmem:s24], [sflag:$0xB], $0x2000, $0x38;
	[tilespmem:$0x1E000] =	vst v63  }
0x3c: {  	_ =	swait.ge [sflag:s22], $0x2000  }
0x3d: {  	[sflag:s22] =	ssyncset.done $0x0  }
0x3e: {  	s14 =	rddreg [dreg:$0x9];
	[sflag:s22] =	ssyncadd.s32 $0xFFFFE000  }
0x3f: {  	[spmem:s14] =	stream.linear.scatter [tilespmem:s24], [sflag:$0xB], $0x2000, $0x38;
	[tilespmem:$0x1E000] =	vst v63  }
0x40: {  	_ =	swait.ge [sflag:s22], $0x2000  }
0x41: {  	[sflag:s22] =	ssyncset.done $0x0  }
0x42: {  	[sflag:s22] =	ssyncadd.s32 $0xFFFFE000  }
0x43: {  	s15 =	simm.s32 $0x0;
	[bflag:$0x0] =	sbarrier.arrive $0xFFFF  }
0x44: {  	[tilespmem:s24], [sflag:$0x1] =	stream.indirect.gather [hbm4b:s4+s25], $0x40, s15, s25, $0xb8;
	[tilespmem:$0x1E000] =	vst v63  }
0x45: {  	_ = 	snop  }
0x46: {  	[tilespmem:s26], [sflag:$0x2] =	stream.indirect.gather [hbm4b:s4+s25], $0x40, s25, s25, $0xb8;
	[tilespmem:$0x1E000] =	vst v63  }
0x47: {  	s14 =	simm.s32 $0x100  }
0x48: {  	[tilespmem:s29], [sflag:$0x3] =	stream.indirect.gather [hbm4b:s4+s25], $0x40, s14, s25, $0xb8;
	[tilespmem:$0x1E000] =	vst v63  }
0x49: {  	s15 =	simm.s32 $0x180  }
0x4a: {  	[tilespmem:s31], [sflag:$0x4] =	stream.indirect.gather [hbm4b:s4+s25], $0x40, s15, s25, $0xb8;
	[tilespmem:$0x1E000] =	vst v63  }
0x4b: {  	s14 =	simm.s32 $0x200  }
0x4c: {  	[tilespmem:s0], [sflag:$0x5] =	stream.indirect.gather [hbm4b:s4+s25], $0x40, s14, s25, $0xb8;
	[tilespmem:$0x1E000] =	vst v63  }
0x4d: {  	_ =	swait.ge [sflag:s23], $0x2000  }
0x4e: {  	[sflag:s23] =	ssyncset.done $0x0  }
0x4f: {  	s15 =	simm.s32 $0x5000;
	[sflag:s23] =	ssyncadd.s32 $0xFFFFE000  }
0x50: {  	[spmem:s2] =	stream.indirect.scatter.add.f32 [tilespmem:s24], [sflag:$0x6], $0x40, s15, s25, $0xb8;
	[tilespmem:$0x1E000] =	vst v63  }
0x51: {  	_ =	swait.ge [sflag:s28], $0x2000  }
0x52: {  	[sflag:s28] =	ssyncset.done $0x0  }
0x53: {  	s14 =	simm.s32 $0x5080;
	[sflag:s28] =	ssyncadd.s32 $0xFFFFE000  }
0x54: {  	[spmem:s2] =	stream.indirect.scatter.add.f32 [tilespmem:s26], [sflag:$0x7], $0x40, s14, s25, $0xb8;
	[tilespmem:$0x1E000] =	vst v63  }
0x55: {  	_ =	swait.ge [sflag:s30], $0x2000  }
0x56: {  	[sflag:s30] =	ssyncset.done $0x0  }
0x57: {  	s15 =	simm.s32 $0x5100;
	[sflag:s30] =	ssyncadd.s32 $0xFFFFE000  }
0x58: {  	[spmem:s2] =	stream.indirect.scatter.add.f32 [tilespmem:s29], [sflag:$0x8], $0x40, s15, s25, $0xb8;
	[tilespmem:$0x1E000] =	vst v63  }
0x59: {  	_ =	swait.ge [sflag:s1], $0x2000  }
0x5a: {  	[sflag:s1] =	ssyncset.done $0x0  }
0x5b: {  	s14 =	simm.s32 $0x5180;
	[sflag:s1] =	ssyncadd.s32 $0xFFFFE000  }
0x5c: {  	[spmem:s2] =	stream.indirect.scatter.add.f32 [tilespmem:s31], [sflag:$0x9], $0x40, s14, s25, $0xb8;
	[tilespmem:$0x1E000] =	vst v63  }
0x5d: {  	_ =	swait.ge [sflag:s5], $0x2000  }
0x5e: {  	[sflag:s5] =	ssyncset.done $0x0  }
0x5f: {  	s15 =	simm.s32 $0x5200;
	[sflag:s5] =	ssyncadd.s32 $0xFFFFE000  }
0x60: {  	[spmem:s2] =	stream.indirect.scatter.add.f32 [tilespmem:s0], [sflag:$0xA], $0x40, s15, s25, $0xb8;
	[tilespmem:$0x1E000] =	vst v63  }
0x61: {  	_ =	swait.ge [sflag:s6], $0x2000  }
0x62: {  	[sflag:s6] =	ssyncset.done $0x0  }
0x63: {  	s14 =	simm.s32 $0x280;
	[sflag:s6] =	ssyncadd.s32 $0xFFFFE000  }
0x64: {  	[tilespmem:s24], [sflag:$0x1] =	stream.indirect.gather [hbm4b:s4+s25], $0x40, s14, s25, $0xb8;
	[tilespmem:$0x1E000] =	vst v63  }
0x65: {  	_ =	swait.ge [sflag:s8], $0x2000  }
0x66: {  	[sflag:s8] =	ssyncset.done $0x0  }
0x67: {  	s15 =	simm.s32 $0x300;
	[sflag:s8] =	ssyncadd.s32 $0xFFFFE000  }
0x68: {  	[tilespmem:s26], [sflag:$0x2] =	stream.indirect.gather [hbm4b:s4+s25], $0x40, s15, s25, $0xb8;
	[tilespmem:$0x1E000] =	vst v63  }
0x69: {  	_ =	swait.ge [sflag:s9], $0x2000  }
0x6a: {  	[sflag:s9] =	ssyncset.done $0x0  }
0x6b: {  	s14 =	simm.s32 $0x380;
	[sflag:s9] =	ssyncadd.s32 $0xFFFFE000  }
0x6c: {  	[tilespmem:s29], [sflag:$0x3] =	stream.indirect.gather [hbm4b:s4+s25], $0x40, s14, s25, $0xb8;
	[tilespmem:$0x1E000] =	vst v63  }
0x6d: {  	_ =	swait.ge [sflag:s10], $0x2000  }
0x6e: {  	[sflag:s10] =	ssyncset.done $0x0  }
0x6f: {  	s15 =	simm.s32 $0x400;
	[sflag:s10] =	ssyncadd.s32 $0xFFFFE000  }
0x70: {  	[tilespmem:s31], [sflag:$0x4] =	stream.indirect.gather [hbm4b:s4+s25], $0x40, s15, s25, $0xb8;
	[tilespmem:$0x1E000] =	vst v63  }
0x71: {  	_ =	swait.ge [sflag:s11], $0x2000  }
0x72: {  	[sflag:s11] =	ssyncset.done $0x0  }
0x73: {  	s13 =	simm.s32 $0xA00;
	s14 =	simm.s32 $0x480;
	[sflag:s11] =	ssyncadd.s32 $0xFFFFE000  }
.LBB2_4:
0x74: {  	[tilespmem:s0], [sflag:$0x5] =	stream.indirect.gather [hbm4b:s4+s25], $0x40, s14, s25, $0xb8;
	[tilespmem:$0x1E000] =	vst v63  }
0x75: {  	s14 =	smov.u32 s13  }
0x76: {  	p0 =	sne.s32 s13, $0x12C00;
	s13 =	sadd.s32 $0xA00, s13;
	_ =	swait.ge [sflag:s23], $0x2000  }
0x77: {  	s14 =	sshra.s32 s14, $0x2;
	[sflag:s23] =	ssyncset.done $0x0  }
0x78: {  	s15 =	sadd.s32 $0x5000, s14;
	[sflag:s23] =	ssyncadd.s32 $0xFFFFE000  }
0x79: {  	[spmem:s2] =	stream.indirect.scatter.add.f32 [tilespmem:s24], [sflag:$0x6], $0x40, s15, s25, $0xb8;
	[tilespmem:$0x1E000] =	vst v63  }
0x7a: {  	_ =	swait.ge [sflag:s28], $0x2000  }
0x7b: {  	[sflag:s28] =	ssyncset.done $0x0  }
0x7c: {  	s15 =	sadd.s32 $0x5080, s14;
	[sflag:s28] =	ssyncadd.s32 $0xFFFFE000  }
0x7d: {  	[spmem:s2] =	stream.indirect.scatter.add.f32 [tilespmem:s26], [sflag:$0x7], $0x40, s15, s25, $0xb8;
	[tilespmem:$0x1E000] =	vst v63  }
0x7e: {  	_ =	swait.ge [sflag:s30], $0x2000  }
0x7f: {  	[sflag:s30] =	ssyncset.done $0x0  }
0x80: {  	s15 =	sadd.s32 $0x5100, s14;
	[sflag:s30] =	ssyncadd.s32 $0xFFFFE000  }
0x81: {  	[spmem:s2] =	stream.indirect.scatter.add.f32 [tilespmem:s29], [sflag:$0x8], $0x40, s15, s25, $0xb8;
	[tilespmem:$0x1E000] =	vst v63  }
0x82: {  	_ =	swait.ge [sflag:s1], $0x2000  }
0x83: {  	[sflag:s1] =	ssyncset.done $0x0  }
0x84: {  	s15 =	sadd.s32 $0x5180, s14;
	[sflag:s1] =	ssyncadd.s32 $0xFFFFE000  }
0x85: {  	[spmem:s2] =	stream.indirect.scatter.add.f32 [tilespmem:s31], [sflag:$0x9], $0x40, s15, s25, $0xb8;
	[tilespmem:$0x1E000] =	vst v63  }
0x86: {  	_ =	swait.ge [sflag:s5], $0x2000  }
0x87: {  	[sflag:s5] =	ssyncset.done $0x0  }
0x88: {  	s15 =	sadd.s32 $0x5200, s14;
	[sflag:s5] =	ssyncadd.s32 $0xFFFFE000  }
0x89: {  	[spmem:s2] =	stream.indirect.scatter.add.f32 [tilespmem:s0], [sflag:$0xA], $0x40, s15, s25, $0xb8;
	[tilespmem:$0x1E000] =	vst v63  }
0x8a: {  	_ =	swait.ge [sflag:s6], $0x2000  }
0x8b: {  	[sflag:s6] =	ssyncset.done $0x0  }
0x8c: {  	s15 =	sadd.s32 $0x280, s14;
	[sflag:s6] =	ssyncadd.s32 $0xFFFFE000  }
0x8d: {  	[tilespmem:s24], [sflag:$0x1] =	stream.indirect.gather [hbm4b:s4+s25], $0x40, s15, s25, $0xb8;
	[tilespmem:$0x1E000] =	vst v63  }
0x8e: {  	_ =	swait.ge [sflag:s8], $0x2000  }
0x8f: {  	[sflag:s8] =	ssyncset.done $0x0  }
0x90: {  	s15 =	sadd.s32 $0x300, s14;
	[sflag:s8] =	ssyncadd.s32 $0xFFFFE000  }
0x91: {  	[tilespmem:s26], [sflag:$0x2] =	stream.indirect.gather [hbm4b:s4+s25], $0x40, s15, s25, $0xb8;
	[tilespmem:$0x1E000] =	vst v63  }
0x92: {  	_ =	swait.ge [sflag:s9], $0x2000  }
0x93: {  	[sflag:s9] =	ssyncset.done $0x0  }
0x94: {  	s15 =	sadd.s32 $0x380, s14;
	[sflag:s9] =	ssyncadd.s32 $0xFFFFE000  }
0x95: {  	[tilespmem:s29], [sflag:$0x3] =	stream.indirect.gather [hbm4b:s4+s25], $0x40, s15, s25, $0xb8;
	[tilespmem:$0x1E000] =	vst v63  }
0x96: {  	_ =	swait.ge [sflag:s10], $0x2000  }
0x97: {  	[sflag:s10] =	ssyncset.done $0x0  }
.Ltmp1:
0x98: {  	s15 =	sadd.s32 $0x400, s14;
	[sflag:s10] =	ssyncadd.s32 $0xFFFFE000;
	(pc) =	sbr.rel @p0 .LBB2_4-.Ltmp1, $4  }
0x99: {  	[tilespmem:s31], [sflag:$0x4] =	stream.indirect.gather [hbm4b:s4+s25], $0x40, s15, s25, $0xb8;
	[tilespmem:$0x1E000] =	vst v63  }
0x9a: {  	_ =	swait.ge [sflag:s11], $0x2000  }
0x9b: {  	[sflag:s11] =	ssyncset.done $0x0  }
0x9c: {  	s14 =	sadd.s32 $0x480, s14;
	[sflag:s11] =	ssyncadd.s32 $0xFFFFE000  }
0x9d: {  	[tilespmem:s0], [sflag:$0x5] =	stream.indirect.gather [hbm4b:s4+s25], $0x40, s14, s25, $0xb8;
	[tilespmem:$0x1E000] =	vst v63  }
0x9e: {  	_ =	swait.ge [sflag:s23], $0x2000  }
0x9f: {  	[sflag:s23] =	ssyncset.done $0x0  }
0xa0: {  	s13 =	simm.s32 $0x9D80;
	[sflag:s23] =	ssyncadd.s32 $0xFFFFE000  }
0xa1: {  	[spmem:s2] =	stream.indirect.scatter.add.f32 [tilespmem:s24], [sflag:$0x6], $0x40, s13, s25, $0xb8;
	[tilespmem:$0x1E000] =	vst v63  }
0xa2: {  	_ =	swait.ge [sflag:s28], $0x2000  }
0xa3: {  	[sflag:s28] =	ssyncset.done $0x0  }
0xa4: {  	s14 =	simm.s32 $0x9E00;
	[sflag:s28] =	ssyncadd.s32 $0xFFFFE000  }
0xa5: {  	[spmem:s2] =	stream.indirect.scatter.add.f32 [tilespmem:s26], [sflag:$0x7], $0x40, s14, s25, $0xb8;
	[tilespmem:$0x1E000] =	vst v63  }
0xa6: {  	_ =	swait.ge [sflag:s30], $0x2000  }
0xa7: {  	[sflag:s30] =	ssyncset.done $0x0  }
0xa8: {  	s15 =	simm.s32 $0x9E80;
	[sflag:s30] =	ssyncadd.s32 $0xFFFFE000  }
0xa9: {  	[spmem:s2] =	stream.indirect.scatter.add.f32 [tilespmem:s29], [sflag:$0x8], $0x40, s15, s25, $0xb8;
	[tilespmem:$0x1E000] =	vst v63  }
0xaa: {  	_ =	swait.ge [sflag:s1], $0x2000  }
0xab: {  	[sflag:s1] =	ssyncset.done $0x0  }
0xac: {  	s14 =	simm.s32 $0x9F00;
	[sflag:s1] =	ssyncadd.s32 $0xFFFFE000  }
0xad: {  	[spmem:s2] =	stream.indirect.scatter.add.f32 [tilespmem:s31], [sflag:$0x9], $0x40, s14, s25, $0xb8;
	[tilespmem:$0x1E000] =	vst v63  }
0xae: {  	_ =	swait.ge [sflag:s5], $0x2000  }
0xaf: {  	[sflag:s5] =	ssyncset.done $0x0  }
0xb0: {  	s15 =	simm.s32 $0x9F80;
	[sflag:s5] =	ssyncadd.s32 $0xFFFFE000  }
0xb1: {  	[spmem:s2] =	stream.indirect.scatter.add.f32 [tilespmem:s0], [sflag:$0xA], $0x40, s15, s25, $0xb8;
	[tilespmem:$0x1E000] =	vst v63  }
0xb2: {  	_ =	swait.ge [sflag:s6], $0x2000  }
0xb3: {  	[sflag:s6] =	ssyncset.done $0x0  }
0xb4: {  	[sflag:s6] =	ssyncadd.s32 $0xFFFFE000  }
0xb5: {  	_ =	swait.ge [sflag:s8], $0x2000  }
0xb6: {  	[sflag:s8] =	ssyncset.done $0x0  }
0xb7: {  	[sflag:s8] =	ssyncadd.s32 $0xFFFFE000  }
0xb8: {  	_ =	swait.ge [sflag:s9], $0x2000  }
0xb9: {  	[sflag:s9] =	ssyncset.done $0x0  }
0xba: {  	[sflag:s9] =	ssyncadd.s32 $0xFFFFE000  }
0xbb: {  	_ =	swait.ge [sflag:s10], $0x2000  }
0xbc: {  	[sflag:s10] =	ssyncset.done $0x0  }
0xbd: {  	[sflag:s10] =	ssyncadd.s32 $0xFFFFE000  }
0xbe: {  	_ =	swait.ge [sflag:s11], $0x2000  }
0xbf: {  	[sflag:s11] =	ssyncset.done $0x0  }
0xc0: {  	[sflag:s11] =	ssyncadd.s32 $0xFFFFE000  }
0xc1: {  	[bflag:$0x0] =	sbarrier.arrive $0xFFFF  }
0xc2: {  	[tilespmem:s24], [sflag:$0xB] =	stream.linear.gather [spmem:s7], $0x2000, $0x38;
	[tilespmem:$0x1E000] =	vst v63  }
0xc3: {  	_ =	swait.ge [sflag:s22], $0x2000  }
0xc4: {  	[sflag:s22] =	ssyncset.done $0x0  }
0xc5: {  	s14 =	rddreg [dreg:$0xa];
	[sflag:s22] =	ssyncadd.s32 $0xFFFFE000  }
0xc6: {  	[hbm4b:s14+s3] =	stream.linear.scatter [tilespmem:s24], [sflag:$0xB], $0x2000, $0x38;
	[tilespmem:$0x1E000] =	vst v63  }
0xc7: {  	_ =	swait.ge [sflag:s22], $0x2000  }
0xc8: {  	[sflag:s22] =	ssyncset.done $0x0  }
0xc9: {  	s15 =	rddreg [dreg:$0xb];
	[sflag:s22] =	ssyncadd.s32 $0xFFFFE000  }
0xca: {  	[tilespmem:s24], [sflag:$0xB] =	stream.linear.gather [spmem:s15], $0x2000, $0x38;
	[tilespmem:$0x1E000] =	vst v63  }
0xcb: {  	_ =	swait.ge [sflag:s22], $0x2000  }
0xcc: {  	[sflag:s22] =	ssyncset.done $0x0  }
0xcd: {  	s14 =	rddreg [dreg:$0xc];
	[sflag:s22] =	ssyncadd.s32 $0xFFFFE000  }
0xce: {  	[hbm4b:s14+s3] =	stream.linear.scatter [tilespmem:s24], [sflag:$0xB], $0x2000, $0x38;
	[tilespmem:$0x1E000] =	vst v63  }
0xcf: {  	_ =	swait.ge [sflag:s22], $0x2000  }
0xd0: {  	[sflag:s22] =	ssyncset.done $0x0  }
0xd1: {  	[sflag:s22] =	ssyncadd.s32 $0xFFFFE000  }
0xd2: {  	[tilespmem:s24], [sflag:$0xB] =	stream.linear.gather [spmem:s16], $0x2000, $0x38;
	[tilespmem:$0x1E000] =	vst v63  }
0xd3: {  	_ =	swait.ge [sflag:s22], $0x2000  }
0xd4: {  	[sflag:s22] =	ssyncset.done $0x0  }
0xd5: {  	[sflag:s22] =	ssyncadd.s32 $0xFFFFE000  }
0xd6: {  	[hbm4b:s17+s3] =	stream.linear.scatter [tilespmem:s24], [sflag:$0xB], $0x2000, $0x38;
	[tilespmem:$0x1E000] =	vst v63  }
0xd7: {  	_ =	swait.ge [sflag:s22], $0x2000  }
0xd8: {  	[sflag:s22] =	ssyncset.done $0x0  }
0xd9: {  	[sflag:s22] =	ssyncadd.s32 $0xFFFFE000  }
0xda: {  	[tilespmem:s24], [sflag:$0xB] =	stream.linear.gather [spmem:s18], $0x2000, $0x38;
	[tilespmem:$0x1E000] =	vst v63  }
0xdb: {  	_ =	swait.ge [sflag:s22], $0x2000  }
0xdc: {  	[sflag:s22] =	ssyncset.done $0x0  }
0xdd: {  	[sflag:s22] =	ssyncadd.s32 $0xFFFFE000  }
0xde: {  	[hbm4b:s19+s3] =	stream.linear.scatter [tilespmem:s24], [sflag:$0xB], $0x2000, $0x38;
	[tilespmem:$0x1E000] =	vst v63  }
0xdf: {  	_ =	swait.ge [sflag:s22], $0x2000  }
0xe0: {  	[sflag:s22] =	ssyncset.done $0x0  }
0xe1: {  	[sflag:s22] =	ssyncadd.s32 $0xFFFFE000  }
0xe2: {  	[tilespmem:s24], [sflag:$0xB] =	stream.linear.gather [spmem:s20], $0x2000, $0x38;
	[tilespmem:$0x1E000] =	vst v63  }
0xe3: {  	_ =	swait.ge [sflag:s22], $0x2000  }
0xe4: {  	[sflag:s22] =	ssyncset.done $0x0  }
0xe5: {  	[sflag:s22] =	ssyncadd.s32 $0xFFFFE000  }
0xe6: {  	[hbm4b:s21+s3] =	stream.linear.scatter [tilespmem:s24], [sflag:$0xB], $0x2000, $0x38;
	[tilespmem:$0x1E000] =	vst v63  }
0xe7: {  	_ =	swait.ge [sflag:s22], $0x2000  }
0xe8: {  	s12 =	sadd.s32 $0x1, s12;
	s15 =	rddreg [dreg:$0x5]  }
0xe9: {  	p0 =	sne.s32 s12, s15  }
.Ltmp2:
0xea: {  	_ = 	snop;
	(pc) =	sbr.rel @p0 .LBB2_1-.Ltmp2, $3  }
0xeb: {  	_ =	sdelay $0x1  }
0xec: {  	[sflag:s22] =	ssyncset.done $0x0  }
0xed: {  	[sflag:s22] =	ssyncadd.s32 $0xFFFFE000  }
0xee: {  	_ =	sfence.sel $0x180000  }
0xef: {  	[bflag:$0x0] =	sbarrier.arrive $0xFFFF  }
0xf0: {  	_ =	strace $0x9000004D  }
0xf1: {  	s0 =	stileid.u32;
	[bflag:$0x2] =	sbarrier.arrive $0xFFFF  }
0xf2: {  	p0 =	sne.s32 s0, $0x0;
	s0 =	rddreg [dreg:$0x2]  }
0xf3: {  	s0 =	sadd.s32 @!p0 $0x100000, s0  }
0xf4: {  	[sflag:s0] =	ssyncadd.tile.s32 @!p0 $0x1;
	_ =	shalt  }
.Lfunc_end2:
_tile_overlayer_lowered:
.L_overlay_start_2:
0xf5: {  	(tag) =	ssettag $0x2  }
0xf6: {  	s0 =	rddreg [dreg:$0x0];
	s2 =	stileid.u32  }
0xf7: {  	s1 =	rddreg [dreg:$0x1];
	p0 =	sne.s32 s2, $0x0  }
0xf8: {  	s3 =	rddreg [dreg:$0x2];
	[bflag:$0x3] =	sbarrier.arrive $0xFFFF;
	s2 =	simm.s32 @!p0 $0x1C0B  }
0xf9: {  	[timem:s3], [sflag:s2] =	dma.local @!p0 [hbm:s0], s1  }
0xfa: {  	s0 =	simm.s32 @!p0 $0xB  }
0xfb: {  	_ =	swait.ge @!p0 [sflag:s0], s1  }
0xfc: {  	s1 =	ssub.s32 @!p0 $0x0, s1;
	[sflag:s0] =	ssyncset.done @!p0 $0x0  }
0xfd: {  	[sflag:s0] =	ssyncadd.s32 @!p0 s1  }
0xfe: {  	[bflag:$0x3] =	sbarrier.arrive $0xFFFF  }
0xff: {  	_ =	shalt  }

// kernel: kernel.19.cloned.1.call-start
scs
__scs_entry_jumppad:
0x0: {  	(pc) =	sbr.rel $0x88, $3  }
0x1: {  	(tag) =	ssettag $0x0;
	lr =	simm.s32 $0x1  }
0x2: {  	[smem:$0x3F99] =	sst lr;
	_ =	strace $0xD0000000  }
0x3: {  	_ = 	snop  }
0x4: {  	_ = 	snop  }
0x5: {  	_ = 	snop  }
0x6: {  	_ = 	snop  }
0x7: {  	_ = 	snop  }
__scs_overlays_trampoline_lowered:
0x8: {  	[smem:$0x3FA8] =	sst s0  }
0x9: {  	[smem:$0x3FA9] =	sst s1  }
0xa: {  	[smem:$0x3FAA] =	sst s2  }
0xb: {  	[smem:$0x3FAB] =	sst s3  }
0xc: {  	[smem:$0x3FAC] =	sst s4  }
0xd: {  	[smem:$0x3FAD] =	sst s5  }
0xe: {  	[smem:$0x3FAE] =	sst s6  }
0xf: {  	[smem:$0x3FAF] =	sst s7  }
0x10: {  	[smem:$0x3FB0] =	sst s8  }
0x11: {  	[smem:$0x3FB1] =	sst s9;
	s0 =	simm.s32 @!p0 $0x0  }
0x12: {  	s1 =	sld [smem:$0x3F97];
	s0 =	simm.s32 @p0 $0x1  }
0x13: {  	[smem:$0x3FB2] =	sst s0;
	s0 =	simm.s32 @!p1 $0x0  }
0x14: {  	s2 =	sld [smem:$0x3F96];
	s0 =	simm.s32 @p1 $0x1  }
0x15: {  	[smem:$0x3FB3] =	sst s0;
	s0 =	simm.s32 @!p2 $0x0  }
0x16: {  	s3 =	sld [smem:$0x3FDB];
	s0 =	simm.s32 @p2 $0x1  }
0x17: {  	s4 =	simm.s32 $0x1BF5;
	[smem:$0x3FB5] =	sst s0  }
0x18: {  	s0 =	sld [smem:$0x3F98];
	_ =	swait.ge [sflag:s4], $0x0  }
0x19: {  	s7 =	sld [smem:$0x3F99]  }
0x1a: {  	s8 =	sadd.s32 $0xFFFFE003, lr  }
0x1b: {  	s9 =	sadd.s32 $0xFFFFFEF7, lr;
	s5 =	simm.s32 $0xFFFFFFFF;
	p2 =	slt.u32 s8, $0xFFFFF086  }
0x1c: {  	p1 =	slt.u32 s9, $0xF7A;
	s5 =	simm.s32 @!p2 $0x0  }
0x1d: {  	s5 =	simm.s32 @p1 $0x1;
	p0 =	seq.s32 s7, s2  }
0x1e: {  	s7 =	smul.u32 @!p0 $0xF7A, s2;
	p2 =	seq.s32 @!p0 s5, $0x0  }
0x1f: {  	s9 =	smul.u32 $0xF7A, s1;
	s8 =	simm.s32 @!p0 $0x1BF5;
	p2 =	por !p2, p0  }
0x20: {  	[sflag:s8] =	ssyncset.s32 @!p0 $0xFFFFF086;
	s6 =	sadd.s32 @!p0 s3, s7;
	s7 =	simm.s32 @!p0 $0x108  }
0x21: {  	s3 =	sadd.s32 s3, s9;
	s6 =	sadd.s32 @!p0 $0x88, s6;
	s7 =	simm.s32 @p2 $0x1082  }
0x22: {  	[simem:s7], [sflag:s8] =	dma.local @!p0 [hbm:s6], $0xF7A  }
0x23: {  	s9 =	sor.u32 $0xD0000000, s2;
	s6 =	simm.s32 $0x108;
	_ =	swait.ge @!p0 [sflag:s8], $0x0  }
0x24: {  	s3 =	sadd.s32 $0x88, s3;
	s6 =	simm.s32 @!p1 $0x1082;
	[sflag:s4] =	ssyncset.s32 $0xFFFFF086  }
0x25: {  	[simem:s6], [sflag:s4] =	dma.local [hbm:s3], $0xF7A  }
0x26: {  	[smem:$0x3F99] =	sst s1;
	(tag) =	ssettag s2;
	_ =	strace s9  }
0x27: {  	s1 =	sld [smem:$0x3FA9]  }
0x28: {  	s2 =	sld [smem:$0x3FAA]  }
0x29: {  	s4 =	sld [smem:$0x3FAC]  }
0x2a: {  	p0 =	seq.s32 s5, $0x0;
	s5 =	sld [smem:$0x3FAD]  }
0x2b: {  	s6 =	sld [smem:$0x3FAE]  }
0x2c: {  	s7 =	sld [smem:$0x3FAF]  }
0x2d: {  	s3 =	simm.s32 $0x108;
	s8 =	sld [smem:$0x3FB0]  }
0x2e: {  	s3 =	simm.s32 @!p0 $0x1082;
	s9 =	sld [smem:$0x3FB1]  }
0x2f: {  	lr =	sadd.s32 s0, s3;
	s0 =	sld [smem:$0x3FA8]  }
0x30: {  	s3 =	sld [smem:$0x3FAB]  }
0x31: {  	[smem:$0x3FB4] =	sst s10  }
0x32: {  	s10 =	sld [smem:$0x3FB2];
	_ =	sdelay $0x3  }
0x33: {  	p0 =	seq.s32 s10, $0x1;
	s10 =	sld [smem:$0x3FB4];
	_ =	sdelay $0x3  }
0x34: {  	[smem:$0x3FB4] =	sst s10  }
0x35: {  	s10 =	sld [smem:$0x3FB3];
	_ =	sdelay $0x3  }
0x36: {  	p1 =	seq.s32 s10, $0x1;
	s10 =	sld [smem:$0x3FB4];
	_ =	sdelay $0x3  }
0x37: {  	[smem:$0x3FB4] =	sst s10  }
0x38: {  	s10 =	sld [smem:$0x3FB5]  }
0x39: {  	_ = 	snop;
	(pc) =	sbr.ind lr, $3  }
0x3a: {  	_ = 	snop  }
0x3b: {  	_ = 	snop  }
0x3c: {  	p2 =	seq.s32 s10, $0x1;
	s10 =	sld [smem:$0x3FB4]  }
0x3d: {  	_ =	shalt  }
0x3e: {  	_ =	shalt  }
0x3f: {  	_ =	shalt  }
0x40: {  	_ =	shalt  }
0x41: {  	_ =	shalt  }
0x42: {  	_ =	shalt  }
0x43: {  	_ =	shalt  }
0x44: {  	_ =	shalt  }
0x45: {  	_ =	shalt  }
0x46: {  	_ =	shalt  }
0x47: {  	_ =	shalt  }
0x48: {  	_ =	shalt  }
0x49: {  	_ =	shalt  }
0x4a: {  	_ =	shalt  }
0x4b: {  	_ =	shalt  }
0x4c: {  	_ =	shalt  }
0x4d: {  	_ =	shalt  }
0x4e: {  	_ =	shalt  }
0x4f: {  	_ =	shalt  }
0x50: {  	_ =	shalt  }
0x51: {  	_ =	shalt  }
0x52: {  	_ =	shalt  }
0x53: {  	_ =	shalt  }
0x54: {  	_ =	shalt  }
0x55: {  	_ =	shalt  }
0x56: {  	_ =	shalt  }
0x57: {  	_ =	shalt  }
0x58: {  	_ =	shalt  }
0x59: {  	_ =	shalt  }
0x5a: {  	_ =	shalt  }
0x5b: {  	_ =	shalt  }
0x5c: {  	_ =	shalt  }
0x5d: {  	_ =	shalt  }
0x5e: {  	_ =	shalt  }
0x5f: {  	_ =	shalt  }
0x60: {  	_ =	shalt  }
0x61: {  	_ =	shalt  }
0x62: {  	_ =	shalt  }
0x63: {  	_ =	shalt  }
0x64: {  	_ =	shalt  }
0x65: {  	_ =	shalt  }
0x66: {  	_ =	shalt  }
0x67: {  	_ =	shalt  }
0x68: {  	_ =	shalt  }
0x69: {  	_ =	shalt  }
0x6a: {  	_ =	shalt  }
0x6b: {  	_ =	shalt  }
0x6c: {  	_ =	shalt  }
0x6d: {  	_ =	shalt  }
0x6e: {  	_ =	shalt  }
0x6f: {  	_ =	shalt  }
0x70: {  	_ =	shalt  }
0x71: {  	_ =	shalt  }
0x72: {  	_ =	shalt  }
0x73: {  	_ =	shalt  }
0x74: {  	_ =	shalt  }
0x75: {  	_ =	shalt  }
0x76: {  	_ =	shalt  }
0x77: {  	_ =	shalt  }
0x78: {  	_ =	shalt  }
0x79: {  	_ =	shalt  }
0x7a: {  	_ =	shalt  }
0x7b: {  	_ =	shalt  }
0x7c: {  	_ =	shalt  }
0x7d: {  	_ =	shalt  }
0x7e: {  	_ =	shalt  }
0x7f: {  	_ =	shalt  }
0x80: {  	_ =	shalt  }
0x81: {  	_ =	shalt  }
0x82: {  	_ =	shalt  }
0x83: {  	_ =	shalt  }
0x84: {  	_ =	shalt  }
0x85: {  	_ =	shalt  }
0x86: {  	_ =	shalt  }
0x87: {  	_ =	shalt  }
.Lfunc_end0:
.L_simem_size_0:
called_computation.3_lowered:
.L_overlay_start_0:
0x88: {  	s2 =	sld [smem:$0x3FD9]  }
0x89: {  	s3 =	sld [smem:$0x3FFE];
	_ =	sdelay $0x1  }
0x8a: {  	s1 =	srdreg.scid  }
0x8b: {  	s0 =	sand.u32 $0x1, s1  }
0x8c: {  	s17 =	sshll.u32 s0, $0xA;
	s2 =	sadd.s32 s3, s2  }
0x8d: {  	s2 =	sadd.s32 s2, s17  }
0x8e: {  	[smem:$0x3FC0] =	sst s2  }
0x8f: {  	_ = 	snop  }
0x90: {  	s2 =	sld [smem:$0x3FD0];
	(tm) =	ssettm $0x1  }
0x91: {  	s18 =	sld [smem:$0x3FFB];
	_ =	sdelay $0x3  }
0x92: {  	_ =	strace s18  }
0x93: {  	s3 =	sld [smem:$0x3FFC];
	_ =	sdelay $0x3  }
0x94: {  	_ =	strace s3  }
0x95: {  	s3 =	sld [smem:$0x3FFD];
	_ =	sdelay $0x3  }
0x96: {  	_ =	strace s3  }
0x97: {  	_ =	strace $0x8FFFFFFF  }
0x98: {  	s19 =	sld [smem:$0x3FDB];
	_ =	sdelay $0x1  }
0x99: {  	s4 =	simm.s32 $_scs_section_size  }
0x9a: {  	s5 =	simm.s32 $_size__tile_overlayer_lowered;
	s6 =	simm.s32 $_tile_overlayer_lowered  }
0x9b: {  	s22 =	simm.s32 $0x1BFF;
	s21 =	sshll.u32 s6, $0x1;
	s3 =	sadd.s32 s4, s19  }
0x9c: {  	s7 =	simm.s32 $0x0;
	s20 =	sshll.u32 s5, $0x1;
	s5 =	sadd.s32 s21, s3  }
0x9d: {  	[timem:s7], [sflag:s22] =	dma.local [hbm:s5], s20  }
0x9e: {  	_ =	swait.ge [sflag:s22], s20  }
0x9f: {  	s4 =	ssub.s32 $0x0, s20;
	[sflag:s22] =	ssyncset.done $0x0  }
0xa0: {  	[sflag:s22] =	ssyncadd.s32 s4;
	_ =	sdelay $0x1  }
0xa1: {  	s23 =	simm.s32 $0x1B8B  }
0xa2: {  	_ =	swait.ge [sflag:s23], $0x1  }
0xa3: {  	[sflag:s23] =	ssyncset.done $0x0  }
0xa4: {  	s25 =	simm.s32 $0x1B8E;
	s24 =	sld [smem:$0x3FFE];
	[sflag:s23] =	ssyncadd.s32 $0xFFFFFFFF  }
0xa5: {  	s26 =	simm.s32 $execute0_lowered;
	[smem:$0x3FD2] =	sst s25  }
0xa6: {  	s5 =	sshll.u32 s26, $0x1;
	_ =	strace $0x8000004F;
	[dreg:$0x1] =	wrdreg $0xFFFFFFFF  }
0xa7: {  	s28 =	simm.s32 $_size_execute0_lowered;
	s3 =	sadd.s32 s3, s5;
	[dreg:$0x0] =	wrdreg $0x0  }
0xa8: {  	s5 =	sshll.u32 s28, $0x1;
	[dreg:$0x2] =	wrdreg s3  }
0xa9: {  	[dreg:$0x3] =	wrdreg s5  }
0xaa: {  	[dreg:$0x4] =	wrdreg $0xC0  }
0xab: {  	_ =	task [dreg:s7], $0x5FFFF  }
0xac: {  	[dreg:$0x1] =	wrdreg $0xFFFFFFFF  }
0xad: {  	[dreg:$0x0] =	wrdreg $0x60  }
0xae: {  	[dreg:$0x2] =	wrdreg s24  }
0xaf: {  	[dreg:$0x3] =	wrdreg s2  }
0xb0: {  	[dreg:$0x4] =	wrdreg $0xC8000  }
0xb1: {  	[dreg:$0x5] =	wrdreg $0x9  }
0xb2: {  	_ =	task.clear_ibuf [dreg:s7], $0x6FFFF;
	_ =	strace $0x9000004F  }
0xb3: {  	s29 =	simm.s32 $0x9;
	_ =	strace $0x80000051  }
0xb4: {  	_ =	swait.ge [sflag:s29], $0x1  }
0xb5: {  	[sflag:s29] =	ssyncadd.s32 $0xFFFFFFFF  }
0xb6: {  	_ =	strace $0x90000051  }
0xb7: {  	_ =	sfence  }
0xb8: {  	s30 =	sld [smem:$0x0];
	_ =	sdelay $0x2  }
0xb9: {  	s31 =	sshll.u32 s1, $0xD;
	s1 =	sshrl.u32 s1, $0x2  }
0xba: {  	s3 =	sand.u32 $0x4000, s31;
	s1 =	sadd.s32 s1, s30  }
0xbb: {  	s0 =	sor.u32 s3, s0;
	s1 =	sshll.u32 s1, $0x11  }
0xbc: {  	s0 =	sor.u32 s1, s0  }
0xbd: {  	s0 =	sadd.s32 $0x8F2B, s0  }
0xbe: {  	[sflag:s0] =	ssyncadd.remote.s32 $0x1  }
0xbf: {  	_ =	sfence.sel $0xFFFF  }
0xc0: {  	[dreg:$0x0] =	wrdreg $0xFFFFFFFF;
	(pc) =	sbr.abs _section_cstart, $3  }
0xc1: {  	[dreg:$0x1] =	wrdreg $0xFFFFFFFF  }
0xc2: {  	_ =	task.clear_ibuf [dreg:s7], $0x2FFFF;
	_ =	strace $0x9FFFFFFF  }
0xc3: {  	(tm) =	ssettm $0x7FFFFFFF  }
tec
execute0_lowered:
.L_overlay_start_1:
0x0: {  	(tag) =	ssettag $0x1  }
0x1: {  	s0 =	rddreg [dreg:$0x0]  }
0x2: {  	s1 =	srdreg.scid;
	s5 =	rddreg [dreg:$0x1]  }
0x3: {  	s2 =	rddreg [dreg:$0x2];
	s10 =	stileid.u32;
	s3 =	simm.s32 $0x0  }
0x4: {  	s28 =	simm.s32 $0x6800;
	s1 =	sand.u32 $0x1, s1;
	s21 =	smul.u32 $0x1800, s10  }
0x5: {  	s20 =	sshll.u32 s10, $0x7;
	s22 =	smul.u32 $0x6000, s10;
	s4 =	sshll.u32 s1, $0x4  }
0x6: {  	s7 =	ssub.s32 $0x2, s1;
	s1 =	smul.u32 $0x78000, s1;
	s23 =	sor.u32 $0x800, s20  }
0x7: {  	s30 =	simm.s32 $0x8000;
	s11 =	sor.u32 $0x1000, s20;
	s25 =	smul.u32 $0xC0, s23  }
0x8: {  	s29 =	simm.s32 $0x1;
	s12 =	sor.u32 $0x1800, s20;
	s26 =	smul.u32 $0xC0, s11  }
0x9: {  	s31 =	simm.s32 $0x2;
	[smem:$0x7FF] =	sst s3;
	s13 =	smul.u32 $0xC0, s12  }
0xa: {  	_ =	strace $0x80000050;
	s4 =	sor.u32 s10, s4;
	s19 =	smul.u32 $0x30, s23  }
0xb: {  	s9 =	sshrl.u32 s7, $0x1;
	s24 =	sadd.s32 s21, s2;
	s23 =	smul.u32 $0x30, s12  }
0xc: {  	s12 =	simm.s32 $0x0;
	s6 =	smul.u32 $0x500, s4;
	s4 =	sadd.s32 $0x2A00, s0  }
0xd: {  	s7 =	ssub.s32 s7, s9;
	[dreg:$0x6] =	wrdreg s24;
	s9 =	simm.s32 $0x8  }
0xe: {  	s7 =	smax.u32 s7, $0x1;
	s10 =	sshrl.u32 s25, $0x2;
	s15 =	sshrl.u32 s13, $0x2  }
0xf: {  	s8 =	sadd.s32 s6, s0;
	s0 =	sadd.s32 $0x2BE00, s0;
	s5 =	sadd.s32 s5, s6  }
0x10: {  	[dreg:$0x7] =	wrdreg s7;
	s14 =	sadd.s32 s10, s2;
	s7 =	sshrl.u32 s26, $0x2  }
0x11: {  	s17 =	sadd.s32 s15, s2;
	s6 =	sadd.s32 s1, s21;
	s21 =	sadd.s32 s19, s2  }
0x12: {  	s26 =	sadd.s32 s1, s23;
	s10 =	simm.s32 $0x9;
	[dreg:$0x4] =	wrdreg s5  }
0x13: {  	s8 =	sadd.s32 $0x21E00, s8;
	[dreg:$0x9] =	wrdreg s14;
	s5 =	sor.u32 $0x2000, s20  }
0x14: {  	s7 =	sadd.s32 s7, s2;
	[dreg:$0xb] =	wrdreg s17;
	s6 =	sshrl.u32 s6, $0x3  }
0x15: {  	s20 =	smul.u32 $0x30, s11;
	[dreg:$0xe] =	wrdreg s21;
	s11 =	simm.s32 $0xA  }
0x16: {  	[dreg:$0x5] =	wrdreg s8;
	s8 =	sshrl.u32 s22, $0x2;
	s16 =	smul.u32 $0xC0, s5  }
0x17: {  	[dreg:$0xa] =	wrdreg s7;
	s6 =	sadd.s32 s0, s6;
	s22 =	sadd.s32 s1, s19  }
0x18: {  	s5 =	smul.u32 $0x30, s5;
	s19 =	sadd.s32 s23, s2;
	s23 =	simm.s32 $0xB  }
0x19: {  	s8 =	sadd.s32 s8, s2;
	[dreg:$0xd] =	wrdreg s6;
	s24 =	sadd.s32 s1, s20  }
0x1a: {  	s17 =	sadd.s32 s20, s2;
	s6 =	sshrl.u32 s26, $0x3;
	s26 =	simm.s32 $0x80  }
0x1b: {  	[dreg:$0x8] =	wrdreg s8;
	s18 =	sshrl.u32 s16, $0x2;
	s25 =	sshrl.u32 s24, $0x3  }
0x1c: {  	s1 =	sadd.s32 s1, s5;
	s20 =	sadd.s32 s0, s6;
	s21 =	sadd.s32 s5, s2  }
0x1d: {  	s24 =	simm.s32 $0xB000;
	s5 =	simm.s32 $0x4;
	s6 =	simm.s32 $0x5  }
0x1e: {  	s8 =	simm.s32 $0x7;
	s7 =	sadd.s32 s18, s2;
	s18 =	sadd.s32 s0, s25  }
0x1f: {  	s1 =	sshrl.u32 s1, $0x3;
	s25 =	simm.s32 $0x5000;
	[dreg:$0xc] =	wrdreg s7  }
0x20: {  	s7 =	sshrl.u32 s22, $0x3;
	s22 =	sadd.s32 s0, s1;
	s1 =	simm.s32 $0x3  }
0x21: {  	v0 =	vimm.f32 $0.0e+00;
	s16 =	sadd.s32 s0, s7;
	s0 =	simm.s32 $0x9800;
	s7 =	simm.s32 $0x6  }
.LBB2_1:
0x22: {  	s13 =	rddreg [dreg:$0x4]  }
0x23: {  	[tilespmem:s3], [sflag:$0xB] =	stream.linear.gather [hbm4b:s13+s3], $0x2800, $0x38;
	[tilespmem:$0x14000] =	vst v63  }
0x24: {  	_ =	swait.ge [sflag:s23], $0x2800  }
0x25: {  	[sflag:s23] =	ssyncset.done $0x0  }
0x26: {  	s14 =	simm.s32 $0x2800;
	s15 =	rddreg [dreg:$0x5];
	[sflag:s23] =	ssyncadd.s32 $0xFFFFD800  }
0x27: {  	[tilespmem:s14], [sflag:$0xB] =	stream.linear.gather [hbm4b:s15+s3], $0x2800, $0x38;
	[tilespmem:$0x14000] =	vst v63  }
0x28: {  	_ =	swait.ge [sflag:s23], $0x2800  }
0x29: {  	[sflag:s23] =	ssyncset.done $0x0  }
0x2a: {  	s13 =	simm.s32 $0xC0;
	s14 =	simm.s32 $0x0;
	[sflag:s23] =	ssyncadd.s32 $0xFFFFD800  }
.LBB2_2:
0x2b: {  	p0 =	sne.s32 s13, $0x5F40;
	[tilespmem:s14+$0x5020] =	vst v0;
	s15 =	smov.u32 s13;
	s13 =	sadd.s32 $0xC0, s13  }
.Ltmp0:
0x2c: {  	[tilespmem:s14+$0x5000] =	vst v0;
	(pc) =	sbr.rel @p0 .LBB2_2-.Ltmp0, $2  }
0x2d: {  	[tilespmem:s14+$0x5010] =	vst v0;
	_ =	sdelay $0x2  }
0x2e: {  	s14 =	sshra.s32 s15, $0x2  }
0x2f: {  	[tilespmem:s14+$0x5020] =	vst v0  }
0x30: {  	[tilespmem:s14+$0x5000] =	vst v0  }
0x31: {  	[tilespmem:s14+$0x5010] =	vst v0;
	s13 =	rddreg [dreg:$0x8]  }
0x32: {  	[spmem:s13] =	stream.linear.scatter [tilespmem:s25], [sflag:$0xB], $0x1800, $0x38;
	[tilespmem:$0x14000] =	vst v63  }
0x33: {  	_ =	swait.ge [sflag:s23], $0x1800  }
0x34: {  	[sflag:s23] =	ssyncset.done $0x0  }
0x35: {  	s15 =	rddreg [dreg:$0x9];
	[sflag:s23] =	ssyncadd.s32 $0xFFFFE800  }
0x36: {  	[spmem:s15] =	stream.linear.scatter [tilespmem:s25], [sflag:$0xB], $0x1800, $0x38;
	[tilespmem:$0x14000] =	vst v63  }
0x37: {  	_ =	swait.ge [sflag:s23], $0x1800  }
0x38: {  	[sflag:s23] =	ssyncset.done $0x0  }
0x39: {  	s14 =	rddreg [dreg:$0xa];
	[sflag:s23] =	ssyncadd.s32 $0xFFFFE800  }
0x3a: {  	[spmem:s14] =	stream.linear.scatter [tilespmem:s25], [sflag:$0xB], $0x1800, $0x38;
	[tilespmem:$0x14000] =	vst v63  }
0x3b: {  	_ =	swait.ge [sflag:s23], $0x1800  }
0x3c: {  	[sflag:s23] =	ssyncset.done $0x0  }
0x3d: {  	s15 =	rddreg [dreg:$0xb];
	[sflag:s23] =	ssyncadd.s32 $0xFFFFE800  }
0x3e: {  	[spmem:s15] =	stream.linear.scatter [tilespmem:s25], [sflag:$0xB], $0x1800, $0x38;
	[tilespmem:$0x14000] =	vst v63  }
0x3f: {  	_ =	swait.ge [sflag:s23], $0x1800  }
0x40: {  	[sflag:s23] =	ssyncset.done $0x0  }
0x41: {  	s14 =	rddreg [dreg:$0xc];
	[sflag:s23] =	ssyncadd.s32 $0xFFFFE800  }
0x42: {  	[spmem:s14] =	stream.linear.scatter [tilespmem:s25], [sflag:$0xB], $0x1800, $0x38;
	[tilespmem:$0x14000] =	vst v63  }
0x43: {  	_ =	swait.ge [sflag:s23], $0x1800  }
0x44: {  	[sflag:s23] =	ssyncset.done $0x0  }
0x45: {  	[sflag:s23] =	ssyncadd.s32 $0xFFFFE800  }
0x46: {  	s15 =	simm.s32 $0x0;
	[bflag:$0x0] =	sbarrier.arrive $0xFFFF  }
0x47: {  	[tilespmem:s25], [sflag:$0x1] =	stream.indirect.gather [hbm4b:s4+s26], $0x30, s15, s26, $0xb8;
	[tilespmem:$0x14000] =	vst v63  }
0x48: {  	_ = 	snop  }
0x49: {  	[tilespmem:s28], [sflag:$0x2] =	stream.indirect.gather [hbm4b:s4+s26], $0x30, s26, s26, $0xb8;
	[tilespmem:$0x14000] =	vst v63  }
0x4a: {  	s14 =	simm.s32 $0x100  }
0x4b: {  	[tilespmem:s30], [sflag:$0x3] =	stream.indirect.gather [hbm4b:s4+s26], $0x30, s14, s26, $0xb8;
	[tilespmem:$0x14000] =	vst v63  }
0x4c: {  	s15 =	simm.s32 $0x180  }
0x4d: {  	[tilespmem:s0], [sflag:$0x4] =	stream.indirect.gather [hbm4b:s4+s26], $0x30, s15, s26, $0xb8;
	[tilespmem:$0x14000] =	vst v63  }
0x4e: {  	s14 =	simm.s32 $0x200  }
0x4f: {  	[tilespmem:s24], [sflag:$0x5] =	stream.indirect.gather [hbm4b:s4+s26], $0x30, s14, s26, $0xb8;
	[tilespmem:$0x14000] =	vst v63  }
0x50: {  	_ =	swait.ge [sflag:s29], $0x1800  }
0x51: {  	[sflag:s29] =	ssyncset.done $0x0  }
0x52: {  	s15 =	simm.s32 $0x2800;
	[sflag:s29] =	ssyncadd.s32 $0xFFFFE800  }
0x53: {  	[spmem:s2] =	stream.indirect.scatter.add.f32 [tilespmem:s25], [sflag:$0x6], $0x30, s15, s26, $0xb8;
	[tilespmem:$0x14000] =	vst v63  }
0x54: {  	_ =	swait.ge [sflag:s31], $0x1800  }
0x55: {  	[sflag:s31] =	ssyncset.done $0x0  }
0x56: {  	s14 =	simm.s32 $0x2880;
	[sflag:s31] =	ssyncadd.s32 $0xFFFFE800  }
0x57: {  	[spmem:s2] =	stream.indirect.scatter.add.f32 [tilespmem:s28], [sflag:$0x7], $0x30, s14, s26, $0xb8;
	[tilespmem:$0x14000] =	vst v63  }
0x58: {  	_ =	swait.ge [sflag:s1], $0x1800  }
0x59: {  	[sflag:s1] =	ssyncset.done $0x0  }
0x5a: {  	s15 =	simm.s32 $0x2900;
	[sflag:s1] =	ssyncadd.s32 $0xFFFFE800  }
0x5b: {  	[spmem:s2] =	stream.indirect.scatter.add.f32 [tilespmem:s30], [sflag:$0x8], $0x30, s15, s26, $0xb8;
	[tilespmem:$0x14000] =	vst v63  }
0x5c: {  	_ =	swait.ge [sflag:s5], $0x1800  }
0x5d: {  	[sflag:s5] =	ssyncset.done $0x0  }
0x5e: {  	s14 =	simm.s32 $0x2980;
	[sflag:s5] =	ssyncadd.s32 $0xFFFFE800  }
0x5f: {  	[spmem:s2] =	stream.indirect.scatter.add.f32 [tilespmem:s0], [sflag:$0x9], $0x30, s14, s26, $0xb8;
	[tilespmem:$0x14000] =	vst v63  }
0x60: {  	_ =	swait.ge [sflag:s6], $0x1800  }
0x61: {  	[sflag:s6] =	ssyncset.done $0x0  }
0x62: {  	s15 =	simm.s32 $0x2A00;
	[sflag:s6] =	ssyncadd.s32 $0xFFFFE800  }
0x63: {  	[spmem:s2] =	stream.indirect.scatter.add.f32 [tilespmem:s24], [sflag:$0xA], $0x30, s15, s26, $0xb8;
	[tilespmem:$0x14000] =	vst v63  }
0x64: {  	_ =	swait.ge [sflag:s7], $0x1800  }
0x65: {  	[sflag:s7] =	ssyncset.done $0x0  }
0x66: {  	s14 =	simm.s32 $0x280;
	[sflag:s7] =	ssyncadd.s32 $0xFFFFE800  }
0x67: {  	[tilespmem:s25], [sflag:$0x1] =	stream.indirect.gather [hbm4b:s4+s26], $0x30, s14, s26, $0xb8;
	[tilespmem:$0x14000] =	vst v63  }
0x68: {  	_ =	swait.ge [sflag:s8], $0x1800  }
0x69: {  	[sflag:s8] =	ssyncset.done $0x0  }
0x6a: {  	s15 =	simm.s32 $0x300;
	[sflag:s8] =	ssyncadd.s32 $0xFFFFE800  }
0x6b: {  	[tilespmem:s28], [sflag:$0x2] =	stream.indirect.gather [hbm4b:s4+s26], $0x30, s15, s26, $0xb8;
	[tilespmem:$0x14000] =	vst v63  }
0x6c: {  	_ =	swait.ge [sflag:s9], $0x1800  }
0x6d: {  	[sflag:s9] =	ssyncset.done $0x0  }
0x6e: {  	s14 =	simm.s32 $0x380;
	[sflag:s9] =	ssyncadd.s32 $0xFFFFE800  }
0x6f: {  	[tilespmem:s30], [sflag:$0x3] =	stream.indirect.gather [hbm4b:s4+s26], $0x30, s14, s26, $0xb8;
	[tilespmem:$0x14000] =	vst v63  }
0x70: {  	_ =	swait.ge [sflag:s10], $0x1800  }
0x71: {  	[sflag:s10] =	ssyncset.done $0x0  }
0x72: {  	s15 =	simm.s32 $0x400;
	[sflag:s10] =	ssyncadd.s32 $0xFFFFE800  }
0x73: {  	[tilespmem:s0], [sflag:$0x4] =	stream.indirect.gather [hbm4b:s4+s26], $0x30, s15, s26, $0xb8;
	[tilespmem:$0x14000] =	vst v63  }
0x74: {  	_ =	swait.ge [sflag:s11], $0x1800  }
0x75: {  	[sflag:s11] =	ssyncset.done $0x0  }
0x76: {  	s13 =	simm.s32 $0xA00;
	s14 =	simm.s32 $0x480;
	[sflag:s11] =	ssyncadd.s32 $0xFFFFE800  }
.LBB2_4:
0x77: {  	[tilespmem:s24], [sflag:$0x5] =	stream.indirect.gather [hbm4b:s4+s26], $0x30, s14, s26, $0xb8;
	[tilespmem:$0x14000] =	vst v63  }
0x78: {  	s14 =	smov.u32 s13  }
0x79: {  	p0 =	sne.s32 s13, $0x8C00;
	s13 =	sadd.s32 $0xA00, s13;
	_ =	swait.ge [sflag:s29], $0x1800  }
0x7a: {  	s14 =	sshra.s32 s14, $0x2;
	[sflag:s29] =	ssyncset.done $0x0  }
0x7b: {  	s15 =	sadd.s32 $0x2800, s14;
	[sflag:s29] =	ssyncadd.s32 $0xFFFFE800  }
0x7c: {  	[spmem:s2] =	stream.indirect.scatter.add.f32 [tilespmem:s25], [sflag:$0x6], $0x30, s15, s26, $0xb8;
	[tilespmem:$0x14000] =	vst v63  }
0x7d: {  	_ =	swait.ge [sflag:s31], $0x1800  }
0x7e: {  	[sflag:s31] =	ssyncset.done $0x0  }
0x7f: {  	s15 =	sadd.s32 $0x2880, s14;
	[sflag:s31] =	ssyncadd.s32 $0xFFFFE800  }
0x80: {  	[spmem:s2] =	stream.indirect.scatter.add.f32 [tilespmem:s28], [sflag:$0x7], $0x30, s15, s26, $0xb8;
	[tilespmem:$0x14000] =	vst v63  }
0x81: {  	_ =	swait.ge [sflag:s1], $0x1800  }
0x82: {  	[sflag:s1] =	ssyncset.done $0x0  }
0x83: {  	s15 =	sadd.s32 $0x2900, s14;
	[sflag:s1] =	ssyncadd.s32 $0xFFFFE800  }
0x84: {  	[spmem:s2] =	stream.indirect.scatter.add.f32 [tilespmem:s30], [sflag:$0x8], $0x30, s15, s26, $0xb8;
	[tilespmem:$0x14000] =	vst v63  }
0x85: {  	_ =	swait.ge [sflag:s5], $0x1800  }
0x86: {  	[sflag:s5] =	ssyncset.done $0x0  }
0x87: {  	s15 =	sadd.s32 $0x2980, s14;
	[sflag:s5] =	ssyncadd.s32 $0xFFFFE800  }
0x88: {  	[spmem:s2] =	stream.indirect.scatter.add.f32 [tilespmem:s0], [sflag:$0x9], $0x30, s15, s26, $0xb8;
	[tilespmem:$0x14000] =	vst v63  }
0x89: {  	_ =	swait.ge [sflag:s6], $0x1800  }
0x8a: {  	[sflag:s6] =	ssyncset.done $0x0  }
0x8b: {  	s15 =	sadd.s32 $0x2A00, s14;
	[sflag:s6] =	ssyncadd.s32 $0xFFFFE800  }
0x8c: {  	[spmem:s2] =	stream.indirect.scatter.add.f32 [tilespmem:s24], [sflag:$0xA], $0x30, s15, s26, $0xb8;
	[tilespmem:$0x14000] =	vst v63  }
0x8d: {  	_ =	swait.ge [sflag:s7], $0x1800  }
0x8e: {  	[sflag:s7] =	ssyncset.done $0x0  }
0x8f: {  	s15 =	sadd.s32 $0x280, s14;
	[sflag:s7] =	ssyncadd.s32 $0xFFFFE800  }
0x90: {  	[tilespmem:s25], [sflag:$0x1] =	stream.indirect.gather [hbm4b:s4+s26], $0x30, s15, s26, $0xb8;
	[tilespmem:$0x14000] =	vst v63  }
0x91: {  	_ =	swait.ge [sflag:s8], $0x1800  }
0x92: {  	[sflag:s8] =	ssyncset.done $0x0  }
0x93: {  	s15 =	sadd.s32 $0x300, s14;
	[sflag:s8] =	ssyncadd.s32 $0xFFFFE800  }
0x94: {  	[tilespmem:s28], [sflag:$0x2] =	stream.indirect.gather [hbm4b:s4+s26], $0x30, s15, s26, $0xb8;
	[tilespmem:$0x14000] =	vst v63  }
0x95: {  	_ =	swait.ge [sflag:s9], $0x1800  }
0x96: {  	[sflag:s9] =	ssyncset.done $0x0  }
0x97: {  	s15 =	sadd.s32 $0x380, s14;
	[sflag:s9] =	ssyncadd.s32 $0xFFFFE800  }
0x98: {  	[tilespmem:s30], [sflag:$0x3] =	stream.indirect.gather [hbm4b:s4+s26], $0x30, s15, s26, $0xb8;
	[tilespmem:$0x14000] =	vst v63  }
0x99: {  	_ =	swait.ge [sflag:s10], $0x1800  }
0x9a: {  	[sflag:s10] =	ssyncset.done $0x0  }
.Ltmp1:
0x9b: {  	s15 =	sadd.s32 $0x400, s14;
	[sflag:s10] =	ssyncadd.s32 $0xFFFFE800;
	(pc) =	sbr.rel @p0 .LBB2_4-.Ltmp1, $4  }
0x9c: {  	[tilespmem:s0], [sflag:$0x4] =	stream.indirect.gather [hbm4b:s4+s26], $0x30, s15, s26, $0xb8;
	[tilespmem:$0x14000] =	vst v63  }
0x9d: {  	_ =	swait.ge [sflag:s11], $0x1800  }
0x9e: {  	[sflag:s11] =	ssyncset.done $0x0  }
0x9f: {  	s14 =	sadd.s32 $0x480, s14;
	[sflag:s11] =	ssyncadd.s32 $0xFFFFE800  }
0xa0: {  	[tilespmem:s24], [sflag:$0x5] =	stream.indirect.gather [hbm4b:s4+s26], $0x30, s14, s26, $0xb8;
	[tilespmem:$0x14000] =	vst v63  }
0xa1: {  	_ =	swait.ge [sflag:s29], $0x1800  }
0xa2: {  	[sflag:s29] =	ssyncset.done $0x0  }
0xa3: {  	s13 =	simm.s32 $0x4D80;
	[sflag:s29] =	ssyncadd.s32 $0xFFFFE800  }
0xa4: {  	[spmem:s2] =	stream.indirect.scatter.add.f32 [tilespmem:s25], [sflag:$0x6], $0x30, s13, s26, $0xb8;
	[tilespmem:$0x14000] =	vst v63  }
0xa5: {  	_ =	swait.ge [sflag:s31], $0x1800  }
0xa6: {  	[sflag:s31] =	ssyncset.done $0x0  }
0xa7: {  	s14 =	simm.s32 $0x4E00;
	[sflag:s31] =	ssyncadd.s32 $0xFFFFE800  }
0xa8: {  	[spmem:s2] =	stream.indirect.scatter.add.f32 [tilespmem:s28], [sflag:$0x7], $0x30, s14, s26, $0xb8;
	[tilespmem:$0x14000] =	vst v63  }
0xa9: {  	_ =	swait.ge [sflag:s1], $0x1800  }
0xaa: {  	[sflag:s1] =	ssyncset.done $0x0  }
0xab: {  	s15 =	simm.s32 $0x4E80;
	[sflag:s1] =	ssyncadd.s32 $0xFFFFE800  }
0xac: {  	[spmem:s2] =	stream.indirect.scatter.add.f32 [tilespmem:s30], [sflag:$0x8], $0x30, s15, s26, $0xb8;
	[tilespmem:$0x14000] =	vst v63  }
0xad: {  	_ =	swait.ge [sflag:s5], $0x1800  }
0xae: {  	[sflag:s5] =	ssyncset.done $0x0  }
0xaf: {  	s14 =	simm.s32 $0x4F00;
	[sflag:s5] =	ssyncadd.s32 $0xFFFFE800  }
0xb0: {  	[spmem:s2] =	stream.indirect.scatter.add.f32 [tilespmem:s0], [sflag:$0x9], $0x30, s14, s26, $0xb8;
	[tilespmem:$0x14000] =	vst v63  }
0xb1: {  	_ =	swait.ge [sflag:s6], $0x1800  }
0xb2: {  	[sflag:s6] =	ssyncset.done $0x0  }
0xb3: {  	s15 =	simm.s32 $0x4F80;
	[sflag:s6] =	ssyncadd.s32 $0xFFFFE800  }
0xb4: {  	[spmem:s2] =	stream.indirect.scatter.add.f32 [tilespmem:s24], [sflag:$0xA], $0x30, s15, s26, $0xb8;
	[tilespmem:$0x14000] =	vst v63  }
0xb5: {  	_ =	swait.ge [sflag:s7], $0x1800  }
0xb6: {  	[sflag:s7] =	ssyncset.done $0x0  }
0xb7: {  	[sflag:s7] =	ssyncadd.s32 $0xFFFFE800  }
0xb8: {  	_ =	swait.ge [sflag:s8], $0x1800  }
0xb9: {  	[sflag:s8] =	ssyncset.done $0x0  }
0xba: {  	[sflag:s8] =	ssyncadd.s32 $0xFFFFE800  }
0xbb: {  	_ =	swait.ge [sflag:s9], $0x1800  }
0xbc: {  	[sflag:s9] =	ssyncset.done $0x0  }
0xbd: {  	[sflag:s9] =	ssyncadd.s32 $0xFFFFE800  }
0xbe: {  	_ =	swait.ge [sflag:s10], $0x1800  }
0xbf: {  	[sflag:s10] =	ssyncset.done $0x0  }
0xc0: {  	[sflag:s10] =	ssyncadd.s32 $0xFFFFE800  }
0xc1: {  	_ =	swait.ge [sflag:s11], $0x1800  }
0xc2: {  	[sflag:s11] =	ssyncset.done $0x0  }
0xc3: {  	[sflag:s11] =	ssyncadd.s32 $0xFFFFE800  }
0xc4: {  	[bflag:$0x0] =	sbarrier.arrive $0xFFFF  }
0xc5: {  	s14 =	rddreg [dreg:$0x6]  }
0xc6: {  	[tilespmem:s25], [sflag:$0xB] =	stream.linear.gather [spmem:s14], $0x1800, $0x38;
	[tilespmem:$0x14000] =	vst v63  }
0xc7: {  	_ =	swait.ge [sflag:s23], $0x1800  }
0xc8: {  	[sflag:s23] =	ssyncset.done $0x0  }
0xc9: {  	s15 =	rddreg [dreg:$0xd];
	[sflag:s23] =	ssyncadd.s32 $0xFFFFE800  }
0xca: {  	[hbm4b:s15+s3] =	stream.linear.scatter [tilespmem:s25], [sflag:$0xB], $0x1800, $0x38;
	[tilespmem:$0x14000] =	vst v63  }
0xcb: {  	_ =	swait.ge [sflag:s23], $0x1800  }
0xcc: {  	[sflag:s23] =	ssyncset.done $0x0  }
0xcd: {  	s14 =	rddreg [dreg:$0xe];
	[sflag:s23] =	ssyncadd.s32 $0xFFFFE800  }
0xce: {  	[tilespmem:s25], [sflag:$0xB] =	stream.linear.gather [spmem:s14], $0x1800, $0x38;
	[tilespmem:$0x14000] =	vst v63  }
0xcf: {  	_ =	swait.ge [sflag:s23], $0x1800  }
0xd0: {  	[sflag:s23] =	ssyncset.done $0x0  }
0xd1: {  	[sflag:s23] =	ssyncadd.s32 $0xFFFFE800  }
0xd2: {  	[hbm4b:s16+s3] =	stream.linear.scatter [tilespmem:s25], [sflag:$0xB], $0x1800, $0x38;
	[tilespmem:$0x14000] =	vst v63  }
0xd3: {  	_ =	swait.ge [sflag:s23], $0x1800  }
0xd4: {  	[sflag:s23] =	ssyncset.done $0x0  }
0xd5: {  	[sflag:s23] =	ssyncadd.s32 $0xFFFFE800  }
0xd6: {  	[tilespmem:s25], [sflag:$0xB] =	stream.linear.gather [spmem:s17], $0x1800, $0x38;
	[tilespmem:$0x14000] =	vst v63  }
0xd7: {  	_ =	swait.ge [sflag:s23], $0x1800  }
0xd8: {  	[sflag:s23] =	ssyncset.done $0x0  }
0xd9: {  	[sflag:s23] =	ssyncadd.s32 $0xFFFFE800  }
0xda: {  	[hbm4b:s18+s3] =	stream.linear.scatter [tilespmem:s25], [sflag:$0xB], $0x1800, $0x38;
	[tilespmem:$0x14000] =	vst v63  }
0xdb: {  	_ =	swait.ge [sflag:s23], $0x1800  }
0xdc: {  	[sflag:s23] =	ssyncset.done $0x0  }
0xdd: {  	[sflag:s23] =	ssyncadd.s32 $0xFFFFE800  }
0xde: {  	[tilespmem:s25], [sflag:$0xB] =	stream.linear.gather [spmem:s19], $0x1800, $0x38;
	[tilespmem:$0x14000] =	vst v63  }
0xdf: {  	_ =	swait.ge [sflag:s23], $0x1800  }
0xe0: {  	[sflag:s23] =	ssyncset.done $0x0  }
0xe1: {  	[sflag:s23] =	ssyncadd.s32 $0xFFFFE800  }
0xe2: {  	[hbm4b:s20+s3] =	stream.linear.scatter [tilespmem:s25], [sflag:$0xB], $0x1800, $0x38;
	[tilespmem:$0x14000] =	vst v63  }
0xe3: {  	_ =	swait.ge [sflag:s23], $0x1800  }
0xe4: {  	[sflag:s23] =	ssyncset.done $0x0  }
0xe5: {  	[sflag:s23] =	ssyncadd.s32 $0xFFFFE800  }
0xe6: {  	[tilespmem:s25], [sflag:$0xB] =	stream.linear.gather [spmem:s21], $0x1800, $0x38;
	[tilespmem:$0x14000] =	vst v63  }
0xe7: {  	_ =	swait.ge [sflag:s23], $0x1800  }
0xe8: {  	[sflag:s23] =	ssyncset.done $0x0  }
0xe9: {  	[sflag:s23] =	ssyncadd.s32 $0xFFFFE800  }
0xea: {  	[hbm4b:s22+s3] =	stream.linear.scatter [tilespmem:s25], [sflag:$0xB], $0x1800, $0x38;
	[tilespmem:$0x14000] =	vst v63  }
0xeb: {  	_ =	swait.ge [sflag:s23], $0x1800  }
0xec: {  	s12 =	sadd.s32 $0x1, s12;
	s15 =	rddreg [dreg:$0x7]  }
0xed: {  	p0 =	sne.s32 s12, s15  }
.Ltmp2:
0xee: {  	_ = 	snop;
	(pc) =	sbr.rel @p0 .LBB2_1-.Ltmp2, $3  }
0xef: {  	_ =	sdelay $0x1  }
0xf0: {  	[sflag:s23] =	ssyncset.done $0x0  }
0xf1: {  	[sflag:s23] =	ssyncadd.s32 $0xFFFFE800  }
0xf2: {  	_ =	sfence.sel $0x180000  }
0xf3: {  	[bflag:$0x0] =	sbarrier.arrive $0xFFFF  }
0xf4: {  	_ =	strace $0x90000050  }
0xf5: {  	s0 =	stileid.u32;
	[bflag:$0x2] =	sbarrier.arrive $0xFFFF  }
0xf6: {  	p0 =	sne.s32 s0, $0x0;
	s0 =	rddreg [dreg:$0x3]  }
0xf7: {  	s0 =	sadd.s32 @!p0 $0x100000, s0  }
0xf8: {  	[sflag:s0] =	ssyncadd.tile.s32 @!p0 $0x1;
	_ =	shalt  }
.Lfunc_end2:
_tile_overlayer_lowered:
.L_overlay_start_2:
0xf9: {  	(tag) =	ssettag $0x2  }
0xfa: {  	s0 =	rddreg [dreg:$0x0];
	s2 =	stileid.u32  }
0xfb: {  	s1 =	rddreg [dreg:$0x1];
	p0 =	sne.s32 s2, $0x0  }
0xfc: {  	s3 =	rddreg [dreg:$0x2];
	[bflag:$0x3] =	sbarrier.arrive $0xFFFF;
	s2 =	simm.s32 @!p0 $0x1C0B  }
0xfd: {  	[timem:s3], [sflag:s2] =	dma.local @!p0 [hbm:s0], s1  }
0xfe: {  	s0 =	simm.s32 @!p0 $0xB  }
0xff: {  	_ =	swait.ge @!p0 [sflag:s0], s1  }
0x100: {  	s1 =	ssub.s32 @!p0 $0x0, s1;
	[sflag:s0] =	ssyncset.done @!p0 $0x0  }
0x101: {  	[sflag:s0] =	ssyncadd.s32 @!p0 s1  }
0x102: {  	[bflag:$0x3] =	sbarrier.arrive $0xFFFF  }
0x103: {  	_ =	shalt  }

</sc_bundles>
